<compile_context>
chip_gen: v7x
topology: tpu7x:2x2x1
jax: 0.10.2.dev20260603
libtpu: 0.0.44.dev20260713+nightly
codegen_flags: <defaults>
</compile_context>

<pallas_src>
import functools

import jax
import jax.numpy as jnp
from jax import lax
from jax.experimental import pallas as pl
from jax.experimental.pallas import tpu as pltpu
from jax.experimental.pallas import tpu_sc as plsc

_F = 256
_D = 64
_PAIRS_PER_W = 8


def _sc_body(Bs, HWD, row_hbm, col_hbm, dep_hbm, out_hbm,
             buf_a, buf_b, rbuf, cbuf8, spmem, sem_a, sem_b, sem_c, sem_d):
    cid = lax.axis_index("c")
    sid = lax.axis_index("s")
    wid = sid * 2 + cid
    q0 = wid * _PAIRS_PER_W
    i = q0 // 16
    j0 = lax.rem(q0, 16)

    bufs = (buf_a, buf_b)
    stream_sems = (sem_a, sem_b)
    local_sems = (sem_c, sem_d)

    pltpu.sync_copy(row_hbm.at[i], rbuf)
    pltpu.sync_copy(col_hbm.at[pl.ds(j0, _PAIRS_PER_W)], cbuf8)

    rv = [rbuf[pl.ds(c * 16, 16)] for c in range(_F // 16)]
    for buf in bufs:
        pltpu.sync_copy(dep_hbm, buf.at[:, pl.ds(2 * _F, _F)])

        def fill_rows(r, carry):
            for c in range(_F // 16):
                buf[r, pl.ds(c * 16, 16)] = rv[c]
            return carry

        lax.fori_loop(0, _D, fill_rows, 0)

    stream_pending = [[], []]
    local_pending = [[], []]
    for t in range(_PAIRS_PER_W):
        slot = t % 2
        buf = bufs[slot]
        for dsc in stream_pending[slot]:
            dsc.wait()
        stream_pending[slot] = []

        cv = [cbuf8[t, pl.ds(c * 16, 16)] for c in range(_F // 16)]

        def fill_col(r, carry):
            for c in range(_F // 16):
                buf[r, pl.ds(_F + c * 16, 16)] = cv[c]
            return carry

        lax.fori_loop(0, _D, fill_col, 0)

        base = i * 1024 + (j0 + t) * _D
        if t % 2 == 0:
            for b in range(Bs):
                dst = out_hbm.at[pl.ds(base + b * HWD, _D)]
                stream_pending[slot].append(
                    pltpu.async_copy(buf, dst, stream_sems[slot]))
        else:
            for qtr in range(4):
                pslot = qtr % 2
                for dsc in local_pending[pslot]:
                    dsc.wait()
                local_pending[pslot] = []
                pltpu.sync_copy(buf.at[pl.ds(qtr * 16, 16)], spmem.at[sid, pslot])
                for b in range(Bs):
                    dst = out_hbm.at[pl.ds(base + qtr * 16 + b * HWD, 16)]
                    local_pending[pslot].append(
                        pltpu.async_copy(spmem.at[sid, pslot], dst,
                                         local_sems[pslot]))

    for lst in (stream_pending[0], stream_pending[1],
                local_pending[0], local_pending[1]):
        for dsc in lst:
            dsc.wait()


def kernel(B, h, w, d, x, row_embed, col_embed, dep_embed):
    H, F = row_embed.shape
    W = col_embed.shape[0]
    D = dep_embed.shape[0]
    Bs = x.shape[0]
    HWD = H * W * D
    mesh = plsc.VectorSubcoreMesh(core_axis_name="c", subcore_axis_name="s")
    sc_call = functools.partial(
        pl.kernel,
        mesh=mesh,
        out_type=jax.ShapeDtypeStruct((Bs * HWD, 3 * F), jnp.float32),
        scratch_types=[
            pltpu.VMEM((D, 3 * F), jnp.float32),
            pltpu.VMEM((D, 3 * F), jnp.float32),
            pltpu.VMEM((F,), jnp.float32),
            pltpu.VMEM((_PAIRS_PER_W, F), jnp.float32),
            pltpu.VMEM_SHARED((16, 2, 16, 3 * F), jnp.float32),
            pltpu.SemaphoreType.DMA,
            pltpu.SemaphoreType.DMA,
            pltpu.SemaphoreType.DMA,
            pltpu.SemaphoreType.DMA,
        ],
    )(functools.partial(_sc_body, Bs, HWD))
    out = sc_call(row_embed, col_embed, dep_embed)
    return out.reshape(Bs, HWD, 3 * F)

# --- scband reference (transcript-rebuilt; emitter-appended) ---
"""Pipeline reference for scband-position-embedding-learned-11278584119564 (READ-ONLY COPY).

The authoritative reference and input builder live on the scoring server;
editing this copy changes nothing except your own understanding.
"""

import jax, jax.numpy as jnp
import numpy as np

def setup_inputs(seed: int = 0) -> dict:
    key = jax.random.key(seed)
    k1, k2, k3, k4 = jax.random.split(key, 4)
    B, h, w, d = 4, 16, 16, 64
    F = 256
    x = jax.random.normal(k1, (B, h * w * d, 3 * F), dtype=jnp.float32)
    row_embed = jax.random.uniform(k2, (16, F), dtype=jnp.float32)
    col_embed = jax.random.uniform(k3, (16, F), dtype=jnp.float32)
    dep_embed = jax.random.uniform(k4, (64, F), dtype=jnp.float32)
    return {"B": B, "h": h, "w": w, "d": d, "x": x,
            "row_embed": row_embed, "col_embed": col_embed, "dep_embed": dep_embed}

def reference(B, h, w, d, x, row_embed, col_embed, dep_embed):
    # mod='3D' path of PositionEmbeddingLearned.forward
    H = row_embed.shape[0]
    W = col_embed.shape[0]
    D = dep_embed.shape[0]
    Bs = x.shape[0]
    i = jnp.arange(H) + 0 * (h - H)
    j = jnp.arange(W) + 0 * (w - W)
    k = jnp.arange(D) + 0 * (d - D)
    F = row_embed.shape[1]
    x_emb = jnp.take(row_embed, i, axis=0)[:, None, None, :]
    x_emb = jnp.broadcast_to(x_emb, (H, W, D, F))
    y_emb = jnp.take(col_embed, j, axis=0)[None, :, None, :]
    y_emb = jnp.broadcast_to(y_emb, (H, W, D, F))
    z_emb = jnp.take(dep_embed, k, axis=0)[None, None, :, :]
    z_emb = jnp.broadcast_to(z_emb, (H, W, D, F))
    pos = jnp.concatenate([x_emb, y_emb, z_emb], axis=-1)
    pos = jnp.broadcast_to(pos[None], (Bs, H, W, D, 3 * F))
    pos = pos.reshape(Bs, H * W * D, 3 * F)
    pos = pos + jnp.zeros((), pos.dtype) * (B - Bs)
    return pos

if __name__ == "__main__":
    import jax
    _d = setup_inputs()
    print(jax.jit(kernel)(*tuple(_d.values())))

</pallas_src>

<mosaic_0001>
#map = affine_map<(d0, d1) -> (0, 0)>
module attributes {stable_mosaic.version = 14 : i64} {
  func.func @_sc_body(%arg0: i32, %arg1: i32, %arg2: memref<16x256xf32, #tpu.memory_space<hbm>>, %arg3: memref<16x256xf32, #tpu.memory_space<hbm>>, %arg4: memref<64x256xf32, #tpu.memory_space<hbm>>, %arg5: memref<65536x768xf32, #tpu.memory_space<hbm>>, %arg6: memref<64x768xf32, #tpu.memory_space<vmem>>, %arg7: memref<64x768xf32, #tpu.memory_space<vmem>>, %arg8: memref<256xf32, #tpu.memory_space<vmem>>, %arg9: memref<8x256xf32, #tpu.memory_space<vmem>>, %arg10: memref<16x2x16x768xf32, #tpu.memory_space<vmem_shared>>, %arg11: memref<!tpu.dma_semaphore, #tpu.memory_space<semaphore_mem>>, %arg12: memref<!tpu.dma_semaphore, #tpu.memory_space<semaphore_mem>>, %arg13: memref<!tpu.dma_semaphore, #tpu.memory_space<semaphore_mem>>, %arg14: memref<!tpu.dma_semaphore, #tpu.memory_space<semaphore_mem>>) attributes {dimension_semantics = [#tpu.dimension_semantics<core_parallel>, #tpu.dimension_semantics<subcore_parallel>], iteration_bounds = array<i64: 2, 16>, scalar_prefetch = 0 : i64, scratch_operands = 9 : i64, tpu.core_type = #tpu.core_type<sc_vector_subcore>, window_params = [{transform_indices = #map}, {transform_indices = #map}, {transform_indices = #map}, {transform_indices = #map}]} {
    %mul3A = arith.constant 2 : i32
    %mul3A_0 = arith.muli %arg1, %mul3A : i32
    %add3A = arith.addi %mul3A_0, %arg0 : i32
    %mul3A_1 = arith.constant 8 : i32
    %mul3A_2 = arith.muli %add3A, %mul3A_1 : i32
    %jit3A = arith.constant 16 : i32
    %div3A = arith.divsi %mul3A_2, %jit3A : i32
    %sign3A = arith.constant 0 : i32
    %sign3A_3 = arith.cmpi sgt, %mul3A_2, %sign3A : i32
    %sign3A_4 = arith.extui %sign3A_3 : i1 to i32
    %sign3A_5 = arith.constant 0 : i32
    %sign3A_6 = arith.cmpi slt, %mul3A_2, %sign3A_5 : i32
    %sign3A_7 = arith.extui %sign3A_6 : i1 to i32
    %sign3A_8 = arith.subi %sign3A_4, %sign3A_7 : i32
    %sign3A_9 = arith.constant 0 : i32
    %sign3A_10 = arith.cmpi sgt, %jit3A, %sign3A_9 : i32
    %sign3A_11 = arith.extui %sign3A_10 : i1 to i32
    %sign3A_12 = arith.constant 0 : i32
    %sign3A_13 = arith.cmpi slt, %jit3A, %sign3A_12 : i32
    %sign3A_14 = arith.extui %sign3A_13 : i1 to i32
    %sign3A_15 = arith.subi %sign3A_11, %sign3A_14 : i32
    %ne3A = arith.cmpi ne, %sign3A_8, %sign3A_15 : i32
    %rem3A = arith.remsi %mul3A_2, %jit3A : i32
    %ne3A_16 = arith.constant 0 : i32
    %ne3A_17 = arith.cmpi ne, %rem3A, %ne3A_16 : i32
    %and3A = arith.andi %ne3A, %ne3A_17 : i1
    %sub3A = arith.constant 1 : i32
    %sub3A_18 = arith.subi %div3A, %sub3A : i32
    %select_n3A = arith.select %and3A, %sub3A_18, %div3A : i32
    %rem3A_19 = arith.constant 16 : i32
    %rem3A_20 = arith.remsi %mul3A_2, %rem3A_19 : i32
    "tpu.region"() ({
      %run_scoped3A_2148 = tpu.sem_alloc : memref<!tpu.dma_semaphore, #tpu.memory_space<semaphore_mem>>
      %dma_start3A_2149 = arith.constant 0 : i32
      %dma_start3A_2150 = tpu.memref_slice %arg2[%select_n3A, %dma_start3A_2149] : memref<16x256xf32, #tpu.memory_space<hbm>> -> memref<1x256xf32, #tpu.memory_space<hbm>>
      %dma_start3A_2151 = tpu.memref_squeeze %dma_start3A_2150 : memref<1x256xf32, #tpu.memory_space<hbm>> -> memref<256xf32, #tpu.memory_space<hbm>>
      %dma_start3A_2152 = arith.constant 0 : i32
      %dma_start3A_2153 = tpu.memref_slice %arg2[%select_n3A, %dma_start3A_2152] : memref<16x256xf32, #tpu.memory_space<hbm>> -> memref<1x256xf32, #tpu.memory_space<hbm>>
      %dma_start3A_2154 = tpu.memref_squeeze %dma_start3A_2153 : memref<1x256xf32, #tpu.memory_space<hbm>> -> memref<256xf32, #tpu.memory_space<hbm>>
      tpu.enqueue_dma source(%dma_start3A_2154 : memref<256xf32, #tpu.memory_space<hbm>>) target(%arg8 : memref<256xf32, #tpu.memory_space<vmem>>) target_semaphore(%run_scoped3A_2148 : memref<!tpu.dma_semaphore, #tpu.memory_space<semaphore_mem>>)
      %dma_wait3A_2155 = arith.constant 0 : i32
      %dma_wait3A_2156 = tpu.memref_slice %arg2[%select_n3A, %dma_wait3A_2155] : memref<16x256xf32, #tpu.memory_space<hbm>> -> memref<1x256xf32, #tpu.memory_space<hbm>>
      %dma_wait3A_2157 = tpu.memref_squeeze %dma_wait3A_2156 : memref<1x256xf32, #tpu.memory_space<hbm>> -> memref<256xf32, #tpu.memory_space<hbm>>
      %dma_wait3A_2158 = arith.constant 0 : i32
      %dma_wait3A_2159 = tpu.memref_slice %arg2[%select_n3A, %dma_wait3A_2158] : memref<16x256xf32, #tpu.memory_space<hbm>> -> memref<1x256xf32, #tpu.memory_space<hbm>>
      %dma_wait3A_2160 = tpu.memref_squeeze %dma_wait3A_2159 : memref<1x256xf32, #tpu.memory_space<hbm>> -> memref<256xf32, #tpu.memory_space<hbm>>
      tpu.wait_dma2 semaphore(%run_scoped3A_2148 : memref<!tpu.dma_semaphore, #tpu.memory_space<semaphore_mem>>) src(%dma_wait3A_2160 : memref<256xf32, #tpu.memory_space<hbm>>) dst(%arg8 : memref<256xf32, #tpu.memory_space<vmem>>)
      tpu.yield
    }) : () -> ()
    "tpu.region"() ({
      %run_scoped3A_2148 = tpu.sem_alloc : memref<!tpu.dma_semaphore, #tpu.memory_space<semaphore_mem>>
      %dma_start3A_2149 = arith.constant 0 : i32
      %dma_start3A_2150 = tpu.memref_slice %arg3[%rem3A_20, %dma_start3A_2149] : memref<16x256xf32, #tpu.memory_space<hbm>> -> memref<8x256xf32, #tpu.memory_space<hbm>>
      %dma_start3A_2151 = arith.constant 0 : i32
      %dma_start3A_2152 = tpu.memref_slice %arg3[%rem3A_20, %dma_start3A_2151] : memref<16x256xf32, #tpu.memory_space<hbm>> -> memref<8x256xf32, #tpu.memory_space<hbm>>
      tpu.enqueue_dma source(%dma_start3A_2152 : memref<8x256xf32, #tpu.memory_space<hbm>>) target(%arg9 : memref<8x256xf32, #tpu.memory_space<vmem>>) target_semaphore(%run_scoped3A_2148 : memref<!tpu.dma_semaphore, #tpu.memory_space<semaphore_mem>>)
      %dma_wait3A_2153 = arith.constant 0 : i32
      %dma_wait3A_2154 = tpu.memref_slice %arg3[%rem3A_20, %dma_wait3A_2153] : memref<16x256xf32, #tpu.memory_space<hbm>> -> memref<8x256xf32, #tpu.memory_space<hbm>>
      %dma_wait3A_2155 = arith.constant 0 : i32
      %dma_wait3A_2156 = tpu.memref_slice %arg3[%rem3A_20, %dma_wait3A_2155] : memref<16x256xf32, #tpu.memory_space<hbm>> -> memref<8x256xf32, #tpu.memory_space<hbm>>
      tpu.wait_dma2 semaphore(%run_scoped3A_2148 : memref<!tpu.dma_semaphore, #tpu.memory_space<semaphore_mem>>) src(%dma_wait3A_2156 : memref<8x256xf32, #tpu.memory_space<hbm>>) dst(%arg9 : memref<8x256xf32, #tpu.memory_space<vmem>>)
      tpu.yield
    }) : () -> ()
    %get3A = arith.constant 0 : index
    %get3A_21 = tpu.vector_load %arg8[%get3A] {strides = array<i32>} : memref<256xf32, #tpu.memory_space<vmem>>, vector<16xf32>,
    %get3A_22 = vector.shape_cast %get3A_21 : vector<16xf32> to vector<16xf32>
    %get3A_23 = arith.constant 16 : index
    %get3A_24 = tpu.vector_load %arg8[%get3A_23] {strides = array<i32>} : memref<256xf32, #tpu.memory_space<vmem>>, vector<16xf32>,
    %get3A_25 = vector.shape_cast %get3A_24 : vector<16xf32> to vector<16xf32>
    %get3A_26 = arith.constant 32 : index
    %get3A_27 = tpu.vector_load %arg8[%get3A_26] {strides = array<i32>} : memref<256xf32, #tpu.memory_space<vmem>>, vector<16xf32>,
    %get3A_28 = vector.shape_cast %get3A_27 : vector<16xf32> to vector<16xf32>
    %get3A_29 = arith.constant 48 : index
    %get3A_30 = tpu.vector_load %arg8[%get3A_29] {strides = array<i32>} : memref<256xf32, #tpu.memory_space<vmem>>, vector<16xf32>,
    %get3A_31 = vector.shape_cast %get3A_30 : vector<16xf32> to vector<16xf32>
    %get3A_32 = arith.constant 64 : index
    %get3A_33 = tpu.vector_load %arg8[%get3A_32] {strides = array<i32>} : memref<256xf32, #tpu.memory_space<vmem>>, vector<16xf32>,
    %get3A_34 = vector.shape_cast %get3A_33 : vector<16xf32> to vector<16xf32>
    %get3A_35 = arith.constant 80 : index
    %get3A_36 = tpu.vector_load %arg8[%get3A_35] {strides = array<i32>} : memref<256xf32, #tpu.memory_space<vmem>>, vector<16xf32>,
    %get3A_37 = vector.shape_cast %get3A_36 : vector<16xf32> to vector<16xf32>
    %get3A_38 = arith.constant 96 : index
    %get3A_39 = tpu.vector_load %arg8[%get3A_38] {strides = array<i32>} : memref<256xf32, #tpu.memory_space<vmem>>, vector<16xf32>,
    %get3A_40 = vector.shape_cast %get3A_39 : vector<16xf32> to vector<16xf32>
    %get3A_41 = arith.constant 112 : index
    %get3A_42 = tpu.vector_load %arg8[%get3A_41] {strides = array<i32>} : memref<256xf32, #tpu.memory_space<vmem>>, vector<16xf32>,
    %get3A_43 = vector.shape_cast %get3A_42 : vector<16xf32> to vector<16xf32>
    %get3A_44 = arith.constant 128 : index
    %get3A_45 = tpu.vector_load %arg8[%get3A_44] {strides = array<i32>} : memref<256xf32, #tpu.memory_space<vmem>>, vector<16xf32>,
    %get3A_46 = vector.shape_cast %get3A_45 : vector<16xf32> to vector<16xf32>
    %get3A_47 = arith.constant 144 : index
    %get3A_48 = tpu.vector_load %arg8[%get3A_47] {strides = array<i32>} : memref<256xf32, #tpu.memory_space<vmem>>, vector<16xf32>,
    %get3A_49 = vector.shape_cast %get3A_48 : vector<16xf32> to vector<16xf32>
    %get3A_50 = arith.constant 160 : index
    %get3A_51 = tpu.vector_load %arg8[%get3A_50] {strides = array<i32>} : memref<256xf32, #tpu.memory_space<vmem>>, vector<16xf32>,
    %get3A_52 = vector.shape_cast %get3A_51 : vector<16xf32> to vector<16xf32>
    %get3A_53 = arith.constant 176 : index
    %get3A_54 = tpu.vector_load %arg8[%get3A_53] {strides = array<i32>} : memref<256xf32, #tpu.memory_space<vmem>>, vector<16xf32>,
    %get3A_55 = vector.shape_cast %get3A_54 : vector<16xf32> to vector<16xf32>
    %get3A_56 = arith.constant 192 : index
    %get3A_57 = tpu.vector_load %arg8[%get3A_56] {strides = array<i32>} : memref<256xf32, #tpu.memory_space<vmem>>, vector<16xf32>,
    %get3A_58 = vector.shape_cast %get3A_57 : vector<16xf32> to vector<16xf32>
    %get3A_59 = arith.constant 208 : index
    %get3A_60 = tpu.vector_load %arg8[%get3A_59] {strides = array<i32>} : memref<256xf32, #tpu.memory_space<vmem>>, vector<16xf32>,
    %get3A_61 = vector.shape_cast %get3A_60 : vector<16xf32> to vector<16xf32>
    %get3A_62 = arith.constant 224 : index
    %get3A_63 = tpu.vector_load %arg8[%get3A_62] {strides = array<i32>} : memref<256xf32, #tpu.memory_space<vmem>>, vector<16xf32>,
    %get3A_64 = vector.shape_cast %get3A_63 : vector<16xf32> to vector<16xf32>
    %get3A_65 = arith.constant 240 : index
    %get3A_66 = tpu.vector_load %arg8[%get3A_65] {strides = array<i32>} : memref<256xf32, #tpu.memory_space<vmem>>, vector<16xf32>,
    %get3A_67 = vector.shape_cast %get3A_66 : vector<16xf32> to vector<16xf32>
    "tpu.region"() ({
      %run_scoped3A_2148 = tpu.sem_alloc : memref<!tpu.dma_semaphore, #tpu.memory_space<semaphore_mem>>
      %dma_start3A_2149 = arith.constant 0 : i32
      %dma_start3A_2150 = arith.constant 512 : i32
      %dma_start3A_2151 = tpu.memref_slice %arg6[%dma_start3A_2149, %dma_start3A_2150] : memref<64x768xf32, #tpu.memory_space<vmem>> -> memref<64x256xf32, #tpu.memory_space<vmem>>
      %dma_start3A_2152 = arith.constant 0 : i32
      %dma_start3A_2153 = arith.constant 512 : i32
      %dma_start3A_2154 = tpu.memref_slice %arg6[%dma_start3A_2152, %dma_start3A_2153] : memref<64x768xf32, #tpu.memory_space<vmem>> -> memref<64x256xf32, #tpu.memory_space<vmem>>
      tpu.enqueue_dma source(%arg4 : memref<64x256xf32, #tpu.memory_space<hbm>>) target(%dma_start3A_2154 : memref<64x256xf32, #tpu.memory_space<vmem>>) target_semaphore(%run_scoped3A_2148 : memref<!tpu.dma_semaphore, #tpu.memory_space<semaphore_mem>>)
      %dma_wait3A_2155 = arith.constant 0 : i32
      %dma_wait3A_2156 = arith.constant 512 : i32
      %dma_wait3A_2157 = tpu.memref_slice %arg6[%dma_wait3A_2155, %dma_wait3A_2156] : memref<64x768xf32, #tpu.memory_space<vmem>> -> memref<64x256xf32, #tpu.memory_space<vmem>>
      %dma_wait3A_2158 = arith.constant 0 : i32
      %dma_wait3A_2159 = arith.constant 512 : i32
      %dma_wait3A_2160 = tpu.memref_slice %arg6[%dma_wait3A_2158, %dma_wait3A_2159] : memref<64x768xf32, #tpu.memory_space<vmem>> -> memref<64x256xf32, #tpu.memory_space<vmem>>
      tpu.wait_dma2 semaphore(%run_scoped3A_2148 : memref<!tpu.dma_semaphore, #tpu.memory_space<semaphore_mem>>) src(%arg4 : memref<64x256xf32, #tpu.memory_space<hbm>>) dst(%dma_wait3A_2160 : memref<64x256xf32, #tpu.memory_space<vmem>>)
      tpu.yield
    }) : () -> ()
    %scan3A = arith.constant 0 : i32
    %scan3A_68 = arith.constant 0 : i32
    %scan3A_69 = arith.constant 64 : i32
    %scan3A_70 = arith.addi %scan3A_68, %scan3A_69 : i32
    %scan3A_71 = arith.constant 1 : i32
    scf.for %scan3A_2148 = %scan3A_68 to %scan3A_70 step %scan3A_71  : i32 {
      %swap3A = arith.index_cast %scan3A_2148 : i32 to index
      %swap3A_2149 = arith.constant 0 : index
      %swap3A_2150 = tpu.vector_load %arg6[%swap3A, %swap3A_2149] {strides = array<i32>} : memref<64x768xf32, #tpu.memory_space<vmem>>, vector<1x16xf32>,
      %swap3A_2151 = vector.shape_cast %swap3A_2150 : vector<1x16xf32> to vector<16xf32>
      %swap3A_2152 = vector.shape_cast %get3A_22 : vector<16xf32> to vector<1x16xf32>
      tpu.vector_store %arg6[%swap3A, %swap3A_2149], %swap3A_2152 {strides = array<i32>} : memref<64x768xf32, #tpu.memory_space<vmem>>, vector<1x16xf32>,
      %swap3A_2153 = arith.index_cast %scan3A_2148 : i32 to index
      %swap3A_2154 = arith.constant 16 : index
      %swap3A_2155 = tpu.vector_load %arg6[%swap3A_2153, %swap3A_2154] {strides = array<i32>} : memref<64x768xf32, #tpu.memory_space<vmem>>, vector<1x16xf32>,
      %swap3A_2156 = vector.shape_cast %swap3A_2155 : vector<1x16xf32> to vector<16xf32>
      %swap3A_2157 = vector.shape_cast %get3A_25 : vector<16xf32> to vector<1x16xf32>
      tpu.vector_store %arg6[%swap3A_2153, %swap3A_2154], %swap3A_2157 {strides = array<i32>} : memref<64x768xf32, #tpu.memory_space<vmem>>, vector<1x16xf32>,
      %swap3A_2158 = arith.index_cast %scan3A_2148 : i32 to index
      %swap3A_2159 = arith.constant 32 : index
      %swap3A_2160 = tpu.vector_load %arg6[%swap3A_2158, %swap3A_2159] {strides = array<i32>} : memref<64x768xf32, #tpu.memory_space<vmem>>, vector<1x16xf32>,
      %swap3A_2161 = vector.shape_cast %swap3A_2160 : vector<1x16xf32> to vector<16xf32>
      %swap3A_2162 = vector.shape_cast %get3A_28 : vector<16xf32> to vector<1x16xf32>
      tpu.vector_store %arg6[%swap3A_2158, %swap3A_2159], %swap3A_2162 {strides = array<i32>} : memref<64x768xf32, #tpu.memory_space<vmem>>, vector<1x16xf32>,
      %swap3A_2163 = arith.index_cast %scan3A_2148 : i32 to index
      %swap3A_2164 = arith.constant 48 : index
      %swap3A_2165 = tpu.vector_load %arg6[%swap3A_2163, %swap3A_2164] {strides = array<i32>} : memref<64x768xf32, #tpu.memory_space<vmem>>, vector<1x16xf32>,
      %swap3A_2166 = vector.shape_cast %swap3A_2165 : vector<1x16xf32> to vector<16xf32>
      %swap3A_2167 = vector.shape_cast %get3A_31 : vector<16xf32> to vector<1x16xf32>
      tpu.vector_store %arg6[%swap3A_2163, %swap3A_2164], %swap3A_2167 {strides = array<i32>} : memref<64x768xf32, #tpu.memory_space<vmem>>, vector<1x16xf32>,
      %swap3A_2168 = arith.index_cast %scan3A_2148 : i32 to index
      %swap3A_2169 = arith.constant 64 : index
      %swap3A_2170 = tpu.vector_load %arg6[%swap3A_2168, %swap3A_2169] {strides = array<i32>} : memref<64x768xf32, #tpu.memory_space<vmem>>, vector<1x16xf32>,
      %swap3A_2171 = vector.shape_cast %swap3A_2170 : vector<1x16xf32> to vector<16xf32>
      %swap3A_2172 = vector.shape_cast %get3A_34 : vector<16xf32> to vector<1x16xf32>
      tpu.vector_store %arg6[%swap3A_2168, %swap3A_2169], %swap3A_2172 {strides = array<i32>} : memref<64x768xf32, #tpu.memory_space<vmem>>, vector<1x16xf32>,
      %swap3A_2173 = arith.index_cast %scan3A_2148 : i32 to index
      %swap3A_2174 = arith.constant 80 : index
      %swap3A_2175 = tpu.vector_load %arg6[%swap3A_2173, %swap3A_2174] {strides = array<i32>} : memref<64x768xf32, #tpu.memory_space<vmem>>, vector<1x16xf32>,
      %swap3A_2176 = vector.shape_cast %swap3A_2175 : vector<1x16xf32> to vector<16xf32>
      %swap3A_2177 = vector.shape_cast %get3A_37 : vector<16xf32> to vector<1x16xf32>
      tpu.vector_store %arg6[%swap3A_2173, %swap3A_2174], %swap3A_2177 {strides = array<i32>} : memref<64x768xf32, #tpu.memory_space<vmem>>, vector<1x16xf32>,
      %swap3A_2178 = arith.index_cast %scan3A_2148 : i32 to index
      %swap3A_2179 = arith.constant 96 : index
      %swap3A_2180 = tpu.vector_load %arg6[%swap3A_2178, %swap3A_2179] {strides = array<i32>} : memref<64x768xf32, #tpu.memory_space<vmem>>, vector<1x16xf32>,
      %swap3A_2181 = vector.shape_cast %swap3A_2180 : vector<1x16xf32> to vector<16xf32>
      %swap3A_2182 = vector.shape_cast %get3A_40 : vector<16xf32> to vector<1x16xf32>
      tpu.vector_store %arg6[%swap3A_2178, %swap3A_2179], %swap3A_2182 {strides = array<i32>} : memref<64x768xf32, #tpu.memory_space<vmem>>, vector<1x16xf32>,
      %swap3A_2183 = arith.index_cast %scan3A_2148 : i32 to index
      %swap3A_2184 = arith.constant 112 : index
      %swap3A_2185 = tpu.vector_load %arg6[%swap3A_2183, %swap3A_2184] {strides = array<i32>} : memref<64x768xf32, #tpu.memory_space<vmem>>, vector<1x16xf32>,
      %swap3A_2186 = vector.shape_cast %swap3A_2185 : vector<1x16xf32> to vector<16xf32>
      %swap3A_2187 = vector.shape_cast %get3A_43 : vector<16xf32> to vector<1x16xf32>
      tpu.vector_store %arg6[%swap3A_2183, %swap3A_2184], %swap3A_2187 {strides = array<i32>} : memref<64x768xf32, #tpu.memory_space<vmem>>, vector<1x16xf32>,
      %swap3A_2188 = arith.index_cast %scan3A_2148 : i32 to index
      %swap3A_2189 = arith.constant 128 : index
      %swap3A_2190 = tpu.vector_load %arg6[%swap3A_2188, %swap3A_2189] {strides = array<i32>} : memref<64x768xf32, #tpu.memory_space<vmem>>, vector<1x16xf32>,
      %swap3A_2191 = vector.shape_cast %swap3A_2190 : vector<1x16xf32> to vector<16xf32>
      %swap3A_2192 = vector.shape_cast %get3A_46 : vector<16xf32> to vector<1x16xf32>
      tpu.vector_store %arg6[%swap3A_2188, %swap3A_2189], %swap3A_2192 {strides = array<i32>} : memref<64x768xf32, #tpu.memory_space<vmem>>, vector<1x16xf32>,
      %swap3A_2193 = arith.index_cast %scan3A_2148 : i32 to index
      %swap3A_2194 = arith.constant 144 : index
      %swap3A_2195 = tpu.vector_load %arg6[%swap3A_2193, %swap3A_2194] {strides = array<i32>} : memref<64x768xf32, #tpu.memory_space<vmem>>, vector<1x16xf32>,
      %swap3A_2196 = vector.shape_cast %swap3A_2195 : vector<1x16xf32> to vector<16xf32>
      %swap3A_2197 = vector.shape_cast %get3A_49 : vector<16xf32> to vector<1x16xf32>
      tpu.vector_store %arg6[%swap3A_2193, %swap3A_2194], %swap3A_2197 {strides = array<i32>} : memref<64x768xf32, #tpu.memory_space<vmem>>, vector<1x16xf32>,
      %swap3A_2198 = arith.index_cast %scan3A_2148 : i32 to index
      %swap3A_2199 = arith.constant 160 : index
      %swap3A_2200 = tpu.vector_load %arg6[%swap3A_2198, %swap3A_2199] {strides = array<i32>} : memref<64x768xf32, #tpu.memory_space<vmem>>, vector<1x16xf32>,
      %swap3A_2201 = vector.shape_cast %swap3A_2200 : vector<1x16xf32> to vector<16xf32>
      %swap3A_2202 = vector.shape_cast %get3A_52 : vector<16xf32> to vector<1x16xf32>
      tpu.vector_store %arg6[%swap3A_2198, %swap3A_2199], %swap3A_2202 {strides = array<i32>} : memref<64x768xf32, #tpu.memory_space<vmem>>, vector<1x16xf32>,
      %swap3A_2203 = arith.index_cast %scan3A_2148 : i32 to index
      %swap3A_2204 = arith.constant 176 : index
      %swap3A_2205 = tpu.vector_load %arg6[%swap3A_2203, %swap3A_2204] {strides = array<i32>} : memref<64x768xf32, #tpu.memory_space<vmem>>, vector<1x16xf32>,
      %swap3A_2206 = vector.shape_cast %swap3A_2205 : vector<1x16xf32> to vector<16xf32>
      %swap3A_2207 = vector.shape_cast %get3A_55 : vector<16xf32> to vector<1x16xf32>
      tpu.vector_store %arg6[%swap3A_2203, %swap3A_2204], %swap3A_2207 {strides = array<i32>} : memref<64x768xf32, #tpu.memory_space<vmem>>, vector<1x16xf32>,
      %swap3A_2208 = arith.index_cast %scan3A_2148 : i32 to index
      %swap3A_2209 = arith.constant 192 : index
      %swap3A_2210 = tpu.vector_load %arg6[%swap3A_2208, %swap3A_2209] {strides = array<i32>} : memref<64x768xf32, #tpu.memory_space<vmem>>, vector<1x16xf32>,
      %swap3A_2211 = vector.shape_cast %swap3A_2210 : vector<1x16xf32> to vector<16xf32>
      %swap3A_2212 = vector.shape_cast %get3A_58 : vector<16xf32> to vector<1x16xf32>
      tpu.vector_store %arg6[%swap3A_2208, %swap3A_2209], %swap3A_2212 {strides = array<i32>} : memref<64x768xf32, #tpu.memory_space<vmem>>, vector<1x16xf32>,
      %swap3A_2213 = arith.index_cast %scan3A_2148 : i32 to index
      %swap3A_2214 = arith.constant 208 : index
      %swap3A_2215 = tpu.vector_load %arg6[%swap3A_2213, %swap3A_2214] {strides = array<i32>} : memref<64x768xf32, #tpu.memory_space<vmem>>, vector<1x16xf32>,
      %swap3A_2216 = vector.shape_cast %swap3A_2215 : vector<1x16xf32> to vector<16xf32>
      %swap3A_2217 = vector.shape_cast %get3A_61 : vector<16xf32> to vector<1x16xf32>
      tpu.vector_store %arg6[%swap3A_2213, %swap3A_2214], %swap3A_2217 {strides = array<i32>} : memref<64x768xf32, #tpu.memory_space<vmem>>, vector<1x16xf32>,
      %swap3A_2218 = arith.index_cast %scan3A_2148 : i32 to index
      %swap3A_2219 = arith.constant 224 : index
      %swap3A_2220 = tpu.vector_load %arg6[%swap3A_2218, %swap3A_2219] {strides = array<i32>} : memref<64x768xf32, #tpu.memory_space<vmem>>, vector<1x16xf32>,
      %swap3A_2221 = vector.shape_cast %swap3A_2220 : vector<1x16xf32> to vector<16xf32>
      %swap3A_2222 = vector.shape_cast %get3A_64 : vector<16xf32> to vector<1x16xf32>
      tpu.vector_store %arg6[%swap3A_2218, %swap3A_2219], %swap3A_2222 {strides = array<i32>} : memref<64x768xf32, #tpu.memory_space<vmem>>, vector<1x16xf32>,
      %swap3A_2223 = arith.index_cast %scan3A_2148 : i32 to index
      %swap3A_2224 = arith.constant 240 : index
      %swap3A_2225 = tpu.vector_load %arg6[%swap3A_2223, %swap3A_2224] {strides = array<i32>} : memref<64x768xf32, #tpu.memory_space<vmem>>, vector<1x16xf32>,
      %swap3A_2226 = vector.shape_cast %swap3A_2225 : vector<1x16xf32> to vector<16xf32>
      %swap3A_2227 = vector.shape_cast %get3A_67 : vector<16xf32> to vector<1x16xf32>
      tpu.vector_store %arg6[%swap3A_2223, %swap3A_2224], %swap3A_2227 {strides = array<i32>} : memref<64x768xf32, #tpu.memory_space<vmem>>, vector<1x16xf32>,
    }
    %scan3A_72 = arith.constant 64 : i32
    "tpu.region"() ({
      %run_scoped3A_2148 = tpu.sem_alloc : memref<!tpu.dma_semaphore, #tpu.memory_space<semaphore_mem>>
      %dma_start3A_2149 = arith.constant 0 : i32
      %dma_start3A_2150 = arith.constant 512 : i32
      %dma_start3A_2151 = tpu.memref_slice %arg7[%dma_start3A_2149, %dma_start3A_2150] : memref<64x768xf32, #tpu.memory_space<vmem>> -> memref<64x256xf32, #tpu.memory_space<vmem>>
      %dma_start3A_2152 = arith.constant 0 : i32
      %dma_start3A_2153 = arith.constant 512 : i32
      %dma_start3A_2154 = tpu.memref_slice %arg7[%dma_start3A_2152, %dma_start3A_2153] : memref<64x768xf32, #tpu.memory_space<vmem>> -> memref<64x256xf32, #tpu.memory_space<vmem>>
      tpu.enqueue_dma source(%arg4 : memref<64x256xf32, #tpu.memory_space<hbm>>) target(%dma_start3A_2154 : memref<64x256xf32, #tpu.memory_space<vmem>>) target_semaphore(%run_scoped3A_2148 : memref<!tpu.dma_semaphore, #tpu.memory_space<semaphore_mem>>)
      %dma_wait3A_2155 = arith.constant 0 : i32
      %dma_wait3A_2156 = arith.constant 512 : i32
      %dma_wait3A_2157 = tpu.memref_slice %arg7[%dma_wait3A_2155, %dma_wait3A_2156] : memref<64x768xf32, #tpu.memory_space<vmem>> -> memref<64x256xf32, #tpu.memory_space<vmem>>
      %dma_wait3A_2158 = arith.constant 0 : i32
      %dma_wait3A_2159 = arith.constant 512 : i32
      %dma_wait3A_2160 = tpu.memref_slice %arg7[%dma_wait3A_2158, %dma_wait3A_2159] : memref<64x768xf32, #tpu.memory_space<vmem>> -> memref<64x256xf32, #tpu.memory_space<vmem>>
      tpu.wait_dma2 semaphore(%run_scoped3A_2148 : memref<!tpu.dma_semaphore, #tpu.memory_space<semaphore_mem>>) src(%arg4 : memref<64x256xf32, #tpu.memory_space<hbm>>) dst(%dma_wait3A_2160 : memref<64x256xf32, #tpu.memory_space<vmem>>)
      tpu.yield
    }) : () -> ()
    %scan3A_73 = arith.constant 0 : i32
    %scan3A_74 = arith.constant 0 : i32
    %scan3A_75 = arith.constant 64 : i32
    %scan3A_76 = arith.addi %scan3A_74, %scan3A_75 : i32
    %scan3A_77 = arith.constant 1 : i32
    scf.for %scan3A_2148 = %scan3A_74 to %scan3A_76 step %scan3A_77  : i32 {
      %swap3A = arith.index_cast %scan3A_2148 : i32 to index
      %swap3A_2149 = arith.constant 0 : index
      %swap3A_2150 = tpu.vector_load %arg7[%swap3A, %swap3A_2149] {strides = array<i32>} : memref<64x768xf32, #tpu.memory_space<vmem>>, vector<1x16xf32>,
      %swap3A_2151 = vector.shape_cast %swap3A_2150 : vector<1x16xf32> to vector<16xf32>
      %swap3A_2152 = vector.shape_cast %get3A_22 : vector<16xf32> to vector<1x16xf32>
      tpu.vector_store %arg7[%swap3A, %swap3A_2149], %swap3A_2152 {strides = array<i32>} : memref<64x768xf32, #tpu.memory_space<vmem>>, vector<1x16xf32>,
      %swap3A_2153 = arith.index_cast %scan3A_2148 : i32 to index
      %swap3A_2154 = arith.constant 16 : index
      %swap3A_2155 = tpu.vector_load %arg7[%swap3A_2153, %swap3A_2154] {strides = array<i32>} : memref<64x768xf32, #tpu.memory_space<vmem>>, vector<1x16xf32>,
      %swap3A_2156 = vector.shape_cast %swap3A_2155 : vector<1x16xf32> to vector<16xf32>
      %swap3A_2157 = vector.shape_cast %get3A_25 : vector<16xf32> to vector<1x16xf32>
      tpu.vector_store %arg7[%swap3A_2153, %swap3A_2154], %swap3A_2157 {strides = array<i32>} : memref<64x768xf32, #tpu.memory_space<vmem>>, vector<1x16xf32>,
      %swap3A_2158 = arith.index_cast %scan3A_2148 : i32 to index
      %swap3A_2159 = arith.constant 32 : index
      %swap3A_2160 = tpu.vector_load %arg7[%swap3A_2158, %swap3A_2159] {strides = array<i32>} : memref<64x768xf32, #tpu.memory_space<vmem>>, vector<1x16xf32>,
      %swap3A_2161 = vector.shape_cast %swap3A_2160 : vector<1x16xf32> to vector<16xf32>
      %swap3A_2162 = vector.shape_cast %get3A_28 : vector<16xf32> to vector<1x16xf32>
      tpu.vector_store %arg7[%swap3A_2158, %swap3A_2159], %swap3A_2162 {strides = array<i32>} : memref<64x768xf32, #tpu.memory_space<vmem>>, vector<1x16xf32>,
      %swap3A_2163 = arith.index_cast %scan3A_2148 : i32 to index
      %swap3A_2164 = arith.constant 48 : index
      %swap3A_2165 = tpu.vector_load %arg7[%swap3A_2163, %swap3A_2164] {strides = array<i32>} : memref<64x768xf32, #tpu.memory_space<vmem>>, vector<1x16xf32>,
      %swap3A_2166 = vector.shape_cast %swap3A_2165 : vector<1x16xf32> to vector<16xf32>
      %swap3A_2167 = vector.shape_cast %get3A_31 : vector<16xf32> to vector<1x16xf32>
      tpu.vector_store %arg7[%swap3A_2163, %swap3A_2164], %swap3A_2167 {strides = array<i32>} : memref<64x768xf32, #tpu.memory_space<vmem>>, vector<1x16xf32>,
      %swap3A_2168 = arith.index_cast %scan3A_2148 : i32 to index
      %swap3A_2169 = arith.constant 64 : index
      %swap3A_2170 = tpu.vector_load %arg7[%swap3A_2168, %swap3A_2169] {strides = array<i32>} : memref<64x768xf32, #tpu.memory_space<vmem>>, vector<1x16xf32>,
      %swap3A_2171 = vector.shape_cast %swap3A_2170 : vector<1x16xf32> to vector<16xf32>
      %swap3A_2172 = vector.shape_cast %get3A_34 : vector<16xf32> to vector<1x16xf32>
      tpu.vector_store %arg7[%swap3A_2168, %swap3A_2169], %swap3A_2172 {strides = array<i32>} : memref<64x768xf32, #tpu.memory_space<vmem>>, vector<1x16xf32>,
      %swap3A_2173 = arith.index_cast %scan3A_2148 : i32 to index
      %swap3A_2174 = arith.constant 80 : index
      %swap3A_2175 = tpu.vector_load %arg7[%swap3A_2173, %swap3A_2174] {strides = array<i32>} : memref<64x768xf32, #tpu.memory_space<vmem>>, vector<1x16xf32>,
      %swap3A_2176 = vector.shape_cast %swap3A_2175 : vector<1x16xf32> to vector<16xf32>
      %swap3A_2177 = vector.shape_cast %get3A_37 : vector<16xf32> to vector<1x16xf32>
      tpu.vector_store %arg7[%swap3A_2173, %swap3A_2174], %swap3A_2177 {strides = array<i32>} : memref<64x768xf32, #tpu.memory_space<vmem>>, vector<1x16xf32>,
      %swap3A_2178 = arith.index_cast %scan3A_2148 : i32 to index
      %swap3A_2179 = arith.constant 96 : index
      %swap3A_2180 = tpu.vector_load %arg7[%swap3A_2178, %swap3A_2179] {strides = array<i32>} : memref<64x768xf32, #tpu.memory_space<vmem>>, vector<1x16xf32>,
      %swap3A_2181 = vector.shape_cast %swap3A_2180 : vector<1x16xf32> to vector<16xf32>
      %swap3A_2182 = vector.shape_cast %get3A_40 : vector<16xf32> to vector<1x16xf32>
      tpu.vector_store %arg7[%swap3A_2178, %swap3A_2179], %swap3A_2182 {strides = array<i32>} : memref<64x768xf32, #tpu.memory_space<vmem>>, vector<1x16xf32>,
      %swap3A_2183 = arith.index_cast %scan3A_2148 : i32 to index
      %swap3A_2184 = arith.constant 112 : index
      %swap3A_2185 = tpu.vector_load %arg7[%swap3A_2183, %swap3A_2184] {strides = array<i32>} : memref<64x768xf32, #tpu.memory_space<vmem>>, vector<1x16xf32>,
      %swap3A_2186 = vector.shape_cast %swap3A_2185 : vector<1x16xf32> to vector<16xf32>
      %swap3A_2187 = vector.shape_cast %get3A_43 : vector<16xf32> to vector<1x16xf32>
      tpu.vector_store %arg7[%swap3A_2183, %swap3A_2184], %swap3A_2187 {strides = array<i32>} : memref<64x768xf32, #tpu.memory_space<vmem>>, vector<1x16xf32>,
      %swap3A_2188 = arith.index_cast %scan3A_2148 : i32 to index
      %swap3A_2189 = arith.constant 128 : index
      %swap3A_2190 = tpu.vector_load %arg7[%swap3A_2188, %swap3A_2189] {strides = array<i32>} : memref<64x768xf32, #tpu.memory_space<vmem>>, vector<1x16xf32>,
      %swap3A_2191 = vector.shape_cast %swap3A_2190 : vector<1x16xf32> to vector<16xf32>
      %swap3A_2192 = vector.shape_cast %get3A_46 : vector<16xf32> to vector<1x16xf32>
      tpu.vector_store %arg7[%swap3A_2188, %swap3A_2189], %swap3A_2192 {strides = array<i32>} : memref<64x768xf32, #tpu.memory_space<vmem>>, vector<1x16xf32>,
      %swap3A_2193 = arith.index_cast %scan3A_2148 : i32 to index
      %swap3A_2194 = arith.constant 144 : index
      %swap3A_2195 = tpu.vector_load %arg7[%swap3A_2193, %swap3A_2194] {strides = array<i32>} : memref<64x768xf32, #tpu.memory_space<vmem>>, vector<1x16xf32>,
      %swap3A_2196 = vector.shape_cast %swap3A_2195 : vector<1x16xf32> to vector<16xf32>
      %swap3A_2197 = vector.shape_cast %get3A_49 : vector<16xf32> to vector<1x16xf32>
      tpu.vector_store %arg7[%swap3A_2193, %swap3A_2194], %swap3A_2197 {strides = array<i32>} : memref<64x768xf32, #tpu.memory_space<vmem>>, vector<1x16xf32>,
      %swap3A_2198 = arith.index_cast %scan3A_2148 : i32 to index
      %swap3A_2199 = arith.constant 160 : index
      %swap3A_2200 = tpu.vector_load %arg7[%swap3A_2198, %swap3A_2199] {strides = array<i32>} : memref<64x768xf32, #tpu.memory_space<vmem>>, vector<1x16xf32>,
      %swap3A_2201 = vector.shape_cast %swap3A_2200 : vector<1x16xf32> to vector<16xf32>
      %swap3A_2202 = vector.shape_cast %get3A_52 : vector<16xf32> to vector<1x16xf32>
      tpu.vector_store %arg7[%swap3A_2198, %swap3A_2199], %swap3A_2202 {strides = array<i32>} : memref<64x768xf32, #tpu.memory_space<vmem>>, vector<1x16xf32>,
      %swap3A_2203 = arith.index_cast %scan3A_2148 : i32 to index
      %swap3A_2204 = arith.constant 176 : index
      %swap3A_2205 = tpu.vector_load %arg7[%swap3A_2203, %swap3A_2204] {strides = array<i32>} : memref<64x768xf32, #tpu.memory_space<vmem>>, vector<1x16xf32>,
      %swap3A_2206 = vector.shape_cast %swap3A_2205 : vector<1x16xf32> to vector<16xf32>
      %swap3A_2207 = vector.shape_cast %get3A_55 : vector<16xf32> to vector<1x16xf32>
      tpu.vector_store %arg7[%swap3A_2203, %swap3A_2204], %swap3A_2207 {strides = array<i32>} : memref<64x768xf32, #tpu.memory_space<vmem>>, vector<1x16xf32>,
      %swap3A_2208 = arith.index_cast %scan3A_2148 : i32 to index
      %swap3A_2209 = arith.constant 192 : index
      %swap3A_2210 = tpu.vector_load %arg7[%swap3A_2208, %swap3A_2209] {strides = array<i32>} : memref<64x768xf32, #tpu.memory_space<vmem>>, vector<1x16xf32>,
      %swap3A_2211 = vector.shape_cast %swap3A_2210 : vector<1x16xf32> to vector<16xf32>
      %swap3A_2212 = vector.shape_cast %get3A_58 : vector<16xf32> to vector<1x16xf32>
      tpu.vector_store %arg7[%swap3A_2208, %swap3A_2209], %swap3A_2212 {strides = array<i32>} : memref<64x768xf32, #tpu.memory_space<vmem>>, vector<1x16xf32>,
      %swap3A_2213 = arith.index_cast %scan3A_2148 : i32 to index
      %swap3A_2214 = arith.constant 208 : index
      %swap3A_2215 = tpu.vector_load %arg7[%swap3A_2213, %swap3A_2214] {strides = array<i32>} : memref<64x768xf32, #tpu.memory_space<vmem>>, vector<1x16xf32>,
      %swap3A_2216 = vector.shape_cast %swap3A_2215 : vector<1x16xf32> to vector<16xf32>
      %swap3A_2217 = vector.shape_cast %get3A_61 : vector<16xf32> to vector<1x16xf32>
      tpu.vector_store %arg7[%swap3A_2213, %swap3A_2214], %swap3A_2217 {strides = array<i32>} : memref<64x768xf32, #tpu.memory_space<vmem>>, vector<1x16xf32>,
      %swap3A_2218 = arith.index_cast %scan3A_2148 : i32 to index
      %swap3A_2219 = arith.constant 224 : index
      %swap3A_2220 = tpu.vector_load %arg7[%swap3A_2218, %swap3A_2219] {strides = array<i32>} : memref<64x768xf32, #tpu.memory_space<vmem>>, vector<1x16xf32>,
      %swap3A_2221 = vector.shape_cast %swap3A_2220 : vector<1x16xf32> to vector<16xf32>
      %swap3A_2222 = vector.shape_cast %get3A_64 : vector<16xf32> to vector<1x16xf32>
      tpu.vector_store %arg7[%swap3A_2218, %swap3A_2219], %swap3A_2222 {strides = array<i32>} : memref<64x768xf32, #tpu.memory_space<vmem>>, vector<1x16xf32>,
      %swap3A_2223 = arith.index_cast %scan3A_2148 : i32 to index
      %swap3A_2224 = arith.constant 240 : index
      %swap3A_2225 = tpu.vector_load %arg7[%swap3A_2223, %swap3A_2224] {strides = array<i32>} : memref<64x768xf32, #tpu.memory_space<vmem>>, vector<1x16xf32>,
      %swap3A_2226 = vector.shape_cast %swap3A_2225 : vector<1x16xf32> to vector<16xf32>
      %swap3A_2227 = vector.shape_cast %get3A_67 : vector<16xf32> to vector<1x16xf32>
      tpu.vector_store %arg7[%swap3A_2223, %swap3A_2224], %swap3A_2227 {strides = array<i32>} : memref<64x768xf32, #tpu.memory_space<vmem>>, vector<1x16xf32>,
    }
    %scan3A_78 = arith.constant 64 : i32
    %get3A_79 = arith.constant 0 : i32
    %get3A_80 = arith.index_cast %get3A_79 : i32 to index
    %get3A_81 = arith.constant 0 : index
    %get3A_82 = tpu.vector_load %arg9[%get3A_80, %get3A_81] {strides = array<i32>} : memref<8x256xf32, #tpu.memory_space<vmem>>, vector<1x16xf32>,
    %get3A_83 = vector.shape_cast %get3A_82 : vector<1x16xf32> to vector<16xf32>
    %get3A_84 = arith.constant 0 : i32
    %get3A_85 = arith.index_cast %get3A_84 : i32 to index
    %get3A_86 = arith.constant 16 : index
    %get3A_87 = tpu.vector_load %arg9[%get3A_85, %get3A_86] {strides = array<i32>} : memref<8x256xf32, #tpu.memory_space<vmem>>, vector<1x16xf32>,
    %get3A_88 = vector.shape_cast %get3A_87 : vector<1x16xf32> to vector<16xf32>
    %get3A_89 = arith.constant 0 : i32
    %get3A_90 = arith.index_cast %get3A_89 : i32 to index
    %get3A_91 = arith.constant 32 : index
    %get3A_92 = tpu.vector_load %arg9[%get3A_90, %get3A_91] {strides = array<i32>} : memref<8x256xf32, #tpu.memory_space<vmem>>, vector<1x16xf32>,
    %get3A_93 = vector.shape_cast %get3A_92 : vector<1x16xf32> to vector<16xf32>
    %get3A_94 = arith.constant 0 : i32
    %get3A_95 = arith.index_cast %get3A_94 : i32 to index
    %get3A_96 = arith.constant 48 : index
    %get3A_97 = tpu.vector_load %arg9[%get3A_95, %get3A_96] {strides = array<i32>} : memref<8x256xf32, #tpu.memory_space<vmem>>, vector<1x16xf32>,
    %get3A_98 = vector.shape_cast %get3A_97 : vector<1x16xf32> to vector<16xf32>
    %get3A_99 = arith.constant 0 : i32
    %get3A_100 = arith.index_cast %get3A_99 : i32 to index
    %get3A_101 = arith.constant 64 : index
    %get3A_102 = tpu.vector_load %arg9[%get3A_100, %get3A_101] {strides = array<i32>} : memref<8x256xf32, #tpu.memory_space<vmem>>, vector<1x16xf32>,
    %get3A_103 = vector.shape_cast %get3A_102 : vector<1x16xf32> to vector<16xf32>
    %get3A_104 = arith.constant 0 : i32
    %get3A_105 = arith.index_cast %get3A_104 : i32 to index
    %get3A_106 = arith.constant 80 : index
    %get3A_107 = tpu.vector_load %arg9[%get3A_105, %get3A_106] {strides = array<i32>} : memref<8x256xf32, #tpu.memory_space<vmem>>, vector<1x16xf32>,
    %get3A_108 = vector.shape_cast %get3A_107 : vector<1x16xf32> to vector<16xf32>
    %get3A_109 = arith.constant 0 : i32
    %get3A_110 = arith.index_cast %get3A_109 : i32 to index
    %get3A_111 = arith.constant 96 : index
    %get3A_112 = tpu.vector_load %arg9[%get3A_110, %get3A_111] {strides = array<i32>} : memref<8x256xf32, #tpu.memory_space<vmem>>, vector<1x16xf32>,
    %get3A_113 = vector.shape_cast %get3A_112 : vector<1x16xf32> to vector<16xf32>
    %get3A_114 = arith.constant 0 : i32
    %get3A_115 = arith.index_cast %get3A_114 : i32 to index
    %get3A_116 = arith.constant 112 : index
    %get3A_117 = tpu.vector_load %arg9[%get3A_115, %get3A_116] {strides = array<i32>} : memref<8x256xf32, #tpu.memory_space<vmem>>, vector<1x16xf32>,
    %get3A_118 = vector.shape_cast %get3A_117 : vector<1x16xf32> to vector<16xf32>
    %get3A_119 = arith.constant 0 : i32
    %get3A_120 = arith.index_cast %get3A_119 : i32 to index
    %get3A_121 = arith.constant 128 : index
    %get3A_122 = tpu.vector_load %arg9[%get3A_120, %get3A_121] {strides = array<i32>} : memref<8x256xf32, #tpu.memory_space<vmem>>, vector<1x16xf32>,
    %get3A_123 = vector.shape_cast %get3A_122 : vector<1x16xf32> to vector<16xf32>
    %get3A_124 = arith.constant 0 : i32
    %get3A_125 = arith.index_cast %get3A_124 : i32 to index
    %get3A_126 = arith.constant 144 : index
    %get3A_127 = tpu.vector_load %arg9[%get3A_125, %get3A_126] {strides = array<i32>} : memref<8x256xf32, #tpu.memory_space<vmem>>, vector<1x16xf32>,
    %get3A_128 = vector.shape_cast %get3A_127 : vector<1x16xf32> to vector<16xf32>
    %get3A_129 = arith.constant 0 : i32
    %get3A_130 = arith.index_cast %get3A_129 : i32 to index
    %get3A_131 = arith.constant 160 : index
    %get3A_132 = tpu.vector_load %arg9[%get3A_130, %get3A_131] {strides = array<i32>} : memref<8x256xf32, #tpu.memory_space<vmem>>, vector<1x16xf32>,
    %get3A_133 = vector.shape_cast %get3A_132 : vector<1x16xf32> to vector<16xf32>
    %get3A_134 = arith.constant 0 : i32
    %get3A_135 = arith.index_cast %get3A_134 : i32 to index
    %get3A_136 = arith.constant 176 : index
    %get3A_137 = tpu.vector_load %arg9[%get3A_135, %get3A_136] {strides = array<i32>} : memref<8x256xf32, #tpu.memory_space<vmem>>, vector<1x16xf32>,
    %get3A_138 = vector.shape_cast %get3A_137 : vector<1x16xf32> to vector<16xf32>
    %get3A_139 = arith.constant 0 : i32
    %get3A_140 = arith.index_cast %get3A_139 : i32 to index
    %get3A_141 = arith.constant 192 : index
    %get3A_142 = tpu.vector_load %arg9[%get3A_140, %get3A_141] {strides = array<i32>} : memref<8x256xf32, #tpu.memory_space<vmem>>, vector<1x16xf32>,
    %get3A_143 = vector.shape_cast %get3A_142 : vector<1x16xf32> to vector<16xf32>
    %get3A_144 = arith.constant 0 : i32
    %get3A_145 = arith.index_cast %get3A_144 : i32 to index
    %get3A_146 = arith.constant 208 : index
    %get3A_147 = tpu.vector_load %arg9[%get3A_145, %get3A_146] {strides = array<i32>} : memref<8x256xf32, #tpu.memory_space<vmem>>, vector<1x16xf32>,
    %get3A_148 = vector.shape_cast %get3A_147 : vector<1x16xf32> to vector<16xf32>
    %get3A_149 = arith.constant 0 : i32
    %get3A_150 = arith.index_cast %get3A_149 : i32 to index
    %get3A_151 = arith.constant 224 : index
    %get3A_152 = tpu.vector_load %arg9[%get3A_150, %get3A_151] {strides = array<i32>} : memref<8x256xf32, #tpu.memory_space<vmem>>, vector<1x16xf32>,
    %get3A_153 = vector.shape_cast %get3A_152 : vector<1x16xf32> to vector<16xf32>
    %get3A_154 = arith.constant 0 : i32
    %get3A_155 = arith.index_cast %get3A_154 : i32 to index
    %get3A_156 = arith.constant 240 : index
    %get3A_157 = tpu.vector_load %arg9[%get3A_155, %get3A_156] {strides = array<i32>} : memref<8x256xf32, #tpu.memory_space<vmem>>, vector<1x16xf32>,
    %get3A_158 = vector.shape_cast %get3A_157 : vector<1x16xf32> to vector<16xf32>
    %scan3A_159 = arith.constant 0 : i32
    %scan3A_160 = arith.constant 0 : i32
    %scan3A_161 = arith.constant 64 : i32
    %scan3A_162 = arith.addi %scan3A_160, %scan3A_161 : i32
    %scan3A_163 = arith.constant 1 : i32
    scf.for %scan3A_2148 = %scan3A_160 to %scan3A_162 step %scan3A_163  : i32 {
      %swap3A = arith.index_cast %scan3A_2148 : i32 to index
      %swap3A_2149 = arith.constant 256 : index
      %swap3A_2150 = tpu.vector_load %arg6[%swap3A, %swap3A_2149] {strides = array<i32>} : memref<64x768xf32, #tpu.memory_space<vmem>>, vector<1x16xf32>,
      %swap3A_2151 = vector.shape_cast %swap3A_2150 : vector<1x16xf32> to vector<16xf32>
      %swap3A_2152 = vector.shape_cast %get3A_83 : vector<16xf32> to vector<1x16xf32>
      tpu.vector_store %arg6[%swap3A, %swap3A_2149], %swap3A_2152 {strides = array<i32>} : memref<64x768xf32, #tpu.memory_space<vmem>>, vector<1x16xf32>,
      %swap3A_2153 = arith.index_cast %scan3A_2148 : i32 to index
      %swap3A_2154 = arith.constant 272 : index
      %swap3A_2155 = tpu.vector_load %arg6[%swap3A_2153, %swap3A_2154] {strides = array<i32>} : memref<64x768xf32, #tpu.memory_space<vmem>>, vector<1x16xf32>,
      %swap3A_2156 = vector.shape_cast %swap3A_2155 : vector<1x16xf32> to vector<16xf32>
      %swap3A_2157 = vector.shape_cast %get3A_88 : vector<16xf32> to vector<1x16xf32>
      tpu.vector_store %arg6[%swap3A_2153, %swap3A_2154], %swap3A_2157 {strides = array<i32>} : memref<64x768xf32, #tpu.memory_space<vmem>>, vector<1x16xf32>,
      %swap3A_2158 = arith.index_cast %scan3A_2148 : i32 to index
      %swap3A_2159 = arith.constant 288 : index
      %swap3A_2160 = tpu.vector_load %arg6[%swap3A_2158, %swap3A_2159] {strides = array<i32>} : memref<64x768xf32, #tpu.memory_space<vmem>>, vector<1x16xf32>,
      %swap3A_2161 = vector.shape_cast %swap3A_2160 : vector<1x16xf32> to vector<16xf32>
      %swap3A_2162 = vector.shape_cast %get3A_93 : vector<16xf32> to vector<1x16xf32>
      tpu.vector_store %arg6[%swap3A_2158, %swap3A_2159], %swap3A_2162 {strides = array<i32>} : memref<64x768xf32, #tpu.memory_space<vmem>>, vector<1x16xf32>,
      %swap3A_2163 = arith.index_cast %scan3A_2148 : i32 to index
      %swap3A_2164 = arith.constant 304 : index
      %swap3A_2165 = tpu.vector_load %arg6[%swap3A_2163, %swap3A_2164] {strides = array<i32>} : memref<64x768xf32, #tpu.memory_space<vmem>>, vector<1x16xf32>,
      %swap3A_2166 = vector.shape_cast %swap3A_2165 : vector<1x16xf32> to vector<16xf32>
      %swap3A_2167 = vector.shape_cast %get3A_98 : vector<16xf32> to vector<1x16xf32>
      tpu.vector_store %arg6[%swap3A_2163, %swap3A_2164], %swap3A_2167 {strides = array<i32>} : memref<64x768xf32, #tpu.memory_space<vmem>>, vector<1x16xf32>,
      %swap3A_2168 = arith.index_cast %scan3A_2148 : i32 to index
      %swap3A_2169 = arith.constant 320 : index
      %swap3A_2170 = tpu.vector_load %arg6[%swap3A_2168, %swap3A_2169] {strides = array<i32>} : memref<64x768xf32, #tpu.memory_space<vmem>>, vector<1x16xf32>,
      %swap3A_2171 = vector.shape_cast %swap3A_2170 : vector<1x16xf32> to vector<16xf32>
      %swap3A_2172 = vector.shape_cast %get3A_103 : vector<16xf32> to vector<1x16xf32>
      tpu.vector_store %arg6[%swap3A_2168, %swap3A_2169], %swap3A_2172 {strides = array<i32>} : memref<64x768xf32, #tpu.memory_space<vmem>>, vector<1x16xf32>,
      %swap3A_2173 = arith.index_cast %scan3A_2148 : i32 to index
      %swap3A_2174 = arith.constant 336 : index
      %swap3A_2175 = tpu.vector_load %arg6[%swap3A_2173, %swap3A_2174] {strides = array<i32>} : memref<64x768xf32, #tpu.memory_space<vmem>>, vector<1x16xf32>,
      %swap3A_2176 = vector.shape_cast %swap3A_2175 : vector<1x16xf32> to vector<16xf32>
      %swap3A_2177 = vector.shape_cast %get3A_108 : vector<16xf32> to vector<1x16xf32>
      tpu.vector_store %arg6[%swap3A_2173, %swap3A_2174], %swap3A_2177 {strides = array<i32>} : memref<64x768xf32, #tpu.memory_space<vmem>>, vector<1x16xf32>,
      %swap3A_2178 = arith.index_cast %scan3A_2148 : i32 to index
      %swap3A_2179 = arith.constant 352 : index
      %swap3A_2180 = tpu.vector_load %arg6[%swap3A_2178, %swap3A_2179] {strides = array<i32>} : memref<64x768xf32, #tpu.memory_space<vmem>>, vector<1x16xf32>,
      %swap3A_2181 = vector.shape_cast %swap3A_2180 : vector<1x16xf32> to vector<16xf32>
      %swap3A_2182 = vector.shape_cast %get3A_113 : vector<16xf32> to vector<1x16xf32>
      tpu.vector_store %arg6[%swap3A_2178, %swap3A_2179], %swap3A_2182 {strides = array<i32>} : memref<64x768xf32, #tpu.memory_space<vmem>>, vector<1x16xf32>,
      %swap3A_2183 = arith.index_cast %scan3A_2148 : i32 to index
      %swap3A_2184 = arith.constant 368 : index
      %swap3A_2185 = tpu.vector_load %arg6[%swap3A_2183, %swap3A_2184] {strides = array<i32>} : memref<64x768xf32, #tpu.memory_space<vmem>>, vector<1x16xf32>,
      %swap3A_2186 = vector.shape_cast %swap3A_2185 : vector<1x16xf32> to vector<16xf32>
      %swap3A_2187 = vector.shape_cast %get3A_118 : vector<16xf32> to vector<1x16xf32>
      tpu.vector_store %arg6[%swap3A_2183, %swap3A_2184], %swap3A_2187 {strides = array<i32>} : memref<64x768xf32, #tpu.memory_space<vmem>>, vector<1x16xf32>,
      %swap3A_2188 = arith.index_cast %scan3A_2148 : i32 to index
      %swap3A_2189 = arith.constant 384 : index
      %swap3A_2190 = tpu.vector_load %arg6[%swap3A_2188, %swap3A_2189] {strides = array<i32>} : memref<64x768xf32, #tpu.memory_space<vmem>>, vector<1x16xf32>,
      %swap3A_2191 = vector.shape_cast %swap3A_2190 : vector<1x16xf32> to vector<16xf32>
      %swap3A_2192 = vector.shape_cast %get3A_123 : vector<16xf32> to vector<1x16xf32>
      tpu.vector_store %arg6[%swap3A_2188, %swap3A_2189], %swap3A_2192 {strides = array<i32>} : memref<64x768xf32, #tpu.memory_space<vmem>>, vector<1x16xf32>,
      %swap3A_2193 = arith.index_cast %scan3A_2148 : i32 to index
      %swap3A_2194 = arith.constant 400 : index
      %swap3A_2195 = tpu.vector_load %arg6[%swap3A_2193, %swap3A_2194] {strides = array<i32>} : memref<64x768xf32, #tpu.memory_space<vmem>>, vector<1x16xf32>,
      %swap3A_2196 = vector.shape_cast %swap3A_2195 : vector<1x16xf32> to vector<16xf32>
      %swap3A_2197 = vector.shape_cast %get3A_128 : vector<16xf32> to vector<1x16xf32>
      tpu.vector_store %arg6[%swap3A_2193, %swap3A_2194], %swap3A_2197 {strides = array<i32>} : memref<64x768xf32, #tpu.memory_space<vmem>>, vector<1x16xf32>,
      %swap3A_2198 = arith.index_cast %scan3A_2148 : i32 to index
      %swap3A_2199 = arith.constant 416 : index
      %swap3A_2200 = tpu.vector_load %arg6[%swap3A_2198, %swap3A_2199] {strides = array<i32>} : memref<64x768xf32, #tpu.memory_space<vmem>>, vector<1x16xf32>,
      %swap3A_2201 = vector.shape_cast %swap3A_2200 : vector<1x16xf32> to vector<16xf32>
      %swap3A_2202 = vector.shape_cast %get3A_133 : vector<16xf32> to vector<1x16xf32>
      tpu.vector_store %arg6[%swap3A_2198, %swap3A_2199], %swap3A_2202 {strides = array<i32>} : memref<64x768xf32, #tpu.memory_space<vmem>>, vector<1x16xf32>,
      %swap3A_2203 = arith.index_cast %scan3A_2148 : i32 to index
      %swap3A_2204 = arith.constant 432 : index
      %swap3A_2205 = tpu.vector_load %arg6[%swap3A_2203, %swap3A_2204] {strides = array<i32>} : memref<64x768xf32, #tpu.memory_space<vmem>>, vector<1x16xf32>,
      %swap3A_2206 = vector.shape_cast %swap3A_2205 : vector<1x16xf32> to vector<16xf32>
      %swap3A_2207 = vector.shape_cast %get3A_138 : vector<16xf32> to vector<1x16xf32>
      tpu.vector_store %arg6[%swap3A_2203, %swap3A_2204], %swap3A_2207 {strides = array<i32>} : memref<64x768xf32, #tpu.memory_space<vmem>>, vector<1x16xf32>,
      %swap3A_2208 = arith.index_cast %scan3A_2148 : i32 to index
      %swap3A_2209 = arith.constant 448 : index
      %swap3A_2210 = tpu.vector_load %arg6[%swap3A_2208, %swap3A_2209] {strides = array<i32>} : memref<64x768xf32, #tpu.memory_space<vmem>>, vector<1x16xf32>,
      %swap3A_2211 = vector.shape_cast %swap3A_2210 : vector<1x16xf32> to vector<16xf32>
      %swap3A_2212 = vector.shape_cast %get3A_143 : vector<16xf32> to vector<1x16xf32>
      tpu.vector_store %arg6[%swap3A_2208, %swap3A_2209], %swap3A_2212 {strides = array<i32>} : memref<64x768xf32, #tpu.memory_space<vmem>>, vector<1x16xf32>,
      %swap3A_2213 = arith.index_cast %scan3A_2148 : i32 to index
      %swap3A_2214 = arith.constant 464 : index
      %swap3A_2215 = tpu.vector_load %arg6[%swap3A_2213, %swap3A_2214] {strides = array<i32>} : memref<64x768xf32, #tpu.memory_space<vmem>>, vector<1x16xf32>,
      %swap3A_2216 = vector.shape_cast %swap3A_2215 : vector<1x16xf32> to vector<16xf32>
      %swap3A_2217 = vector.shape_cast %get3A_148 : vector<16xf32> to vector<1x16xf32>
      tpu.vector_store %arg6[%swap3A_2213, %swap3A_2214], %swap3A_2217 {strides = array<i32>} : memref<64x768xf32, #tpu.memory_space<vmem>>, vector<1x16xf32>,
      %swap3A_2218 = arith.index_cast %scan3A_2148 : i32 to index
      %swap3A_2219 = arith.constant 480 : index
      %swap3A_2220 = tpu.vector_load %arg6[%swap3A_2218, %swap3A_2219] {strides = array<i32>} : memref<64x768xf32, #tpu.memory_space<vmem>>, vector<1x16xf32>,
      %swap3A_2221 = vector.shape_cast %swap3A_2220 : vector<1x16xf32> to vector<16xf32>
      %swap3A_2222 = vector.shape_cast %get3A_153 : vector<16xf32> to vector<1x16xf32>
      tpu.vector_store %arg6[%swap3A_2218, %swap3A_2219], %swap3A_2222 {strides = array<i32>} : memref<64x768xf32, #tpu.memory_space<vmem>>, vector<1x16xf32>,
      %swap3A_2223 = arith.index_cast %scan3A_2148 : i32 to index
      %swap3A_2224 = arith.constant 496 : index
      %swap3A_2225 = tpu.vector_load %arg6[%swap3A_2223, %swap3A_2224] {strides = array<i32>} : memref<64x768xf32, #tpu.memory_space<vmem>>, vector<1x16xf32>,
      %swap3A_2226 = vector.shape_cast %swap3A_2225 : vector<1x16xf32> to vector<16xf32>
      %swap3A_2227 = vector.shape_cast %get3A_158 : vector<16xf32> to vector<1x16xf32>
      tpu.vector_store %arg6[%swap3A_2223, %swap3A_2224], %swap3A_2227 {strides = array<i32>} : memref<64x768xf32, #tpu.memory_space<vmem>>, vector<1x16xf32>,
    }
    %scan3A_164 = arith.constant 64 : i32
    %mul3A_165 = arith.constant 1024 : i32
    %mul3A_166 = arith.muli %select_n3A, %mul3A_165 : i32
    %add3A_167 = arith.constant 0 : i32
    %add3A_168 = arith.addi %rem3A_20, %add3A_167 : i32
    %mul3A_169 = arith.constant 64 : i32
    %mul3A_170 = arith.muli %add3A_168, %mul3A_169 : i32
    %add3A_171 = arith.addi %mul3A_166, %mul3A_170 : i32
    %add3A_172 = arith.constant 0 : i32
    %add3A_173 = arith.addi %add3A_171, %add3A_172 : i32
    %dma_start3A = arith.constant 0 : i32
    %dma_start3A_174 = tpu.memref_slice %arg5[%add3A_173, %dma_start3A] : memref<65536x768xf32, #tpu.memory_space<hbm>> -> memref<64x768xf32, #tpu.memory_space<hbm>>
    %dma_start3A_175 = arith.constant 0 : i32
    %dma_start3A_176 = tpu.memref_slice %arg5[%add3A_173, %dma_start3A_175] : memref<65536x768xf32, #tpu.memory_space<hbm>> -> memref<64x768xf32, #tpu.memory_space<hbm>>
    tpu.enqueue_dma source(%arg6 : memref<64x768xf32, #tpu.memory_space<vmem>>) target(%dma_start3A_176 : memref<64x768xf32, #tpu.memory_space<hbm>>) target_semaphore(%arg11 : memref<!tpu.dma_semaphore, #tpu.memory_space<semaphore_mem>>)
    %add3A_177 = arith.constant 16384 : i32
    %add3A_178 = arith.addi %add3A_171, %add3A_177 : i32
    %dma_start3A_179 = arith.constant 0 : i32
    %dma_start3A_180 = tpu.memref_slice %arg5[%add3A_178, %dma_start3A_179] : memref<65536x768xf32, #tpu.memory_space<hbm>> -> memref<64x768xf32, #tpu.memory_space<hbm>>
    %dma_start3A_181 = arith.constant 0 : i32
    %dma_start3A_182 = tpu.memref_slice %arg5[%add3A_178, %dma_start3A_181] : memref<65536x768xf32, #tpu.memory_space<hbm>> -> memref<64x768xf32, #tpu.memory_space<hbm>>
    tpu.enqueue_dma source(%arg6 : memref<64x768xf32, #tpu.memory_space<vmem>>) target(%dma_start3A_182 : memref<64x768xf32, #tpu.memory_space<hbm>>) target_semaphore(%arg11 : memref<!tpu.dma_semaphore, #tpu.memory_space<semaphore_mem>>)
    %add3A_183 = arith.constant 32768 : i32
    %add3A_184 = arith.addi %add3A_171, %add3A_183 : i32
    %dma_start3A_185 = arith.constant 0 : i32
    %dma_start3A_186 = tpu.memref_slice %arg5[%add3A_184, %dma_start3A_185] : memref<65536x768xf32, #tpu.memory_space<hbm>> -> memref<64x768xf32, #tpu.memory_space<hbm>>
    %dma_start3A_187 = arith.constant 0 : i32
    %dma_start3A_188 = tpu.memref_slice %arg5[%add3A_184, %dma_start3A_187] : memref<65536x768xf32, #tpu.memory_space<hbm>> -> memref<64x768xf32, #tpu.memory_space<hbm>>
    tpu.enqueue_dma source(%arg6 : memref<64x768xf32, #tpu.memory_space<vmem>>) target(%dma_start3A_188 : memref<64x768xf32, #tpu.memory_space<hbm>>) target_semaphore(%arg11 : memref<!tpu.dma_semaphore, #tpu.memory_space<semaphore_mem>>)
    %add3A_189 = arith.constant 49152 : i32
    %add3A_190 = arith.addi %add3A_171, %add3A_189 : i32
    %dma_start3A_191 = arith.constant 0 : i32
    %dma_start3A_192 = tpu.memref_slice %arg5[%add3A_190, %dma_start3A_191] : memref<65536x768xf32, #tpu.memory_space<hbm>> -> memref<64x768xf32, #tpu.memory_space<hbm>>
    %dma_start3A_193 = arith.constant 0 : i32
    %dma_start3A_194 = tpu.memref_slice %arg5[%add3A_190, %dma_start3A_193] : memref<65536x768xf32, #tpu.memory_space<hbm>> -> memref<64x768xf32, #tpu.memory_space<hbm>>
    tpu.enqueue_dma source(%arg6 : memref<64x768xf32, #tpu.memory_space<vmem>>) target(%dma_start3A_194 : memref<64x768xf32, #tpu.memory_space<hbm>>) target_semaphore(%arg11 : memref<!tpu.dma_semaphore, #tpu.memory_space<semaphore_mem>>)
    %get3A_195 = arith.constant 1 : i32
    %get3A_196 = arith.index_cast %get3A_195 : i32 to index
    %get3A_197 = arith.constant 0 : index
    %get3A_198 = tpu.vector_load %arg9[%get3A_196, %get3A_197] {strides = array<i32>} : memref<8x256xf32, #tpu.memory_space<vmem>>, vector<1x16xf32>,
    %get3A_199 = vector.shape_cast %get3A_198 : vector<1x16xf32> to vector<16xf32>
    %get3A_200 = arith.constant 1 : i32
    %get3A_201 = arith.index_cast %get3A_200 : i32 to index
    %get3A_202 = arith.constant 16 : index
    %get3A_203 = tpu.vector_load %arg9[%get3A_201, %get3A_202] {strides = array<i32>} : memref<8x256xf32, #tpu.memory_space<vmem>>, vector<1x16xf32>,
    %get3A_204 = vector.shape_cast %get3A_203 : vector<1x16xf32> to vector<16xf32>
    %get3A_205 = arith.constant 1 : i32
    %get3A_206 = arith.index_cast %get3A_205 : i32 to index
    %get3A_207 = arith.constant 32 : index
    %get3A_208 = tpu.vector_load %arg9[%get3A_206, %get3A_207] {strides = array<i32>} : memref<8x256xf32, #tpu.memory_space<vmem>>, vector<1x16xf32>,
    %get3A_209 = vector.shape_cast %get3A_208 : vector<1x16xf32> to vector<16xf32>
    %get3A_210 = arith.constant 1 : i32
    %get3A_211 = arith.index_cast %get3A_210 : i32 to index
    %get3A_212 = arith.constant 48 : index
    %get3A_213 = tpu.vector_load %arg9[%get3A_211, %get3A_212] {strides = array<i32>} : memref<8x256xf32, #tpu.memory_space<vmem>>, vector<1x16xf32>,
    %get3A_214 = vector.shape_cast %get3A_213 : vector<1x16xf32> to vector<16xf32>
    %get3A_215 = arith.constant 1 : i32
    %get3A_216 = arith.index_cast %get3A_215 : i32 to index
    %get3A_217 = arith.constant 64 : index
    %get3A_218 = tpu.vector_load %arg9[%get3A_216, %get3A_217] {strides = array<i32>} : memref<8x256xf32, #tpu.memory_space<vmem>>, vector<1x16xf32>,
    %get3A_219 = vector.shape_cast %get3A_218 : vector<1x16xf32> to vector<16xf32>
    %get3A_220 = arith.constant 1 : i32
    %get3A_221 = arith.index_cast %get3A_220 : i32 to index
    %get3A_222 = arith.constant 80 : index
    %get3A_223 = tpu.vector_load %arg9[%get3A_221, %get3A_222] {strides = array<i32>} : memref<8x256xf32, #tpu.memory_space<vmem>>, vector<1x16xf32>,
    %get3A_224 = vector.shape_cast %get3A_223 : vector<1x16xf32> to vector<16xf32>
    %get3A_225 = arith.constant 1 : i32
    %get3A_226 = arith.index_cast %get3A_225 : i32 to index
    %get3A_227 = arith.constant 96 : index
    %get3A_228 = tpu.vector_load %arg9[%get3A_226, %get3A_227] {strides = array<i32>} : memref<8x256xf32, #tpu.memory_space<vmem>>, vector<1x16xf32>,
    %get3A_229 = vector.shape_cast %get3A_228 : vector<1x16xf32> to vector<16xf32>
    %get3A_230 = arith.constant 1 : i32
    %get3A_231 = arith.index_cast %get3A_230 : i32 to index
    %get3A_232 = arith.constant 112 : index
    %get3A_233 = tpu.vector_load %arg9[%get3A_231, %get3A_232] {strides = array<i32>} : memref<8x256xf32, #tpu.memory_space<vmem>>, vector<1x16xf32>,
    %get3A_234 = vector.shape_cast %get3A_233 : vector<1x16xf32> to vector<16xf32>
    %get3A_235 = arith.constant 1 : i32
    %get3A_236 = arith.index_cast %get3A_235 : i32 to index
    %get3A_237 = arith.constant 128 : index
    %get3A_238 = tpu.vector_load %arg9[%get3A_236, %get3A_237] {strides = array<i32>} : memref<8x256xf32, #tpu.memory_space<vmem>>, vector<1x16xf32>,
    %get3A_239 = vector.shape_cast %get3A_238 : vector<1x16xf32> to vector<16xf32>
    %get3A_240 = arith.constant 1 : i32
    %get3A_241 = arith.index_cast %get3A_240 : i32 to index
    %get3A_242 = arith.constant 144 : index
    %get3A_243 = tpu.vector_load %arg9[%get3A_241, %get3A_242] {strides = array<i32>} : memref<8x256xf32, #tpu.memory_space<vmem>>, vector<1x16xf32>,
    %get3A_244 = vector.shape_cast %get3A_243 : vector<1x16xf32> to vector<16xf32>
    %get3A_245 = arith.constant 1 : i32
    %get3A_246 = arith.index_cast %get3A_245 : i32 to index
    %get3A_247 = arith.constant 160 : index
    %get3A_248 = tpu.vector_load %arg9[%get3A_246, %get3A_247] {strides = array<i32>} : memref<8x256xf32, #tpu.memory_space<vmem>>, vector<1x16xf32>,
    %get3A_249 = vector.shape_cast %get3A_248 : vector<1x16xf32> to vector<16xf32>
    %get3A_250 = arith.constant 1 : i32
    %get3A_251 = arith.index_cast %get3A_250 : i32 to index
    %get3A_252 = arith.constant 176 : index
    %get3A_253 = tpu.vector_load %arg9[%get3A_251, %get3A_252] {strides = array<i32>} : memref<8x256xf32, #tpu.memory_space<vmem>>, vector<1x16xf32>,
    %get3A_254 = vector.shape_cast %get3A_253 : vector<1x16xf32> to vector<16xf32>
    %get3A_255 = arith.constant 1 : i32
    %get3A_256 = arith.index_cast %get3A_255 : i32 to index
    %get3A_257 = arith.constant 192 : index
    %get3A_258 = tpu.vector_load %arg9[%get3A_256, %get3A_257] {strides = array<i32>} : memref<8x256xf32, #tpu.memory_space<vmem>>, vector<1x16xf32>,
    %get3A_259 = vector.shape_cast %get3A_258 : vector<1x16xf32> to vector<16xf32>
    %get3A_260 = arith.constant 1 : i32
    %get3A_261 = arith.index_cast %get3A_260 : i32 to index
    %get3A_262 = arith.constant 208 : index
    %get3A_263 = tpu.vector_load %arg9[%get3A_261, %get3A_262] {strides = array<i32>} : memref<8x256xf32, #tpu.memory_space<vmem>>, vector<1x16xf32>,
    %get3A_264 = vector.shape_cast %get3A_263 : vector<1x16xf32> to vector<16xf32>
    %get3A_265 = arith.constant 1 : i32
    %get3A_266 = arith.index_cast %get3A_265 : i32 to index
    %get3A_267 = arith.constant 224 : index
    %get3A_268 = tpu.vector_load %arg9[%get3A_266, %get3A_267] {strides = array<i32>} : memref<8x256xf32, #tpu.memory_space<vmem>>, vector<1x16xf32>,
    %get3A_269 = vector.shape_cast %get3A_268 : vector<1x16xf32> to vector<16xf32>
    %get3A_270 = arith.constant 1 : i32
    %get3A_271 = arith.index_cast %get3A_270 : i32 to index
    %get3A_272 = arith.constant 240 : index
    %get3A_273 = tpu.vector_load %arg9[%get3A_271, %get3A_272] {strides = array<i32>} : memref<8x256xf32, #tpu.memory_space<vmem>>, vector<1x16xf32>,
    %get3A_274 = vector.shape_cast %get3A_273 : vector<1x16xf32> to vector<16xf32>
    %scan3A_275 = arith.constant 0 : i32
    %scan3A_276 = arith.constant 0 : i32
    %scan3A_277 = arith.constant 64 : i32
    %scan3A_278 = arith.addi %scan3A_276, %scan3A_277 : i32
    %scan3A_279 = arith.constant 1 : i32
    scf.for %scan3A_2148 = %scan3A_276 to %scan3A_278 step %scan3A_279  : i32 {
      %swap3A = arith.index_cast %scan3A_2148 : i32 to index
      %swap3A_2149 = arith.constant 256 : index
      %swap3A_2150 = tpu.vector_load %arg7[%swap3A, %swap3A_2149] {strides = array<i32>} : memref<64x768xf32, #tpu.memory_space<vmem>>, vector<1x16xf32>,
      %swap3A_2151 = vector.shape_cast %swap3A_2150 : vector<1x16xf32> to vector<16xf32>
      %swap3A_2152 = vector.shape_cast %get3A_199 : vector<16xf32> to vector<1x16xf32>
      tpu.vector_store %arg7[%swap3A, %swap3A_2149], %swap3A_2152 {strides = array<i32>} : memref<64x768xf32, #tpu.memory_space<vmem>>, vector<1x16xf32>,
      %swap3A_2153 = arith.index_cast %scan3A_2148 : i32 to index
      %swap3A_2154 = arith.constant 272 : index
      %swap3A_2155 = tpu.vector_load %arg7[%swap3A_2153, %swap3A_2154] {strides = array<i32>} : memref<64x768xf32, #tpu.memory_space<vmem>>, vector<1x16xf32>,
      %swap3A_2156 = vector.shape_cast %swap3A_2155 : vector<1x16xf32> to vector<16xf32>
      %swap3A_2157 = vector.shape_cast %get3A_204 : vector<16xf32> to vector<1x16xf32>
      tpu.vector_store %arg7[%swap3A_2153, %swap3A_2154], %swap3A_2157 {strides = array<i32>} : memref<64x768xf32, #tpu.memory_space<vmem>>, vector<1x16xf32>,
      %swap3A_2158 = arith.index_cast %scan3A_2148 : i32 to index
      %swap3A_2159 = arith.constant 288 : index
      %swap3A_2160 = tpu.vector_load %arg7[%swap3A_2158, %swap3A_2159] {strides = array<i32>} : memref<64x768xf32, #tpu.memory_space<vmem>>, vector<1x16xf32>,
      %swap3A_2161 = vector.shape_cast %swap3A_2160 : vector<1x16xf32> to vector<16xf32>
      %swap3A_2162 = vector.shape_cast %get3A_209 : vector<16xf32> to vector<1x16xf32>
      tpu.vector_store %arg7[%swap3A_2158, %swap3A_2159], %swap3A_2162 {strides = array<i32>} : memref<64x768xf32, #tpu.memory_space<vmem>>, vector<1x16xf32>,
      %swap3A_2163 = arith.index_cast %scan3A_2148 : i32 to index
      %swap3A_2164 = arith.constant 304 : index
      %swap3A_2165 = tpu.vector_load %arg7[%swap3A_2163, %swap3A_2164] {strides = array<i32>} : memref<64x768xf32, #tpu.memory_space<vmem>>, vector<1x16xf32>,
      %swap3A_2166 = vector.shape_cast %swap3A_2165 : vector<1x16xf32> to vector<16xf32>
      %swap3A_2167 = vector.shape_cast %get3A_214 : vector<16xf32> to vector<1x16xf32>
      tpu.vector_store %arg7[%swap3A_2163, %swap3A_2164], %swap3A_2167 {strides = array<i32>} : memref<64x768xf32, #tpu.memory_space<vmem>>, vector<1x16xf32>,
      %swap3A_2168 = arith.index_cast %scan3A_2148 : i32 to index
      %swap3A_2169 = arith.constant 320 : index
      %swap3A_2170 = tpu.vector_load %arg7[%swap3A_2168, %swap3A_2169] {strides = array<i32>} : memref<64x768xf32, #tpu.memory_space<vmem>>, vector<1x16xf32>,
      %swap3A_2171 = vector.shape_cast %swap3A_2170 : vector<1x16xf32> to vector<16xf32>
      %swap3A_2172 = vector.shape_cast %get3A_219 : vector<16xf32> to vector<1x16xf32>
      tpu.vector_store %arg7[%swap3A_2168, %swap3A_2169], %swap3A_2172 {strides = array<i32>} : memref<64x768xf32, #tpu.memory_space<vmem>>, vector<1x16xf32>,
      %swap3A_2173 = arith.index_cast %scan3A_2148 : i32 to index
      %swap3A_2174 = arith.constant 336 : index
      %swap3A_2175 = tpu.vector_load %arg7[%swap3A_2173, %swap3A_2174] {strides = array<i32>} : memref<64x768xf32, #tpu.memory_space<vmem>>, vector<1x16xf32>,
      %swap3A_2176 = vector.shape_cast %swap3A_2175 : vector<1x16xf32> to vector<16xf32>
      %swap3A_2177 = vector.shape_cast %get3A_224 : vector<16xf32> to vector<1x16xf32>
      tpu.vector_store %arg7[%swap3A_2173, %swap3A_2174], %swap3A_2177 {strides = array<i32>} : memref<64x768xf32, #tpu.memory_space<vmem>>, vector<1x16xf32>,
      %swap3A_2178 = arith.index_cast %scan3A_2148 : i32 to index
      %swap3A_2179 = arith.constant 352 : index
      %swap3A_2180 = tpu.vector_load %arg7[%swap3A_2178, %swap3A_2179] {strides = array<i32>} : memref<64x768xf32, #tpu.memory_space<vmem>>, vector<1x16xf32>,
      %swap3A_2181 = vector.shape_cast %swap3A_2180 : vector<1x16xf32> to vector<16xf32>
      %swap3A_2182 = vector.shape_cast %get3A_229 : vector<16xf32> to vector<1x16xf32>
      tpu.vector_store %arg7[%swap3A_2178, %swap3A_2179], %swap3A_2182 {strides = array<i32>} : memref<64x768xf32, #tpu.memory_space<vmem>>, vector<1x16xf32>,
      %swap3A_2183 = arith.index_cast %scan3A_2148 : i32 to index
      %swap3A_2184 = arith.constant 368 : index
      %swap3A_2185 = tpu.vector_load %arg7[%swap3A_2183, %swap3A_2184] {strides = array<i32>} : memref<64x768xf32, #tpu.memory_space<vmem>>, vector<1x16xf32>,
      %swap3A_2186 = vector.shape_cast %swap3A_2185 : vector<1x16xf32> to vector<16xf32>
      %swap3A_2187 = vector.shape_cast %get3A_234 : vector<16xf32> to vector<1x16xf32>
      tpu.vector_store %arg7[%swap3A_2183, %swap3A_2184], %swap3A_2187 {strides = array<i32>} : memref<64x768xf32, #tpu.memory_space<vmem>>, vector<1x16xf32>,
      %swap3A_2188 = arith.index_cast %scan3A_2148 : i32 to index
      %swap3A_2189 = arith.constant 384 : index
      %swap3A_2190 = tpu.vector_load %arg7[%swap3A_2188, %swap3A_2189] {strides = array<i32>} : memref<64x768xf32, #tpu.memory_space<vmem>>, vector<1x16xf32>,
      %swap3A_2191 = vector.shape_cast %swap3A_2190 : vector<1x16xf32> to vector<16xf32>
      %swap3A_2192 = vector.shape_cast %get3A_239 : vector<16xf32> to vector<1x16xf32>
      tpu.vector_store %arg7[%swap3A_2188, %swap3A_2189], %swap3A_2192 {strides = array<i32>} : memref<64x768xf32, #tpu.memory_space<vmem>>, vector<1x16xf32>,
      %swap3A_2193 = arith.index_cast %scan3A_2148 : i32 to index
      %swap3A_2194 = arith.constant 400 : index
      %swap3A_2195 = tpu.vector_load %arg7[%swap3A_2193, %swap3A_2194] {strides = array<i32>} : memref<64x768xf32, #tpu.memory_space<vmem>>, vector<1x16xf32>,
      %swap3A_2196 = vector.shape_cast %swap3A_2195 : vector<1x16xf32> to vector<16xf32>
      %swap3A_2197 = vector.shape_cast %get3A_244 : vector<16xf32> to vector<1x16xf32>
      tpu.vector_store %arg7[%swap3A_2193, %swap3A_2194], %swap3A_2197 {strides = array<i32>} : memref<64x768xf32, #tpu.memory_space<vmem>>, vector<1x16xf32>,
      %swap3A_2198 = arith.index_cast %scan3A_2148 : i32 to index
      %swap3A_2199 = arith.constant 416 : index
      %swap3A_2200 = tpu.vector_load %arg7[%swap3A_2198, %swap3A_2199] {strides = array<i32>} : memref<64x768xf32, #tpu.memory_space<vmem>>, vector<1x16xf32>,
      %swap3A_2201 = vector.shape_cast %swap3A_2200 : vector<1x16xf32> to vector<16xf32>
      %swap3A_2202 = vector.shape_cast %get3A_249 : vector<16xf32> to vector<1x16xf32>
      tpu.vector_store %arg7[%swap3A_2198, %swap3A_2199], %swap3A_2202 {strides = array<i32>} : memref<64x768xf32, #tpu.memory_space<vmem>>, vector<1x16xf32>,
      %swap3A_2203 = arith.index_cast %scan3A_2148 : i32 to index
      %swap3A_2204 = arith.constant 432 : index
      %swap3A_2205 = tpu.vector_load %arg7[%swap3A_2203, %swap3A_2204] {strides = array<i32>} : memref<64x768xf32, #tpu.memory_space<vmem>>, vector<1x16xf32>,
      %swap3A_2206 = vector.shape_cast %swap3A_2205 : vector<1x16xf32> to vector<16xf32>
      %swap3A_2207 = vector.shape_cast %get3A_254 : vector<16xf32> to vector<1x16xf32>
      tpu.vector_store %arg7[%swap3A_2203, %swap3A_2204], %swap3A_2207 {strides = array<i32>} : memref<64x768xf32, #tpu.memory_space<vmem>>, vector<1x16xf32>,
      %swap3A_2208 = arith.index_cast %scan3A_2148 : i32 to index
      %swap3A_2209 = arith.constant 448 : index
      %swap3A_2210 = tpu.vector_load %arg7[%swap3A_2208, %swap3A_2209] {strides = array<i32>} : memref<64x768xf32, #tpu.memory_space<vmem>>, vector<1x16xf32>,
      %swap3A_2211 = vector.shape_cast %swap3A_2210 : vector<1x16xf32> to vector<16xf32>
      %swap3A_2212 = vector.shape_cast %get3A_259 : vector<16xf32> to vector<1x16xf32>
      tpu.vector_store %arg7[%swap3A_2208, %swap3A_2209], %swap3A_2212 {strides = array<i32>} : memref<64x768xf32, #tpu.memory_space<vmem>>, vector<1x16xf32>,
      %swap3A_2213 = arith.index_cast %scan3A_2148 : i32 to index
      %swap3A_2214 = arith.constant 464 : index
      %swap3A_2215 = tpu.vector_load %arg7[%swap3A_2213, %swap3A_2214] {strides = array<i32>} : memref<64x768xf32, #tpu.memory_space<vmem>>, vector<1x16xf32>,
      %swap3A_2216 = vector.shape_cast %swap3A_2215 : vector<1x16xf32> to vector<16xf32>
      %swap3A_2217 = vector.shape_cast %get3A_264 : vector<16xf32> to vector<1x16xf32>
      tpu.vector_store %arg7[%swap3A_2213, %swap3A_2214], %swap3A_2217 {strides = array<i32>} : memref<64x768xf32, #tpu.memory_space<vmem>>, vector<1x16xf32>,
      %swap3A_2218 = arith.index_cast %scan3A_2148 : i32 to index
      %swap3A_2219 = arith.constant 480 : index
      %swap3A_2220 = tpu.vector_load %arg7[%swap3A_2218, %swap3A_2219] {strides = array<i32>} : memref<64x768xf32, #tpu.memory_space<vmem>>, vector<1x16xf32>,
      %swap3A_2221 = vector.shape_cast %swap3A_2220 : vector<1x16xf32> to vector<16xf32>
      %swap3A_2222 = vector.shape_cast %get3A_269 : vector<16xf32> to vector<1x16xf32>
      tpu.vector_store %arg7[%swap3A_2218, %swap3A_2219], %swap3A_2222 {strides = array<i32>} : memref<64x768xf32, #tpu.memory_space<vmem>>, vector<1x16xf32>,
      %swap3A_2223 = arith.index_cast %scan3A_2148 : i32 to index
      %swap3A_2224 = arith.constant 496 : index
      %swap3A_2225 = tpu.vector_load %arg7[%swap3A_2223, %swap3A_2224] {strides = array<i32>} : memref<64x768xf32, #tpu.memory_space<vmem>>, vector<1x16xf32>,
      %swap3A_2226 = vector.shape_cast %swap3A_2225 : vector<1x16xf32> to vector<16xf32>
      %swap3A_2227 = vector.shape_cast %get3A_274 : vector<16xf32> to vector<1x16xf32>
      tpu.vector_store %arg7[%swap3A_2223, %swap3A_2224], %swap3A_2227 {strides = array<i32>} : memref<64x768xf32, #tpu.memory_space<vmem>>, vector<1x16xf32>,
    }
    %scan3A_280 = arith.constant 64 : i32
    %mul3A_281 = arith.constant 1024 : i32
    %mul3A_282 = arith.muli %select_n3A, %mul3A_281 : i32
    %add3A_283 = arith.constant 1 : i32
    %add3A_284 = arith.addi %rem3A_20, %add3A_283 : i32
    %mul3A_285 = arith.constant 64 : i32
    %mul3A_286 = arith.muli %add3A_284, %mul3A_285 : i32
    %add3A_287 = arith.addi %mul3A_282, %mul3A_286 : i32
    %run_scoped3A = arith.constant 0 : i32
    "tpu.region"() ({
      %run_scoped3A_2148 = tpu.sem_alloc : memref<!tpu.dma_semaphore, #tpu.memory_space<semaphore_mem>>
      %dma_start3A_2149 = arith.constant 0 : i32
      %dma_start3A_2150 = arith.constant 0 : i32
      %dma_start3A_2151 = tpu.memref_slice %arg7[%dma_start3A_2149, %dma_start3A_2150] : memref<64x768xf32, #tpu.memory_space<vmem>> -> memref<16x768xf32, #tpu.memory_space<vmem>>
      %dma_start3A_2152 = arith.constant 0 : i32
      %dma_start3A_2153 = arith.constant 0 : i32
      %dma_start3A_2154 = tpu.memref_slice %arg10[%arg1, %run_scoped3A, %dma_start3A_2152, %dma_start3A_2153] : memref<16x2x16x768xf32, #tpu.memory_space<vmem_shared>> -> memref<1x1x16x768xf32, #tpu.memory_space<vmem_shared>>
      %dma_start3A_2155 = tpu.memref_squeeze %dma_start3A_2154 : memref<1x1x16x768xf32, #tpu.memory_space<vmem_shared>> -> memref<16x768xf32, #tpu.memory_space<vmem_shared>>
      %dma_start3A_2156 = arith.constant 0 : i32
      %dma_start3A_2157 = arith.constant 0 : i32
      %dma_start3A_2158 = tpu.memref_slice %arg10[%arg1, %run_scoped3A, %dma_start3A_2156, %dma_start3A_2157] : memref<16x2x16x768xf32, #tpu.memory_space<vmem_shared>> -> memref<1x1x16x768xf32, #tpu.memory_space<vmem_shared>>
      %dma_start3A_2159 = tpu.memref_squeeze %dma_start3A_2158 : memref<1x1x16x768xf32, #tpu.memory_space<vmem_shared>> -> memref<16x768xf32, #tpu.memory_space<vmem_shared>>
      %dma_start3A_2160 = arith.constant 0 : i32
      %dma_start3A_2161 = arith.constant 0 : i32
      %dma_start3A_2162 = tpu.memref_slice %arg7[%dma_start3A_2160, %dma_start3A_2161] : memref<64x768xf32, #tpu.memory_space<vmem>> -> memref<16x768xf32, #tpu.memory_space<vmem>>
      tpu.enqueue_dma source(%dma_start3A_2162 : memref<16x768xf32, #tpu.memory_space<vmem>>) target(%dma_start3A_2159 : memref<16x768xf32, #tpu.memory_space<vmem_shared>>) target_semaphore(%run_scoped3A_2148 : memref<!tpu.dma_semaphore, #tpu.memory_space<semaphore_mem>>)
      %dma_wait3A_2163 = arith.constant 0 : i32
      %dma_wait3A_2164 = arith.constant 0 : i32
      %dma_wait3A_2165 = tpu.memref_slice %arg7[%dma_wait3A_2163, %dma_wait3A_2164] : memref<64x768xf32, #tpu.memory_space<vmem>> -> memref<16x768xf32, #tpu.memory_space<vmem>>
      %dma_wait3A_2166 = arith.constant 0 : i32
      %dma_wait3A_2167 = arith.constant 0 : i32
      %dma_wait3A_2168 = tpu.memref_slice %arg10[%arg1, %run_scoped3A, %dma_wait3A_2166, %dma_wait3A_2167] : memref<16x2x16x768xf32, #tpu.memory_space<vmem_shared>> -> memref<1x1x16x768xf32, #tpu.memory_space<vmem_shared>>
      %dma_wait3A_2169 = tpu.memref_squeeze %dma_wait3A_2168 : memref<1x1x16x768xf32, #tpu.memory_space<vmem_shared>> -> memref<16x768xf32, #tpu.memory_space<vmem_shared>>
      %dma_wait3A_2170 = arith.constant 0 : i32
      %dma_wait3A_2171 = arith.constant 0 : i32
      %dma_wait3A_2172 = tpu.memref_slice %arg10[%arg1, %run_scoped3A, %dma_wait3A_2170, %dma_wait3A_2171] : memref<16x2x16x768xf32, #tpu.memory_space<vmem_shared>> -> memref<1x1x16x768xf32, #tpu.memory_space<vmem_shared>>
      %dma_wait3A_2173 = tpu.memref_squeeze %dma_wait3A_2172 : memref<1x1x16x768xf32, #tpu.memory_space<vmem_shared>> -> memref<16x768xf32, #tpu.memory_space<vmem_shared>>
      %dma_wait3A_2174 = arith.constant 0 : i32
      %dma_wait3A_2175 = arith.constant 0 : i32
      %dma_wait3A_2176 = tpu.memref_slice %arg7[%dma_wait3A_2174, %dma_wait3A_2175] : memref<64x768xf32, #tpu.memory_space<vmem>> -> memref<16x768xf32, #tpu.memory_space<vmem>>
      tpu.wait_dma2 semaphore(%run_scoped3A_2148 : memref<!tpu.dma_semaphore, #tpu.memory_space<semaphore_mem>>) src(%dma_wait3A_2176 : memref<16x768xf32, #tpu.memory_space<vmem>>) dst(%dma_wait3A_2173 : memref<16x768xf32, #tpu.memory_space<vmem_shared>>)
      tpu.yield
    }) : () -> ()
    %add3A_288 = arith.constant 0 : i32
    %add3A_289 = arith.addi %add3A_287, %add3A_288 : i32
    %add3A_290 = arith.constant 0 : i32
    %add3A_291 = arith.addi %add3A_289, %add3A_290 : i32
    %dma_start3A_292 = arith.constant 0 : i32
    %dma_start3A_293 = arith.constant 0 : i32
    %dma_start3A_294 = tpu.memref_slice %arg5[%add3A_291, %dma_start3A_293] : memref<65536x768xf32, #tpu.memory_space<hbm>> -> memref<16x768xf32, #tpu.memory_space<hbm>>
    %dma_start3A_295 = arith.constant 0 : i32
    %dma_start3A_296 = arith.constant 0 : i32
    %dma_start3A_297 = tpu.memref_slice %arg10[%arg1, %dma_start3A_292, %dma_start3A_295, %dma_start3A_296] : memref<16x2x16x768xf32, #tpu.memory_space<vmem_shared>> -> memref<1x1x16x768xf32, #tpu.memory_space<vmem_shared>>
    %dma_start3A_298 = tpu.memref_squeeze %dma_start3A_297 : memref<1x1x16x768xf32, #tpu.memory_space<vmem_shared>> -> memref<16x768xf32, #tpu.memory_space<vmem_shared>>
    tpu.enqueue_dma source(%dma_start3A_298 : memref<16x768xf32, #tpu.memory_space<vmem_shared>>) target(%dma_start3A_294 : memref<16x768xf32, #tpu.memory_space<hbm>>) target_semaphore(%arg13 : memref<!tpu.dma_semaphore, #tpu.memory_space<semaphore_mem>>)
    %add3A_299 = arith.constant 0 : i32
    %add3A_300 = arith.addi %add3A_287, %add3A_299 : i32
    %add3A_301 = arith.constant 16384 : i32
    %add3A_302 = arith.addi %add3A_300, %add3A_301 : i32
    %dma_start3A_303 = arith.constant 0 : i32
    %dma_start3A_304 = arith.constant 0 : i32
    %dma_start3A_305 = tpu.memref_slice %arg5[%add3A_302, %dma_start3A_304] : memref<65536x768xf32, #tpu.memory_space<hbm>> -> memref<16x768xf32, #tpu.memory_space<hbm>>
    %dma_start3A_306 = arith.constant 0 : i32
    %dma_start3A_307 = arith.constant 0 : i32
    %dma_start3A_308 = tpu.memref_slice %arg10[%arg1, %dma_start3A_303, %dma_start3A_306, %dma_start3A_307] : memref<16x2x16x768xf32, #tpu.memory_space<vmem_shared>> -> memref<1x1x16x768xf32, #tpu.memory_space<vmem_shared>>
    %dma_start3A_309 = tpu.memref_squeeze %dma_start3A_308 : memref<1x1x16x768xf32, #tpu.memory_space<vmem_shared>> -> memref<16x768xf32, #tpu.memory_space<vmem_shared>>
    tpu.enqueue_dma source(%dma_start3A_309 : memref<16x768xf32, #tpu.memory_space<vmem_shared>>) target(%dma_start3A_305 : memref<16x768xf32, #tpu.memory_space<hbm>>) target_semaphore(%arg13 : memref<!tpu.dma_semaphore, #tpu.memory_space<semaphore_mem>>)
    %add3A_310 = arith.constant 0 : i32
    %add3A_311 = arith.addi %add3A_287, %add3A_310 : i32
    %add3A_312 = arith.constant 32768 : i32
    %add3A_313 = arith.addi %add3A_311, %add3A_312 : i32
    %dma_start3A_314 = arith.constant 0 : i32
    %dma_start3A_315 = arith.constant 0 : i32
    %dma_start3A_316 = tpu.memref_slice %arg5[%add3A_313, %dma_start3A_315] : memref<65536x768xf32, #tpu.memory_space<hbm>> -> memref<16x768xf32, #tpu.memory_space<hbm>>
    %dma_start3A_317 = arith.constant 0 : i32
    %dma_start3A_318 = arith.constant 0 : i32
    %dma_start3A_319 = tpu.memref_slice %arg10[%arg1, %dma_start3A_314, %dma_start3A_317, %dma_start3A_318] : memref<16x2x16x768xf32, #tpu.memory_space<vmem_shared>> -> memref<1x1x16x768xf32, #tpu.memory_space<vmem_shared>>
    %dma_start3A_320 = tpu.memref_squeeze %dma_start3A_319 : memref<1x1x16x768xf32, #tpu.memory_space<vmem_shared>> -> memref<16x768xf32, #tpu.memory_space<vmem_shared>>
    tpu.enqueue_dma source(%dma_start3A_320 : memref<16x768xf32, #tpu.memory_space<vmem_shared>>) target(%dma_start3A_316 : memref<16x768xf32, #tpu.memory_space<hbm>>) target_semaphore(%arg13 : memref<!tpu.dma_semaphore, #tpu.memory_space<semaphore_mem>>)
    %add3A_321 = arith.constant 0 : i32
    %add3A_322 = arith.addi %add3A_287, %add3A_321 : i32
    %add3A_323 = arith.constant 49152 : i32
    %add3A_324 = arith.addi %add3A_322, %add3A_323 : i32
    %dma_start3A_325 = arith.constant 0 : i32
    %dma_start3A_326 = arith.constant 0 : i32
    %dma_start3A_327 = tpu.memref_slice %arg5[%add3A_324, %dma_start3A_326] : memref<65536x768xf32, #tpu.memory_space<hbm>> -> memref<16x768xf32, #tpu.memory_space<hbm>>
    %dma_start3A_328 = arith.constant 0 : i32
    %dma_start3A_329 = arith.constant 0 : i32
    %dma_start3A_330 = tpu.memref_slice %arg10[%arg1, %dma_start3A_325, %dma_start3A_328, %dma_start3A_329] : memref<16x2x16x768xf32, #tpu.memory_space<vmem_shared>> -> memref<1x1x16x768xf32, #tpu.memory_space<vmem_shared>>
    %dma_start3A_331 = tpu.memref_squeeze %dma_start3A_330 : memref<1x1x16x768xf32, #tpu.memory_space<vmem_shared>> -> memref<16x768xf32, #tpu.memory_space<vmem_shared>>
    tpu.enqueue_dma source(%dma_start3A_331 : memref<16x768xf32, #tpu.memory_space<vmem_shared>>) target(%dma_start3A_327 : memref<16x768xf32, #tpu.memory_space<hbm>>) target_semaphore(%arg13 : memref<!tpu.dma_semaphore, #tpu.memory_space<semaphore_mem>>)
    %run_scoped3A_332 = arith.constant 1 : i32
    "tpu.region"() ({
      %run_scoped3A_2148 = tpu.sem_alloc : memref<!tpu.dma_semaphore, #tpu.memory_space<semaphore_mem>>
      %dma_start3A_2149 = arith.constant 16 : i32
      %dma_start3A_2150 = arith.constant 0 : i32
      %dma_start3A_2151 = tpu.memref_slice %arg7[%dma_start3A_2149, %dma_start3A_2150] : memref<64x768xf32, #tpu.memory_space<vmem>> -> memref<16x768xf32, #tpu.memory_space<vmem>>
      %dma_start3A_2152 = arith.constant 0 : i32
      %dma_start3A_2153 = arith.constant 0 : i32
      %dma_start3A_2154 = tpu.memref_slice %arg10[%arg1, %run_scoped3A_332, %dma_start3A_2152, %dma_start3A_2153] : memref<16x2x16x768xf32, #tpu.memory_space<vmem_shared>> -> memref<1x1x16x768xf32, #tpu.memory_space<vmem_shared>>
      %dma_start3A_2155 = tpu.memref_squeeze %dma_start3A_2154 : memref<1x1x16x768xf32, #tpu.memory_space<vmem_shared>> -> memref<16x768xf32, #tpu.memory_space<vmem_shared>>
      %dma_start3A_2156 = arith.constant 0 : i32
      %dma_start3A_2157 = arith.constant 0 : i32
      %dma_start3A_2158 = tpu.memref_slice %arg10[%arg1, %run_scoped3A_332, %dma_start3A_2156, %dma_start3A_2157] : memref<16x2x16x768xf32, #tpu.memory_space<vmem_shared>> -> memref<1x1x16x768xf32, #tpu.memory_space<vmem_shared>>
      %dma_start3A_2159 = tpu.memref_squeeze %dma_start3A_2158 : memref<1x1x16x768xf32, #tpu.memory_space<vmem_shared>> -> memref<16x768xf32, #tpu.memory_space<vmem_shared>>
      %dma_start3A_2160 = arith.constant 16 : i32
      %dma_start3A_2161 = arith.constant 0 : i32
      %dma_start3A_2162 = tpu.memref_slice %arg7[%dma_start3A_2160, %dma_start3A_2161] : memref<64x768xf32, #tpu.memory_space<vmem>> -> memref<16x768xf32, #tpu.memory_space<vmem>>
      tpu.enqueue_dma source(%dma_start3A_2162 : memref<16x768xf32, #tpu.memory_space<vmem>>) target(%dma_start3A_2159 : memref<16x768xf32, #tpu.memory_space<vmem_shared>>) target_semaphore(%run_scoped3A_2148 : memref<!tpu.dma_semaphore, #tpu.memory_space<semaphore_mem>>)
      %dma_wait3A_2163 = arith.constant 16 : i32
      %dma_wait3A_2164 = arith.constant 0 : i32
      %dma_wait3A_2165 = tpu.memref_slice %arg7[%dma_wait3A_2163, %dma_wait3A_2164] : memref<64x768xf32, #tpu.memory_space<vmem>> -> memref<16x768xf32, #tpu.memory_space<vmem>>
      %dma_wait3A_2166 = arith.constant 0 : i32
      %dma_wait3A_2167 = arith.constant 0 : i32
      %dma_wait3A_2168 = tpu.memref_slice %arg10[%arg1, %run_scoped3A_332, %dma_wait3A_2166, %dma_wait3A_2167] : memref<16x2x16x768xf32, #tpu.memory_space<vmem_shared>> -> memref<1x1x16x768xf32, #tpu.memory_space<vmem_shared>>
      %dma_wait3A_2169 = tpu.memref_squeeze %dma_wait3A_2168 : memref<1x1x16x768xf32, #tpu.memory_space<vmem_shared>> -> memref<16x768xf32, #tpu.memory_space<vmem_shared>>
      %dma_wait3A_2170 = arith.constant 0 : i32
      %dma_wait3A_2171 = arith.constant 0 : i32
      %dma_wait3A_2172 = tpu.memref_slice %arg10[%arg1, %run_scoped3A_332, %dma_wait3A_2170, %dma_wait3A_2171] : memref<16x2x16x768xf32, #tpu.memory_space<vmem_shared>> -> memref<1x1x16x768xf32, #tpu.memory_space<vmem_shared>>
      %dma_wait3A_2173 = tpu.memref_squeeze %dma_wait3A_2172 : memref<1x1x16x768xf32, #tpu.memory_space<vmem_shared>> -> memref<16x768xf32, #tpu.memory_space<vmem_shared>>
      %dma_wait3A_2174 = arith.constant 16 : i32
      %dma_wait3A_2175 = arith.constant 0 : i32
      %dma_wait3A_2176 = tpu.memref_slice %arg7[%dma_wait3A_2174, %dma_wait3A_2175] : memref<64x768xf32, #tpu.memory_space<vmem>> -> memref<16x768xf32, #tpu.memory_space<vmem>>
      tpu.wait_dma2 semaphore(%run_scoped3A_2148 : memref<!tpu.dma_semaphore, #tpu.memory_space<semaphore_mem>>) src(%dma_wait3A_2176 : memref<16x768xf32, #tpu.memory_space<vmem>>) dst(%dma_wait3A_2173 : memref<16x768xf32, #tpu.memory_space<vmem_shared>>)
      tpu.yield
    }) : () -> ()
    %add3A_333 = arith.constant 16 : i32
    %add3A_334 = arith.addi %add3A_287, %add3A_333 : i32
    %add3A_335 = arith.constant 0 : i32
    %add3A_336 = arith.addi %add3A_334, %add3A_335 : i32
    %dma_start3A_337 = arith.constant 1 : i32
    %dma_start3A_338 = arith.constant 0 : i32
    %dma_start3A_339 = tpu.memref_slice %arg5[%add3A_336, %dma_start3A_338] : memref<65536x768xf32, #tpu.memory_space<hbm>> -> memref<16x768xf32, #tpu.memory_space<hbm>>
    %dma_start3A_340 = arith.constant 0 : i32
    %dma_start3A_341 = arith.constant 0 : i32
    %dma_start3A_342 = tpu.memref_slice %arg10[%arg1, %dma_start3A_337, %dma_start3A_340, %dma_start3A_341] : memref<16x2x16x768xf32, #tpu.memory_space<vmem_shared>> -> memref<1x1x16x768xf32, #tpu.memory_space<vmem_shared>>
    %dma_start3A_343 = tpu.memref_squeeze %dma_start3A_342 : memref<1x1x16x768xf32, #tpu.memory_space<vmem_shared>> -> memref<16x768xf32, #tpu.memory_space<vmem_shared>>
    tpu.enqueue_dma source(%dma_start3A_343 : memref<16x768xf32, #tpu.memory_space<vmem_shared>>) target(%dma_start3A_339 : memref<16x768xf32, #tpu.memory_space<hbm>>) target_semaphore(%arg14 : memref<!tpu.dma_semaphore, #tpu.memory_space<semaphore_mem>>)
    %add3A_344 = arith.constant 16 : i32
    %add3A_345 = arith.addi %add3A_287, %add3A_344 : i32
    %add3A_346 = arith.constant 16384 : i32
    %add3A_347 = arith.addi %add3A_345, %add3A_346 : i32
    %dma_start3A_348 = arith.constant 1 : i32
    %dma_start3A_349 = arith.constant 0 : i32
    %dma_start3A_350 = tpu.memref_slice %arg5[%add3A_347, %dma_start3A_349] : memref<65536x768xf32, #tpu.memory_space<hbm>> -> memref<16x768xf32, #tpu.memory_space<hbm>>
    %dma_start3A_351 = arith.constant 0 : i32
    %dma_start3A_352 = arith.constant 0 : i32
    %dma_start3A_353 = tpu.memref_slice %arg10[%arg1, %dma_start3A_348, %dma_start3A_351, %dma_start3A_352] : memref<16x2x16x768xf32, #tpu.memory_space<vmem_shared>> -> memref<1x1x16x768xf32, #tpu.memory_space<vmem_shared>>
    %dma_start3A_354 = tpu.memref_squeeze %dma_start3A_353 : memref<1x1x16x768xf32, #tpu.memory_space<vmem_shared>> -> memref<16x768xf32, #tpu.memory_space<vmem_shared>>
    tpu.enqueue_dma source(%dma_start3A_354 : memref<16x768xf32, #tpu.memory_space<vmem_shared>>) target(%dma_start3A_350 : memref<16x768xf32, #tpu.memory_space<hbm>>) target_semaphore(%arg14 : memref<!tpu.dma_semaphore, #tpu.memory_space<semaphore_mem>>)
    %add3A_355 = arith.constant 16 : i32
    %add3A_356 = arith.addi %add3A_287, %add3A_355 : i32
    %add3A_357 = arith.constant 32768 : i32
    %add3A_358 = arith.addi %add3A_356, %add3A_357 : i32
    %dma_start3A_359 = arith.constant 1 : i32
    %dma_start3A_360 = arith.constant 0 : i32
    %dma_start3A_361 = tpu.memref_slice %arg5[%add3A_358, %dma_start3A_360] : memref<65536x768xf32, #tpu.memory_space<hbm>> -> memref<16x768xf32, #tpu.memory_space<hbm>>
    %dma_start3A_362 = arith.constant 0 : i32
    %dma_start3A_363 = arith.constant 0 : i32
    %dma_start3A_364 = tpu.memref_slice %arg10[%arg1, %dma_start3A_359, %dma_start3A_362, %dma_start3A_363] : memref<16x2x16x768xf32, #tpu.memory_space<vmem_shared>> -> memref<1x1x16x768xf32, #tpu.memory_space<vmem_shared>>
    %dma_start3A_365 = tpu.memref_squeeze %dma_start3A_364 : memref<1x1x16x768xf32, #tpu.memory_space<vmem_shared>> -> memref<16x768xf32, #tpu.memory_space<vmem_shared>>
    tpu.enqueue_dma source(%dma_start3A_365 : memref<16x768xf32, #tpu.memory_space<vmem_shared>>) target(%dma_start3A_361 : memref<16x768xf32, #tpu.memory_space<hbm>>) target_semaphore(%arg14 : memref<!tpu.dma_semaphore, #tpu.memory_space<semaphore_mem>>)
    %add3A_366 = arith.constant 16 : i32
    %add3A_367 = arith.addi %add3A_287, %add3A_366 : i32
    %add3A_368 = arith.constant 49152 : i32
    %add3A_369 = arith.addi %add3A_367, %add3A_368 : i32
    %dma_start3A_370 = arith.constant 1 : i32
    %dma_start3A_371 = arith.constant 0 : i32
    %dma_start3A_372 = tpu.memref_slice %arg5[%add3A_369, %dma_start3A_371] : memref<65536x768xf32, #tpu.memory_space<hbm>> -> memref<16x768xf32, #tpu.memory_space<hbm>>
    %dma_start3A_373 = arith.constant 0 : i32
    %dma_start3A_374 = arith.constant 0 : i32
    %dma_start3A_375 = tpu.memref_slice %arg10[%arg1, %dma_start3A_370, %dma_start3A_373, %dma_start3A_374] : memref<16x2x16x768xf32, #tpu.memory_space<vmem_shared>> -> memref<1x1x16x768xf32, #tpu.memory_space<vmem_shared>>
    %dma_start3A_376 = tpu.memref_squeeze %dma_start3A_375 : memref<1x1x16x768xf32, #tpu.memory_space<vmem_shared>> -> memref<16x768xf32, #tpu.memory_space<vmem_shared>>
    tpu.enqueue_dma source(%dma_start3A_376 : memref<16x768xf32, #tpu.memory_space<vmem_shared>>) target(%dma_start3A_372 : memref<16x768xf32, #tpu.memory_space<hbm>>) target_semaphore(%arg14 : memref<!tpu.dma_semaphore, #tpu.memory_space<semaphore_mem>>)
    %dma_wait3A = arith.constant 0 : i32
    %dma_wait3A_377 = arith.constant 0 : i32
    %dma_wait3A_378 = tpu.memref_slice %arg5[%add3A_291, %dma_wait3A_377] : memref<65536x768xf32, #tpu.memory_space<hbm>> -> memref<16x768xf32, #tpu.memory_space<hbm>>
    %dma_wait3A_379 = arith.constant 0 : i32
    %dma_wait3A_380 = arith.constant 0 : i32
    %dma_wait3A_381 = tpu.memref_slice %arg10[%arg1, %dma_wait3A, %dma_wait3A_379, %dma_wait3A_380] : memref<16x2x16x768xf32, #tpu.memory_space<vmem_shared>> -> memref<1x1x16x768xf32, #tpu.memory_space<vmem_shared>>
    %dma_wait3A_382 = tpu.memref_squeeze %dma_wait3A_381 : memref<1x1x16x768xf32, #tpu.memory_space<vmem_shared>> -> memref<16x768xf32, #tpu.memory_space<vmem_shared>>
    tpu.wait_dma2 semaphore(%arg13 : memref<!tpu.dma_semaphore, #tpu.memory_space<semaphore_mem>>) src(%dma_wait3A_382 : memref<16x768xf32, #tpu.memory_space<vmem_shared>>) dst(%dma_wait3A_378 : memref<16x768xf32, #tpu.memory_space<hbm>>)
    %dma_wait3A_383 = arith.constant 0 : i32
    %dma_wait3A_384 = arith.constant 0 : i32
    %dma_wait3A_385 = tpu.memref_slice %arg5[%add3A_302, %dma_wait3A_384] : memref<65536x768xf32, #tpu.memory_space<hbm>> -> memref<16x768xf32, #tpu.memory_space<hbm>>
    %dma_wait3A_386 = arith.constant 0 : i32
    %dma_wait3A_387 = arith.constant 0 : i32
    %dma_wait3A_388 = tpu.memref_slice %arg10[%arg1, %dma_wait3A_383, %dma_wait3A_386, %dma_wait3A_387] : memref<16x2x16x768xf32, #tpu.memory_space<vmem_shared>> -> memref<1x1x16x768xf32, #tpu.memory_space<vmem_shared>>
    %dma_wait3A_389 = tpu.memref_squeeze %dma_wait3A_388 : memref<1x1x16x768xf32, #tpu.memory_space<vmem_shared>> -> memref<16x768xf32, #tpu.memory_space<vmem_shared>>
    tpu.wait_dma2 semaphore(%arg13 : memref<!tpu.dma_semaphore, #tpu.memory_space<semaphore_mem>>) src(%dma_wait3A_389 : memref<16x768xf32, #tpu.memory_space<vmem_shared>>) dst(%dma_wait3A_385 : memref<16x768xf32, #tpu.memory_space<hbm>>)
    %dma_wait3A_390 = arith.constant 0 : i32
    %dma_wait3A_391 = arith.constant 0 : i32
    %dma_wait3A_392 = tpu.memref_slice %arg5[%add3A_313, %dma_wait3A_391] : memref<65536x768xf32, #tpu.memory_space<hbm>> -> memref<16x768xf32, #tpu.memory_space<hbm>>
    %dma_wait3A_393 = arith.constant 0 : i32
    %dma_wait3A_394 = arith.constant 0 : i32
    %dma_wait3A_395 = tpu.memref_slice %arg10[%arg1, %dma_wait3A_390, %dma_wait3A_393, %dma_wait3A_394] : memref<16x2x16x768xf32, #tpu.memory_space<vmem_shared>> -> memref<1x1x16x768xf32, #tpu.memory_space<vmem_shared>>
    %dma_wait3A_396 = tpu.memref_squeeze %dma_wait3A_395 : memref<1x1x16x768xf32, #tpu.memory_space<vmem_shared>> -> memref<16x768xf32, #tpu.memory_space<vmem_shared>>
    tpu.wait_dma2 semaphore(%arg13 : memref<!tpu.dma_semaphore, #tpu.memory_space<semaphore_mem>>) src(%dma_wait3A_396 : memref<16x768xf32, #tpu.memory_space<vmem_shared>>) dst(%dma_wait3A_392 : memref<16x768xf32, #tpu.memory_space<hbm>>)
    %dma_wait3A_397 = arith.constant 0 : i32
    %dma_wait3A_398 = arith.constant 0 : i32
    %dma_wait3A_399 = tpu.memref_slice %arg5[%add3A_324, %dma_wait3A_398] : memref<65536x768xf32, #tpu.memory_space<hbm>> -> memref<16x768xf32, #tpu.memory_space<hbm>>
    %dma_wait3A_400 = arith.constant 0 : i32
    %dma_wait3A_401 = arith.constant 0 : i32
    %dma_wait3A_402 = tpu.memref_slice %arg10[%arg1, %dma_wait3A_397, %dma_wait3A_400, %dma_wait3A_401] : memref<16x2x16x768xf32, #tpu.memory_space<vmem_shared>> -> memref<1x1x16x768xf32, #tpu.memory_space<vmem_shared>>
    %dma_wait3A_403 = tpu.memref_squeeze %dma_wait3A_402 : memref<1x1x16x768xf32, #tpu.memory_space<vmem_shared>> -> memref<16x768xf32, #tpu.memory_space<vmem_shared>>
    tpu.wait_dma2 semaphore(%arg13 : memref<!tpu.dma_semaphore, #tpu.memory_space<semaphore_mem>>) src(%dma_wait3A_403 : memref<16x768xf32, #tpu.memory_space<vmem_shared>>) dst(%dma_wait3A_399 : memref<16x768xf32, #tpu.memory_space<hbm>>)
    %run_scoped3A_404 = arith.constant 0 : i32
    "tpu.region"() ({
      %run_scoped3A_2148 = tpu.sem_alloc : memref<!tpu.dma_semaphore, #tpu.memory_space<semaphore_mem>>
      %dma_start3A_2149 = arith.constant 32 : i32
      %dma_start3A_2150 = arith.constant 0 : i32
      %dma_start3A_2151 = tpu.memref_slice %arg7[%dma_start3A_2149, %dma_start3A_2150] : memref<64x768xf32, #tpu.memory_space<vmem>> -> memref<16x768xf32, #tpu.memory_space<vmem>>
      %dma_start3A_2152 = arith.constant 0 : i32
      %dma_start3A_2153 = arith.constant 0 : i32
      %dma_start3A_2154 = tpu.memref_slice %arg10[%arg1, %run_scoped3A_404, %dma_start3A_2152, %dma_start3A_2153] : memref<16x2x16x768xf32, #tpu.memory_space<vmem_shared>> -> memref<1x1x16x768xf32, #tpu.memory_space<vmem_shared>>
      %dma_start3A_2155 = tpu.memref_squeeze %dma_start3A_2154 : memref<1x1x16x768xf32, #tpu.memory_space<vmem_shared>> -> memref<16x768xf32, #tpu.memory_space<vmem_shared>>
      %dma_start3A_2156 = arith.constant 0 : i32
      %dma_start3A_2157 = arith.constant 0 : i32
      %dma_start3A_2158 = tpu.memref_slice %arg10[%arg1, %run_scoped3A_404, %dma_start3A_2156, %dma_start3A_2157] : memref<16x2x16x768xf32, #tpu.memory_space<vmem_shared>> -> memref<1x1x16x768xf32, #tpu.memory_space<vmem_shared>>
      %dma_start3A_2159 = tpu.memref_squeeze %dma_start3A_2158 : memref<1x1x16x768xf32, #tpu.memory_space<vmem_shared>> -> memref<16x768xf32, #tpu.memory_space<vmem_shared>>
      %dma_start3A_2160 = arith.constant 32 : i32
      %dma_start3A_2161 = arith.constant 0 : i32
      %dma_start3A_2162 = tpu.memref_slice %arg7[%dma_start3A_2160, %dma_start3A_2161] : memref<64x768xf32, #tpu.memory_space<vmem>> -> memref<16x768xf32, #tpu.memory_space<vmem>>
      tpu.enqueue_dma source(%dma_start3A_2162 : memref<16x768xf32, #tpu.memory_space<vmem>>) target(%dma_start3A_2159 : memref<16x768xf32, #tpu.memory_space<vmem_shared>>) target_semaphore(%run_scoped3A_2148 : memref<!tpu.dma_semaphore, #tpu.memory_space<semaphore_mem>>)
      %dma_wait3A_2163 = arith.constant 32 : i32
      %dma_wait3A_2164 = arith.constant 0 : i32
      %dma_wait3A_2165 = tpu.memref_slice %arg7[%dma_wait3A_2163, %dma_wait3A_2164] : memref<64x768xf32, #tpu.memory_space<vmem>> -> memref<16x768xf32, #tpu.memory_space<vmem>>
      %dma_wait3A_2166 = arith.constant 0 : i32
      %dma_wait3A_2167 = arith.constant 0 : i32
      %dma_wait3A_2168 = tpu.memref_slice %arg10[%arg1, %run_scoped3A_404, %dma_wait3A_2166, %dma_wait3A_2167] : memref<16x2x16x768xf32, #tpu.memory_space<vmem_shared>> -> memref<1x1x16x768xf32, #tpu.memory_space<vmem_shared>>
      %dma_wait3A_2169 = tpu.memref_squeeze %dma_wait3A_2168 : memref<1x1x16x768xf32, #tpu.memory_space<vmem_shared>> -> memref<16x768xf32, #tpu.memory_space<vmem_shared>>
      %dma_wait3A_2170 = arith.constant 0 : i32
      %dma_wait3A_2171 = arith.constant 0 : i32
      %dma_wait3A_2172 = tpu.memref_slice %arg10[%arg1, %run_scoped3A_404, %dma_wait3A_2170, %dma_wait3A_2171] : memref<16x2x16x768xf32, #tpu.memory_space<vmem_shared>> -> memref<1x1x16x768xf32, #tpu.memory_space<vmem_shared>>
      %dma_wait3A_2173 = tpu.memref_squeeze %dma_wait3A_2172 : memref<1x1x16x768xf32, #tpu.memory_space<vmem_shared>> -> memref<16x768xf32, #tpu.memory_space<vmem_shared>>
      %dma_wait3A_2174 = arith.constant 32 : i32
      %dma_wait3A_2175 = arith.constant 0 : i32
      %dma_wait3A_2176 = tpu.memref_slice %arg7[%dma_wait3A_2174, %dma_wait3A_2175] : memref<64x768xf32, #tpu.memory_space<vmem>> -> memref<16x768xf32, #tpu.memory_space<vmem>>
      tpu.wait_dma2 semaphore(%run_scoped3A_2148 : memref<!tpu.dma_semaphore, #tpu.memory_space<semaphore_mem>>) src(%dma_wait3A_2176 : memref<16x768xf32, #tpu.memory_space<vmem>>) dst(%dma_wait3A_2173 : memref<16x768xf32, #tpu.memory_space<vmem_shared>>)
      tpu.yield
    }) : () -> ()
    %add3A_405 = arith.constant 32 : i32
    %add3A_406 = arith.addi %add3A_287, %add3A_405 : i32
    %add3A_407 = arith.constant 0 : i32
    %add3A_408 = arith.addi %add3A_406, %add3A_407 : i32
    %dma_start3A_409 = arith.constant 0 : i32
    %dma_start3A_410 = arith.constant 0 : i32
    %dma_start3A_411 = tpu.memref_slice %arg5[%add3A_408, %dma_start3A_410] : memref<65536x768xf32, #tpu.memory_space<hbm>> -> memref<16x768xf32, #tpu.memory_space<hbm>>
    %dma_start3A_412 = arith.constant 0 : i32
    %dma_start3A_413 = arith.constant 0 : i32
    %dma_start3A_414 = tpu.memref_slice %arg10[%arg1, %dma_start3A_409, %dma_start3A_412, %dma_start3A_413] : memref<16x2x16x768xf32, #tpu.memory_space<vmem_shared>> -> memref<1x1x16x768xf32, #tpu.memory_space<vmem_shared>>
    %dma_start3A_415 = tpu.memref_squeeze %dma_start3A_414 : memref<1x1x16x768xf32, #tpu.memory_space<vmem_shared>> -> memref<16x768xf32, #tpu.memory_space<vmem_shared>>
    tpu.enqueue_dma source(%dma_start3A_415 : memref<16x768xf32, #tpu.memory_space<vmem_shared>>) target(%dma_start3A_411 : memref<16x768xf32, #tpu.memory_space<hbm>>) target_semaphore(%arg13 : memref<!tpu.dma_semaphore, #tpu.memory_space<semaphore_mem>>)
    %add3A_416 = arith.constant 32 : i32
    %add3A_417 = arith.addi %add3A_287, %add3A_416 : i32
    %add3A_418 = arith.constant 16384 : i32
    %add3A_419 = arith.addi %add3A_417, %add3A_418 : i32
    %dma_start3A_420 = arith.constant 0 : i32
    %dma_start3A_421 = arith.constant 0 : i32
    %dma_start3A_422 = tpu.memref_slice %arg5[%add3A_419, %dma_start3A_421] : memref<65536x768xf32, #tpu.memory_space<hbm>> -> memref<16x768xf32, #tpu.memory_space<hbm>>
    %dma_start3A_423 = arith.constant 0 : i32
    %dma_start3A_424 = arith.constant 0 : i32
    %dma_start3A_425 = tpu.memref_slice %arg10[%arg1, %dma_start3A_420, %dma_start3A_423, %dma_start3A_424] : memref<16x2x16x768xf32, #tpu.memory_space<vmem_shared>> -> memref<1x1x16x768xf32, #tpu.memory_space<vmem_shared>>
    %dma_start3A_426 = tpu.memref_squeeze %dma_start3A_425 : memref<1x1x16x768xf32, #tpu.memory_space<vmem_shared>> -> memref<16x768xf32, #tpu.memory_space<vmem_shared>>
    tpu.enqueue_dma source(%dma_start3A_426 : memref<16x768xf32, #tpu.memory_space<vmem_shared>>) target(%dma_start3A_422 : memref<16x768xf32, #tpu.memory_space<hbm>>) target_semaphore(%arg13 : memref<!tpu.dma_semaphore, #tpu.memory_space<semaphore_mem>>)
    %add3A_427 = arith.constant 32 : i32
    %add3A_428 = arith.addi %add3A_287, %add3A_427 : i32
    %add3A_429 = arith.constant 32768 : i32
    %add3A_430 = arith.addi %add3A_428, %add3A_429 : i32
    %dma_start3A_431 = arith.constant 0 : i32
    %dma_start3A_432 = arith.constant 0 : i32
    %dma_start3A_433 = tpu.memref_slice %arg5[%add3A_430, %dma_start3A_432] : memref<65536x768xf32, #tpu.memory_space<hbm>> -> memref<16x768xf32, #tpu.memory_space<hbm>>
    %dma_start3A_434 = arith.constant 0 : i32
    %dma_start3A_435 = arith.constant 0 : i32
    %dma_start3A_436 = tpu.memref_slice %arg10[%arg1, %dma_start3A_431, %dma_start3A_434, %dma_start3A_435] : memref<16x2x16x768xf32, #tpu.memory_space<vmem_shared>> -> memref<1x1x16x768xf32, #tpu.memory_space<vmem_shared>>
    %dma_start3A_437 = tpu.memref_squeeze %dma_start3A_436 : memref<1x1x16x768xf32, #tpu.memory_space<vmem_shared>> -> memref<16x768xf32, #tpu.memory_space<vmem_shared>>
    tpu.enqueue_dma source(%dma_start3A_437 : memref<16x768xf32, #tpu.memory_space<vmem_shared>>) target(%dma_start3A_433 : memref<16x768xf32, #tpu.memory_space<hbm>>) target_semaphore(%arg13 : memref<!tpu.dma_semaphore, #tpu.memory_space<semaphore_mem>>)
    %add3A_438 = arith.constant 32 : i32
    %add3A_439 = arith.addi %add3A_287, %add3A_438 : i32
    %add3A_440 = arith.constant 49152 : i32
    %add3A_441 = arith.addi %add3A_439, %add3A_440 : i32
    %dma_start3A_442 = arith.constant 0 : i32
    %dma_start3A_443 = arith.constant 0 : i32
    %dma_start3A_444 = tpu.memref_slice %arg5[%add3A_441, %dma_start3A_443] : memref<65536x768xf32, #tpu.memory_space<hbm>> -> memref<16x768xf32, #tpu.memory_space<hbm>>
    %dma_start3A_445 = arith.constant 0 : i32
    %dma_start3A_446 = arith.constant 0 : i32
    %dma_start3A_447 = tpu.memref_slice %arg10[%arg1, %dma_start3A_442, %dma_start3A_445, %dma_start3A_446] : memref<16x2x16x768xf32, #tpu.memory_space<vmem_shared>> -> memref<1x1x16x768xf32, #tpu.memory_space<vmem_shared>>
    %dma_start3A_448 = tpu.memref_squeeze %dma_start3A_447 : memref<1x1x16x768xf32, #tpu.memory_space<vmem_shared>> -> memref<16x768xf32, #tpu.memory_space<vmem_shared>>
    tpu.enqueue_dma source(%dma_start3A_448 : memref<16x768xf32, #tpu.memory_space<vmem_shared>>) target(%dma_start3A_444 : memref<16x768xf32, #tpu.memory_space<hbm>>) target_semaphore(%arg13 : memref<!tpu.dma_semaphore, #tpu.memory_space<semaphore_mem>>)
    %dma_wait3A_449 = arith.constant 1 : i32
    %dma_wait3A_450 = arith.constant 0 : i32
    %dma_wait3A_451 = tpu.memref_slice %arg5[%add3A_336, %dma_wait3A_450] : memref<65536x768xf32, #tpu.memory_space<hbm>> -> memref<16x768xf32, #tpu.memory_space<hbm>>
    %dma_wait3A_452 = arith.constant 0 : i32
    %dma_wait3A_453 = arith.constant 0 : i32
    %dma_wait3A_454 = tpu.memref_slice %arg10[%arg1, %dma_wait3A_449, %dma_wait3A_452, %dma_wait3A_453] : memref<16x2x16x768xf32, #tpu.memory_space<vmem_shared>> -> memref<1x1x16x768xf32, #tpu.memory_space<vmem_shared>>
    %dma_wait3A_455 = tpu.memref_squeeze %dma_wait3A_454 : memref<1x1x16x768xf32, #tpu.memory_space<vmem_shared>> -> memref<16x768xf32, #tpu.memory_space<vmem_shared>>
    tpu.wait_dma2 semaphore(%arg14 : memref<!tpu.dma_semaphore, #tpu.memory_space<semaphore_mem>>) src(%dma_wait3A_455 : memref<16x768xf32, #tpu.memory_space<vmem_shared>>) dst(%dma_wait3A_451 : memref<16x768xf32, #tpu.memory_space<hbm>>)
    %dma_wait3A_456 = arith.constant 1 : i32
    %dma_wait3A_457 = arith.constant 0 : i32
    %dma_wait3A_458 = tpu.memref_slice %arg5[%add3A_347, %dma_wait3A_457] : memref<65536x768xf32, #tpu.memory_space<hbm>> -> memref<16x768xf32, #tpu.memory_space<hbm>>
    %dma_wait3A_459 = arith.constant 0 : i32
    %dma_wait3A_460 = arith.constant 0 : i32
    %dma_wait3A_461 = tpu.memref_slice %arg10[%arg1, %dma_wait3A_456, %dma_wait3A_459, %dma_wait3A_460] : memref<16x2x16x768xf32, #tpu.memory_space<vmem_shared>> -> memref<1x1x16x768xf32, #tpu.memory_space<vmem_shared>>
    %dma_wait3A_462 = tpu.memref_squeeze %dma_wait3A_461 : memref<1x1x16x768xf32, #tpu.memory_space<vmem_shared>> -> memref<16x768xf32, #tpu.memory_space<vmem_shared>>
    tpu.wait_dma2 semaphore(%arg14 : memref<!tpu.dma_semaphore, #tpu.memory_space<semaphore_mem>>) src(%dma_wait3A_462 : memref<16x768xf32, #tpu.memory_space<vmem_shared>>) dst(%dma_wait3A_458 : memref<16x768xf32, #tpu.memory_space<hbm>>)
    %dma_wait3A_463 = arith.constant 1 : i32
    %dma_wait3A_464 = arith.constant 0 : i32
    %dma_wait3A_465 = tpu.memref_slice %arg5[%add3A_358, %dma_wait3A_464] : memref<65536x768xf32, #tpu.memory_space<hbm>> -> memref<16x768xf32, #tpu.memory_space<hbm>>
    %dma_wait3A_466 = arith.constant 0 : i32
    %dma_wait3A_467 = arith.constant 0 : i32
    %dma_wait3A_468 = tpu.memref_slice %arg10[%arg1, %dma_wait3A_463, %dma_wait3A_466, %dma_wait3A_467] : memref<16x2x16x768xf32, #tpu.memory_space<vmem_shared>> -> memref<1x1x16x768xf32, #tpu.memory_space<vmem_shared>>
    %dma_wait3A_469 = tpu.memref_squeeze %dma_wait3A_468 : memref<1x1x16x768xf32, #tpu.memory_space<vmem_shared>> -> memref<16x768xf32, #tpu.memory_space<vmem_shared>>
    tpu.wait_dma2 semaphore(%arg14 : memref<!tpu.dma_semaphore, #tpu.memory_space<semaphore_mem>>) src(%dma_wait3A_469 : memref<16x768xf32, #tpu.memory_space<vmem_shared>>) dst(%dma_wait3A_465 : memref<16x768xf32, #tpu.memory_space<hbm>>)
    %dma_wait3A_470 = arith.constant 1 : i32
    %dma_wait3A_471 = arith.constant 0 : i32
    %dma_wait3A_472 = tpu.memref_slice %arg5[%add3A_369, %dma_wait3A_471] : memref<65536x768xf32, #tpu.memory_space<hbm>> -> memref<16x768xf32, #tpu.memory_space<hbm>>
    %dma_wait3A_473 = arith.constant 0 : i32
    %dma_wait3A_474 = arith.constant 0 : i32
    %dma_wait3A_475 = tpu.memref_slice %arg10[%arg1, %dma_wait3A_470, %dma_wait3A_473, %dma_wait3A_474] : memref<16x2x16x768xf32, #tpu.memory_space<vmem_shared>> -> memref<1x1x16x768xf32, #tpu.memory_space<vmem_shared>>
    %dma_wait3A_476 = tpu.memref_squeeze %dma_wait3A_475 : memref<1x1x16x768xf32, #tpu.memory_space<vmem_shared>> -> memref<16x768xf32, #tpu.memory_space<vmem_shared>>
    tpu.wait_dma2 semaphore(%arg14 : memref<!tpu.dma_semaphore, #tpu.memory_space<semaphore_mem>>) src(%dma_wait3A_476 : memref<16x768xf32, #tpu.memory_space<vmem_shared>>) dst(%dma_wait3A_472 : memref<16x768xf32, #tpu.memory_space<hbm>>)
    %run_scoped3A_477 = arith.constant 1 : i32
    "tpu.region"() ({
      %run_scoped3A_2148 = tpu.sem_alloc : memref<!tpu.dma_semaphore, #tpu.memory_space<semaphore_mem>>
      %dma_start3A_2149 = arith.constant 48 : i32
      %dma_start3A_2150 = arith.constant 0 : i32
      %dma_start3A_2151 = tpu.memref_slice %arg7[%dma_start3A_2149, %dma_start3A_2150] : memref<64x768xf32, #tpu.memory_space<vmem>> -> memref<16x768xf32, #tpu.memory_space<vmem>>
      %dma_start3A_2152 = arith.constant 0 : i32
      %dma_start3A_2153 = arith.constant 0 : i32
      %dma_start3A_2154 = tpu.memref_slice %arg10[%arg1, %run_scoped3A_477, %dma_start3A_2152, %dma_start3A_2153] : memref<16x2x16x768xf32, #tpu.memory_space<vmem_shared>> -> memref<1x1x16x768xf32, #tpu.memory_space<vmem_shared>>
      %dma_start3A_2155 = tpu.memref_squeeze %dma_start3A_2154 : memref<1x1x16x768xf32, #tpu.memory_space<vmem_shared>> -> memref<16x768xf32, #tpu.memory_space<vmem_shared>>
      %dma_start3A_2156 = arith.constant 0 : i32
      %dma_start3A_2157 = arith.constant 0 : i32
      %dma_start3A_2158 = tpu.memref_slice %arg10[%arg1, %run_scoped3A_477, %dma_start3A_2156, %dma_start3A_2157] : memref<16x2x16x768xf32, #tpu.memory_space<vmem_shared>> -> memref<1x1x16x768xf32, #tpu.memory_space<vmem_shared>>
      %dma_start3A_2159 = tpu.memref_squeeze %dma_start3A_2158 : memref<1x1x16x768xf32, #tpu.memory_space<vmem_shared>> -> memref<16x768xf32, #tpu.memory_space<vmem_shared>>
      %dma_start3A_2160 = arith.constant 48 : i32
      %dma_start3A_2161 = arith.constant 0 : i32
      %dma_start3A_2162 = tpu.memref_slice %arg7[%dma_start3A_2160, %dma_start3A_2161] : memref<64x768xf32, #tpu.memory_space<vmem>> -> memref<16x768xf32, #tpu.memory_space<vmem>>
      tpu.enqueue_dma source(%dma_start3A_2162 : memref<16x768xf32, #tpu.memory_space<vmem>>) target(%dma_start3A_2159 : memref<16x768xf32, #tpu.memory_space<vmem_shared>>) target_semaphore(%run_scoped3A_2148 : memref<!tpu.dma_semaphore, #tpu.memory_space<semaphore_mem>>)
      %dma_wait3A_2163 = arith.constant 48 : i32
      %dma_wait3A_2164 = arith.constant 0 : i32
      %dma_wait3A_2165 = tpu.memref_slice %arg7[%dma_wait3A_2163, %dma_wait3A_2164] : memref<64x768xf32, #tpu.memory_space<vmem>> -> memref<16x768xf32, #tpu.memory_space<vmem>>
      %dma_wait3A_2166 = arith.constant 0 : i32
      %dma_wait3A_2167 = arith.constant 0 : i32
      %dma_wait3A_2168 = tpu.memref_slice %arg10[%arg1, %run_scoped3A_477, %dma_wait3A_2166, %dma_wait3A_2167] : memref<16x2x16x768xf32, #tpu.memory_space<vmem_shared>> -> memref<1x1x16x768xf32, #tpu.memory_space<vmem_shared>>
      %dma_wait3A_2169 = tpu.memref_squeeze %dma_wait3A_2168 : memref<1x1x16x768xf32, #tpu.memory_space<vmem_shared>> -> memref<16x768xf32, #tpu.memory_space<vmem_shared>>
      %dma_wait3A_2170 = arith.constant 0 : i32
      %dma_wait3A_2171 = arith.constant 0 : i32
      %dma_wait3A_2172 = tpu.memref_slice %arg10[%arg1, %run_scoped3A_477, %dma_wait3A_2170, %dma_wait3A_2171] : memref<16x2x16x768xf32, #tpu.memory_space<vmem_shared>> -> memref<1x1x16x768xf32, #tpu.memory_space<vmem_shared>>
      %dma_wait3A_2173 = tpu.memref_squeeze %dma_wait3A_2172 : memref<1x1x16x768xf32, #tpu.memory_space<vmem_shared>> -> memref<16x768xf32, #tpu.memory_space<vmem_shared>>
      %dma_wait3A_2174 = arith.constant 48 : i32
      %dma_wait3A_2175 = arith.constant 0 : i32
      %dma_wait3A_2176 = tpu.memref_slice %arg7[%dma_wait3A_2174, %dma_wait3A_2175] : memref<64x768xf32, #tpu.memory_space<vmem>> -> memref<16x768xf32, #tpu.memory_space<vmem>>
      tpu.wait_dma2 semaphore(%run_scoped3A_2148 : memref<!tpu.dma_semaphore, #tpu.memory_space<semaphore_mem>>) src(%dma_wait3A_2176 : memref<16x768xf32, #tpu.memory_space<vmem>>) dst(%dma_wait3A_2173 : memref<16x768xf32, #tpu.memory_space<vmem_shared>>)
      tpu.yield
    }) : () -> ()
    %add3A_478 = arith.constant 48 : i32
    %add3A_479 = arith.addi %add3A_287, %add3A_478 : i32
    %add3A_480 = arith.constant 0 : i32
    %add3A_481 = arith.addi %add3A_479, %add3A_480 : i32
    %dma_start3A_482 = arith.constant 1 : i32
    %dma_start3A_483 = arith.constant 0 : i32
    %dma_start3A_484 = tpu.memref_slice %arg5[%add3A_481, %dma_start3A_483] : memref<65536x768xf32, #tpu.memory_space<hbm>> -> memref<16x768xf32, #tpu.memory_space<hbm>>
    %dma_start3A_485 = arith.constant 0 : i32
    %dma_start3A_486 = arith.constant 0 : i32
    %dma_start3A_487 = tpu.memref_slice %arg10[%arg1, %dma_start3A_482, %dma_start3A_485, %dma_start3A_486] : memref<16x2x16x768xf32, #tpu.memory_space<vmem_shared>> -> memref<1x1x16x768xf32, #tpu.memory_space<vmem_shared>>
    %dma_start3A_488 = tpu.memref_squeeze %dma_start3A_487 : memref<1x1x16x768xf32, #tpu.memory_space<vmem_shared>> -> memref<16x768xf32, #tpu.memory_space<vmem_shared>>
    tpu.enqueue_dma source(%dma_start3A_488 : memref<16x768xf32, #tpu.memory_space<vmem_shared>>) target(%dma_start3A_484 : memref<16x768xf32, #tpu.memory_space<hbm>>) target_semaphore(%arg14 : memref<!tpu.dma_semaphore, #tpu.memory_space<semaphore_mem>>)
    %add3A_489 = arith.constant 48 : i32
    %add3A_490 = arith.addi %add3A_287, %add3A_489 : i32
    %add3A_491 = arith.constant 16384 : i32
    %add3A_492 = arith.addi %add3A_490, %add3A_491 : i32
    %dma_start3A_493 = arith.constant 1 : i32
    %dma_start3A_494 = arith.constant 0 : i32
    %dma_start3A_495 = tpu.memref_slice %arg5[%add3A_492, %dma_start3A_494] : memref<65536x768xf32, #tpu.memory_space<hbm>> -> memref<16x768xf32, #tpu.memory_space<hbm>>
    %dma_start3A_496 = arith.constant 0 : i32
    %dma_start3A_497 = arith.constant 0 : i32
    %dma_start3A_498 = tpu.memref_slice %arg10[%arg1, %dma_start3A_493, %dma_start3A_496, %dma_start3A_497] : memref<16x2x16x768xf32, #tpu.memory_space<vmem_shared>> -> memref<1x1x16x768xf32, #tpu.memory_space<vmem_shared>>
    %dma_start3A_499 = tpu.memref_squeeze %dma_start3A_498 : memref<1x1x16x768xf32, #tpu.memory_space<vmem_shared>> -> memref<16x768xf32, #tpu.memory_space<vmem_shared>>
    tpu.enqueue_dma source(%dma_start3A_499 : memref<16x768xf32, #tpu.memory_space<vmem_shared>>) target(%dma_start3A_495 : memref<16x768xf32, #tpu.memory_space<hbm>>) target_semaphore(%arg14 : memref<!tpu.dma_semaphore, #tpu.memory_space<semaphore_mem>>)
    %add3A_500 = arith.constant 48 : i32
    %add3A_501 = arith.addi %add3A_287, %add3A_500 : i32
    %add3A_502 = arith.constant 32768 : i32
    %add3A_503 = arith.addi %add3A_501, %add3A_502 : i32
    %dma_start3A_504 = arith.constant 1 : i32
    %dma_start3A_505 = arith.constant 0 : i32
    %dma_start3A_506 = tpu.memref_slice %arg5[%add3A_503, %dma_start3A_505] : memref<65536x768xf32, #tpu.memory_space<hbm>> -> memref<16x768xf32, #tpu.memory_space<hbm>>
    %dma_start3A_507 = arith.constant 0 : i32
    %dma_start3A_508 = arith.constant 0 : i32
    %dma_start3A_509 = tpu.memref_slice %arg10[%arg1, %dma_start3A_504, %dma_start3A_507, %dma_start3A_508] : memref<16x2x16x768xf32, #tpu.memory_space<vmem_shared>> -> memref<1x1x16x768xf32, #tpu.memory_space<vmem_shared>>
    %dma_start3A_510 = tpu.memref_squeeze %dma_start3A_509 : memref<1x1x16x768xf32, #tpu.memory_space<vmem_shared>> -> memref<16x768xf32, #tpu.memory_space<vmem_shared>>
    tpu.enqueue_dma source(%dma_start3A_510 : memref<16x768xf32, #tpu.memory_space<vmem_shared>>) target(%dma_start3A_506 : memref<16x768xf32, #tpu.memory_space<hbm>>) target_semaphore(%arg14 : memref<!tpu.dma_semaphore, #tpu.memory_space<semaphore_mem>>)
    %add3A_511 = arith.constant 48 : i32
    %add3A_512 = arith.addi %add3A_287, %add3A_511 : i32
    %add3A_513 = arith.constant 49152 : i32
    %add3A_514 = arith.addi %add3A_512, %add3A_513 : i32
    %dma_start3A_515 = arith.constant 1 : i32
    %dma_start3A_516 = arith.constant 0 : i32
    %dma_start3A_517 = tpu.memref_slice %arg5[%add3A_514, %dma_start3A_516] : memref<65536x768xf32, #tpu.memory_space<hbm>> -> memref<16x768xf32, #tpu.memory_space<hbm>>
    %dma_start3A_518 = arith.constant 0 : i32
    %dma_start3A_519 = arith.constant 0 : i32
    %dma_start3A_520 = tpu.memref_slice %arg10[%arg1, %dma_start3A_515, %dma_start3A_518, %dma_start3A_519] : memref<16x2x16x768xf32, #tpu.memory_space<vmem_shared>> -> memref<1x1x16x768xf32, #tpu.memory_space<vmem_shared>>
    %dma_start3A_521 = tpu.memref_squeeze %dma_start3A_520 : memref<1x1x16x768xf32, #tpu.memory_space<vmem_shared>> -> memref<16x768xf32, #tpu.memory_space<vmem_shared>>
    tpu.enqueue_dma source(%dma_start3A_521 : memref<16x768xf32, #tpu.memory_space<vmem_shared>>) target(%dma_start3A_517 : memref<16x768xf32, #tpu.memory_space<hbm>>) target_semaphore(%arg14 : memref<!tpu.dma_semaphore, #tpu.memory_space<semaphore_mem>>)
    %dma_wait3A_522 = arith.constant 0 : i32
    %dma_wait3A_523 = tpu.memref_slice %arg5[%add3A_173, %dma_wait3A_522] : memref<65536x768xf32, #tpu.memory_space<hbm>> -> memref<64x768xf32, #tpu.memory_space<hbm>>
    %dma_wait3A_524 = arith.constant 0 : i32
    %dma_wait3A_525 = tpu.memref_slice %arg5[%add3A_173, %dma_wait3A_524] : memref<65536x768xf32, #tpu.memory_space<hbm>> -> memref<64x768xf32, #tpu.memory_space<hbm>>
    tpu.wait_dma2 semaphore(%arg11 : memref<!tpu.dma_semaphore, #tpu.memory_space<semaphore_mem>>) src(%arg6 : memref<64x768xf32, #tpu.memory_space<vmem>>) dst(%dma_wait3A_525 : memref<64x768xf32, #tpu.memory_space<hbm>>)
    %dma_wait3A_526 = arith.constant 0 : i32
    %dma_wait3A_527 = tpu.memref_slice %arg5[%add3A_178, %dma_wait3A_526] : memref<65536x768xf32, #tpu.memory_space<hbm>> -> memref<64x768xf32, #tpu.memory_space<hbm>>
    %dma_wait3A_528 = arith.constant 0 : i32
    %dma_wait3A_529 = tpu.memref_slice %arg5[%add3A_178, %dma_wait3A_528] : memref<65536x768xf32, #tpu.memory_space<hbm>> -> memref<64x768xf32, #tpu.memory_space<hbm>>
    tpu.wait_dma2 semaphore(%arg11 : memref<!tpu.dma_semaphore, #tpu.memory_space<semaphore_mem>>) src(%arg6 : memref<64x768xf32, #tpu.memory_space<vmem>>) dst(%dma_wait3A_529 : memref<64x768xf32, #tpu.memory_space<hbm>>)
    %dma_wait3A_530 = arith.constant 0 : i32
    %dma_wait3A_531 = tpu.memref_slice %arg5[%add3A_184, %dma_wait3A_530] : memref<65536x768xf32, #tpu.memory_space<hbm>> -> memref<64x768xf32, #tpu.memory_space<hbm>>
    %dma_wait3A_532 = arith.constant 0 : i32
    %dma_wait3A_533 = tpu.memref_slice %arg5[%add3A_184, %dma_wait3A_532] : memref<65536x768xf32, #tpu.memory_space<hbm>> -> memref<64x768xf32, #tpu.memory_space<hbm>>
    tpu.wait_dma2 semaphore(%arg11 : memref<!tpu.dma_semaphore, #tpu.memory_space<semaphore_mem>>) src(%arg6 : memref<64x768xf32, #tpu.memory_space<vmem>>) dst(%dma_wait3A_533 : memref<64x768xf32, #tpu.memory_space<hbm>>)
    %dma_wait3A_534 = arith.constant 0 : i32
    %dma_wait3A_535 = tpu.memref_slice %arg5[%add3A_190, %dma_wait3A_534] : memref<65536x768xf32, #tpu.memory_space<hbm>> -> memref<64x768xf32, #tpu.memory_space<hbm>>
    %dma_wait3A_536 = arith.constant 0 : i32
    %dma_wait3A_537 = tpu.memref_slice %arg5[%add3A_190, %dma_wait3A_536] : memref<65536x768xf32, #tpu.memory_space<hbm>> -> memref<64x768xf32, #tpu.memory_space<hbm>>
    tpu.wait_dma2 semaphore(%arg11 : memref<!tpu.dma_semaphore, #tpu.memory_space<semaphore_mem>>) src(%arg6 : memref<64x768xf32, #tpu.memory_space<vmem>>) dst(%dma_wait3A_537 : memref<64x768xf32, #tpu.memory_space<hbm>>)
    %get3A_538 = arith.constant 2 : i32
    %get3A_539 = arith.index_cast %get3A_538 : i32 to index
    %get3A_540 = arith.constant 0 : index
    %get3A_541 = tpu.vector_load %arg9[%get3A_539, %get3A_540] {strides = array<i32>} : memref<8x256xf32, #tpu.memory_space<vmem>>, vector<1x16xf32>,
    %get3A_542 = vector.shape_cast %get3A_541 : vector<1x16xf32> to vector<16xf32>
    %get3A_543 = arith.constant 2 : i32
    %get3A_544 = arith.index_cast %get3A_543 : i32 to index
    %get3A_545 = arith.constant 16 : index
    %get3A_546 = tpu.vector_load %arg9[%get3A_544, %get3A_545] {strides = array<i32>} : memref<8x256xf32, #tpu.memory_space<vmem>>, vector<1x16xf32>,
    %get3A_547 = vector.shape_cast %get3A_546 : vector<1x16xf32> to vector<16xf32>
    %get3A_548 = arith.constant 2 : i32
    %get3A_549 = arith.index_cast %get3A_548 : i32 to index
    %get3A_550 = arith.constant 32 : index
    %get3A_551 = tpu.vector_load %arg9[%get3A_549, %get3A_550] {strides = array<i32>} : memref<8x256xf32, #tpu.memory_space<vmem>>, vector<1x16xf32>,
    %get3A_552 = vector.shape_cast %get3A_551 : vector<1x16xf32> to vector<16xf32>
    %get3A_553 = arith.constant 2 : i32
    %get3A_554 = arith.index_cast %get3A_553 : i32 to index
    %get3A_555 = arith.constant 48 : index
    %get3A_556 = tpu.vector_load %arg9[%get3A_554, %get3A_555] {strides = array<i32>} : memref<8x256xf32, #tpu.memory_space<vmem>>, vector<1x16xf32>,
    %get3A_557 = vector.shape_cast %get3A_556 : vector<1x16xf32> to vector<16xf32>
    %get3A_558 = arith.constant 2 : i32
    %get3A_559 = arith.index_cast %get3A_558 : i32 to index
    %get3A_560 = arith.constant 64 : index
    %get3A_561 = tpu.vector_load %arg9[%get3A_559, %get3A_560] {strides = array<i32>} : memref<8x256xf32, #tpu.memory_space<vmem>>, vector<1x16xf32>,
    %get3A_562 = vector.shape_cast %get3A_561 : vector<1x16xf32> to vector<16xf32>
    %get3A_563 = arith.constant 2 : i32
    %get3A_564 = arith.index_cast %get3A_563 : i32 to index
    %get3A_565 = arith.constant 80 : index
    %get3A_566 = tpu.vector_load %arg9[%get3A_564, %get3A_565] {strides = array<i32>} : memref<8x256xf32, #tpu.memory_space<vmem>>, vector<1x16xf32>,
    %get3A_567 = vector.shape_cast %get3A_566 : vector<1x16xf32> to vector<16xf32>
    %get3A_568 = arith.constant 2 : i32
    %get3A_569 = arith.index_cast %get3A_568 : i32 to index
    %get3A_570 = arith.constant 96 : index
    %get3A_571 = tpu.vector_load %arg9[%get3A_569, %get3A_570] {strides = array<i32>} : memref<8x256xf32, #tpu.memory_space<vmem>>, vector<1x16xf32>,
    %get3A_572 = vector.shape_cast %get3A_571 : vector<1x16xf32> to vector<16xf32>
    %get3A_573 = arith.constant 2 : i32
    %get3A_574 = arith.index_cast %get3A_573 : i32 to index
    %get3A_575 = arith.constant 112 : index
    %get3A_576 = tpu.vector_load %arg9[%get3A_574, %get3A_575] {strides = array<i32>} : memref<8x256xf32, #tpu.memory_space<vmem>>, vector<1x16xf32>,
    %get3A_577 = vector.shape_cast %get3A_576 : vector<1x16xf32> to vector<16xf32>
    %get3A_578 = arith.constant 2 : i32
    %get3A_579 = arith.index_cast %get3A_578 : i32 to index
    %get3A_580 = arith.constant 128 : index
    %get3A_581 = tpu.vector_load %arg9[%get3A_579, %get3A_580] {strides = array<i32>} : memref<8x256xf32, #tpu.memory_space<vmem>>, vector<1x16xf32>,
    %get3A_582 = vector.shape_cast %get3A_581 : vector<1x16xf32> to vector<16xf32>
    %get3A_583 = arith.constant 2 : i32
    %get3A_584 = arith.index_cast %get3A_583 : i32 to index
    %get3A_585 = arith.constant 144 : index
    %get3A_586 = tpu.vector_load %arg9[%get3A_584, %get3A_585] {strides = array<i32>} : memref<8x256xf32, #tpu.memory_space<vmem>>, vector<1x16xf32>,
    %get3A_587 = vector.shape_cast %get3A_586 : vector<1x16xf32> to vector<16xf32>
    %get3A_588 = arith.constant 2 : i32
    %get3A_589 = arith.index_cast %get3A_588 : i32 to index
    %get3A_590 = arith.constant 160 : index
    %get3A_591 = tpu.vector_load %arg9[%get3A_589, %get3A_590] {strides = array<i32>} : memref<8x256xf32, #tpu.memory_space<vmem>>, vector<1x16xf32>,
    %get3A_592 = vector.shape_cast %get3A_591 : vector<1x16xf32> to vector<16xf32>
    %get3A_593 = arith.constant 2 : i32
    %get3A_594 = arith.index_cast %get3A_593 : i32 to index
    %get3A_595 = arith.constant 176 : index
    %get3A_596 = tpu.vector_load %arg9[%get3A_594, %get3A_595] {strides = array<i32>} : memref<8x256xf32, #tpu.memory_space<vmem>>, vector<1x16xf32>,
    %get3A_597 = vector.shape_cast %get3A_596 : vector<1x16xf32> to vector<16xf32>
    %get3A_598 = arith.constant 2 : i32
    %get3A_599 = arith.index_cast %get3A_598 : i32 to index
    %get3A_600 = arith.constant 192 : index
    %get3A_601 = tpu.vector_load %arg9[%get3A_599, %get3A_600] {strides = array<i32>} : memref<8x256xf32, #tpu.memory_space<vmem>>, vector<1x16xf32>,
    %get3A_602 = vector.shape_cast %get3A_601 : vector<1x16xf32> to vector<16xf32>
    %get3A_603 = arith.constant 2 : i32
    %get3A_604 = arith.index_cast %get3A_603 : i32 to index
    %get3A_605 = arith.constant 208 : index
    %get3A_606 = tpu.vector_load %arg9[%get3A_604, %get3A_605] {strides = array<i32>} : memref<8x256xf32, #tpu.memory_space<vmem>>, vector<1x16xf32>,
    %get3A_607 = vector.shape_cast %get3A_606 : vector<1x16xf32> to vector<16xf32>
    %get3A_608 = arith.constant 2 : i32
    %get3A_609 = arith.index_cast %get3A_608 : i32 to index
    %get3A_610 = arith.constant 224 : index
    %get3A_611 = tpu.vector_load %arg9[%get3A_609, %get3A_610] {strides = array<i32>} : memref<8x256xf32, #tpu.memory_space<vmem>>, vector<1x16xf32>,
    %get3A_612 = vector.shape_cast %get3A_611 : vector<1x16xf32> to vector<16xf32>
    %get3A_613 = arith.constant 2 : i32
    %get3A_614 = arith.index_cast %get3A_613 : i32 to index
    %get3A_615 = arith.constant 240 : index
    %get3A_616 = tpu.vector_load %arg9[%get3A_614, %get3A_615] {strides = array<i32>} : memref<8x256xf32, #tpu.memory_space<vmem>>, vector<1x16xf32>,
    %get3A_617 = vector.shape_cast %get3A_616 : vector<1x16xf32> to vector<16xf32>
    %scan3A_618 = arith.constant 0 : i32
    %scan3A_619 = arith.constant 0 : i32
    %scan3A_620 = arith.constant 64 : i32
    %scan3A_621 = arith.addi %scan3A_619, %scan3A_620 : i32
    %scan3A_622 = arith.constant 1 : i32
    scf.for %scan3A_2148 = %scan3A_619 to %scan3A_621 step %scan3A_622  : i32 {
      %swap3A = arith.index_cast %scan3A_2148 : i32 to index
      %swap3A_2149 = arith.constant 256 : index
      %swap3A_2150 = tpu.vector_load %arg6[%swap3A, %swap3A_2149] {strides = array<i32>} : memref<64x768xf32, #tpu.memory_space<vmem>>, vector<1x16xf32>,
      %swap3A_2151 = vector.shape_cast %swap3A_2150 : vector<1x16xf32> to vector<16xf32>
      %swap3A_2152 = vector.shape_cast %get3A_542 : vector<16xf32> to vector<1x16xf32>
      tpu.vector_store %arg6[%swap3A, %swap3A_2149], %swap3A_2152 {strides = array<i32>} : memref<64x768xf32, #tpu.memory_space<vmem>>, vector<1x16xf32>,
      %swap3A_2153 = arith.index_cast %scan3A_2148 : i32 to index
      %swap3A_2154 = arith.constant 272 : index
      %swap3A_2155 = tpu.vector_load %arg6[%swap3A_2153, %swap3A_2154] {strides = array<i32>} : memref<64x768xf32, #tpu.memory_space<vmem>>, vector<1x16xf32>,
      %swap3A_2156 = vector.shape_cast %swap3A_2155 : vector<1x16xf32> to vector<16xf32>
      %swap3A_2157 = vector.shape_cast %get3A_547 : vector<16xf32> to vector<1x16xf32>
      tpu.vector_store %arg6[%swap3A_2153, %swap3A_2154], %swap3A_2157 {strides = array<i32>} : memref<64x768xf32, #tpu.memory_space<vmem>>, vector<1x16xf32>,
      %swap3A_2158 = arith.index_cast %scan3A_2148 : i32 to index
      %swap3A_2159 = arith.constant 288 : index
      %swap3A_2160 = tpu.vector_load %arg6[%swap3A_2158, %swap3A_2159] {strides = array<i32>} : memref<64x768xf32, #tpu.memory_space<vmem>>, vector<1x16xf32>,
      %swap3A_2161 = vector.shape_cast %swap3A_2160 : vector<1x16xf32> to vector<16xf32>
      %swap3A_2162 = vector.shape_cast %get3A_552 : vector<16xf32> to vector<1x16xf32>
      tpu.vector_store %arg6[%swap3A_2158, %swap3A_2159], %swap3A_2162 {strides = array<i32>} : memref<64x768xf32, #tpu.memory_space<vmem>>, vector<1x16xf32>,
      %swap3A_2163 = arith.index_cast %scan3A_2148 : i32 to index
      %swap3A_2164 = arith.constant 304 : index
      %swap3A_2165 = tpu.vector_load %arg6[%swap3A_2163, %swap3A_2164] {strides = array<i32>} : memref<64x768xf32, #tpu.memory_space<vmem>>, vector<1x16xf32>,
      %swap3A_2166 = vector.shape_cast %swap3A_2165 : vector<1x16xf32> to vector<16xf32>
      %swap3A_2167 = vector.shape_cast %get3A_557 : vector<16xf32> to vector<1x16xf32>
      tpu.vector_store %arg6[%swap3A_2163, %swap3A_2164], %swap3A_2167 {strides = array<i32>} : memref<64x768xf32, #tpu.memory_space<vmem>>, vector<1x16xf32>,
      %swap3A_2168 = arith.index_cast %scan3A_2148 : i32 to index
      %swap3A_2169 = arith.constant 320 : index
      %swap3A_2170 = tpu.vector_load %arg6[%swap3A_2168, %swap3A_2169] {strides = array<i32>} : memref<64x768xf32, #tpu.memory_space<vmem>>, vector<1x16xf32>,
      %swap3A_2171 = vector.shape_cast %swap3A_2170 : vector<1x16xf32> to vector<16xf32>
      %swap3A_2172 = vector.shape_cast %get3A_562 : vector<16xf32> to vector<1x16xf32>
      tpu.vector_store %arg6[%swap3A_2168, %swap3A_2169], %swap3A_2172 {strides = array<i32>} : memref<64x768xf32, #tpu.memory_space<vmem>>, vector<1x16xf32>,
      %swap3A_2173 = arith.index_cast %scan3A_2148 : i32 to index
      %swap3A_2174 = arith.constant 336 : index
      %swap3A_2175 = tpu.vector_load %arg6[%swap3A_2173, %swap3A_2174] {strides = array<i32>} : memref<64x768xf32, #tpu.memory_space<vmem>>, vector<1x16xf32>,
      %swap3A_2176 = vector.shape_cast %swap3A_2175 : vector<1x16xf32> to vector<16xf32>
      %swap3A_2177 = vector.shape_cast %get3A_567 : vector<16xf32> to vector<1x16xf32>
      tpu.vector_store %arg6[%swap3A_2173, %swap3A_2174], %swap3A_2177 {strides = array<i32>} : memref<64x768xf32, #tpu.memory_space<vmem>>, vector<1x16xf32>,
      %swap3A_2178 = arith.index_cast %scan3A_2148 : i32 to index
      %swap3A_2179 = arith.constant 352 : index
      %swap3A_2180 = tpu.vector_load %arg6[%swap3A_2178, %swap3A_2179] {strides = array<i32>} : memref<64x768xf32, #tpu.memory_space<vmem>>, vector<1x16xf32>,
      %swap3A_2181 = vector.shape_cast %swap3A_2180 : vector<1x16xf32> to vector<16xf32>
      %swap3A_2182 = vector.shape_cast %get3A_572 : vector<16xf32> to vector<1x16xf32>
      tpu.vector_store %arg6[%swap3A_2178, %swap3A_2179], %swap3A_2182 {strides = array<i32>} : memref<64x768xf32, #tpu.memory_space<vmem>>, vector<1x16xf32>,
      %swap3A_2183 = arith.index_cast %scan3A_2148 : i32 to index
      %swap3A_2184 = arith.constant 368 : index
      %swap3A_2185 = tpu.vector_load %arg6[%swap3A_2183, %swap3A_2184] {strides = array<i32>} : memref<64x768xf32, #tpu.memory_space<vmem>>, vector<1x16xf32>,
      %swap3A_2186 = vector.shape_cast %swap3A_2185 : vector<1x16xf32> to vector<16xf32>
      %swap3A_2187 = vector.shape_cast %get3A_577 : vector<16xf32> to vector<1x16xf32>
      tpu.vector_store %arg6[%swap3A_2183, %swap3A_2184], %swap3A_2187 {strides = array<i32>} : memref<64x768xf32, #tpu.memory_space<vmem>>, vector<1x16xf32>,
      %swap3A_2188 = arith.index_cast %scan3A_2148 : i32 to index
      %swap3A_2189 = arith.constant 384 : index
      %swap3A_2190 = tpu.vector_load %arg6[%swap3A_2188, %swap3A_2189] {strides = array<i32>} : memref<64x768xf32, #tpu.memory_space<vmem>>, vector<1x16xf32>,
      %swap3A_2191 = vector.shape_cast %swap3A_2190 : vector<1x16xf32> to vector<16xf32>
      %swap3A_2192 = vector.shape_cast %get3A_582 : vector<16xf32> to vector<1x16xf32>
      tpu.vector_store %arg6[%swap3A_2188, %swap3A_2189], %swap3A_2192 {strides = array<i32>} : memref<64x768xf32, #tpu.memory_space<vmem>>, vector<1x16xf32>,
      %swap3A_2193 = arith.index_cast %scan3A_2148 : i32 to index
      %swap3A_2194 = arith.constant 400 : index
      %swap3A_2195 = tpu.vector_load %arg6[%swap3A_2193, %swap3A_2194] {strides = array<i32>} : memref<64x768xf32, #tpu.memory_space<vmem>>, vector<1x16xf32>,
      %swap3A_2196 = vector.shape_cast %swap3A_2195 : vector<1x16xf32> to vector<16xf32>
      %swap3A_2197 = vector.shape_cast %get3A_587 : vector<16xf32> to vector<1x16xf32>
      tpu.vector_store %arg6[%swap3A_2193, %swap3A_2194], %swap3A_2197 {strides = array<i32>} : memref<64x768xf32, #tpu.memory_space<vmem>>, vector<1x16xf32>,
      %swap3A_2198 = arith.index_cast %scan3A_2148 : i32 to index
      %swap3A_2199 = arith.constant 416 : index
      %swap3A_2200 = tpu.vector_load %arg6[%swap3A_2198, %swap3A_2199] {strides = array<i32>} : memref<64x768xf32, #tpu.memory_space<vmem>>, vector<1x16xf32>,
      %swap3A_2201 = vector.shape_cast %swap3A_2200 : vector<1x16xf32> to vector<16xf32>
      %swap3A_2202 = vector.shape_cast %get3A_592 : vector<16xf32> to vector<1x16xf32>
      tpu.vector_store %arg6[%swap3A_2198, %swap3A_2199], %swap3A_2202 {strides = array<i32>} : memref<64x768xf32, #tpu.memory_space<vmem>>, vector<1x16xf32>,
      %swap3A_2203 = arith.index_cast %scan3A_2148 : i32 to index
      %swap3A_2204 = arith.constant 432 : index
      %swap3A_2205 = tpu.vector_load %arg6[%swap3A_2203, %swap3A_2204] {strides = array<i32>} : memref<64x768xf32, #tpu.memory_space<vmem>>, vector<1x16xf32>,
      %swap3A_2206 = vector.shape_cast %swap3A_2205 : vector<1x16xf32> to vector<16xf32>
      %swap3A_2207 = vector.shape_cast %get3A_597 : vector<16xf32> to vector<1x16xf32>
      tpu.vector_store %arg6[%swap3A_2203, %swap3A_2204], %swap3A_2207 {strides = array<i32>} : memref<64x768xf32, #tpu.memory_space<vmem>>, vector<1x16xf32>,
      %swap3A_2208 = arith.index_cast %scan3A_2148 : i32 to index
      %swap3A_2209 = arith.constant 448 : index
      %swap3A_2210 = tpu.vector_load %arg6[%swap3A_2208, %swap3A_2209] {strides = array<i32>} : memref<64x768xf32, #tpu.memory_space<vmem>>, vector<1x16xf32>,
      %swap3A_2211 = vector.shape_cast %swap3A_2210 : vector<1x16xf32> to vector<16xf32>
      %swap3A_2212 = vector.shape_cast %get3A_602 : vector<16xf32> to vector<1x16xf32>
      tpu.vector_store %arg6[%swap3A_2208, %swap3A_2209], %swap3A_2212 {strides = array<i32>} : memref<64x768xf32, #tpu.memory_space<vmem>>, vector<1x16xf32>,
      %swap3A_2213 = arith.index_cast %scan3A_2148 : i32 to index
      %swap3A_2214 = arith.constant 464 : index
      %swap3A_2215 = tpu.vector_load %arg6[%swap3A_2213, %swap3A_2214] {strides = array<i32>} : memref<64x768xf32, #tpu.memory_space<vmem>>, vector<1x16xf32>,
      %swap3A_2216 = vector.shape_cast %swap3A_2215 : vector<1x16xf32> to vector<16xf32>
      %swap3A_2217 = vector.shape_cast %get3A_607 : vector<16xf32> to vector<1x16xf32>
      tpu.vector_store %arg6[%swap3A_2213, %swap3A_2214], %swap3A_2217 {strides = array<i32>} : memref<64x768xf32, #tpu.memory_space<vmem>>, vector<1x16xf32>,
      %swap3A_2218 = arith.index_cast %scan3A_2148 : i32 to index
      %swap3A_2219 = arith.constant 480 : index
      %swap3A_2220 = tpu.vector_load %arg6[%swap3A_2218, %swap3A_2219] {strides = array<i32>} : memref<64x768xf32, #tpu.memory_space<vmem>>, vector<1x16xf32>,
      %swap3A_2221 = vector.shape_cast %swap3A_2220 : vector<1x16xf32> to vector<16xf32>
      %swap3A_2222 = vector.shape_cast %get3A_612 : vector<16xf32> to vector<1x16xf32>
      tpu.vector_store %arg6[%swap3A_2218, %swap3A_2219], %swap3A_2222 {strides = array<i32>} : memref<64x768xf32, #tpu.memory_space<vmem>>, vector<1x16xf32>,
      %swap3A_2223 = arith.index_cast %scan3A_2148 : i32 to index
      %swap3A_2224 = arith.constant 496 : index
      %swap3A_2225 = tpu.vector_load %arg6[%swap3A_2223, %swap3A_2224] {strides = array<i32>} : memref<64x768xf32, #tpu.memory_space<vmem>>, vector<1x16xf32>,
      %swap3A_2226 = vector.shape_cast %swap3A_2225 : vector<1x16xf32> to vector<16xf32>
      %swap3A_2227 = vector.shape_cast %get3A_617 : vector<16xf32> to vector<1x16xf32>
      tpu.vector_store %arg6[%swap3A_2223, %swap3A_2224], %swap3A_2227 {strides = array<i32>} : memref<64x768xf32, #tpu.memory_space<vmem>>, vector<1x16xf32>,
    }
    %scan3A_623 = arith.constant 64 : i32
    %mul3A_624 = arith.constant 1024 : i32
    %mul3A_625 = arith.muli %select_n3A, %mul3A_624 : i32
    %add3A_626 = arith.constant 2 : i32
    %add3A_627 = arith.addi %rem3A_20, %add3A_626 : i32
    %mul3A_628 = arith.constant 64 : i32
    %mul3A_629 = arith.muli %add3A_627, %mul3A_628 : i32
    %add3A_630 = arith.addi %mul3A_625, %mul3A_629 : i32
    %add3A_631 = arith.constant 0 : i32
    %add3A_632 = arith.addi %add3A_630, %add3A_631 : i32
    %dma_start3A_633 = arith.constant 0 : i32
    %dma_start3A_634 = tpu.memref_slice %arg5[%add3A_632, %dma_start3A_633] : memref<65536x768xf32, #tpu.memory_space<hbm>> -> memref<64x768xf32, #tpu.memory_space<hbm>>
    %dma_start3A_635 = arith.constant 0 : i32
    %dma_start3A_636 = tpu.memref_slice %arg5[%add3A_632, %dma_start3A_635] : memref<65536x768xf32, #tpu.memory_space<hbm>> -> memref<64x768xf32, #tpu.memory_space<hbm>>
    tpu.enqueue_dma source(%arg6 : memref<64x768xf32, #tpu.memory_space<vmem>>) target(%dma_start3A_636 : memref<64x768xf32, #tpu.memory_space<hbm>>) target_semaphore(%arg11 : memref<!tpu.dma_semaphore, #tpu.memory_space<semaphore_mem>>)
    %add3A_637 = arith.constant 16384 : i32
    %add3A_638 = arith.addi %add3A_630, %add3A_637 : i32
    %dma_start3A_639 = arith.constant 0 : i32
    %dma_start3A_640 = tpu.memref_slice %arg5[%add3A_638, %dma_start3A_639] : memref<65536x768xf32, #tpu.memory_space<hbm>> -> memref<64x768xf32, #tpu.memory_space<hbm>>
    %dma_start3A_641 = arith.constant 0 : i32
    %dma_start3A_642 = tpu.memref_slice %arg5[%add3A_638, %dma_start3A_641] : memref<65536x768xf32, #tpu.memory_space<hbm>> -> memref<64x768xf32, #tpu.memory_space<hbm>>
    tpu.enqueue_dma source(%arg6 : memref<64x768xf32, #tpu.memory_space<vmem>>) target(%dma_start3A_642 : memref<64x768xf32, #tpu.memory_space<hbm>>) target_semaphore(%arg11 : memref<!tpu.dma_semaphore, #tpu.memory_space<semaphore_mem>>)
    %add3A_643 = arith.constant 32768 : i32
    %add3A_644 = arith.addi %add3A_630, %add3A_643 : i32
    %dma_start3A_645 = arith.constant 0 : i32
    %dma_start3A_646 = tpu.memref_slice %arg5[%add3A_644, %dma_start3A_645] : memref<65536x768xf32, #tpu.memory_space<hbm>> -> memref<64x768xf32, #tpu.memory_space<hbm>>
    %dma_start3A_647 = arith.constant 0 : i32
    %dma_start3A_648 = tpu.memref_slice %arg5[%add3A_644, %dma_start3A_647] : memref<65536x768xf32, #tpu.memory_space<hbm>> -> memref<64x768xf32, #tpu.memory_space<hbm>>
    tpu.enqueue_dma source(%arg6 : memref<64x768xf32, #tpu.memory_space<vmem>>) target(%dma_start3A_648 : memref<64x768xf32, #tpu.memory_space<hbm>>) target_semaphore(%arg11 : memref<!tpu.dma_semaphore, #tpu.memory_space<semaphore_mem>>)
    %add3A_649 = arith.constant 49152 : i32
    %add3A_650 = arith.addi %add3A_630, %add3A_649 : i32
    %dma_start3A_651 = arith.constant 0 : i32
    %dma_start3A_652 = tpu.memref_slice %arg5[%add3A_650, %dma_start3A_651] : memref<65536x768xf32, #tpu.memory_space<hbm>> -> memref<64x768xf32, #tpu.memory_space<hbm>>
    %dma_start3A_653 = arith.constant 0 : i32
    %dma_start3A_654 = tpu.memref_slice %arg5[%add3A_650, %dma_start3A_653] : memref<65536x768xf32, #tpu.memory_space<hbm>> -> memref<64x768xf32, #tpu.memory_space<hbm>>
    tpu.enqueue_dma source(%arg6 : memref<64x768xf32, #tpu.memory_space<vmem>>) target(%dma_start3A_654 : memref<64x768xf32, #tpu.memory_space<hbm>>) target_semaphore(%arg11 : memref<!tpu.dma_semaphore, #tpu.memory_space<semaphore_mem>>)
    %get3A_655 = arith.constant 3 : i32
    %get3A_656 = arith.index_cast %get3A_655 : i32 to index
    %get3A_657 = arith.constant 0 : index
    %get3A_658 = tpu.vector_load %arg9[%get3A_656, %get3A_657] {strides = array<i32>} : memref<8x256xf32, #tpu.memory_space<vmem>>, vector<1x16xf32>,
    %get3A_659 = vector.shape_cast %get3A_658 : vector<1x16xf32> to vector<16xf32>
    %get3A_660 = arith.constant 3 : i32
    %get3A_661 = arith.index_cast %get3A_660 : i32 to index
    %get3A_662 = arith.constant 16 : index
    %get3A_663 = tpu.vector_load %arg9[%get3A_661, %get3A_662] {strides = array<i32>} : memref<8x256xf32, #tpu.memory_space<vmem>>, vector<1x16xf32>,
    %get3A_664 = vector.shape_cast %get3A_663 : vector<1x16xf32> to vector<16xf32>
    %get3A_665 = arith.constant 3 : i32
    %get3A_666 = arith.index_cast %get3A_665 : i32 to index
    %get3A_667 = arith.constant 32 : index
    %get3A_668 = tpu.vector_load %arg9[%get3A_666, %get3A_667] {strides = array<i32>} : memref<8x256xf32, #tpu.memory_space<vmem>>, vector<1x16xf32>,
    %get3A_669 = vector.shape_cast %get3A_668 : vector<1x16xf32> to vector<16xf32>
    %get3A_670 = arith.constant 3 : i32
    %get3A_671 = arith.index_cast %get3A_670 : i32 to index
    %get3A_672 = arith.constant 48 : index
    %get3A_673 = tpu.vector_load %arg9[%get3A_671, %get3A_672] {strides = array<i32>} : memref<8x256xf32, #tpu.memory_space<vmem>>, vector<1x16xf32>,
    %get3A_674 = vector.shape_cast %get3A_673 : vector<1x16xf32> to vector<16xf32>
    %get3A_675 = arith.constant 3 : i32
    %get3A_676 = arith.index_cast %get3A_675 : i32 to index
    %get3A_677 = arith.constant 64 : index
    %get3A_678 = tpu.vector_load %arg9[%get3A_676, %get3A_677] {strides = array<i32>} : memref<8x256xf32, #tpu.memory_space<vmem>>, vector<1x16xf32>,
    %get3A_679 = vector.shape_cast %get3A_678 : vector<1x16xf32> to vector<16xf32>
    %get3A_680 = arith.constant 3 : i32
    %get3A_681 = arith.index_cast %get3A_680 : i32 to index
    %get3A_682 = arith.constant 80 : index
    %get3A_683 = tpu.vector_load %arg9[%get3A_681, %get3A_682] {strides = array<i32>} : memref<8x256xf32, #tpu.memory_space<vmem>>, vector<1x16xf32>,
    %get3A_684 = vector.shape_cast %get3A_683 : vector<1x16xf32> to vector<16xf32>
    %get3A_685 = arith.constant 3 : i32
    %get3A_686 = arith.index_cast %get3A_685 : i32 to index
    %get3A_687 = arith.constant 96 : index
    %get3A_688 = tpu.vector_load %arg9[%get3A_686, %get3A_687] {strides = array<i32>} : memref<8x256xf32, #tpu.memory_space<vmem>>, vector<1x16xf32>,
    %get3A_689 = vector.shape_cast %get3A_688 : vector<1x16xf32> to vector<16xf32>
    %get3A_690 = arith.constant 3 : i32
    %get3A_691 = arith.index_cast %get3A_690 : i32 to index
    %get3A_692 = arith.constant 112 : index
    %get3A_693 = tpu.vector_load %arg9[%get3A_691, %get3A_692] {strides = array<i32>} : memref<8x256xf32, #tpu.memory_space<vmem>>, vector<1x16xf32>,
    %get3A_694 = vector.shape_cast %get3A_693 : vector<1x16xf32> to vector<16xf32>
    %get3A_695 = arith.constant 3 : i32
    %get3A_696 = arith.index_cast %get3A_695 : i32 to index
    %get3A_697 = arith.constant 128 : index
    %get3A_698 = tpu.vector_load %arg9[%get3A_696, %get3A_697] {strides = array<i32>} : memref<8x256xf32, #tpu.memory_space<vmem>>, vector<1x16xf32>,
    %get3A_699 = vector.shape_cast %get3A_698 : vector<1x16xf32> to vector<16xf32>
    %get3A_700 = arith.constant 3 : i32
    %get3A_701 = arith.index_cast %get3A_700 : i32 to index
    %get3A_702 = arith.constant 144 : index
    %get3A_703 = tpu.vector_load %arg9[%get3A_701, %get3A_702] {strides = array<i32>} : memref<8x256xf32, #tpu.memory_space<vmem>>, vector<1x16xf32>,
    %get3A_704 = vector.shape_cast %get3A_703 : vector<1x16xf32> to vector<16xf32>
    %get3A_705 = arith.constant 3 : i32
    %get3A_706 = arith.index_cast %get3A_705 : i32 to index
    %get3A_707 = arith.constant 160 : index
    %get3A_708 = tpu.vector_load %arg9[%get3A_706, %get3A_707] {strides = array<i32>} : memref<8x256xf32, #tpu.memory_space<vmem>>, vector<1x16xf32>,
    %get3A_709 = vector.shape_cast %get3A_708 : vector<1x16xf32> to vector<16xf32>
    %get3A_710 = arith.constant 3 : i32
    %get3A_711 = arith.index_cast %get3A_710 : i32 to index
    %get3A_712 = arith.constant 176 : index
    %get3A_713 = tpu.vector_load %arg9[%get3A_711, %get3A_712] {strides = array<i32>} : memref<8x256xf32, #tpu.memory_space<vmem>>, vector<1x16xf32>,
    %get3A_714 = vector.shape_cast %get3A_713 : vector<1x16xf32> to vector<16xf32>
    %get3A_715 = arith.constant 3 : i32
    %get3A_716 = arith.index_cast %get3A_715 : i32 to index
    %get3A_717 = arith.constant 192 : index
    %get3A_718 = tpu.vector_load %arg9[%get3A_716, %get3A_717] {strides = array<i32>} : memref<8x256xf32, #tpu.memory_space<vmem>>, vector<1x16xf32>,
    %get3A_719 = vector.shape_cast %get3A_718 : vector<1x16xf32> to vector<16xf32>
    %get3A_720 = arith.constant 3 : i32
    %get3A_721 = arith.index_cast %get3A_720 : i32 to index
    %get3A_722 = arith.constant 208 : index
    %get3A_723 = tpu.vector_load %arg9[%get3A_721, %get3A_722] {strides = array<i32>} : memref<8x256xf32, #tpu.memory_space<vmem>>, vector<1x16xf32>,
    %get3A_724 = vector.shape_cast %get3A_723 : vector<1x16xf32> to vector<16xf32>
    %get3A_725 = arith.constant 3 : i32
    %get3A_726 = arith.index_cast %get3A_725 : i32 to index
    %get3A_727 = arith.constant 224 : index
    %get3A_728 = tpu.vector_load %arg9[%get3A_726, %get3A_727] {strides = array<i32>} : memref<8x256xf32, #tpu.memory_space<vmem>>, vector<1x16xf32>,
    %get3A_729 = vector.shape_cast %get3A_728 : vector<1x16xf32> to vector<16xf32>
    %get3A_730 = arith.constant 3 : i32
    %get3A_731 = arith.index_cast %get3A_730 : i32 to index
    %get3A_732 = arith.constant 240 : index
    %get3A_733 = tpu.vector_load %arg9[%get3A_731, %get3A_732] {strides = array<i32>} : memref<8x256xf32, #tpu.memory_space<vmem>>, vector<1x16xf32>,
    %get3A_734 = vector.shape_cast %get3A_733 : vector<1x16xf32> to vector<16xf32>
    %scan3A_735 = arith.constant 0 : i32
    %scan3A_736 = arith.constant 0 : i32
    %scan3A_737 = arith.constant 64 : i32
    %scan3A_738 = arith.addi %scan3A_736, %scan3A_737 : i32
    %scan3A_739 = arith.constant 1 : i32
    scf.for %scan3A_2148 = %scan3A_736 to %scan3A_738 step %scan3A_739  : i32 {
      %swap3A = arith.index_cast %scan3A_2148 : i32 to index
      %swap3A_2149 = arith.constant 256 : index
      %swap3A_2150 = tpu.vector_load %arg7[%swap3A, %swap3A_2149] {strides = array<i32>} : memref<64x768xf32, #tpu.memory_space<vmem>>, vector<1x16xf32>,
      %swap3A_2151 = vector.shape_cast %swap3A_2150 : vector<1x16xf32> to vector<16xf32>
      %swap3A_2152 = vector.shape_cast %get3A_659 : vector<16xf32> to vector<1x16xf32>
      tpu.vector_store %arg7[%swap3A, %swap3A_2149], %swap3A_2152 {strides = array<i32>} : memref<64x768xf32, #tpu.memory_space<vmem>>, vector<1x16xf32>,
      %swap3A_2153 = arith.index_cast %scan3A_2148 : i32 to index
      %swap3A_2154 = arith.constant 272 : index
      %swap3A_2155 = tpu.vector_load %arg7[%swap3A_2153, %swap3A_2154] {strides = array<i32>} : memref<64x768xf32, #tpu.memory_space<vmem>>, vector<1x16xf32>,
      %swap3A_2156 = vector.shape_cast %swap3A_2155 : vector<1x16xf32> to vector<16xf32>
      %swap3A_2157 = vector.shape_cast %get3A_664 : vector<16xf32> to vector<1x16xf32>
      tpu.vector_store %arg7[%swap3A_2153, %swap3A_2154], %swap3A_2157 {strides = array<i32>} : memref<64x768xf32, #tpu.memory_space<vmem>>, vector<1x16xf32>,
      %swap3A_2158 = arith.index_cast %scan3A_2148 : i32 to index
      %swap3A_2159 = arith.constant 288 : index
      %swap3A_2160 = tpu.vector_load %arg7[%swap3A_2158, %swap3A_2159] {strides = array<i32>} : memref<64x768xf32, #tpu.memory_space<vmem>>, vector<1x16xf32>,
      %swap3A_2161 = vector.shape_cast %swap3A_2160 : vector<1x16xf32> to vector<16xf32>
      %swap3A_2162 = vector.shape_cast %get3A_669 : vector<16xf32> to vector<1x16xf32>
      tpu.vector_store %arg7[%swap3A_2158, %swap3A_2159], %swap3A_2162 {strides = array<i32>} : memref<64x768xf32, #tpu.memory_space<vmem>>, vector<1x16xf32>,
      %swap3A_2163 = arith.index_cast %scan3A_2148 : i32 to index
      %swap3A_2164 = arith.constant 304 : index
      %swap3A_2165 = tpu.vector_load %arg7[%swap3A_2163, %swap3A_2164] {strides = array<i32>} : memref<64x768xf32, #tpu.memory_space<vmem>>, vector<1x16xf32>,
      %swap3A_2166 = vector.shape_cast %swap3A_2165 : vector<1x16xf32> to vector<16xf32>
      %swap3A_2167 = vector.shape_cast %get3A_674 : vector<16xf32> to vector<1x16xf32>
      tpu.vector_store %arg7[%swap3A_2163, %swap3A_2164], %swap3A_2167 {strides = array<i32>} : memref<64x768xf32, #tpu.memory_space<vmem>>, vector<1x16xf32>,
      %swap3A_2168 = arith.index_cast %scan3A_2148 : i32 to index
      %swap3A_2169 = arith.constant 320 : index
      %swap3A_2170 = tpu.vector_load %arg7[%swap3A_2168, %swap3A_2169] {strides = array<i32>} : memref<64x768xf32, #tpu.memory_space<vmem>>, vector<1x16xf32>,
      %swap3A_2171 = vector.shape_cast %swap3A_2170 : vector<1x16xf32> to vector<16xf32>
      %swap3A_2172 = vector.shape_cast %get3A_679 : vector<16xf32> to vector<1x16xf32>
      tpu.vector_store %arg7[%swap3A_2168, %swap3A_2169], %swap3A_2172 {strides = array<i32>} : memref<64x768xf32, #tpu.memory_space<vmem>>, vector<1x16xf32>,
      %swap3A_2173 = arith.index_cast %scan3A_2148 : i32 to index
      %swap3A_2174 = arith.constant 336 : index
      %swap3A_2175 = tpu.vector_load %arg7[%swap3A_2173, %swap3A_2174] {strides = array<i32>} : memref<64x768xf32, #tpu.memory_space<vmem>>, vector<1x16xf32>,
      %swap3A_2176 = vector.shape_cast %swap3A_2175 : vector<1x16xf32> to vector<16xf32>
      %swap3A_2177 = vector.shape_cast %get3A_684 : vector<16xf32> to vector<1x16xf32>
      tpu.vector_store %arg7[%swap3A_2173, %swap3A_2174], %swap3A_2177 {strides = array<i32>} : memref<64x768xf32, #tpu.memory_space<vmem>>, vector<1x16xf32>,
      %swap3A_2178 = arith.index_cast %scan3A_2148 : i32 to index
      %swap3A_2179 = arith.constant 352 : index
      %swap3A_2180 = tpu.vector_load %arg7[%swap3A_2178, %swap3A_2179] {strides = array<i32>} : memref<64x768xf32, #tpu.memory_space<vmem>>, vector<1x16xf32>,
      %swap3A_2181 = vector.shape_cast %swap3A_2180 : vector<1x16xf32> to vector<16xf32>
      %swap3A_2182 = vector.shape_cast %get3A_689 : vector<16xf32> to vector<1x16xf32>
      tpu.vector_store %arg7[%swap3A_2178, %swap3A_2179], %swap3A_2182 {strides = array<i32>} : memref<64x768xf32, #tpu.memory_space<vmem>>, vector<1x16xf32>,
      %swap3A_2183 = arith.index_cast %scan3A_2148 : i32 to index
      %swap3A_2184 = arith.constant 368 : index
      %swap3A_2185 = tpu.vector_load %arg7[%swap3A_2183, %swap3A_2184] {strides = array<i32>} : memref<64x768xf32, #tpu.memory_space<vmem>>, vector<1x16xf32>,
      %swap3A_2186 = vector.shape_cast %swap3A_2185 : vector<1x16xf32> to vector<16xf32>
      %swap3A_2187 = vector.shape_cast %get3A_694 : vector<16xf32> to vector<1x16xf32>
      tpu.vector_store %arg7[%swap3A_2183, %swap3A_2184], %swap3A_2187 {strides = array<i32>} : memref<64x768xf32, #tpu.memory_space<vmem>>, vector<1x16xf32>,
      %swap3A_2188 = arith.index_cast %scan3A_2148 : i32 to index
      %swap3A_2189 = arith.constant 384 : index
      %swap3A_2190 = tpu.vector_load %arg7[%swap3A_2188, %swap3A_2189] {strides = array<i32>} : memref<64x768xf32, #tpu.memory_space<vmem>>, vector<1x16xf32>,
      %swap3A_2191 = vector.shape_cast %swap3A_2190 : vector<1x16xf32> to vector<16xf32>
      %swap3A_2192 = vector.shape_cast %get3A_699 : vector<16xf32> to vector<1x16xf32>
      tpu.vector_store %arg7[%swap3A_2188, %swap3A_2189], %swap3A_2192 {strides = array<i32>} : memref<64x768xf32, #tpu.memory_space<vmem>>, vector<1x16xf32>,
      %swap3A_2193 = arith.index_cast %scan3A_2148 : i32 to index
      %swap3A_2194 = arith.constant 400 : index
      %swap3A_2195 = tpu.vector_load %arg7[%swap3A_2193, %swap3A_2194] {strides = array<i32>} : memref<64x768xf32, #tpu.memory_space<vmem>>, vector<1x16xf32>,
      %swap3A_2196 = vector.shape_cast %swap3A_2195 : vector<1x16xf32> to vector<16xf32>
      %swap3A_2197 = vector.shape_cast %get3A_704 : vector<16xf32> to vector<1x16xf32>
      tpu.vector_store %arg7[%swap3A_2193, %swap3A_2194], %swap3A_2197 {strides = array<i32>} : memref<64x768xf32, #tpu.memory_space<vmem>>, vector<1x16xf32>,
      %swap3A_2198 = arith.index_cast %scan3A_2148 : i32 to index
      %swap3A_2199 = arith.constant 416 : index
      %swap3A_2200 = tpu.vector_load %arg7[%swap3A_2198, %swap3A_2199] {strides = array<i32>} : memref<64x768xf32, #tpu.memory_space<vmem>>, vector<1x16xf32>,
      %swap3A_2201 = vector.shape_cast %swap3A_2200 : vector<1x16xf32> to vector<16xf32>
      %swap3A_2202 = vector.shape_cast %get3A_709 : vector<16xf32> to vector<1x16xf32>
      tpu.vector_store %arg7[%swap3A_2198, %swap3A_2199], %swap3A_2202 {strides = array<i32>} : memref<64x768xf32, #tpu.memory_space<vmem>>, vector<1x16xf32>,
      %swap3A_2203 = arith.index_cast %scan3A_2148 : i32 to index
      %swap3A_2204 = arith.constant 432 : index
      %swap3A_2205 = tpu.vector_load %arg7[%swap3A_2203, %swap3A_2204] {strides = array<i32>} : memref<64x768xf32, #tpu.memory_space<vmem>>, vector<1x16xf32>,
      %swap3A_2206 = vector.shape_cast %swap3A_2205 : vector<1x16xf32> to vector<16xf32>
      %swap3A_2207 = vector.shape_cast %get3A_714 : vector<16xf32> to vector<1x16xf32>
      tpu.vector_store %arg7[%swap3A_2203, %swap3A_2204], %swap3A_2207 {strides = array<i32>} : memref<64x768xf32, #tpu.memory_space<vmem>>, vector<1x16xf32>,
      %swap3A_2208 = arith.index_cast %scan3A_2148 : i32 to index
      %swap3A_2209 = arith.constant 448 : index
      %swap3A_2210 = tpu.vector_load %arg7[%swap3A_2208, %swap3A_2209] {strides = array<i32>} : memref<64x768xf32, #tpu.memory_space<vmem>>, vector<1x16xf32>,
      %swap3A_2211 = vector.shape_cast %swap3A_2210 : vector<1x16xf32> to vector<16xf32>
      %swap3A_2212 = vector.shape_cast %get3A_719 : vector<16xf32> to vector<1x16xf32>
      tpu.vector_store %arg7[%swap3A_2208, %swap3A_2209], %swap3A_2212 {strides = array<i32>} : memref<64x768xf32, #tpu.memory_space<vmem>>, vector<1x16xf32>,
      %swap3A_2213 = arith.index_cast %scan3A_2148 : i32 to index
      %swap3A_2214 = arith.constant 464 : index
      %swap3A_2215 = tpu.vector_load %arg7[%swap3A_2213, %swap3A_2214] {strides = array<i32>} : memref<64x768xf32, #tpu.memory_space<vmem>>, vector<1x16xf32>,
      %swap3A_2216 = vector.shape_cast %swap3A_2215 : vector<1x16xf32> to vector<16xf32>
      %swap3A_2217 = vector.shape_cast %get3A_724 : vector<16xf32> to vector<1x16xf32>
      tpu.vector_store %arg7[%swap3A_2213, %swap3A_2214], %swap3A_2217 {strides = array<i32>} : memref<64x768xf32, #tpu.memory_space<vmem>>, vector<1x16xf32>,
      %swap3A_2218 = arith.index_cast %scan3A_2148 : i32 to index
      %swap3A_2219 = arith.constant 480 : index
      %swap3A_2220 = tpu.vector_load %arg7[%swap3A_2218, %swap3A_2219] {strides = array<i32>} : memref<64x768xf32, #tpu.memory_space<vmem>>, vector<1x16xf32>,
      %swap3A_2221 = vector.shape_cast %swap3A_2220 : vector<1x16xf32> to vector<16xf32>
      %swap3A_2222 = vector.shape_cast %get3A_729 : vector<16xf32> to vector<1x16xf32>
      tpu.vector_store %arg7[%swap3A_2218, %swap3A_2219], %swap3A_2222 {strides = array<i32>} : memref<64x768xf32, #tpu.memory_space<vmem>>, vector<1x16xf32>,
      %swap3A_2223 = arith.index_cast %scan3A_2148 : i32 to index
      %swap3A_2224 = arith.constant 496 : index
      %swap3A_2225 = tpu.vector_load %arg7[%swap3A_2223, %swap3A_2224] {strides = array<i32>} : memref<64x768xf32, #tpu.memory_space<vmem>>, vector<1x16xf32>,
      %swap3A_2226 = vector.shape_cast %swap3A_2225 : vector<1x16xf32> to vector<16xf32>
      %swap3A_2227 = vector.shape_cast %get3A_734 : vector<16xf32> to vector<1x16xf32>
      tpu.vector_store %arg7[%swap3A_2223, %swap3A_2224], %swap3A_2227 {strides = array<i32>} : memref<64x768xf32, #tpu.memory_space<vmem>>, vector<1x16xf32>,
    }
    %scan3A_740 = arith.constant 64 : i32
    %mul3A_741 = arith.constant 1024 : i32
    %mul3A_742 = arith.muli %select_n3A, %mul3A_741 : i32
    %add3A_743 = arith.constant 3 : i32
    %add3A_744 = arith.addi %rem3A_20, %add3A_743 : i32
    %mul3A_745 = arith.constant 64 : i32
    %mul3A_746 = arith.muli %add3A_744, %mul3A_745 : i32
    %add3A_747 = arith.addi %mul3A_742, %mul3A_746 : i32
    %dma_wait3A_748 = arith.constant 0 : i32
    %dma_wait3A_749 = arith.constant 0 : i32
    %dma_wait3A_750 = tpu.memref_slice %arg5[%add3A_408, %dma_wait3A_749] : memref<65536x768xf32, #tpu.memory_space<hbm>> -> memref<16x768xf32, #tpu.memory_space<hbm>>
    %dma_wait3A_751 = arith.constant 0 : i32
    %dma_wait3A_752 = arith.constant 0 : i32
    %dma_wait3A_753 = tpu.memref_slice %arg10[%arg1, %dma_wait3A_748, %dma_wait3A_751, %dma_wait3A_752] : memref<16x2x16x768xf32, #tpu.memory_space<vmem_shared>> -> memref<1x1x16x768xf32, #tpu.memory_space<vmem_shared>>
    %dma_wait3A_754 = tpu.memref_squeeze %dma_wait3A_753 : memref<1x1x16x768xf32, #tpu.memory_space<vmem_shared>> -> memref<16x768xf32, #tpu.memory_space<vmem_shared>>
    tpu.wait_dma2 semaphore(%arg13 : memref<!tpu.dma_semaphore, #tpu.memory_space<semaphore_mem>>) src(%dma_wait3A_754 : memref<16x768xf32, #tpu.memory_space<vmem_shared>>) dst(%dma_wait3A_750 : memref<16x768xf32, #tpu.memory_space<hbm>>)
    %dma_wait3A_755 = arith.constant 0 : i32
    %dma_wait3A_756 = arith.constant 0 : i32
    %dma_wait3A_757 = tpu.memref_slice %arg5[%add3A_419, %dma_wait3A_756] : memref<65536x768xf32, #tpu.memory_space<hbm>> -> memref<16x768xf32, #tpu.memory_space<hbm>>
    %dma_wait3A_758 = arith.constant 0 : i32
    %dma_wait3A_759 = arith.constant 0 : i32
    %dma_wait3A_760 = tpu.memref_slice %arg10[%arg1, %dma_wait3A_755, %dma_wait3A_758, %dma_wait3A_759] : memref<16x2x16x768xf32, #tpu.memory_space<vmem_shared>> -> memref<1x1x16x768xf32, #tpu.memory_space<vmem_shared>>
    %dma_wait3A_761 = tpu.memref_squeeze %dma_wait3A_760 : memref<1x1x16x768xf32, #tpu.memory_space<vmem_shared>> -> memref<16x768xf32, #tpu.memory_space<vmem_shared>>
    tpu.wait_dma2 semaphore(%arg13 : memref<!tpu.dma_semaphore, #tpu.memory_space<semaphore_mem>>) src(%dma_wait3A_761 : memref<16x768xf32, #tpu.memory_space<vmem_shared>>) dst(%dma_wait3A_757 : memref<16x768xf32, #tpu.memory_space<hbm>>)
    %dma_wait3A_762 = arith.constant 0 : i32
    %dma_wait3A_763 = arith.constant 0 : i32
    %dma_wait3A_764 = tpu.memref_slice %arg5[%add3A_430, %dma_wait3A_763] : memref<65536x768xf32, #tpu.memory_space<hbm>> -> memref<16x768xf32, #tpu.memory_space<hbm>>
    %dma_wait3A_765 = arith.constant 0 : i32
    %dma_wait3A_766 = arith.constant 0 : i32
    %dma_wait3A_767 = tpu.memref_slice %arg10[%arg1, %dma_wait3A_762, %dma_wait3A_765, %dma_wait3A_766] : memref<16x2x16x768xf32, #tpu.memory_space<vmem_shared>> -> memref<1x1x16x768xf32, #tpu.memory_space<vmem_shared>>
    %dma_wait3A_768 = tpu.memref_squeeze %dma_wait3A_767 : memref<1x1x16x768xf32, #tpu.memory_space<vmem_shared>> -> memref<16x768xf32, #tpu.memory_space<vmem_shared>>
    tpu.wait_dma2 semaphore(%arg13 : memref<!tpu.dma_semaphore, #tpu.memory_space<semaphore_mem>>) src(%dma_wait3A_768 : memref<16x768xf32, #tpu.memory_space<vmem_shared>>) dst(%dma_wait3A_764 : memref<16x768xf32, #tpu.memory_space<hbm>>)
    %dma_wait3A_769 = arith.constant 0 : i32
    %dma_wait3A_770 = arith.constant 0 : i32
    %dma_wait3A_771 = tpu.memref_slice %arg5[%add3A_441, %dma_wait3A_770] : memref<65536x768xf32, #tpu.memory_space<hbm>> -> memref<16x768xf32, #tpu.memory_space<hbm>>
    %dma_wait3A_772 = arith.constant 0 : i32
    %dma_wait3A_773 = arith.constant 0 : i32
    %dma_wait3A_774 = tpu.memref_slice %arg10[%arg1, %dma_wait3A_769, %dma_wait3A_772, %dma_wait3A_773] : memref<16x2x16x768xf32, #tpu.memory_space<vmem_shared>> -> memref<1x1x16x768xf32, #tpu.memory_space<vmem_shared>>
    %dma_wait3A_775 = tpu.memref_squeeze %dma_wait3A_774 : memref<1x1x16x768xf32, #tpu.memory_space<vmem_shared>> -> memref<16x768xf32, #tpu.memory_space<vmem_shared>>
    tpu.wait_dma2 semaphore(%arg13 : memref<!tpu.dma_semaphore, #tpu.memory_space<semaphore_mem>>) src(%dma_wait3A_775 : memref<16x768xf32, #tpu.memory_space<vmem_shared>>) dst(%dma_wait3A_771 : memref<16x768xf32, #tpu.memory_space<hbm>>)
    %run_scoped3A_776 = arith.constant 0 : i32
    "tpu.region"() ({
      %run_scoped3A_2148 = tpu.sem_alloc : memref<!tpu.dma_semaphore, #tpu.memory_space<semaphore_mem>>
      %dma_start3A_2149 = arith.constant 0 : i32
      %dma_start3A_2150 = arith.constant 0 : i32
      %dma_start3A_2151 = tpu.memref_slice %arg7[%dma_start3A_2149, %dma_start3A_2150] : memref<64x768xf32, #tpu.memory_space<vmem>> -> memref<16x768xf32, #tpu.memory_space<vmem>>
      %dma_start3A_2152 = arith.constant 0 : i32
      %dma_start3A_2153 = arith.constant 0 : i32
      %dma_start3A_2154 = tpu.memref_slice %arg10[%arg1, %run_scoped3A_776, %dma_start3A_2152, %dma_start3A_2153] : memref<16x2x16x768xf32, #tpu.memory_space<vmem_shared>> -> memref<1x1x16x768xf32, #tpu.memory_space<vmem_shared>>
      %dma_start3A_2155 = tpu.memref_squeeze %dma_start3A_2154 : memref<1x1x16x768xf32, #tpu.memory_space<vmem_shared>> -> memref<16x768xf32, #tpu.memory_space<vmem_shared>>
      %dma_start3A_2156 = arith.constant 0 : i32
      %dma_start3A_2157 = arith.constant 0 : i32
      %dma_start3A_2158 = tpu.memref_slice %arg10[%arg1, %run_scoped3A_776, %dma_start3A_2156, %dma_start3A_2157] : memref<16x2x16x768xf32, #tpu.memory_space<vmem_shared>> -> memref<1x1x16x768xf32, #tpu.memory_space<vmem_shared>>
      %dma_start3A_2159 = tpu.memref_squeeze %dma_start3A_2158 : memref<1x1x16x768xf32, #tpu.memory_space<vmem_shared>> -> memref<16x768xf32, #tpu.memory_space<vmem_shared>>
      %dma_start3A_2160 = arith.constant 0 : i32
      %dma_start3A_2161 = arith.constant 0 : i32
      %dma_start3A_2162 = tpu.memref_slice %arg7[%dma_start3A_2160, %dma_start3A_2161] : memref<64x768xf32, #tpu.memory_space<vmem>> -> memref<16x768xf32, #tpu.memory_space<vmem>>
      tpu.enqueue_dma source(%dma_start3A_2162 : memref<16x768xf32, #tpu.memory_space<vmem>>) target(%dma_start3A_2159 : memref<16x768xf32, #tpu.memory_space<vmem_shared>>) target_semaphore(%run_scoped3A_2148 : memref<!tpu.dma_semaphore, #tpu.memory_space<semaphore_mem>>)
      %dma_wait3A_2163 = arith.constant 0 : i32
      %dma_wait3A_2164 = arith.constant 0 : i32
      %dma_wait3A_2165 = tpu.memref_slice %arg7[%dma_wait3A_2163, %dma_wait3A_2164] : memref<64x768xf32, #tpu.memory_space<vmem>> -> memref<16x768xf32, #tpu.memory_space<vmem>>
      %dma_wait3A_2166 = arith.constant 0 : i32
      %dma_wait3A_2167 = arith.constant 0 : i32
      %dma_wait3A_2168 = tpu.memref_slice %arg10[%arg1, %run_scoped3A_776, %dma_wait3A_2166, %dma_wait3A_2167] : memref<16x2x16x768xf32, #tpu.memory_space<vmem_shared>> -> memref<1x1x16x768xf32, #tpu.memory_space<vmem_shared>>
      %dma_wait3A_2169 = tpu.memref_squeeze %dma_wait3A_2168 : memref<1x1x16x768xf32, #tpu.memory_space<vmem_shared>> -> memref<16x768xf32, #tpu.memory_space<vmem_shared>>
      %dma_wait3A_2170 = arith.constant 0 : i32
      %dma_wait3A_2171 = arith.constant 0 : i32
      %dma_wait3A_2172 = tpu.memref_slice %arg10[%arg1, %run_scoped3A_776, %dma_wait3A_2170, %dma_wait3A_2171] : memref<16x2x16x768xf32, #tpu.memory_space<vmem_shared>> -> memref<1x1x16x768xf32, #tpu.memory_space<vmem_shared>>
      %dma_wait3A_2173 = tpu.memref_squeeze %dma_wait3A_2172 : memref<1x1x16x768xf32, #tpu.memory_space<vmem_shared>> -> memref<16x768xf32, #tpu.memory_space<vmem_shared>>
      %dma_wait3A_2174 = arith.constant 0 : i32
      %dma_wait3A_2175 = arith.constant 0 : i32
      %dma_wait3A_2176 = tpu.memref_slice %arg7[%dma_wait3A_2174, %dma_wait3A_2175] : memref<64x768xf32, #tpu.memory_space<vmem>> -> memref<16x768xf32, #tpu.memory_space<vmem>>
      tpu.wait_dma2 semaphore(%run_scoped3A_2148 : memref<!tpu.dma_semaphore, #tpu.memory_space<semaphore_mem>>) src(%dma_wait3A_2176 : memref<16x768xf32, #tpu.memory_space<vmem>>) dst(%dma_wait3A_2173 : memref<16x768xf32, #tpu.memory_space<vmem_shared>>)
      tpu.yield
    }) : () -> ()
    %add3A_777 = arith.constant 0 : i32
    %add3A_778 = arith.addi %add3A_747, %add3A_777 : i32
    %add3A_779 = arith.constant 0 : i32
    %add3A_780 = arith.addi %add3A_778, %add3A_779 : i32
    %dma_start3A_781 = arith.constant 0 : i32
    %dma_start3A_782 = arith.constant 0 : i32
    %dma_start3A_783 = tpu.memref_slice %arg5[%add3A_780, %dma_start3A_782] : memref<65536x768xf32, #tpu.memory_space<hbm>> -> memref<16x768xf32, #tpu.memory_space<hbm>>
    %dma_start3A_784 = arith.constant 0 : i32
    %dma_start3A_785 = arith.constant 0 : i32
    %dma_start3A_786 = tpu.memref_slice %arg10[%arg1, %dma_start3A_781, %dma_start3A_784, %dma_start3A_785] : memref<16x2x16x768xf32, #tpu.memory_space<vmem_shared>> -> memref<1x1x16x768xf32, #tpu.memory_space<vmem_shared>>
    %dma_start3A_787 = tpu.memref_squeeze %dma_start3A_786 : memref<1x1x16x768xf32, #tpu.memory_space<vmem_shared>> -> memref<16x768xf32, #tpu.memory_space<vmem_shared>>
    tpu.enqueue_dma source(%dma_start3A_787 : memref<16x768xf32, #tpu.memory_space<vmem_shared>>) target(%dma_start3A_783 : memref<16x768xf32, #tpu.memory_space<hbm>>) target_semaphore(%arg13 : memref<!tpu.dma_semaphore, #tpu.memory_space<semaphore_mem>>)
    %add3A_788 = arith.constant 0 : i32
    %add3A_789 = arith.addi %add3A_747, %add3A_788 : i32
    %add3A_790 = arith.constant 16384 : i32
    %add3A_791 = arith.addi %add3A_789, %add3A_790 : i32
    %dma_start3A_792 = arith.constant 0 : i32
    %dma_start3A_793 = arith.constant 0 : i32
    %dma_start3A_794 = tpu.memref_slice %arg5[%add3A_791, %dma_start3A_793] : memref<65536x768xf32, #tpu.memory_space<hbm>> -> memref<16x768xf32, #tpu.memory_space<hbm>>
    %dma_start3A_795 = arith.constant 0 : i32
    %dma_start3A_796 = arith.constant 0 : i32
    %dma_start3A_797 = tpu.memref_slice %arg10[%arg1, %dma_start3A_792, %dma_start3A_795, %dma_start3A_796] : memref<16x2x16x768xf32, #tpu.memory_space<vmem_shared>> -> memref<1x1x16x768xf32, #tpu.memory_space<vmem_shared>>
    %dma_start3A_798 = tpu.memref_squeeze %dma_start3A_797 : memref<1x1x16x768xf32, #tpu.memory_space<vmem_shared>> -> memref<16x768xf32, #tpu.memory_space<vmem_shared>>
    tpu.enqueue_dma source(%dma_start3A_798 : memref<16x768xf32, #tpu.memory_space<vmem_shared>>) target(%dma_start3A_794 : memref<16x768xf32, #tpu.memory_space<hbm>>) target_semaphore(%arg13 : memref<!tpu.dma_semaphore, #tpu.memory_space<semaphore_mem>>)
    %add3A_799 = arith.constant 0 : i32
    %add3A_800 = arith.addi %add3A_747, %add3A_799 : i32
    %add3A_801 = arith.constant 32768 : i32
    %add3A_802 = arith.addi %add3A_800, %add3A_801 : i32
    %dma_start3A_803 = arith.constant 0 : i32
    %dma_start3A_804 = arith.constant 0 : i32
    %dma_start3A_805 = tpu.memref_slice %arg5[%add3A_802, %dma_start3A_804] : memref<65536x768xf32, #tpu.memory_space<hbm>> -> memref<16x768xf32, #tpu.memory_space<hbm>>
    %dma_start3A_806 = arith.constant 0 : i32
    %dma_start3A_807 = arith.constant 0 : i32
    %dma_start3A_808 = tpu.memref_slice %arg10[%arg1, %dma_start3A_803, %dma_start3A_806, %dma_start3A_807] : memref<16x2x16x768xf32, #tpu.memory_space<vmem_shared>> -> memref<1x1x16x768xf32, #tpu.memory_space<vmem_shared>>
    %dma_start3A_809 = tpu.memref_squeeze %dma_start3A_808 : memref<1x1x16x768xf32, #tpu.memory_space<vmem_shared>> -> memref<16x768xf32, #tpu.memory_space<vmem_shared>>
    tpu.enqueue_dma source(%dma_start3A_809 : memref<16x768xf32, #tpu.memory_space<vmem_shared>>) target(%dma_start3A_805 : memref<16x768xf32, #tpu.memory_space<hbm>>) target_semaphore(%arg13 : memref<!tpu.dma_semaphore, #tpu.memory_space<semaphore_mem>>)
    %add3A_810 = arith.constant 0 : i32
    %add3A_811 = arith.addi %add3A_747, %add3A_810 : i32
    %add3A_812 = arith.constant 49152 : i32
    %add3A_813 = arith.addi %add3A_811, %add3A_812 : i32
    %dma_start3A_814 = arith.constant 0 : i32
    %dma_start3A_815 = arith.constant 0 : i32
    %dma_start3A_816 = tpu.memref_slice %arg5[%add3A_813, %dma_start3A_815] : memref<65536x768xf32, #tpu.memory_space<hbm>> -> memref<16x768xf32, #tpu.memory_space<hbm>>
    %dma_start3A_817 = arith.constant 0 : i32
    %dma_start3A_818 = arith.constant 0 : i32
    %dma_start3A_819 = tpu.memref_slice %arg10[%arg1, %dma_start3A_814, %dma_start3A_817, %dma_start3A_818] : memref<16x2x16x768xf32, #tpu.memory_space<vmem_shared>> -> memref<1x1x16x768xf32, #tpu.memory_space<vmem_shared>>
    %dma_start3A_820 = tpu.memref_squeeze %dma_start3A_819 : memref<1x1x16x768xf32, #tpu.memory_space<vmem_shared>> -> memref<16x768xf32, #tpu.memory_space<vmem_shared>>
    tpu.enqueue_dma source(%dma_start3A_820 : memref<16x768xf32, #tpu.memory_space<vmem_shared>>) target(%dma_start3A_816 : memref<16x768xf32, #tpu.memory_space<hbm>>) target_semaphore(%arg13 : memref<!tpu.dma_semaphore, #tpu.memory_space<semaphore_mem>>)
    %dma_wait3A_821 = arith.constant 1 : i32
    %dma_wait3A_822 = arith.constant 0 : i32
    %dma_wait3A_823 = tpu.memref_slice %arg5[%add3A_481, %dma_wait3A_822] : memref<65536x768xf32, #tpu.memory_space<hbm>> -> memref<16x768xf32, #tpu.memory_space<hbm>>
    %dma_wait3A_824 = arith.constant 0 : i32
    %dma_wait3A_825 = arith.constant 0 : i32
    %dma_wait3A_826 = tpu.memref_slice %arg10[%arg1, %dma_wait3A_821, %dma_wait3A_824, %dma_wait3A_825] : memref<16x2x16x768xf32, #tpu.memory_space<vmem_shared>> -> memref<1x1x16x768xf32, #tpu.memory_space<vmem_shared>>
    %dma_wait3A_827 = tpu.memref_squeeze %dma_wait3A_826 : memref<1x1x16x768xf32, #tpu.memory_space<vmem_shared>> -> memref<16x768xf32, #tpu.memory_space<vmem_shared>>
    tpu.wait_dma2 semaphore(%arg14 : memref<!tpu.dma_semaphore, #tpu.memory_space<semaphore_mem>>) src(%dma_wait3A_827 : memref<16x768xf32, #tpu.memory_space<vmem_shared>>) dst(%dma_wait3A_823 : memref<16x768xf32, #tpu.memory_space<hbm>>)
    %dma_wait3A_828 = arith.constant 1 : i32
    %dma_wait3A_829 = arith.constant 0 : i32
    %dma_wait3A_830 = tpu.memref_slice %arg5[%add3A_492, %dma_wait3A_829] : memref<65536x768xf32, #tpu.memory_space<hbm>> -> memref<16x768xf32, #tpu.memory_space<hbm>>
    %dma_wait3A_831 = arith.constant 0 : i32
    %dma_wait3A_832 = arith.constant 0 : i32
    %dma_wait3A_833 = tpu.memref_slice %arg10[%arg1, %dma_wait3A_828, %dma_wait3A_831, %dma_wait3A_832] : memref<16x2x16x768xf32, #tpu.memory_space<vmem_shared>> -> memref<1x1x16x768xf32, #tpu.memory_space<vmem_shared>>
    %dma_wait3A_834 = tpu.memref_squeeze %dma_wait3A_833 : memref<1x1x16x768xf32, #tpu.memory_space<vmem_shared>> -> memref<16x768xf32, #tpu.memory_space<vmem_shared>>
    tpu.wait_dma2 semaphore(%arg14 : memref<!tpu.dma_semaphore, #tpu.memory_space<semaphore_mem>>) src(%dma_wait3A_834 : memref<16x768xf32, #tpu.memory_space<vmem_shared>>) dst(%dma_wait3A_830 : memref<16x768xf32, #tpu.memory_space<hbm>>)
    %dma_wait3A_835 = arith.constant 1 : i32
    %dma_wait3A_836 = arith.constant 0 : i32
    %dma_wait3A_837 = tpu.memref_slice %arg5[%add3A_503, %dma_wait3A_836] : memref<65536x768xf32, #tpu.memory_space<hbm>> -> memref<16x768xf32, #tpu.memory_space<hbm>>
    %dma_wait3A_838 = arith.constant 0 : i32
    %dma_wait3A_839 = arith.constant 0 : i32
    %dma_wait3A_840 = tpu.memref_slice %arg10[%arg1, %dma_wait3A_835, %dma_wait3A_838, %dma_wait3A_839] : memref<16x2x16x768xf32, #tpu.memory_space<vmem_shared>> -> memref<1x1x16x768xf32, #tpu.memory_space<vmem_shared>>
    %dma_wait3A_841 = tpu.memref_squeeze %dma_wait3A_840 : memref<1x1x16x768xf32, #tpu.memory_space<vmem_shared>> -> memref<16x768xf32, #tpu.memory_space<vmem_shared>>
    tpu.wait_dma2 semaphore(%arg14 : memref<!tpu.dma_semaphore, #tpu.memory_space<semaphore_mem>>) src(%dma_wait3A_841 : memref<16x768xf32, #tpu.memory_space<vmem_shared>>) dst(%dma_wait3A_837 : memref<16x768xf32, #tpu.memory_space<hbm>>)
    %dma_wait3A_842 = arith.constant 1 : i32
    %dma_wait3A_843 = arith.constant 0 : i32
    %dma_wait3A_844 = tpu.memref_slice %arg5[%add3A_514, %dma_wait3A_843] : memref<65536x768xf32, #tpu.memory_space<hbm>> -> memref<16x768xf32, #tpu.memory_space<hbm>>
    %dma_wait3A_845 = arith.constant 0 : i32
    %dma_wait3A_846 = arith.constant 0 : i32
    %dma_wait3A_847 = tpu.memref_slice %arg10[%arg1, %dma_wait3A_842, %dma_wait3A_845, %dma_wait3A_846] : memref<16x2x16x768xf32, #tpu.memory_space<vmem_shared>> -> memref<1x1x16x768xf32, #tpu.memory_space<vmem_shared>>
    %dma_wait3A_848 = tpu.memref_squeeze %dma_wait3A_847 : memref<1x1x16x768xf32, #tpu.memory_space<vmem_shared>> -> memref<16x768xf32, #tpu.memory_space<vmem_shared>>
    tpu.wait_dma2 semaphore(%arg14 : memref<!tpu.dma_semaphore, #tpu.memory_space<semaphore_mem>>) src(%dma_wait3A_848 : memref<16x768xf32, #tpu.memory_space<vmem_shared>>) dst(%dma_wait3A_844 : memref<16x768xf32, #tpu.memory_space<hbm>>)
    %run_scoped3A_849 = arith.constant 1 : i32
    "tpu.region"() ({
      %run_scoped3A_2148 = tpu.sem_alloc : memref<!tpu.dma_semaphore, #tpu.memory_space<semaphore_mem>>
      %dma_start3A_2149 = arith.constant 16 : i32
      %dma_start3A_2150 = arith.constant 0 : i32
      %dma_start3A_2151 = tpu.memref_slice %arg7[%dma_start3A_2149, %dma_start3A_2150] : memref<64x768xf32, #tpu.memory_space<vmem>> -> memref<16x768xf32, #tpu.memory_space<vmem>>
      %dma_start3A_2152 = arith.constant 0 : i32
      %dma_start3A_2153 = arith.constant 0 : i32
      %dma_start3A_2154 = tpu.memref_slice %arg10[%arg1, %run_scoped3A_849, %dma_start3A_2152, %dma_start3A_2153] : memref<16x2x16x768xf32, #tpu.memory_space<vmem_shared>> -> memref<1x1x16x768xf32, #tpu.memory_space<vmem_shared>>
      %dma_start3A_2155 = tpu.memref_squeeze %dma_start3A_2154 : memref<1x1x16x768xf32, #tpu.memory_space<vmem_shared>> -> memref<16x768xf32, #tpu.memory_space<vmem_shared>>
      %dma_start3A_2156 = arith.constant 0 : i32
      %dma_start3A_2157 = arith.constant 0 : i32
      %dma_start3A_2158 = tpu.memref_slice %arg10[%arg1, %run_scoped3A_849, %dma_start3A_2156, %dma_start3A_2157] : memref<16x2x16x768xf32, #tpu.memory_space<vmem_shared>> -> memref<1x1x16x768xf32, #tpu.memory_space<vmem_shared>>
      %dma_start3A_2159 = tpu.memref_squeeze %dma_start3A_2158 : memref<1x1x16x768xf32, #tpu.memory_space<vmem_shared>> -> memref<16x768xf32, #tpu.memory_space<vmem_shared>>
      %dma_start3A_2160 = arith.constant 16 : i32
      %dma_start3A_2161 = arith.constant 0 : i32
      %dma_start3A_2162 = tpu.memref_slice %arg7[%dma_start3A_2160, %dma_start3A_2161] : memref<64x768xf32, #tpu.memory_space<vmem>> -> memref<16x768xf32, #tpu.memory_space<vmem>>
      tpu.enqueue_dma source(%dma_start3A_2162 : memref<16x768xf32, #tpu.memory_space<vmem>>) target(%dma_start3A_2159 : memref<16x768xf32, #tpu.memory_space<vmem_shared>>) target_semaphore(%run_scoped3A_2148 : memref<!tpu.dma_semaphore, #tpu.memory_space<semaphore_mem>>)
      %dma_wait3A_2163 = arith.constant 16 : i32
      %dma_wait3A_2164 = arith.constant 0 : i32
      %dma_wait3A_2165 = tpu.memref_slice %arg7[%dma_wait3A_2163, %dma_wait3A_2164] : memref<64x768xf32, #tpu.memory_space<vmem>> -> memref<16x768xf32, #tpu.memory_space<vmem>>
      %dma_wait3A_2166 = arith.constant 0 : i32
      %dma_wait3A_2167 = arith.constant 0 : i32
      %dma_wait3A_2168 = tpu.memref_slice %arg10[%arg1, %run_scoped3A_849, %dma_wait3A_2166, %dma_wait3A_2167] : memref<16x2x16x768xf32, #tpu.memory_space<vmem_shared>> -> memref<1x1x16x768xf32, #tpu.memory_space<vmem_shared>>
      %dma_wait3A_2169 = tpu.memref_squeeze %dma_wait3A_2168 : memref<1x1x16x768xf32, #tpu.memory_space<vmem_shared>> -> memref<16x768xf32, #tpu.memory_space<vmem_shared>>
      %dma_wait3A_2170 = arith.constant 0 : i32
      %dma_wait3A_2171 = arith.constant 0 : i32
      %dma_wait3A_2172 = tpu.memref_slice %arg10[%arg1, %run_scoped3A_849, %dma_wait3A_2170, %dma_wait3A_2171] : memref<16x2x16x768xf32, #tpu.memory_space<vmem_shared>> -> memref<1x1x16x768xf32, #tpu.memory_space<vmem_shared>>
      %dma_wait3A_2173 = tpu.memref_squeeze %dma_wait3A_2172 : memref<1x1x16x768xf32, #tpu.memory_space<vmem_shared>> -> memref<16x768xf32, #tpu.memory_space<vmem_shared>>
      %dma_wait3A_2174 = arith.constant 16 : i32
      %dma_wait3A_2175 = arith.constant 0 : i32
      %dma_wait3A_2176 = tpu.memref_slice %arg7[%dma_wait3A_2174, %dma_wait3A_2175] : memref<64x768xf32, #tpu.memory_space<vmem>> -> memref<16x768xf32, #tpu.memory_space<vmem>>
      tpu.wait_dma2 semaphore(%run_scoped3A_2148 : memref<!tpu.dma_semaphore, #tpu.memory_space<semaphore_mem>>) src(%dma_wait3A_2176 : memref<16x768xf32, #tpu.memory_space<vmem>>) dst(%dma_wait3A_2173 : memref<16x768xf32, #tpu.memory_space<vmem_shared>>)
      tpu.yield
    }) : () -> ()
    %add3A_850 = arith.constant 16 : i32
    %add3A_851 = arith.addi %add3A_747, %add3A_850 : i32
    %add3A_852 = arith.constant 0 : i32
    %add3A_853 = arith.addi %add3A_851, %add3A_852 : i32
    %dma_start3A_854 = arith.constant 1 : i32
    %dma_start3A_855 = arith.constant 0 : i32
    %dma_start3A_856 = tpu.memref_slice %arg5[%add3A_853, %dma_start3A_855] : memref<65536x768xf32, #tpu.memory_space<hbm>> -> memref<16x768xf32, #tpu.memory_space<hbm>>
    %dma_start3A_857 = arith.constant 0 : i32
    %dma_start3A_858 = arith.constant 0 : i32
    %dma_start3A_859 = tpu.memref_slice %arg10[%arg1, %dma_start3A_854, %dma_start3A_857, %dma_start3A_858] : memref<16x2x16x768xf32, #tpu.memory_space<vmem_shared>> -> memref<1x1x16x768xf32, #tpu.memory_space<vmem_shared>>
    %dma_start3A_860 = tpu.memref_squeeze %dma_start3A_859 : memref<1x1x16x768xf32, #tpu.memory_space<vmem_shared>> -> memref<16x768xf32, #tpu.memory_space<vmem_shared>>
    tpu.enqueue_dma source(%dma_start3A_860 : memref<16x768xf32, #tpu.memory_space<vmem_shared>>) target(%dma_start3A_856 : memref<16x768xf32, #tpu.memory_space<hbm>>) target_semaphore(%arg14 : memref<!tpu.dma_semaphore, #tpu.memory_space<semaphore_mem>>)
    %add3A_861 = arith.constant 16 : i32
    %add3A_862 = arith.addi %add3A_747, %add3A_861 : i32
    %add3A_863 = arith.constant 16384 : i32
    %add3A_864 = arith.addi %add3A_862, %add3A_863 : i32
    %dma_start3A_865 = arith.constant 1 : i32
    %dma_start3A_866 = arith.constant 0 : i32
    %dma_start3A_867 = tpu.memref_slice %arg5[%add3A_864, %dma_start3A_866] : memref<65536x768xf32, #tpu.memory_space<hbm>> -> memref<16x768xf32, #tpu.memory_space<hbm>>
    %dma_start3A_868 = arith.constant 0 : i32
    %dma_start3A_869 = arith.constant 0 : i32
    %dma_start3A_870 = tpu.memref_slice %arg10[%arg1, %dma_start3A_865, %dma_start3A_868, %dma_start3A_869] : memref<16x2x16x768xf32, #tpu.memory_space<vmem_shared>> -> memref<1x1x16x768xf32, #tpu.memory_space<vmem_shared>>
    %dma_start3A_871 = tpu.memref_squeeze %dma_start3A_870 : memref<1x1x16x768xf32, #tpu.memory_space<vmem_shared>> -> memref<16x768xf32, #tpu.memory_space<vmem_shared>>
    tpu.enqueue_dma source(%dma_start3A_871 : memref<16x768xf32, #tpu.memory_space<vmem_shared>>) target(%dma_start3A_867 : memref<16x768xf32, #tpu.memory_space<hbm>>) target_semaphore(%arg14 : memref<!tpu.dma_semaphore, #tpu.memory_space<semaphore_mem>>)
    %add3A_872 = arith.constant 16 : i32
    %add3A_873 = arith.addi %add3A_747, %add3A_872 : i32
    %add3A_874 = arith.constant 32768 : i32
    %add3A_875 = arith.addi %add3A_873, %add3A_874 : i32
    %dma_start3A_876 = arith.constant 1 : i32
    %dma_start3A_877 = arith.constant 0 : i32
    %dma_start3A_878 = tpu.memref_slice %arg5[%add3A_875, %dma_start3A_877] : memref<65536x768xf32, #tpu.memory_space<hbm>> -> memref<16x768xf32, #tpu.memory_space<hbm>>
    %dma_start3A_879 = arith.constant 0 : i32
    %dma_start3A_880 = arith.constant 0 : i32
    %dma_start3A_881 = tpu.memref_slice %arg10[%arg1, %dma_start3A_876, %dma_start3A_879, %dma_start3A_880] : memref<16x2x16x768xf32, #tpu.memory_space<vmem_shared>> -> memref<1x1x16x768xf32, #tpu.memory_space<vmem_shared>>
    %dma_start3A_882 = tpu.memref_squeeze %dma_start3A_881 : memref<1x1x16x768xf32, #tpu.memory_space<vmem_shared>> -> memref<16x768xf32, #tpu.memory_space<vmem_shared>>
    tpu.enqueue_dma source(%dma_start3A_882 : memref<16x768xf32, #tpu.memory_space<vmem_shared>>) target(%dma_start3A_878 : memref<16x768xf32, #tpu.memory_space<hbm>>) target_semaphore(%arg14 : memref<!tpu.dma_semaphore, #tpu.memory_space<semaphore_mem>>)
    %add3A_883 = arith.constant 16 : i32
    %add3A_884 = arith.addi %add3A_747, %add3A_883 : i32
    %add3A_885 = arith.constant 49152 : i32
    %add3A_886 = arith.addi %add3A_884, %add3A_885 : i32
    %dma_start3A_887 = arith.constant 1 : i32
    %dma_start3A_888 = arith.constant 0 : i32
    %dma_start3A_889 = tpu.memref_slice %arg5[%add3A_886, %dma_start3A_888] : memref<65536x768xf32, #tpu.memory_space<hbm>> -> memref<16x768xf32, #tpu.memory_space<hbm>>
    %dma_start3A_890 = arith.constant 0 : i32
    %dma_start3A_891 = arith.constant 0 : i32
    %dma_start3A_892 = tpu.memref_slice %arg10[%arg1, %dma_start3A_887, %dma_start3A_890, %dma_start3A_891] : memref<16x2x16x768xf32, #tpu.memory_space<vmem_shared>> -> memref<1x1x16x768xf32, #tpu.memory_space<vmem_shared>>
    %dma_start3A_893 = tpu.memref_squeeze %dma_start3A_892 : memref<1x1x16x768xf32, #tpu.memory_space<vmem_shared>> -> memref<16x768xf32, #tpu.memory_space<vmem_shared>>
    tpu.enqueue_dma source(%dma_start3A_893 : memref<16x768xf32, #tpu.memory_space<vmem_shared>>) target(%dma_start3A_889 : memref<16x768xf32, #tpu.memory_space<hbm>>) target_semaphore(%arg14 : memref<!tpu.dma_semaphore, #tpu.memory_space<semaphore_mem>>)
    %dma_wait3A_894 = arith.constant 0 : i32
    %dma_wait3A_895 = arith.constant 0 : i32
    %dma_wait3A_896 = tpu.memref_slice %arg5[%add3A_780, %dma_wait3A_895] : memref<65536x768xf32, #tpu.memory_space<hbm>> -> memref<16x768xf32, #tpu.memory_space<hbm>>
    %dma_wait3A_897 = arith.constant 0 : i32
    %dma_wait3A_898 = arith.constant 0 : i32
    %dma_wait3A_899 = tpu.memref_slice %arg10[%arg1, %dma_wait3A_894, %dma_wait3A_897, %dma_wait3A_898] : memref<16x2x16x768xf32, #tpu.memory_space<vmem_shared>> -> memref<1x1x16x768xf32, #tpu.memory_space<vmem_shared>>
    %dma_wait3A_900 = tpu.memref_squeeze %dma_wait3A_899 : memref<1x1x16x768xf32, #tpu.memory_space<vmem_shared>> -> memref<16x768xf32, #tpu.memory_space<vmem_shared>>
    tpu.wait_dma2 semaphore(%arg13 : memref<!tpu.dma_semaphore, #tpu.memory_space<semaphore_mem>>) src(%dma_wait3A_900 : memref<16x768xf32, #tpu.memory_space<vmem_shared>>) dst(%dma_wait3A_896 : memref<16x768xf32, #tpu.memory_space<hbm>>)
    %dma_wait3A_901 = arith.constant 0 : i32
    %dma_wait3A_902 = arith.constant 0 : i32
    %dma_wait3A_903 = tpu.memref_slice %arg5[%add3A_791, %dma_wait3A_902] : memref<65536x768xf32, #tpu.memory_space<hbm>> -> memref<16x768xf32, #tpu.memory_space<hbm>>
    %dma_wait3A_904 = arith.constant 0 : i32
    %dma_wait3A_905 = arith.constant 0 : i32
    %dma_wait3A_906 = tpu.memref_slice %arg10[%arg1, %dma_wait3A_901, %dma_wait3A_904, %dma_wait3A_905] : memref<16x2x16x768xf32, #tpu.memory_space<vmem_shared>> -> memref<1x1x16x768xf32, #tpu.memory_space<vmem_shared>>
    %dma_wait3A_907 = tpu.memref_squeeze %dma_wait3A_906 : memref<1x1x16x768xf32, #tpu.memory_space<vmem_shared>> -> memref<16x768xf32, #tpu.memory_space<vmem_shared>>
    tpu.wait_dma2 semaphore(%arg13 : memref<!tpu.dma_semaphore, #tpu.memory_space<semaphore_mem>>) src(%dma_wait3A_907 : memref<16x768xf32, #tpu.memory_space<vmem_shared>>) dst(%dma_wait3A_903 : memref<16x768xf32, #tpu.memory_space<hbm>>)
    %dma_wait3A_908 = arith.constant 0 : i32
    %dma_wait3A_909 = arith.constant 0 : i32
    %dma_wait3A_910 = tpu.memref_slice %arg5[%add3A_802, %dma_wait3A_909] : memref<65536x768xf32, #tpu.memory_space<hbm>> -> memref<16x768xf32, #tpu.memory_space<hbm>>
    %dma_wait3A_911 = arith.constant 0 : i32
    %dma_wait3A_912 = arith.constant 0 : i32
    %dma_wait3A_913 = tpu.memref_slice %arg10[%arg1, %dma_wait3A_908, %dma_wait3A_911, %dma_wait3A_912] : memref<16x2x16x768xf32, #tpu.memory_space<vmem_shared>> -> memref<1x1x16x768xf32, #tpu.memory_space<vmem_shared>>
    %dma_wait3A_914 = tpu.memref_squeeze %dma_wait3A_913 : memref<1x1x16x768xf32, #tpu.memory_space<vmem_shared>> -> memref<16x768xf32, #tpu.memory_space<vmem_shared>>
    tpu.wait_dma2 semaphore(%arg13 : memref<!tpu.dma_semaphore, #tpu.memory_space<semaphore_mem>>) src(%dma_wait3A_914 : memref<16x768xf32, #tpu.memory_space<vmem_shared>>) dst(%dma_wait3A_910 : memref<16x768xf32, #tpu.memory_space<hbm>>)
    %dma_wait3A_915 = arith.constant 0 : i32
    %dma_wait3A_916 = arith.constant 0 : i32
    %dma_wait3A_917 = tpu.memref_slice %arg5[%add3A_813, %dma_wait3A_916] : memref<65536x768xf32, #tpu.memory_space<hbm>> -> memref<16x768xf32, #tpu.memory_space<hbm>>
    %dma_wait3A_918 = arith.constant 0 : i32
    %dma_wait3A_919 = arith.constant 0 : i32
    %dma_wait3A_920 = tpu.memref_slice %arg10[%arg1, %dma_wait3A_915, %dma_wait3A_918, %dma_wait3A_919] : memref<16x2x16x768xf32, #tpu.memory_space<vmem_shared>> -> memref<1x1x16x768xf32, #tpu.memory_space<vmem_shared>>
    %dma_wait3A_921 = tpu.memref_squeeze %dma_wait3A_920 : memref<1x1x16x768xf32, #tpu.memory_space<vmem_shared>> -> memref<16x768xf32, #tpu.memory_space<vmem_shared>>
    tpu.wait_dma2 semaphore(%arg13 : memref<!tpu.dma_semaphore, #tpu.memory_space<semaphore_mem>>) src(%dma_wait3A_921 : memref<16x768xf32, #tpu.memory_space<vmem_shared>>) dst(%dma_wait3A_917 : memref<16x768xf32, #tpu.memory_space<hbm>>)
    %run_scoped3A_922 = arith.constant 0 : i32
    "tpu.region"() ({
      %run_scoped3A_2148 = tpu.sem_alloc : memref<!tpu.dma_semaphore, #tpu.memory_space<semaphore_mem>>
      %dma_start3A_2149 = arith.constant 32 : i32
      %dma_start3A_2150 = arith.constant 0 : i32
      %dma_start3A_2151 = tpu.memref_slice %arg7[%dma_start3A_2149, %dma_start3A_2150] : memref<64x768xf32, #tpu.memory_space<vmem>> -> memref<16x768xf32, #tpu.memory_space<vmem>>
      %dma_start3A_2152 = arith.constant 0 : i32
      %dma_start3A_2153 = arith.constant 0 : i32
      %dma_start3A_2154 = tpu.memref_slice %arg10[%arg1, %run_scoped3A_922, %dma_start3A_2152, %dma_start3A_2153] : memref<16x2x16x768xf32, #tpu.memory_space<vmem_shared>> -> memref<1x1x16x768xf32, #tpu.memory_space<vmem_shared>>
      %dma_start3A_2155 = tpu.memref_squeeze %dma_start3A_2154 : memref<1x1x16x768xf32, #tpu.memory_space<vmem_shared>> -> memref<16x768xf32, #tpu.memory_space<vmem_shared>>
      %dma_start3A_2156 = arith.constant 0 : i32
      %dma_start3A_2157 = arith.constant 0 : i32
      %dma_start3A_2158 = tpu.memref_slice %arg10[%arg1, %run_scoped3A_922, %dma_start3A_2156, %dma_start3A_2157] : memref<16x2x16x768xf32, #tpu.memory_space<vmem_shared>> -> memref<1x1x16x768xf32, #tpu.memory_space<vmem_shared>>
      %dma_start3A_2159 = tpu.memref_squeeze %dma_start3A_2158 : memref<1x1x16x768xf32, #tpu.memory_space<vmem_shared>> -> memref<16x768xf32, #tpu.memory_space<vmem_shared>>
      %dma_start3A_2160 = arith.constant 32 : i32
      %dma_start3A_2161 = arith.constant 0 : i32
      %dma_start3A_2162 = tpu.memref_slice %arg7[%dma_start3A_2160, %dma_start3A_2161] : memref<64x768xf32, #tpu.memory_space<vmem>> -> memref<16x768xf32, #tpu.memory_space<vmem>>
      tpu.enqueue_dma source(%dma_start3A_2162 : memref<16x768xf32, #tpu.memory_space<vmem>>) target(%dma_start3A_2159 : memref<16x768xf32, #tpu.memory_space<vmem_shared>>) target_semaphore(%run_scoped3A_2148 : memref<!tpu.dma_semaphore, #tpu.memory_space<semaphore_mem>>)
      %dma_wait3A_2163 = arith.constant 32 : i32
      %dma_wait3A_2164 = arith.constant 0 : i32
      %dma_wait3A_2165 = tpu.memref_slice %arg7[%dma_wait3A_2163, %dma_wait3A_2164] : memref<64x768xf32, #tpu.memory_space<vmem>> -> memref<16x768xf32, #tpu.memory_space<vmem>>
      %dma_wait3A_2166 = arith.constant 0 : i32
      %dma_wait3A_2167 = arith.constant 0 : i32
      %dma_wait3A_2168 = tpu.memref_slice %arg10[%arg1, %run_scoped3A_922, %dma_wait3A_2166, %dma_wait3A_2167] : memref<16x2x16x768xf32, #tpu.memory_space<vmem_shared>> -> memref<1x1x16x768xf32, #tpu.memory_space<vmem_shared>>
      %dma_wait3A_2169 = tpu.memref_squeeze %dma_wait3A_2168 : memref<1x1x16x768xf32, #tpu.memory_space<vmem_shared>> -> memref<16x768xf32, #tpu.memory_space<vmem_shared>>
      %dma_wait3A_2170 = arith.constant 0 : i32
      %dma_wait3A_2171 = arith.constant 0 : i32
      %dma_wait3A_2172 = tpu.memref_slice %arg10[%arg1, %run_scoped3A_922, %dma_wait3A_2170, %dma_wait3A_2171] : memref<16x2x16x768xf32, #tpu.memory_space<vmem_shared>> -> memref<1x1x16x768xf32, #tpu.memory_space<vmem_shared>>
      %dma_wait3A_2173 = tpu.memref_squeeze %dma_wait3A_2172 : memref<1x1x16x768xf32, #tpu.memory_space<vmem_shared>> -> memref<16x768xf32, #tpu.memory_space<vmem_shared>>
      %dma_wait3A_2174 = arith.constant 32 : i32
      %dma_wait3A_2175 = arith.constant 0 : i32
      %dma_wait3A_2176 = tpu.memref_slice %arg7[%dma_wait3A_2174, %dma_wait3A_2175] : memref<64x768xf32, #tpu.memory_space<vmem>> -> memref<16x768xf32, #tpu.memory_space<vmem>>
      tpu.wait_dma2 semaphore(%run_scoped3A_2148 : memref<!tpu.dma_semaphore, #tpu.memory_space<semaphore_mem>>) src(%dma_wait3A_2176 : memref<16x768xf32, #tpu.memory_space<vmem>>) dst(%dma_wait3A_2173 : memref<16x768xf32, #tpu.memory_space<vmem_shared>>)
      tpu.yield
    }) : () -> ()
    %add3A_923 = arith.constant 32 : i32
    %add3A_924 = arith.addi %add3A_747, %add3A_923 : i32
    %add3A_925 = arith.constant 0 : i32
    %add3A_926 = arith.addi %add3A_924, %add3A_925 : i32
    %dma_start3A_927 = arith.constant 0 : i32
    %dma_start3A_928 = arith.constant 0 : i32
    %dma_start3A_929 = tpu.memref_slice %arg5[%add3A_926, %dma_start3A_928] : memref<65536x768xf32, #tpu.memory_space<hbm>> -> memref<16x768xf32, #tpu.memory_space<hbm>>
    %dma_start3A_930 = arith.constant 0 : i32
    %dma_start3A_931 = arith.constant 0 : i32
    %dma_start3A_932 = tpu.memref_slice %arg10[%arg1, %dma_start3A_927, %dma_start3A_930, %dma_start3A_931] : memref<16x2x16x768xf32, #tpu.memory_space<vmem_shared>> -> memref<1x1x16x768xf32, #tpu.memory_space<vmem_shared>>
    %dma_start3A_933 = tpu.memref_squeeze %dma_start3A_932 : memref<1x1x16x768xf32, #tpu.memory_space<vmem_shared>> -> memref<16x768xf32, #tpu.memory_space<vmem_shared>>
    tpu.enqueue_dma source(%dma_start3A_933 : memref<16x768xf32, #tpu.memory_space<vmem_shared>>) target(%dma_start3A_929 : memref<16x768xf32, #tpu.memory_space<hbm>>) target_semaphore(%arg13 : memref<!tpu.dma_semaphore, #tpu.memory_space<semaphore_mem>>)
    %add3A_934 = arith.constant 32 : i32
    %add3A_935 = arith.addi %add3A_747, %add3A_934 : i32
    %add3A_936 = arith.constant 16384 : i32
    %add3A_937 = arith.addi %add3A_935, %add3A_936 : i32
    %dma_start3A_938 = arith.constant 0 : i32
    %dma_start3A_939 = arith.constant 0 : i32
    %dma_start3A_940 = tpu.memref_slice %arg5[%add3A_937, %dma_start3A_939] : memref<65536x768xf32, #tpu.memory_space<hbm>> -> memref<16x768xf32, #tpu.memory_space<hbm>>
    %dma_start3A_941 = arith.constant 0 : i32
    %dma_start3A_942 = arith.constant 0 : i32
    %dma_start3A_943 = tpu.memref_slice %arg10[%arg1, %dma_start3A_938, %dma_start3A_941, %dma_start3A_942] : memref<16x2x16x768xf32, #tpu.memory_space<vmem_shared>> -> memref<1x1x16x768xf32, #tpu.memory_space<vmem_shared>>
    %dma_start3A_944 = tpu.memref_squeeze %dma_start3A_943 : memref<1x1x16x768xf32, #tpu.memory_space<vmem_shared>> -> memref<16x768xf32, #tpu.memory_space<vmem_shared>>
    tpu.enqueue_dma source(%dma_start3A_944 : memref<16x768xf32, #tpu.memory_space<vmem_shared>>) target(%dma_start3A_940 : memref<16x768xf32, #tpu.memory_space<hbm>>) target_semaphore(%arg13 : memref<!tpu.dma_semaphore, #tpu.memory_space<semaphore_mem>>)
    %add3A_945 = arith.constant 32 : i32
    %add3A_946 = arith.addi %add3A_747, %add3A_945 : i32
    %add3A_947 = arith.constant 32768 : i32
    %add3A_948 = arith.addi %add3A_946, %add3A_947 : i32
    %dma_start3A_949 = arith.constant 0 : i32
    %dma_start3A_950 = arith.constant 0 : i32
    %dma_start3A_951 = tpu.memref_slice %arg5[%add3A_948, %dma_start3A_950] : memref<65536x768xf32, #tpu.memory_space<hbm>> -> memref<16x768xf32, #tpu.memory_space<hbm>>
    %dma_start3A_952 = arith.constant 0 : i32
    %dma_start3A_953 = arith.constant 0 : i32
    %dma_start3A_954 = tpu.memref_slice %arg10[%arg1, %dma_start3A_949, %dma_start3A_952, %dma_start3A_953] : memref<16x2x16x768xf32, #tpu.memory_space<vmem_shared>> -> memref<1x1x16x768xf32, #tpu.memory_space<vmem_shared>>
    %dma_start3A_955 = tpu.memref_squeeze %dma_start3A_954 : memref<1x1x16x768xf32, #tpu.memory_space<vmem_shared>> -> memref<16x768xf32, #tpu.memory_space<vmem_shared>>
    tpu.enqueue_dma source(%dma_start3A_955 : memref<16x768xf32, #tpu.memory_space<vmem_shared>>) target(%dma_start3A_951 : memref<16x768xf32, #tpu.memory_space<hbm>>) target_semaphore(%arg13 : memref<!tpu.dma_semaphore, #tpu.memory_space<semaphore_mem>>)
    %add3A_956 = arith.constant 32 : i32
    %add3A_957 = arith.addi %add3A_747, %add3A_956 : i32
    %add3A_958 = arith.constant 49152 : i32
    %add3A_959 = arith.addi %add3A_957, %add3A_958 : i32
    %dma_start3A_960 = arith.constant 0 : i32
    %dma_start3A_961 = arith.constant 0 : i32
    %dma_start3A_962 = tpu.memref_slice %arg5[%add3A_959, %dma_start3A_961] : memref<65536x768xf32, #tpu.memory_space<hbm>> -> memref<16x768xf32, #tpu.memory_space<hbm>>
    %dma_start3A_963 = arith.constant 0 : i32
    %dma_start3A_964 = arith.constant 0 : i32
    %dma_start3A_965 = tpu.memref_slice %arg10[%arg1, %dma_start3A_960, %dma_start3A_963, %dma_start3A_964] : memref<16x2x16x768xf32, #tpu.memory_space<vmem_shared>> -> memref<1x1x16x768xf32, #tpu.memory_space<vmem_shared>>
    %dma_start3A_966 = tpu.memref_squeeze %dma_start3A_965 : memref<1x1x16x768xf32, #tpu.memory_space<vmem_shared>> -> memref<16x768xf32, #tpu.memory_space<vmem_shared>>
    tpu.enqueue_dma source(%dma_start3A_966 : memref<16x768xf32, #tpu.memory_space<vmem_shared>>) target(%dma_start3A_962 : memref<16x768xf32, #tpu.memory_space<hbm>>) target_semaphore(%arg13 : memref<!tpu.dma_semaphore, #tpu.memory_space<semaphore_mem>>)
    %dma_wait3A_967 = arith.constant 1 : i32
    %dma_wait3A_968 = arith.constant 0 : i32
    %dma_wait3A_969 = tpu.memref_slice %arg5[%add3A_853, %dma_wait3A_968] : memref<65536x768xf32, #tpu.memory_space<hbm>> -> memref<16x768xf32, #tpu.memory_space<hbm>>
    %dma_wait3A_970 = arith.constant 0 : i32
    %dma_wait3A_971 = arith.constant 0 : i32
    %dma_wait3A_972 = tpu.memref_slice %arg10[%arg1, %dma_wait3A_967, %dma_wait3A_970, %dma_wait3A_971] : memref<16x2x16x768xf32, #tpu.memory_space<vmem_shared>> -> memref<1x1x16x768xf32, #tpu.memory_space<vmem_shared>>
    %dma_wait3A_973 = tpu.memref_squeeze %dma_wait3A_972 : memref<1x1x16x768xf32, #tpu.memory_space<vmem_shared>> -> memref<16x768xf32, #tpu.memory_space<vmem_shared>>
    tpu.wait_dma2 semaphore(%arg14 : memref<!tpu.dma_semaphore, #tpu.memory_space<semaphore_mem>>) src(%dma_wait3A_973 : memref<16x768xf32, #tpu.memory_space<vmem_shared>>) dst(%dma_wait3A_969 : memref<16x768xf32, #tpu.memory_space<hbm>>)
    %dma_wait3A_974 = arith.constant 1 : i32
    %dma_wait3A_975 = arith.constant 0 : i32
    %dma_wait3A_976 = tpu.memref_slice %arg5[%add3A_864, %dma_wait3A_975] : memref<65536x768xf32, #tpu.memory_space<hbm>> -> memref<16x768xf32, #tpu.memory_space<hbm>>
    %dma_wait3A_977 = arith.constant 0 : i32
    %dma_wait3A_978 = arith.constant 0 : i32
    %dma_wait3A_979 = tpu.memref_slice %arg10[%arg1, %dma_wait3A_974, %dma_wait3A_977, %dma_wait3A_978] : memref<16x2x16x768xf32, #tpu.memory_space<vmem_shared>> -> memref<1x1x16x768xf32, #tpu.memory_space<vmem_shared>>
    %dma_wait3A_980 = tpu.memref_squeeze %dma_wait3A_979 : memref<1x1x16x768xf32, #tpu.memory_space<vmem_shared>> -> memref<16x768xf32, #tpu.memory_space<vmem_shared>>
    tpu.wait_dma2 semaphore(%arg14 : memref<!tpu.dma_semaphore, #tpu.memory_space<semaphore_mem>>) src(%dma_wait3A_980 : memref<16x768xf32, #tpu.memory_space<vmem_shared>>) dst(%dma_wait3A_976 : memref<16x768xf32, #tpu.memory_space<hbm>>)
    %dma_wait3A_981 = arith.constant 1 : i32
    %dma_wait3A_982 = arith.constant 0 : i32
    %dma_wait3A_983 = tpu.memref_slice %arg5[%add3A_875, %dma_wait3A_982] : memref<65536x768xf32, #tpu.memory_space<hbm>> -> memref<16x768xf32, #tpu.memory_space<hbm>>
    %dma_wait3A_984 = arith.constant 0 : i32
    %dma_wait3A_985 = arith.constant 0 : i32
    %dma_wait3A_986 = tpu.memref_slice %arg10[%arg1, %dma_wait3A_981, %dma_wait3A_984, %dma_wait3A_985] : memref<16x2x16x768xf32, #tpu.memory_space<vmem_shared>> -> memref<1x1x16x768xf32, #tpu.memory_space<vmem_shared>>
    %dma_wait3A_987 = tpu.memref_squeeze %dma_wait3A_986 : memref<1x1x16x768xf32, #tpu.memory_space<vmem_shared>> -> memref<16x768xf32, #tpu.memory_space<vmem_shared>>
    tpu.wait_dma2 semaphore(%arg14 : memref<!tpu.dma_semaphore, #tpu.memory_space<semaphore_mem>>) src(%dma_wait3A_987 : memref<16x768xf32, #tpu.memory_space<vmem_shared>>) dst(%dma_wait3A_983 : memref<16x768xf32, #tpu.memory_space<hbm>>)
    %dma_wait3A_988 = arith.constant 1 : i32
    %dma_wait3A_989 = arith.constant 0 : i32
    %dma_wait3A_990 = tpu.memref_slice %arg5[%add3A_886, %dma_wait3A_989] : memref<65536x768xf32, #tpu.memory_space<hbm>> -> memref<16x768xf32, #tpu.memory_space<hbm>>
    %dma_wait3A_991 = arith.constant 0 : i32
    %dma_wait3A_992 = arith.constant 0 : i32
    %dma_wait3A_993 = tpu.memref_slice %arg10[%arg1, %dma_wait3A_988, %dma_wait3A_991, %dma_wait3A_992] : memref<16x2x16x768xf32, #tpu.memory_space<vmem_shared>> -> memref<1x1x16x768xf32, #tpu.memory_space<vmem_shared>>
    %dma_wait3A_994 = tpu.memref_squeeze %dma_wait3A_993 : memref<1x1x16x768xf32, #tpu.memory_space<vmem_shared>> -> memref<16x768xf32, #tpu.memory_space<vmem_shared>>
    tpu.wait_dma2 semaphore(%arg14 : memref<!tpu.dma_semaphore, #tpu.memory_space<semaphore_mem>>) src(%dma_wait3A_994 : memref<16x768xf32, #tpu.memory_space<vmem_shared>>) dst(%dma_wait3A_990 : memref<16x768xf32, #tpu.memory_space<hbm>>)
    %run_scoped3A_995 = arith.constant 1 : i32
    "tpu.region"() ({
      %run_scoped3A_2148 = tpu.sem_alloc : memref<!tpu.dma_semaphore, #tpu.memory_space<semaphore_mem>>
      %dma_start3A_2149 = arith.constant 48 : i32
      %dma_start3A_2150 = arith.constant 0 : i32
      %dma_start3A_2151 = tpu.memref_slice %arg7[%dma_start3A_2149, %dma_start3A_2150] : memref<64x768xf32, #tpu.memory_space<vmem>> -> memref<16x768xf32, #tpu.memory_space<vmem>>
      %dma_start3A_2152 = arith.constant 0 : i32
      %dma_start3A_2153 = arith.constant 0 : i32
      %dma_start3A_2154 = tpu.memref_slice %arg10[%arg1, %run_scoped3A_995, %dma_start3A_2152, %dma_start3A_2153] : memref<16x2x16x768xf32, #tpu.memory_space<vmem_shared>> -> memref<1x1x16x768xf32, #tpu.memory_space<vmem_shared>>
      %dma_start3A_2155 = tpu.memref_squeeze %dma_start3A_2154 : memref<1x1x16x768xf32, #tpu.memory_space<vmem_shared>> -> memref<16x768xf32, #tpu.memory_space<vmem_shared>>
      %dma_start3A_2156 = arith.constant 0 : i32
      %dma_start3A_2157 = arith.constant 0 : i32
      %dma_start3A_2158 = tpu.memref_slice %arg10[%arg1, %run_scoped3A_995, %dma_start3A_2156, %dma_start3A_2157] : memref<16x2x16x768xf32, #tpu.memory_space<vmem_shared>> -> memref<1x1x16x768xf32, #tpu.memory_space<vmem_shared>>
      %dma_start3A_2159 = tpu.memref_squeeze %dma_start3A_2158 : memref<1x1x16x768xf32, #tpu.memory_space<vmem_shared>> -> memref<16x768xf32, #tpu.memory_space<vmem_shared>>
      %dma_start3A_2160 = arith.constant 48 : i32
      %dma_start3A_2161 = arith.constant 0 : i32
      %dma_start3A_2162 = tpu.memref_slice %arg7[%dma_start3A_2160, %dma_start3A_2161] : memref<64x768xf32, #tpu.memory_space<vmem>> -> memref<16x768xf32, #tpu.memory_space<vmem>>
      tpu.enqueue_dma source(%dma_start3A_2162 : memref<16x768xf32, #tpu.memory_space<vmem>>) target(%dma_start3A_2159 : memref<16x768xf32, #tpu.memory_space<vmem_shared>>) target_semaphore(%run_scoped3A_2148 : memref<!tpu.dma_semaphore, #tpu.memory_space<semaphore_mem>>)
      %dma_wait3A_2163 = arith.constant 48 : i32
      %dma_wait3A_2164 = arith.constant 0 : i32
      %dma_wait3A_2165 = tpu.memref_slice %arg7[%dma_wait3A_2163, %dma_wait3A_2164] : memref<64x768xf32, #tpu.memory_space<vmem>> -> memref<16x768xf32, #tpu.memory_space<vmem>>
      %dma_wait3A_2166 = arith.constant 0 : i32
      %dma_wait3A_2167 = arith.constant 0 : i32
      %dma_wait3A_2168 = tpu.memref_slice %arg10[%arg1, %run_scoped3A_995, %dma_wait3A_2166, %dma_wait3A_2167] : memref<16x2x16x768xf32, #tpu.memory_space<vmem_shared>> -> memref<1x1x16x768xf32, #tpu.memory_space<vmem_shared>>
      %dma_wait3A_2169 = tpu.memref_squeeze %dma_wait3A_2168 : memref<1x1x16x768xf32, #tpu.memory_space<vmem_shared>> -> memref<16x768xf32, #tpu.memory_space<vmem_shared>>
      %dma_wait3A_2170 = arith.constant 0 : i32
      %dma_wait3A_2171 = arith.constant 0 : i32
      %dma_wait3A_2172 = tpu.memref_slice %arg10[%arg1, %run_scoped3A_995, %dma_wait3A_2170, %dma_wait3A_2171] : memref<16x2x16x768xf32, #tpu.memory_space<vmem_shared>> -> memref<1x1x16x768xf32, #tpu.memory_space<vmem_shared>>
      %dma_wait3A_2173 = tpu.memref_squeeze %dma_wait3A_2172 : memref<1x1x16x768xf32, #tpu.memory_space<vmem_shared>> -> memref<16x768xf32, #tpu.memory_space<vmem_shared>>
      %dma_wait3A_2174 = arith.constant 48 : i32
      %dma_wait3A_2175 = arith.constant 0 : i32
      %dma_wait3A_2176 = tpu.memref_slice %arg7[%dma_wait3A_2174, %dma_wait3A_2175] : memref<64x768xf32, #tpu.memory_space<vmem>> -> memref<16x768xf32, #tpu.memory_space<vmem>>
      tpu.wait_dma2 semaphore(%run_scoped3A_2148 : memref<!tpu.dma_semaphore, #tpu.memory_space<semaphore_mem>>) src(%dma_wait3A_2176 : memref<16x768xf32, #tpu.memory_space<vmem>>) dst(%dma_wait3A_2173 : memref<16x768xf32, #tpu.memory_space<vmem_shared>>)
      tpu.yield
    }) : () -> ()
    %add3A_996 = arith.constant 48 : i32
    %add3A_997 = arith.addi %add3A_747, %add3A_996 : i32
    %add3A_998 = arith.constant 0 : i32
    %add3A_999 = arith.addi %add3A_997, %add3A_998 : i32
    %dma_start3A_1000 = arith.constant 1 : i32
    %dma_start3A_1001 = arith.constant 0 : i32
    %dma_start3A_1002 = tpu.memref_slice %arg5[%add3A_999, %dma_start3A_1001] : memref<65536x768xf32, #tpu.memory_space<hbm>> -> memref<16x768xf32, #tpu.memory_space<hbm>>
    %dma_start3A_1003 = arith.constant 0 : i32
    %dma_start3A_1004 = arith.constant 0 : i32
    %dma_start3A_1005 = tpu.memref_slice %arg10[%arg1, %dma_start3A_1000, %dma_start3A_1003, %dma_start3A_1004] : memref<16x2x16x768xf32, #tpu.memory_space<vmem_shared>> -> memref<1x1x16x768xf32, #tpu.memory_space<vmem_shared>>
    %dma_start3A_1006 = tpu.memref_squeeze %dma_start3A_1005 : memref<1x1x16x768xf32, #tpu.memory_space<vmem_shared>> -> memref<16x768xf32, #tpu.memory_space<vmem_shared>>
    tpu.enqueue_dma source(%dma_start3A_1006 : memref<16x768xf32, #tpu.memory_space<vmem_shared>>) target(%dma_start3A_1002 : memref<16x768xf32, #tpu.memory_space<hbm>>) target_semaphore(%arg14 : memref<!tpu.dma_semaphore, #tpu.memory_space<semaphore_mem>>)
    %add3A_1007 = arith.constant 48 : i32
    %add3A_1008 = arith.addi %add3A_747, %add3A_1007 : i32
    %add3A_1009 = arith.constant 16384 : i32
    %add3A_1010 = arith.addi %add3A_1008, %add3A_1009 : i32
    %dma_start3A_1011 = arith.constant 1 : i32
    %dma_start3A_1012 = arith.constant 0 : i32
    %dma_start3A_1013 = tpu.memref_slice %arg5[%add3A_1010, %dma_start3A_1012] : memref<65536x768xf32, #tpu.memory_space<hbm>> -> memref<16x768xf32, #tpu.memory_space<hbm>>
    %dma_start3A_1014 = arith.constant 0 : i32
    %dma_start3A_1015 = arith.constant 0 : i32
    %dma_start3A_1016 = tpu.memref_slice %arg10[%arg1, %dma_start3A_1011, %dma_start3A_1014, %dma_start3A_1015] : memref<16x2x16x768xf32, #tpu.memory_space<vmem_shared>> -> memref<1x1x16x768xf32, #tpu.memory_space<vmem_shared>>
    %dma_start3A_1017 = tpu.memref_squeeze %dma_start3A_1016 : memref<1x1x16x768xf32, #tpu.memory_space<vmem_shared>> -> memref<16x768xf32, #tpu.memory_space<vmem_shared>>
    tpu.enqueue_dma source(%dma_start3A_1017 : memref<16x768xf32, #tpu.memory_space<vmem_shared>>) target(%dma_start3A_1013 : memref<16x768xf32, #tpu.memory_space<hbm>>) target_semaphore(%arg14 : memref<!tpu.dma_semaphore, #tpu.memory_space<semaphore_mem>>)
    %add3A_1018 = arith.constant 48 : i32
    %add3A_1019 = arith.addi %add3A_747, %add3A_1018 : i32
    %add3A_1020 = arith.constant 32768 : i32
    %add3A_1021 = arith.addi %add3A_1019, %add3A_1020 : i32
    %dma_start3A_1022 = arith.constant 1 : i32
    %dma_start3A_1023 = arith.constant 0 : i32
    %dma_start3A_1024 = tpu.memref_slice %arg5[%add3A_1021, %dma_start3A_1023] : memref<65536x768xf32, #tpu.memory_space<hbm>> -> memref<16x768xf32, #tpu.memory_space<hbm>>
    %dma_start3A_1025 = arith.constant 0 : i32
    %dma_start3A_1026 = arith.constant 0 : i32
    %dma_start3A_1027 = tpu.memref_slice %arg10[%arg1, %dma_start3A_1022, %dma_start3A_1025, %dma_start3A_1026] : memref<16x2x16x768xf32, #tpu.memory_space<vmem_shared>> -> memref<1x1x16x768xf32, #tpu.memory_space<vmem_shared>>
    %dma_start3A_1028 = tpu.memref_squeeze %dma_start3A_1027 : memref<1x1x16x768xf32, #tpu.memory_space<vmem_shared>> -> memref<16x768xf32, #tpu.memory_space<vmem_shared>>
    tpu.enqueue_dma source(%dma_start3A_1028 : memref<16x768xf32, #tpu.memory_space<vmem_shared>>) target(%dma_start3A_1024 : memref<16x768xf32, #tpu.memory_space<hbm>>) target_semaphore(%arg14 : memref<!tpu.dma_semaphore, #tpu.memory_space<semaphore_mem>>)
    %add3A_1029 = arith.constant 48 : i32
    %add3A_1030 = arith.addi %add3A_747, %add3A_1029 : i32
    %add3A_1031 = arith.constant 49152 : i32
    %add3A_1032 = arith.addi %add3A_1030, %add3A_1031 : i32
    %dma_start3A_1033 = arith.constant 1 : i32
    %dma_start3A_1034 = arith.constant 0 : i32
    %dma_start3A_1035 = tpu.memref_slice %arg5[%add3A_1032, %dma_start3A_1034] : memref<65536x768xf32, #tpu.memory_space<hbm>> -> memref<16x768xf32, #tpu.memory_space<hbm>>
    %dma_start3A_1036 = arith.constant 0 : i32
    %dma_start3A_1037 = arith.constant 0 : i32
    %dma_start3A_1038 = tpu.memref_slice %arg10[%arg1, %dma_start3A_1033, %dma_start3A_1036, %dma_start3A_1037] : memref<16x2x16x768xf32, #tpu.memory_space<vmem_shared>> -> memref<1x1x16x768xf32, #tpu.memory_space<vmem_shared>>
    %dma_start3A_1039 = tpu.memref_squeeze %dma_start3A_1038 : memref<1x1x16x768xf32, #tpu.memory_space<vmem_shared>> -> memref<16x768xf32, #tpu.memory_space<vmem_shared>>
    tpu.enqueue_dma source(%dma_start3A_1039 : memref<16x768xf32, #tpu.memory_space<vmem_shared>>) target(%dma_start3A_1035 : memref<16x768xf32, #tpu.memory_space<hbm>>) target_semaphore(%arg14 : memref<!tpu.dma_semaphore, #tpu.memory_space<semaphore_mem>>)
    %dma_wait3A_1040 = arith.constant 0 : i32
    %dma_wait3A_1041 = tpu.memref_slice %arg5[%add3A_632, %dma_wait3A_1040] : memref<65536x768xf32, #tpu.memory_space<hbm>> -> memref<64x768xf32, #tpu.memory_space<hbm>>
    %dma_wait3A_1042 = arith.constant 0 : i32
    %dma_wait3A_1043 = tpu.memref_slice %arg5[%add3A_632, %dma_wait3A_1042] : memref<65536x768xf32, #tpu.memory_space<hbm>> -> memref<64x768xf32, #tpu.memory_space<hbm>>
    tpu.wait_dma2 semaphore(%arg11 : memref<!tpu.dma_semaphore, #tpu.memory_space<semaphore_mem>>) src(%arg6 : memref<64x768xf32, #tpu.memory_space<vmem>>) dst(%dma_wait3A_1043 : memref<64x768xf32, #tpu.memory_space<hbm>>)
    %dma_wait3A_1044 = arith.constant 0 : i32
    %dma_wait3A_1045 = tpu.memref_slice %arg5[%add3A_638, %dma_wait3A_1044] : memref<65536x768xf32, #tpu.memory_space<hbm>> -> memref<64x768xf32, #tpu.memory_space<hbm>>
    %dma_wait3A_1046 = arith.constant 0 : i32
    %dma_wait3A_1047 = tpu.memref_slice %arg5[%add3A_638, %dma_wait3A_1046] : memref<65536x768xf32, #tpu.memory_space<hbm>> -> memref<64x768xf32, #tpu.memory_space<hbm>>
    tpu.wait_dma2 semaphore(%arg11 : memref<!tpu.dma_semaphore, #tpu.memory_space<semaphore_mem>>) src(%arg6 : memref<64x768xf32, #tpu.memory_space<vmem>>) dst(%dma_wait3A_1047 : memref<64x768xf32, #tpu.memory_space<hbm>>)
    %dma_wait3A_1048 = arith.constant 0 : i32
    %dma_wait3A_1049 = tpu.memref_slice %arg5[%add3A_644, %dma_wait3A_1048] : memref<65536x768xf32, #tpu.memory_space<hbm>> -> memref<64x768xf32, #tpu.memory_space<hbm>>
    %dma_wait3A_1050 = arith.constant 0 : i32
    %dma_wait3A_1051 = tpu.memref_slice %arg5[%add3A_644, %dma_wait3A_1050] : memref<65536x768xf32, #tpu.memory_space<hbm>> -> memref<64x768xf32, #tpu.memory_space<hbm>>
    tpu.wait_dma2 semaphore(%arg11 : memref<!tpu.dma_semaphore, #tpu.memory_space<semaphore_mem>>) src(%arg6 : memref<64x768xf32, #tpu.memory_space<vmem>>) dst(%dma_wait3A_1051 : memref<64x768xf32, #tpu.memory_space<hbm>>)
    %dma_wait3A_1052 = arith.constant 0 : i32
    %dma_wait3A_1053 = tpu.memref_slice %arg5[%add3A_650, %dma_wait3A_1052] : memref<65536x768xf32, #tpu.memory_space<hbm>> -> memref<64x768xf32, #tpu.memory_space<hbm>>
    %dma_wait3A_1054 = arith.constant 0 : i32
    %dma_wait3A_1055 = tpu.memref_slice %arg5[%add3A_650, %dma_wait3A_1054] : memref<65536x768xf32, #tpu.memory_space<hbm>> -> memref<64x768xf32, #tpu.memory_space<hbm>>
    tpu.wait_dma2 semaphore(%arg11 : memref<!tpu.dma_semaphore, #tpu.memory_space<semaphore_mem>>) src(%arg6 : memref<64x768xf32, #tpu.memory_space<vmem>>) dst(%dma_wait3A_1055 : memref<64x768xf32, #tpu.memory_space<hbm>>)
    %get3A_1056 = arith.constant 4 : i32
    %get3A_1057 = arith.index_cast %get3A_1056 : i32 to index
    %get3A_1058 = arith.constant 0 : index
    %get3A_1059 = tpu.vector_load %arg9[%get3A_1057, %get3A_1058] {strides = array<i32>} : memref<8x256xf32, #tpu.memory_space<vmem>>, vector<1x16xf32>,
    %get3A_1060 = vector.shape_cast %get3A_1059 : vector<1x16xf32> to vector<16xf32>
    %get3A_1061 = arith.constant 4 : i32
    %get3A_1062 = arith.index_cast %get3A_1061 : i32 to index
    %get3A_1063 = arith.constant 16 : index
    %get3A_1064 = tpu.vector_load %arg9[%get3A_1062, %get3A_1063] {strides = array<i32>} : memref<8x256xf32, #tpu.memory_space<vmem>>, vector<1x16xf32>,
    %get3A_1065 = vector.shape_cast %get3A_1064 : vector<1x16xf32> to vector<16xf32>
    %get3A_1066 = arith.constant 4 : i32
    %get3A_1067 = arith.index_cast %get3A_1066 : i32 to index
    %get3A_1068 = arith.constant 32 : index
    %get3A_1069 = tpu.vector_load %arg9[%get3A_1067, %get3A_1068] {strides = array<i32>} : memref<8x256xf32, #tpu.memory_space<vmem>>, vector<1x16xf32>,
    %get3A_1070 = vector.shape_cast %get3A_1069 : vector<1x16xf32> to vector<16xf32>
    %get3A_1071 = arith.constant 4 : i32
    %get3A_1072 = arith.index_cast %get3A_1071 : i32 to index
    %get3A_1073 = arith.constant 48 : index
    %get3A_1074 = tpu.vector_load %arg9[%get3A_1072, %get3A_1073] {strides = array<i32>} : memref<8x256xf32, #tpu.memory_space<vmem>>, vector<1x16xf32>,
    %get3A_1075 = vector.shape_cast %get3A_1074 : vector<1x16xf32> to vector<16xf32>
    %get3A_1076 = arith.constant 4 : i32
    %get3A_1077 = arith.index_cast %get3A_1076 : i32 to index
    %get3A_1078 = arith.constant 64 : index
    %get3A_1079 = tpu.vector_load %arg9[%get3A_1077, %get3A_1078] {strides = array<i32>} : memref<8x256xf32, #tpu.memory_space<vmem>>, vector<1x16xf32>,
    %get3A_1080 = vector.shape_cast %get3A_1079 : vector<1x16xf32> to vector<16xf32>
    %get3A_1081 = arith.constant 4 : i32
    %get3A_1082 = arith.index_cast %get3A_1081 : i32 to index
    %get3A_1083 = arith.constant 80 : index
    %get3A_1084 = tpu.vector_load %arg9[%get3A_1082, %get3A_1083] {strides = array<i32>} : memref<8x256xf32, #tpu.memory_space<vmem>>, vector<1x16xf32>,
    %get3A_1085 = vector.shape_cast %get3A_1084 : vector<1x16xf32> to vector<16xf32>
    %get3A_1086 = arith.constant 4 : i32
    %get3A_1087 = arith.index_cast %get3A_1086 : i32 to index
    %get3A_1088 = arith.constant 96 : index
    %get3A_1089 = tpu.vector_load %arg9[%get3A_1087, %get3A_1088] {strides = array<i32>} : memref<8x256xf32, #tpu.memory_space<vmem>>, vector<1x16xf32>,
    %get3A_1090 = vector.shape_cast %get3A_1089 : vector<1x16xf32> to vector<16xf32>
    %get3A_1091 = arith.constant 4 : i32
    %get3A_1092 = arith.index_cast %get3A_1091 : i32 to index
    %get3A_1093 = arith.constant 112 : index
    %get3A_1094 = tpu.vector_load %arg9[%get3A_1092, %get3A_1093] {strides = array<i32>} : memref<8x256xf32, #tpu.memory_space<vmem>>, vector<1x16xf32>,
    %get3A_1095 = vector.shape_cast %get3A_1094 : vector<1x16xf32> to vector<16xf32>
    %get3A_1096 = arith.constant 4 : i32
    %get3A_1097 = arith.index_cast %get3A_1096 : i32 to index
    %get3A_1098 = arith.constant 128 : index
    %get3A_1099 = tpu.vector_load %arg9[%get3A_1097, %get3A_1098] {strides = array<i32>} : memref<8x256xf32, #tpu.memory_space<vmem>>, vector<1x16xf32>,
    %get3A_1100 = vector.shape_cast %get3A_1099 : vector<1x16xf32> to vector<16xf32>
    %get3A_1101 = arith.constant 4 : i32
    %get3A_1102 = arith.index_cast %get3A_1101 : i32 to index
    %get3A_1103 = arith.constant 144 : index
    %get3A_1104 = tpu.vector_load %arg9[%get3A_1102, %get3A_1103] {strides = array<i32>} : memref<8x256xf32, #tpu.memory_space<vmem>>, vector<1x16xf32>,
    %get3A_1105 = vector.shape_cast %get3A_1104 : vector<1x16xf32> to vector<16xf32>
    %get3A_1106 = arith.constant 4 : i32
    %get3A_1107 = arith.index_cast %get3A_1106 : i32 to index
    %get3A_1108 = arith.constant 160 : index
    %get3A_1109 = tpu.vector_load %arg9[%get3A_1107, %get3A_1108] {strides = array<i32>} : memref<8x256xf32, #tpu.memory_space<vmem>>, vector<1x16xf32>,
    %get3A_1110 = vector.shape_cast %get3A_1109 : vector<1x16xf32> to vector<16xf32>
    %get3A_1111 = arith.constant 4 : i32
    %get3A_1112 = arith.index_cast %get3A_1111 : i32 to index
    %get3A_1113 = arith.constant 176 : index
    %get3A_1114 = tpu.vector_load %arg9[%get3A_1112, %get3A_1113] {strides = array<i32>} : memref<8x256xf32, #tpu.memory_space<vmem>>, vector<1x16xf32>,
    %get3A_1115 = vector.shape_cast %get3A_1114 : vector<1x16xf32> to vector<16xf32>
    %get3A_1116 = arith.constant 4 : i32
    %get3A_1117 = arith.index_cast %get3A_1116 : i32 to index
    %get3A_1118 = arith.constant 192 : index
    %get3A_1119 = tpu.vector_load %arg9[%get3A_1117, %get3A_1118] {strides = array<i32>} : memref<8x256xf32, #tpu.memory_space<vmem>>, vector<1x16xf32>,
    %get3A_1120 = vector.shape_cast %get3A_1119 : vector<1x16xf32> to vector<16xf32>
    %get3A_1121 = arith.constant 4 : i32
    %get3A_1122 = arith.index_cast %get3A_1121 : i32 to index
    %get3A_1123 = arith.constant 208 : index
    %get3A_1124 = tpu.vector_load %arg9[%get3A_1122, %get3A_1123] {strides = array<i32>} : memref<8x256xf32, #tpu.memory_space<vmem>>, vector<1x16xf32>,
    %get3A_1125 = vector.shape_cast %get3A_1124 : vector<1x16xf32> to vector<16xf32>
    %get3A_1126 = arith.constant 4 : i32
    %get3A_1127 = arith.index_cast %get3A_1126 : i32 to index
    %get3A_1128 = arith.constant 224 : index
    %get3A_1129 = tpu.vector_load %arg9[%get3A_1127, %get3A_1128] {strides = array<i32>} : memref<8x256xf32, #tpu.memory_space<vmem>>, vector<1x16xf32>,
    %get3A_1130 = vector.shape_cast %get3A_1129 : vector<1x16xf32> to vector<16xf32>
    %get3A_1131 = arith.constant 4 : i32
    %get3A_1132 = arith.index_cast %get3A_1131 : i32 to index
    %get3A_1133 = arith.constant 240 : index
    %get3A_1134 = tpu.vector_load %arg9[%get3A_1132, %get3A_1133] {strides = array<i32>} : memref<8x256xf32, #tpu.memory_space<vmem>>, vector<1x16xf32>,
    %get3A_1135 = vector.shape_cast %get3A_1134 : vector<1x16xf32> to vector<16xf32>
    %scan3A_1136 = arith.constant 0 : i32
    %scan3A_1137 = arith.constant 0 : i32
    %scan3A_1138 = arith.constant 64 : i32
    %scan3A_1139 = arith.addi %scan3A_1137, %scan3A_1138 : i32
    %scan3A_1140 = arith.constant 1 : i32
    scf.for %scan3A_2148 = %scan3A_1137 to %scan3A_1139 step %scan3A_1140  : i32 {
      %swap3A = arith.index_cast %scan3A_2148 : i32 to index
      %swap3A_2149 = arith.constant 256 : index
      %swap3A_2150 = tpu.vector_load %arg6[%swap3A, %swap3A_2149] {strides = array<i32>} : memref<64x768xf32, #tpu.memory_space<vmem>>, vector<1x16xf32>,
      %swap3A_2151 = vector.shape_cast %swap3A_2150 : vector<1x16xf32> to vector<16xf32>
      %swap3A_2152 = vector.shape_cast %get3A_1060 : vector<16xf32> to vector<1x16xf32>
      tpu.vector_store %arg6[%swap3A, %swap3A_2149], %swap3A_2152 {strides = array<i32>} : memref<64x768xf32, #tpu.memory_space<vmem>>, vector<1x16xf32>,
      %swap3A_2153 = arith.index_cast %scan3A_2148 : i32 to index
      %swap3A_2154 = arith.constant 272 : index
      %swap3A_2155 = tpu.vector_load %arg6[%swap3A_2153, %swap3A_2154] {strides = array<i32>} : memref<64x768xf32, #tpu.memory_space<vmem>>, vector<1x16xf32>,
      %swap3A_2156 = vector.shape_cast %swap3A_2155 : vector<1x16xf32> to vector<16xf32>
      %swap3A_2157 = vector.shape_cast %get3A_1065 : vector<16xf32> to vector<1x16xf32>
      tpu.vector_store %arg6[%swap3A_2153, %swap3A_2154], %swap3A_2157 {strides = array<i32>} : memref<64x768xf32, #tpu.memory_space<vmem>>, vector<1x16xf32>,
      %swap3A_2158 = arith.index_cast %scan3A_2148 : i32 to index
      %swap3A_2159 = arith.constant 288 : index
      %swap3A_2160 = tpu.vector_load %arg6[%swap3A_2158, %swap3A_2159] {strides = array<i32>} : memref<64x768xf32, #tpu.memory_space<vmem>>, vector<1x16xf32>,
      %swap3A_2161 = vector.shape_cast %swap3A_2160 : vector<1x16xf32> to vector<16xf32>
      %swap3A_2162 = vector.shape_cast %get3A_1070 : vector<16xf32> to vector<1x16xf32>
      tpu.vector_store %arg6[%swap3A_2158, %swap3A_2159], %swap3A_2162 {strides = array<i32>} : memref<64x768xf32, #tpu.memory_space<vmem>>, vector<1x16xf32>,
      %swap3A_2163 = arith.index_cast %scan3A_2148 : i32 to index
      %swap3A_2164 = arith.constant 304 : index
      %swap3A_2165 = tpu.vector_load %arg6[%swap3A_2163, %swap3A_2164] {strides = array<i32>} : memref<64x768xf32, #tpu.memory_space<vmem>>, vector<1x16xf32>,
      %swap3A_2166 = vector.shape_cast %swap3A_2165 : vector<1x16xf32> to vector<16xf32>
      %swap3A_2167 = vector.shape_cast %get3A_1075 : vector<16xf32> to vector<1x16xf32>
      tpu.vector_store %arg6[%swap3A_2163, %swap3A_2164], %swap3A_2167 {strides = array<i32>} : memref<64x768xf32, #tpu.memory_space<vmem>>, vector<1x16xf32>,
      %swap3A_2168 = arith.index_cast %scan3A_2148 : i32 to index
      %swap3A_2169 = arith.constant 320 : index
      %swap3A_2170 = tpu.vector_load %arg6[%swap3A_2168, %swap3A_2169] {strides = array<i32>} : memref<64x768xf32, #tpu.memory_space<vmem>>, vector<1x16xf32>,
      %swap3A_2171 = vector.shape_cast %swap3A_2170 : vector<1x16xf32> to vector<16xf32>
      %swap3A_2172 = vector.shape_cast %get3A_1080 : vector<16xf32> to vector<1x16xf32>
      tpu.vector_store %arg6[%swap3A_2168, %swap3A_2169], %swap3A_2172 {strides = array<i32>} : memref<64x768xf32, #tpu.memory_space<vmem>>, vector<1x16xf32>,
      %swap3A_2173 = arith.index_cast %scan3A_2148 : i32 to index
      %swap3A_2174 = arith.constant 336 : index
      %swap3A_2175 = tpu.vector_load %arg6[%swap3A_2173, %swap3A_2174] {strides = array<i32>} : memref<64x768xf32, #tpu.memory_space<vmem>>, vector<1x16xf32>,
      %swap3A_2176 = vector.shape_cast %swap3A_2175 : vector<1x16xf32> to vector<16xf32>
      %swap3A_2177 = vector.shape_cast %get3A_1085 : vector<16xf32> to vector<1x16xf32>
      tpu.vector_store %arg6[%swap3A_2173, %swap3A_2174], %swap3A_2177 {strides = array<i32>} : memref<64x768xf32, #tpu.memory_space<vmem>>, vector<1x16xf32>,
      %swap3A_2178 = arith.index_cast %scan3A_2148 : i32 to index
      %swap3A_2179 = arith.constant 352 : index
      %swap3A_2180 = tpu.vector_load %arg6[%swap3A_2178, %swap3A_2179] {strides = array<i32>} : memref<64x768xf32, #tpu.memory_space<vmem>>, vector<1x16xf32>,
      %swap3A_2181 = vector.shape_cast %swap3A_2180 : vector<1x16xf32> to vector<16xf32>
      %swap3A_2182 = vector.shape_cast %get3A_1090 : vector<16xf32> to vector<1x16xf32>
      tpu.vector_store %arg6[%swap3A_2178, %swap3A_2179], %swap3A_2182 {strides = array<i32>} : memref<64x768xf32, #tpu.memory_space<vmem>>, vector<1x16xf32>,
      %swap3A_2183 = arith.index_cast %scan3A_2148 : i32 to index
      %swap3A_2184 = arith.constant 368 : index
      %swap3A_2185 = tpu.vector_load %arg6[%swap3A_2183, %swap3A_2184] {strides = array<i32>} : memref<64x768xf32, #tpu.memory_space<vmem>>, vector<1x16xf32>,
      %swap3A_2186 = vector.shape_cast %swap3A_2185 : vector<1x16xf32> to vector<16xf32>
      %swap3A_2187 = vector.shape_cast %get3A_1095 : vector<16xf32> to vector<1x16xf32>
      tpu.vector_store %arg6[%swap3A_2183, %swap3A_2184], %swap3A_2187 {strides = array<i32>} : memref<64x768xf32, #tpu.memory_space<vmem>>, vector<1x16xf32>,
      %swap3A_2188 = arith.index_cast %scan3A_2148 : i32 to index
      %swap3A_2189 = arith.constant 384 : index
      %swap3A_2190 = tpu.vector_load %arg6[%swap3A_2188, %swap3A_2189] {strides = array<i32>} : memref<64x768xf32, #tpu.memory_space<vmem>>, vector<1x16xf32>,
      %swap3A_2191 = vector.shape_cast %swap3A_2190 : vector<1x16xf32> to vector<16xf32>
      %swap3A_2192 = vector.shape_cast %get3A_1100 : vector<16xf32> to vector<1x16xf32>
      tpu.vector_store %arg6[%swap3A_2188, %swap3A_2189], %swap3A_2192 {strides = array<i32>} : memref<64x768xf32, #tpu.memory_space<vmem>>, vector<1x16xf32>,
      %swap3A_2193 = arith.index_cast %scan3A_2148 : i32 to index
      %swap3A_2194 = arith.constant 400 : index
      %swap3A_2195 = tpu.vector_load %arg6[%swap3A_2193, %swap3A_2194] {strides = array<i32>} : memref<64x768xf32, #tpu.memory_space<vmem>>, vector<1x16xf32>,
      %swap3A_2196 = vector.shape_cast %swap3A_2195 : vector<1x16xf32> to vector<16xf32>
      %swap3A_2197 = vector.shape_cast %get3A_1105 : vector<16xf32> to vector<1x16xf32>
      tpu.vector_store %arg6[%swap3A_2193, %swap3A_2194], %swap3A_2197 {strides = array<i32>} : memref<64x768xf32, #tpu.memory_space<vmem>>, vector<1x16xf32>,
      %swap3A_2198 = arith.index_cast %scan3A_2148 : i32 to index
      %swap3A_2199 = arith.constant 416 : index
      %swap3A_2200 = tpu.vector_load %arg6[%swap3A_2198, %swap3A_2199] {strides = array<i32>} : memref<64x768xf32, #tpu.memory_space<vmem>>, vector<1x16xf32>,
      %swap3A_2201 = vector.shape_cast %swap3A_2200 : vector<1x16xf32> to vector<16xf32>
      %swap3A_2202 = vector.shape_cast %get3A_1110 : vector<16xf32> to vector<1x16xf32>
      tpu.vector_store %arg6[%swap3A_2198, %swap3A_2199], %swap3A_2202 {strides = array<i32>} : memref<64x768xf32, #tpu.memory_space<vmem>>, vector<1x16xf32>,
      %swap3A_2203 = arith.index_cast %scan3A_2148 : i32 to index
      %swap3A_2204 = arith.constant 432 : index
      %swap3A_2205 = tpu.vector_load %arg6[%swap3A_2203, %swap3A_2204] {strides = array<i32>} : memref<64x768xf32, #tpu.memory_space<vmem>>, vector<1x16xf32>,
      %swap3A_2206 = vector.shape_cast %swap3A_2205 : vector<1x16xf32> to vector<16xf32>
      %swap3A_2207 = vector.shape_cast %get3A_1115 : vector<16xf32> to vector<1x16xf32>
      tpu.vector_store %arg6[%swap3A_2203, %swap3A_2204], %swap3A_2207 {strides = array<i32>} : memref<64x768xf32, #tpu.memory_space<vmem>>, vector<1x16xf32>,
      %swap3A_2208 = arith.index_cast %scan3A_2148 : i32 to index
      %swap3A_2209 = arith.constant 448 : index
      %swap3A_2210 = tpu.vector_load %arg6[%swap3A_2208, %swap3A_2209] {strides = array<i32>} : memref<64x768xf32, #tpu.memory_space<vmem>>, vector<1x16xf32>,
      %swap3A_2211 = vector.shape_cast %swap3A_2210 : vector<1x16xf32> to vector<16xf32>
      %swap3A_2212 = vector.shape_cast %get3A_1120 : vector<16xf32> to vector<1x16xf32>
      tpu.vector_store %arg6[%swap3A_2208, %swap3A_2209], %swap3A_2212 {strides = array<i32>} : memref<64x768xf32, #tpu.memory_space<vmem>>, vector<1x16xf32>,
      %swap3A_2213 = arith.index_cast %scan3A_2148 : i32 to index
      %swap3A_2214 = arith.constant 464 : index
      %swap3A_2215 = tpu.vector_load %arg6[%swap3A_2213, %swap3A_2214] {strides = array<i32>} : memref<64x768xf32, #tpu.memory_space<vmem>>, vector<1x16xf32>,
      %swap3A_2216 = vector.shape_cast %swap3A_2215 : vector<1x16xf32> to vector<16xf32>
      %swap3A_2217 = vector.shape_cast %get3A_1125 : vector<16xf32> to vector<1x16xf32>
      tpu.vector_store %arg6[%swap3A_2213, %swap3A_2214], %swap3A_2217 {strides = array<i32>} : memref<64x768xf32, #tpu.memory_space<vmem>>, vector<1x16xf32>,
      %swap3A_2218 = arith.index_cast %scan3A_2148 : i32 to index
      %swap3A_2219 = arith.constant 480 : index
      %swap3A_2220 = tpu.vector_load %arg6[%swap3A_2218, %swap3A_2219] {strides = array<i32>} : memref<64x768xf32, #tpu.memory_space<vmem>>, vector<1x16xf32>,
      %swap3A_2221 = vector.shape_cast %swap3A_2220 : vector<1x16xf32> to vector<16xf32>
      %swap3A_2222 = vector.shape_cast %get3A_1130 : vector<16xf32> to vector<1x16xf32>
      tpu.vector_store %arg6[%swap3A_2218, %swap3A_2219], %swap3A_2222 {strides = array<i32>} : memref<64x768xf32, #tpu.memory_space<vmem>>, vector<1x16xf32>,
      %swap3A_2223 = arith.index_cast %scan3A_2148 : i32 to index
      %swap3A_2224 = arith.constant 496 : index
      %swap3A_2225 = tpu.vector_load %arg6[%swap3A_2223, %swap3A_2224] {strides = array<i32>} : memref<64x768xf32, #tpu.memory_space<vmem>>, vector<1x16xf32>,
      %swap3A_2226 = vector.shape_cast %swap3A_2225 : vector<1x16xf32> to vector<16xf32>
      %swap3A_2227 = vector.shape_cast %get3A_1135 : vector<16xf32> to vector<1x16xf32>
      tpu.vector_store %arg6[%swap3A_2223, %swap3A_2224], %swap3A_2227 {strides = array<i32>} : memref<64x768xf32, #tpu.memory_space<vmem>>, vector<1x16xf32>,
    }
    %scan3A_1141 = arith.constant 64 : i32
    %mul3A_1142 = arith.constant 1024 : i32
    %mul3A_1143 = arith.muli %select_n3A, %mul3A_1142 : i32
    %add3A_1144 = arith.constant 4 : i32
    %add3A_1145 = arith.addi %rem3A_20, %add3A_1144 : i32
    %mul3A_1146 = arith.constant 64 : i32
    %mul3A_1147 = arith.muli %add3A_1145, %mul3A_1146 : i32
    %add3A_1148 = arith.addi %mul3A_1143, %mul3A_1147 : i32
    %add3A_1149 = arith.constant 0 : i32
    %add3A_1150 = arith.addi %add3A_1148, %add3A_1149 : i32
    %dma_start3A_1151 = arith.constant 0 : i32
    %dma_start3A_1152 = tpu.memref_slice %arg5[%add3A_1150, %dma_start3A_1151] : memref<65536x768xf32, #tpu.memory_space<hbm>> -> memref<64x768xf32, #tpu.memory_space<hbm>>
    %dma_start3A_1153 = arith.constant 0 : i32
    %dma_start3A_1154 = tpu.memref_slice %arg5[%add3A_1150, %dma_start3A_1153] : memref<65536x768xf32, #tpu.memory_space<hbm>> -> memref<64x768xf32, #tpu.memory_space<hbm>>
    tpu.enqueue_dma source(%arg6 : memref<64x768xf32, #tpu.memory_space<vmem>>) target(%dma_start3A_1154 : memref<64x768xf32, #tpu.memory_space<hbm>>) target_semaphore(%arg11 : memref<!tpu.dma_semaphore, #tpu.memory_space<semaphore_mem>>)
    %add3A_1155 = arith.constant 16384 : i32
    %add3A_1156 = arith.addi %add3A_1148, %add3A_1155 : i32
    %dma_start3A_1157 = arith.constant 0 : i32
    %dma_start3A_1158 = tpu.memref_slice %arg5[%add3A_1156, %dma_start3A_1157] : memref<65536x768xf32, #tpu.memory_space<hbm>> -> memref<64x768xf32, #tpu.memory_space<hbm>>
    %dma_start3A_1159 = arith.constant 0 : i32
    %dma_start3A_1160 = tpu.memref_slice %arg5[%add3A_1156, %dma_start3A_1159] : memref<65536x768xf32, #tpu.memory_space<hbm>> -> memref<64x768xf32, #tpu.memory_space<hbm>>
    tpu.enqueue_dma source(%arg6 : memref<64x768xf32, #tpu.memory_space<vmem>>) target(%dma_start3A_1160 : memref<64x768xf32, #tpu.memory_space<hbm>>) target_semaphore(%arg11 : memref<!tpu.dma_semaphore, #tpu.memory_space<semaphore_mem>>)
    %add3A_1161 = arith.constant 32768 : i32
    %add3A_1162 = arith.addi %add3A_1148, %add3A_1161 : i32
    %dma_start3A_1163 = arith.constant 0 : i32
    %dma_start3A_1164 = tpu.memref_slice %arg5[%add3A_1162, %dma_start3A_1163] : memref<65536x768xf32, #tpu.memory_space<hbm>> -> memref<64x768xf32, #tpu.memory_space<hbm>>
    %dma_start3A_1165 = arith.constant 0 : i32
    %dma_start3A_1166 = tpu.memref_slice %arg5[%add3A_1162, %dma_start3A_1165] : memref<65536x768xf32, #tpu.memory_space<hbm>> -> memref<64x768xf32, #tpu.memory_space<hbm>>
    tpu.enqueue_dma source(%arg6 : memref<64x768xf32, #tpu.memory_space<vmem>>) target(%dma_start3A_1166 : memref<64x768xf32, #tpu.memory_space<hbm>>) target_semaphore(%arg11 : memref<!tpu.dma_semaphore, #tpu.memory_space<semaphore_mem>>)
    %add3A_1167 = arith.constant 49152 : i32
    %add3A_1168 = arith.addi %add3A_1148, %add3A_1167 : i32
    %dma_start3A_1169 = arith.constant 0 : i32
    %dma_start3A_1170 = tpu.memref_slice %arg5[%add3A_1168, %dma_start3A_1169] : memref<65536x768xf32, #tpu.memory_space<hbm>> -> memref<64x768xf32, #tpu.memory_space<hbm>>
    %dma_start3A_1171 = arith.constant 0 : i32
    %dma_start3A_1172 = tpu.memref_slice %arg5[%add3A_1168, %dma_start3A_1171] : memref<65536x768xf32, #tpu.memory_space<hbm>> -> memref<64x768xf32, #tpu.memory_space<hbm>>
    tpu.enqueue_dma source(%arg6 : memref<64x768xf32, #tpu.memory_space<vmem>>) target(%dma_start3A_1172 : memref<64x768xf32, #tpu.memory_space<hbm>>) target_semaphore(%arg11 : memref<!tpu.dma_semaphore, #tpu.memory_space<semaphore_mem>>)
    %get3A_1173 = arith.constant 5 : i32
    %get3A_1174 = arith.index_cast %get3A_1173 : i32 to index
    %get3A_1175 = arith.constant 0 : index
    %get3A_1176 = tpu.vector_load %arg9[%get3A_1174, %get3A_1175] {strides = array<i32>} : memref<8x256xf32, #tpu.memory_space<vmem>>, vector<1x16xf32>,
    %get3A_1177 = vector.shape_cast %get3A_1176 : vector<1x16xf32> to vector<16xf32>
    %get3A_1178 = arith.constant 5 : i32
    %get3A_1179 = arith.index_cast %get3A_1178 : i32 to index
    %get3A_1180 = arith.constant 16 : index
    %get3A_1181 = tpu.vector_load %arg9[%get3A_1179, %get3A_1180] {strides = array<i32>} : memref<8x256xf32, #tpu.memory_space<vmem>>, vector<1x16xf32>,
    %get3A_1182 = vector.shape_cast %get3A_1181 : vector<1x16xf32> to vector<16xf32>
    %get3A_1183 = arith.constant 5 : i32
    %get3A_1184 = arith.index_cast %get3A_1183 : i32 to index
    %get3A_1185 = arith.constant 32 : index
    %get3A_1186 = tpu.vector_load %arg9[%get3A_1184, %get3A_1185] {strides = array<i32>} : memref<8x256xf32, #tpu.memory_space<vmem>>, vector<1x16xf32>,
    %get3A_1187 = vector.shape_cast %get3A_1186 : vector<1x16xf32> to vector<16xf32>
    %get3A_1188 = arith.constant 5 : i32
    %get3A_1189 = arith.index_cast %get3A_1188 : i32 to index
    %get3A_1190 = arith.constant 48 : index
    %get3A_1191 = tpu.vector_load %arg9[%get3A_1189, %get3A_1190] {strides = array<i32>} : memref<8x256xf32, #tpu.memory_space<vmem>>, vector<1x16xf32>,
    %get3A_1192 = vector.shape_cast %get3A_1191 : vector<1x16xf32> to vector<16xf32>
    %get3A_1193 = arith.constant 5 : i32
    %get3A_1194 = arith.index_cast %get3A_1193 : i32 to index
    %get3A_1195 = arith.constant 64 : index
    %get3A_1196 = tpu.vector_load %arg9[%get3A_1194, %get3A_1195] {strides = array<i32>} : memref<8x256xf32, #tpu.memory_space<vmem>>, vector<1x16xf32>,
    %get3A_1197 = vector.shape_cast %get3A_1196 : vector<1x16xf32> to vector<16xf32>
    %get3A_1198 = arith.constant 5 : i32
    %get3A_1199 = arith.index_cast %get3A_1198 : i32 to index
    %get3A_1200 = arith.constant 80 : index
    %get3A_1201 = tpu.vector_load %arg9[%get3A_1199, %get3A_1200] {strides = array<i32>} : memref<8x256xf32, #tpu.memory_space<vmem>>, vector<1x16xf32>,
    %get3A_1202 = vector.shape_cast %get3A_1201 : vector<1x16xf32> to vector<16xf32>
    %get3A_1203 = arith.constant 5 : i32
    %get3A_1204 = arith.index_cast %get3A_1203 : i32 to index
    %get3A_1205 = arith.constant 96 : index
    %get3A_1206 = tpu.vector_load %arg9[%get3A_1204, %get3A_1205] {strides = array<i32>} : memref<8x256xf32, #tpu.memory_space<vmem>>, vector<1x16xf32>,
    %get3A_1207 = vector.shape_cast %get3A_1206 : vector<1x16xf32> to vector<16xf32>
    %get3A_1208 = arith.constant 5 : i32
    %get3A_1209 = arith.index_cast %get3A_1208 : i32 to index
    %get3A_1210 = arith.constant 112 : index
    %get3A_1211 = tpu.vector_load %arg9[%get3A_1209, %get3A_1210] {strides = array<i32>} : memref<8x256xf32, #tpu.memory_space<vmem>>, vector<1x16xf32>,
    %get3A_1212 = vector.shape_cast %get3A_1211 : vector<1x16xf32> to vector<16xf32>
    %get3A_1213 = arith.constant 5 : i32
    %get3A_1214 = arith.index_cast %get3A_1213 : i32 to index
    %get3A_1215 = arith.constant 128 : index
    %get3A_1216 = tpu.vector_load %arg9[%get3A_1214, %get3A_1215] {strides = array<i32>} : memref<8x256xf32, #tpu.memory_space<vmem>>, vector<1x16xf32>,
    %get3A_1217 = vector.shape_cast %get3A_1216 : vector<1x16xf32> to vector<16xf32>
    %get3A_1218 = arith.constant 5 : i32
    %get3A_1219 = arith.index_cast %get3A_1218 : i32 to index
    %get3A_1220 = arith.constant 144 : index
    %get3A_1221 = tpu.vector_load %arg9[%get3A_1219, %get3A_1220] {strides = array<i32>} : memref<8x256xf32, #tpu.memory_space<vmem>>, vector<1x16xf32>,
    %get3A_1222 = vector.shape_cast %get3A_1221 : vector<1x16xf32> to vector<16xf32>
    %get3A_1223 = arith.constant 5 : i32
    %get3A_1224 = arith.index_cast %get3A_1223 : i32 to index
    %get3A_1225 = arith.constant 160 : index
    %get3A_1226 = tpu.vector_load %arg9[%get3A_1224, %get3A_1225] {strides = array<i32>} : memref<8x256xf32, #tpu.memory_space<vmem>>, vector<1x16xf32>,
    %get3A_1227 = vector.shape_cast %get3A_1226 : vector<1x16xf32> to vector<16xf32>
    %get3A_1228 = arith.constant 5 : i32
    %get3A_1229 = arith.index_cast %get3A_1228 : i32 to index
    %get3A_1230 = arith.constant 176 : index
    %get3A_1231 = tpu.vector_load %arg9[%get3A_1229, %get3A_1230] {strides = array<i32>} : memref<8x256xf32, #tpu.memory_space<vmem>>, vector<1x16xf32>,
    %get3A_1232 = vector.shape_cast %get3A_1231 : vector<1x16xf32> to vector<16xf32>
    %get3A_1233 = arith.constant 5 : i32
    %get3A_1234 = arith.index_cast %get3A_1233 : i32 to index
    %get3A_1235 = arith.constant 192 : index
    %get3A_1236 = tpu.vector_load %arg9[%get3A_1234, %get3A_1235] {strides = array<i32>} : memref<8x256xf32, #tpu.memory_space<vmem>>, vector<1x16xf32>,
    %get3A_1237 = vector.shape_cast %get3A_1236 : vector<1x16xf32> to vector<16xf32>
    %get3A_1238 = arith.constant 5 : i32
    %get3A_1239 = arith.index_cast %get3A_1238 : i32 to index
    %get3A_1240 = arith.constant 208 : index
    %get3A_1241 = tpu.vector_load %arg9[%get3A_1239, %get3A_1240] {strides = array<i32>} : memref<8x256xf32, #tpu.memory_space<vmem>>, vector<1x16xf32>,
    %get3A_1242 = vector.shape_cast %get3A_1241 : vector<1x16xf32> to vector<16xf32>
    %get3A_1243 = arith.constant 5 : i32
    %get3A_1244 = arith.index_cast %get3A_1243 : i32 to index
    %get3A_1245 = arith.constant 224 : index
    %get3A_1246 = tpu.vector_load %arg9[%get3A_1244, %get3A_1245] {strides = array<i32>} : memref<8x256xf32, #tpu.memory_space<vmem>>, vector<1x16xf32>,
    %get3A_1247 = vector.shape_cast %get3A_1246 : vector<1x16xf32> to vector<16xf32>
    %get3A_1248 = arith.constant 5 : i32
    %get3A_1249 = arith.index_cast %get3A_1248 : i32 to index
    %get3A_1250 = arith.constant 240 : index
    %get3A_1251 = tpu.vector_load %arg9[%get3A_1249, %get3A_1250] {strides = array<i32>} : memref<8x256xf32, #tpu.memory_space<vmem>>, vector<1x16xf32>,
    %get3A_1252 = vector.shape_cast %get3A_1251 : vector<1x16xf32> to vector<16xf32>
    %scan3A_1253 = arith.constant 0 : i32
    %scan3A_1254 = arith.constant 0 : i32
    %scan3A_1255 = arith.constant 64 : i32
    %scan3A_1256 = arith.addi %scan3A_1254, %scan3A_1255 : i32
    %scan3A_1257 = arith.constant 1 : i32
    scf.for %scan3A_2148 = %scan3A_1254 to %scan3A_1256 step %scan3A_1257  : i32 {
      %swap3A = arith.index_cast %scan3A_2148 : i32 to index
      %swap3A_2149 = arith.constant 256 : index
      %swap3A_2150 = tpu.vector_load %arg7[%swap3A, %swap3A_2149] {strides = array<i32>} : memref<64x768xf32, #tpu.memory_space<vmem>>, vector<1x16xf32>,
      %swap3A_2151 = vector.shape_cast %swap3A_2150 : vector<1x16xf32> to vector<16xf32>
      %swap3A_2152 = vector.shape_cast %get3A_1177 : vector<16xf32> to vector<1x16xf32>
      tpu.vector_store %arg7[%swap3A, %swap3A_2149], %swap3A_2152 {strides = array<i32>} : memref<64x768xf32, #tpu.memory_space<vmem>>, vector<1x16xf32>,
      %swap3A_2153 = arith.index_cast %scan3A_2148 : i32 to index
      %swap3A_2154 = arith.constant 272 : index
      %swap3A_2155 = tpu.vector_load %arg7[%swap3A_2153, %swap3A_2154] {strides = array<i32>} : memref<64x768xf32, #tpu.memory_space<vmem>>, vector<1x16xf32>,
      %swap3A_2156 = vector.shape_cast %swap3A_2155 : vector<1x16xf32> to vector<16xf32>
      %swap3A_2157 = vector.shape_cast %get3A_1182 : vector<16xf32> to vector<1x16xf32>
      tpu.vector_store %arg7[%swap3A_2153, %swap3A_2154], %swap3A_2157 {strides = array<i32>} : memref<64x768xf32, #tpu.memory_space<vmem>>, vector<1x16xf32>,
      %swap3A_2158 = arith.index_cast %scan3A_2148 : i32 to index
      %swap3A_2159 = arith.constant 288 : index
      %swap3A_2160 = tpu.vector_load %arg7[%swap3A_2158, %swap3A_2159] {strides = array<i32>} : memref<64x768xf32, #tpu.memory_space<vmem>>, vector<1x16xf32>,
      %swap3A_2161 = vector.shape_cast %swap3A_2160 : vector<1x16xf32> to vector<16xf32>
      %swap3A_2162 = vector.shape_cast %get3A_1187 : vector<16xf32> to vector<1x16xf32>
      tpu.vector_store %arg7[%swap3A_2158, %swap3A_2159], %swap3A_2162 {strides = array<i32>} : memref<64x768xf32, #tpu.memory_space<vmem>>, vector<1x16xf32>,
      %swap3A_2163 = arith.index_cast %scan3A_2148 : i32 to index
      %swap3A_2164 = arith.constant 304 : index
      %swap3A_2165 = tpu.vector_load %arg7[%swap3A_2163, %swap3A_2164] {strides = array<i32>} : memref<64x768xf32, #tpu.memory_space<vmem>>, vector<1x16xf32>,
      %swap3A_2166 = vector.shape_cast %swap3A_2165 : vector<1x16xf32> to vector<16xf32>
      %swap3A_2167 = vector.shape_cast %get3A_1192 : vector<16xf32> to vector<1x16xf32>
      tpu.vector_store %arg7[%swap3A_2163, %swap3A_2164], %swap3A_2167 {strides = array<i32>} : memref<64x768xf32, #tpu.memory_space<vmem>>, vector<1x16xf32>,
      %swap3A_2168 = arith.index_cast %scan3A_2148 : i32 to index
      %swap3A_2169 = arith.constant 320 : index
      %swap3A_2170 = tpu.vector_load %arg7[%swap3A_2168, %swap3A_2169] {strides = array<i32>} : memref<64x768xf32, #tpu.memory_space<vmem>>, vector<1x16xf32>,
      %swap3A_2171 = vector.shape_cast %swap3A_2170 : vector<1x16xf32> to vector<16xf32>
      %swap3A_2172 = vector.shape_cast %get3A_1197 : vector<16xf32> to vector<1x16xf32>
      tpu.vector_store %arg7[%swap3A_2168, %swap3A_2169], %swap3A_2172 {strides = array<i32>} : memref<64x768xf32, #tpu.memory_space<vmem>>, vector<1x16xf32>,
      %swap3A_2173 = arith.index_cast %scan3A_2148 : i32 to index
      %swap3A_2174 = arith.constant 336 : index
      %swap3A_2175 = tpu.vector_load %arg7[%swap3A_2173, %swap3A_2174] {strides = array<i32>} : memref<64x768xf32, #tpu.memory_space<vmem>>, vector<1x16xf32>,
      %swap3A_2176 = vector.shape_cast %swap3A_2175 : vector<1x16xf32> to vector<16xf32>
      %swap3A_2177 = vector.shape_cast %get3A_1202 : vector<16xf32> to vector<1x16xf32>
      tpu.vector_store %arg7[%swap3A_2173, %swap3A_2174], %swap3A_2177 {strides = array<i32>} : memref<64x768xf32, #tpu.memory_space<vmem>>, vector<1x16xf32>,
      %swap3A_2178 = arith.index_cast %scan3A_2148 : i32 to index
      %swap3A_2179 = arith.constant 352 : index
      %swap3A_2180 = tpu.vector_load %arg7[%swap3A_2178, %swap3A_2179] {strides = array<i32>} : memref<64x768xf32, #tpu.memory_space<vmem>>, vector<1x16xf32>,
      %swap3A_2181 = vector.shape_cast %swap3A_2180 : vector<1x16xf32> to vector<16xf32>
      %swap3A_2182 = vector.shape_cast %get3A_1207 : vector<16xf32> to vector<1x16xf32>
      tpu.vector_store %arg7[%swap3A_2178, %swap3A_2179], %swap3A_2182 {strides = array<i32>} : memref<64x768xf32, #tpu.memory_space<vmem>>, vector<1x16xf32>,
      %swap3A_2183 = arith.index_cast %scan3A_2148 : i32 to index
      %swap3A_2184 = arith.constant 368 : index
      %swap3A_2185 = tpu.vector_load %arg7[%swap3A_2183, %swap3A_2184] {strides = array<i32>} : memref<64x768xf32, #tpu.memory_space<vmem>>, vector<1x16xf32>,
      %swap3A_2186 = vector.shape_cast %swap3A_2185 : vector<1x16xf32> to vector<16xf32>
      %swap3A_2187 = vector.shape_cast %get3A_1212 : vector<16xf32> to vector<1x16xf32>
      tpu.vector_store %arg7[%swap3A_2183, %swap3A_2184], %swap3A_2187 {strides = array<i32>} : memref<64x768xf32, #tpu.memory_space<vmem>>, vector<1x16xf32>,
      %swap3A_2188 = arith.index_cast %scan3A_2148 : i32 to index
      %swap3A_2189 = arith.constant 384 : index
      %swap3A_2190 = tpu.vector_load %arg7[%swap3A_2188, %swap3A_2189] {strides = array<i32>} : memref<64x768xf32, #tpu.memory_space<vmem>>, vector<1x16xf32>,
      %swap3A_2191 = vector.shape_cast %swap3A_2190 : vector<1x16xf32> to vector<16xf32>
      %swap3A_2192 = vector.shape_cast %get3A_1217 : vector<16xf32> to vector<1x16xf32>
      tpu.vector_store %arg7[%swap3A_2188, %swap3A_2189], %swap3A_2192 {strides = array<i32>} : memref<64x768xf32, #tpu.memory_space<vmem>>, vector<1x16xf32>,
      %swap3A_2193 = arith.index_cast %scan3A_2148 : i32 to index
      %swap3A_2194 = arith.constant 400 : index
      %swap3A_2195 = tpu.vector_load %arg7[%swap3A_2193, %swap3A_2194] {strides = array<i32>} : memref<64x768xf32, #tpu.memory_space<vmem>>, vector<1x16xf32>,
      %swap3A_2196 = vector.shape_cast %swap3A_2195 : vector<1x16xf32> to vector<16xf32>
      %swap3A_2197 = vector.shape_cast %get3A_1222 : vector<16xf32> to vector<1x16xf32>
      tpu.vector_store %arg7[%swap3A_2193, %swap3A_2194], %swap3A_2197 {strides = array<i32>} : memref<64x768xf32, #tpu.memory_space<vmem>>, vector<1x16xf32>,
      %swap3A_2198 = arith.index_cast %scan3A_2148 : i32 to index
      %swap3A_2199 = arith.constant 416 : index
      %swap3A_2200 = tpu.vector_load %arg7[%swap3A_2198, %swap3A_2199] {strides = array<i32>} : memref<64x768xf32, #tpu.memory_space<vmem>>, vector<1x16xf32>,
      %swap3A_2201 = vector.shape_cast %swap3A_2200 : vector<1x16xf32> to vector<16xf32>
      %swap3A_2202 = vector.shape_cast %get3A_1227 : vector<16xf32> to vector<1x16xf32>
      tpu.vector_store %arg7[%swap3A_2198, %swap3A_2199], %swap3A_2202 {strides = array<i32>} : memref<64x768xf32, #tpu.memory_space<vmem>>, vector<1x16xf32>,
      %swap3A_2203 = arith.index_cast %scan3A_2148 : i32 to index
      %swap3A_2204 = arith.constant 432 : index
      %swap3A_2205 = tpu.vector_load %arg7[%swap3A_2203, %swap3A_2204] {strides = array<i32>} : memref<64x768xf32, #tpu.memory_space<vmem>>, vector<1x16xf32>,
      %swap3A_2206 = vector.shape_cast %swap3A_2205 : vector<1x16xf32> to vector<16xf32>
      %swap3A_2207 = vector.shape_cast %get3A_1232 : vector<16xf32> to vector<1x16xf32>
      tpu.vector_store %arg7[%swap3A_2203, %swap3A_2204], %swap3A_2207 {strides = array<i32>} : memref<64x768xf32, #tpu.memory_space<vmem>>, vector<1x16xf32>,
      %swap3A_2208 = arith.index_cast %scan3A_2148 : i32 to index
      %swap3A_2209 = arith.constant 448 : index
      %swap3A_2210 = tpu.vector_load %arg7[%swap3A_2208, %swap3A_2209] {strides = array<i32>} : memref<64x768xf32, #tpu.memory_space<vmem>>, vector<1x16xf32>,
      %swap3A_2211 = vector.shape_cast %swap3A_2210 : vector<1x16xf32> to vector<16xf32>
      %swap3A_2212 = vector.shape_cast %get3A_1237 : vector<16xf32> to vector<1x16xf32>
      tpu.vector_store %arg7[%swap3A_2208, %swap3A_2209], %swap3A_2212 {strides = array<i32>} : memref<64x768xf32, #tpu.memory_space<vmem>>, vector<1x16xf32>,
      %swap3A_2213 = arith.index_cast %scan3A_2148 : i32 to index
      %swap3A_2214 = arith.constant 464 : index
      %swap3A_2215 = tpu.vector_load %arg7[%swap3A_2213, %swap3A_2214] {strides = array<i32>} : memref<64x768xf32, #tpu.memory_space<vmem>>, vector<1x16xf32>,
      %swap3A_2216 = vector.shape_cast %swap3A_2215 : vector<1x16xf32> to vector<16xf32>
      %swap3A_2217 = vector.shape_cast %get3A_1242 : vector<16xf32> to vector<1x16xf32>
      tpu.vector_store %arg7[%swap3A_2213, %swap3A_2214], %swap3A_2217 {strides = array<i32>} : memref<64x768xf32, #tpu.memory_space<vmem>>, vector<1x16xf32>,
      %swap3A_2218 = arith.index_cast %scan3A_2148 : i32 to index
      %swap3A_2219 = arith.constant 480 : index
      %swap3A_2220 = tpu.vector_load %arg7[%swap3A_2218, %swap3A_2219] {strides = array<i32>} : memref<64x768xf32, #tpu.memory_space<vmem>>, vector<1x16xf32>,
      %swap3A_2221 = vector.shape_cast %swap3A_2220 : vector<1x16xf32> to vector<16xf32>
      %swap3A_2222 = vector.shape_cast %get3A_1247 : vector<16xf32> to vector<1x16xf32>
      tpu.vector_store %arg7[%swap3A_2218, %swap3A_2219], %swap3A_2222 {strides = array<i32>} : memref<64x768xf32, #tpu.memory_space<vmem>>, vector<1x16xf32>,
      %swap3A_2223 = arith.index_cast %scan3A_2148 : i32 to index
      %swap3A_2224 = arith.constant 496 : index
      %swap3A_2225 = tpu.vector_load %arg7[%swap3A_2223, %swap3A_2224] {strides = array<i32>} : memref<64x768xf32, #tpu.memory_space<vmem>>, vector<1x16xf32>,
      %swap3A_2226 = vector.shape_cast %swap3A_2225 : vector<1x16xf32> to vector<16xf32>
      %swap3A_2227 = vector.shape_cast %get3A_1252 : vector<16xf32> to vector<1x16xf32>
      tpu.vector_store %arg7[%swap3A_2223, %swap3A_2224], %swap3A_2227 {strides = array<i32>} : memref<64x768xf32, #tpu.memory_space<vmem>>, vector<1x16xf32>,
    }
    %scan3A_1258 = arith.constant 64 : i32
    %mul3A_1259 = arith.constant 1024 : i32
    %mul3A_1260 = arith.muli %select_n3A, %mul3A_1259 : i32
    %add3A_1261 = arith.constant 5 : i32
    %add3A_1262 = arith.addi %rem3A_20, %add3A_1261 : i32
    %mul3A_1263 = arith.constant 64 : i32
    %mul3A_1264 = arith.muli %add3A_1262, %mul3A_1263 : i32
    %add3A_1265 = arith.addi %mul3A_1260, %mul3A_1264 : i32
    %dma_wait3A_1266 = arith.constant 0 : i32
    %dma_wait3A_1267 = arith.constant 0 : i32
    %dma_wait3A_1268 = tpu.memref_slice %arg5[%add3A_926, %dma_wait3A_1267] : memref<65536x768xf32, #tpu.memory_space<hbm>> -> memref<16x768xf32, #tpu.memory_space<hbm>>
    %dma_wait3A_1269 = arith.constant 0 : i32
    %dma_wait3A_1270 = arith.constant 0 : i32
    %dma_wait3A_1271 = tpu.memref_slice %arg10[%arg1, %dma_wait3A_1266, %dma_wait3A_1269, %dma_wait3A_1270] : memref<16x2x16x768xf32, #tpu.memory_space<vmem_shared>> -> memref<1x1x16x768xf32, #tpu.memory_space<vmem_shared>>
    %dma_wait3A_1272 = tpu.memref_squeeze %dma_wait3A_1271 : memref<1x1x16x768xf32, #tpu.memory_space<vmem_shared>> -> memref<16x768xf32, #tpu.memory_space<vmem_shared>>
    tpu.wait_dma2 semaphore(%arg13 : memref<!tpu.dma_semaphore, #tpu.memory_space<semaphore_mem>>) src(%dma_wait3A_1272 : memref<16x768xf32, #tpu.memory_space<vmem_shared>>) dst(%dma_wait3A_1268 : memref<16x768xf32, #tpu.memory_space<hbm>>)
    %dma_wait3A_1273 = arith.constant 0 : i32
    %dma_wait3A_1274 = arith.constant 0 : i32
    %dma_wait3A_1275 = tpu.memref_slice %arg5[%add3A_937, %dma_wait3A_1274] : memref<65536x768xf32, #tpu.memory_space<hbm>> -> memref<16x768xf32, #tpu.memory_space<hbm>>
    %dma_wait3A_1276 = arith.constant 0 : i32
    %dma_wait3A_1277 = arith.constant 0 : i32
    %dma_wait3A_1278 = tpu.memref_slice %arg10[%arg1, %dma_wait3A_1273, %dma_wait3A_1276, %dma_wait3A_1277] : memref<16x2x16x768xf32, #tpu.memory_space<vmem_shared>> -> memref<1x1x16x768xf32, #tpu.memory_space<vmem_shared>>
    %dma_wait3A_1279 = tpu.memref_squeeze %dma_wait3A_1278 : memref<1x1x16x768xf32, #tpu.memory_space<vmem_shared>> -> memref<16x768xf32, #tpu.memory_space<vmem_shared>>
    tpu.wait_dma2 semaphore(%arg13 : memref<!tpu.dma_semaphore, #tpu.memory_space<semaphore_mem>>) src(%dma_wait3A_1279 : memref<16x768xf32, #tpu.memory_space<vmem_shared>>) dst(%dma_wait3A_1275 : memref<16x768xf32, #tpu.memory_space<hbm>>)
    %dma_wait3A_1280 = arith.constant 0 : i32
    %dma_wait3A_1281 = arith.constant 0 : i32
    %dma_wait3A_1282 = tpu.memref_slice %arg5[%add3A_948, %dma_wait3A_1281] : memref<65536x768xf32, #tpu.memory_space<hbm>> -> memref<16x768xf32, #tpu.memory_space<hbm>>
    %dma_wait3A_1283 = arith.constant 0 : i32
    %dma_wait3A_1284 = arith.constant 0 : i32
    %dma_wait3A_1285 = tpu.memref_slice %arg10[%arg1, %dma_wait3A_1280, %dma_wait3A_1283, %dma_wait3A_1284] : memref<16x2x16x768xf32, #tpu.memory_space<vmem_shared>> -> memref<1x1x16x768xf32, #tpu.memory_space<vmem_shared>>
    %dma_wait3A_1286 = tpu.memref_squeeze %dma_wait3A_1285 : memref<1x1x16x768xf32, #tpu.memory_space<vmem_shared>> -> memref<16x768xf32, #tpu.memory_space<vmem_shared>>
    tpu.wait_dma2 semaphore(%arg13 : memref<!tpu.dma_semaphore, #tpu.memory_space<semaphore_mem>>) src(%dma_wait3A_1286 : memref<16x768xf32, #tpu.memory_space<vmem_shared>>) dst(%dma_wait3A_1282 : memref<16x768xf32, #tpu.memory_space<hbm>>)
    %dma_wait3A_1287 = arith.constant 0 : i32
    %dma_wait3A_1288 = arith.constant 0 : i32
    %dma_wait3A_1289 = tpu.memref_slice %arg5[%add3A_959, %dma_wait3A_1288] : memref<65536x768xf32, #tpu.memory_space<hbm>> -> memref<16x768xf32, #tpu.memory_space<hbm>>
    %dma_wait3A_1290 = arith.constant 0 : i32
    %dma_wait3A_1291 = arith.constant 0 : i32
    %dma_wait3A_1292 = tpu.memref_slice %arg10[%arg1, %dma_wait3A_1287, %dma_wait3A_1290, %dma_wait3A_1291] : memref<16x2x16x768xf32, #tpu.memory_space<vmem_shared>> -> memref<1x1x16x768xf32, #tpu.memory_space<vmem_shared>>
    %dma_wait3A_1293 = tpu.memref_squeeze %dma_wait3A_1292 : memref<1x1x16x768xf32, #tpu.memory_space<vmem_shared>> -> memref<16x768xf32, #tpu.memory_space<vmem_shared>>
    tpu.wait_dma2 semaphore(%arg13 : memref<!tpu.dma_semaphore, #tpu.memory_space<semaphore_mem>>) src(%dma_wait3A_1293 : memref<16x768xf32, #tpu.memory_space<vmem_shared>>) dst(%dma_wait3A_1289 : memref<16x768xf32, #tpu.memory_space<hbm>>)
    %run_scoped3A_1294 = arith.constant 0 : i32
    "tpu.region"() ({
      %run_scoped3A_2148 = tpu.sem_alloc : memref<!tpu.dma_semaphore, #tpu.memory_space<semaphore_mem>>
      %dma_start3A_2149 = arith.constant 0 : i32
      %dma_start3A_2150 = arith.constant 0 : i32
      %dma_start3A_2151 = tpu.memref_slice %arg7[%dma_start3A_2149, %dma_start3A_2150] : memref<64x768xf32, #tpu.memory_space<vmem>> -> memref<16x768xf32, #tpu.memory_space<vmem>>
      %dma_start3A_2152 = arith.constant 0 : i32
      %dma_start3A_2153 = arith.constant 0 : i32
      %dma_start3A_2154 = tpu.memref_slice %arg10[%arg1, %run_scoped3A_1294, %dma_start3A_2152, %dma_start3A_2153] : memref<16x2x16x768xf32, #tpu.memory_space<vmem_shared>> -> memref<1x1x16x768xf32, #tpu.memory_space<vmem_shared>>
      %dma_start3A_2155 = tpu.memref_squeeze %dma_start3A_2154 : memref<1x1x16x768xf32, #tpu.memory_space<vmem_shared>> -> memref<16x768xf32, #tpu.memory_space<vmem_shared>>
      %dma_start3A_2156 = arith.constant 0 : i32
      %dma_start3A_2157 = arith.constant 0 : i32
      %dma_start3A_2158 = tpu.memref_slice %arg10[%arg1, %run_scoped3A_1294, %dma_start3A_2156, %dma_start3A_2157] : memref<16x2x16x768xf32, #tpu.memory_space<vmem_shared>> -> memref<1x1x16x768xf32, #tpu.memory_space<vmem_shared>>
      %dma_start3A_2159 = tpu.memref_squeeze %dma_start3A_2158 : memref<1x1x16x768xf32, #tpu.memory_space<vmem_shared>> -> memref<16x768xf32, #tpu.memory_space<vmem_shared>>
      %dma_start3A_2160 = arith.constant 0 : i32
      %dma_start3A_2161 = arith.constant 0 : i32
      %dma_start3A_2162 = tpu.memref_slice %arg7[%dma_start3A_2160, %dma_start3A_2161] : memref<64x768xf32, #tpu.memory_space<vmem>> -> memref<16x768xf32, #tpu.memory_space<vmem>>
      tpu.enqueue_dma source(%dma_start3A_2162 : memref<16x768xf32, #tpu.memory_space<vmem>>) target(%dma_start3A_2159 : memref<16x768xf32, #tpu.memory_space<vmem_shared>>) target_semaphore(%run_scoped3A_2148 : memref<!tpu.dma_semaphore, #tpu.memory_space<semaphore_mem>>)
      %dma_wait3A_2163 = arith.constant 0 : i32
      %dma_wait3A_2164 = arith.constant 0 : i32
      %dma_wait3A_2165 = tpu.memref_slice %arg7[%dma_wait3A_2163, %dma_wait3A_2164] : memref<64x768xf32, #tpu.memory_space<vmem>> -> memref<16x768xf32, #tpu.memory_space<vmem>>
      %dma_wait3A_2166 = arith.constant 0 : i32
      %dma_wait3A_2167 = arith.constant 0 : i32
      %dma_wait3A_2168 = tpu.memref_slice %arg10[%arg1, %run_scoped3A_1294, %dma_wait3A_2166, %dma_wait3A_2167] : memref<16x2x16x768xf32, #tpu.memory_space<vmem_shared>> -> memref<1x1x16x768xf32, #tpu.memory_space<vmem_shared>>
      %dma_wait3A_2169 = tpu.memref_squeeze %dma_wait3A_2168 : memref<1x1x16x768xf32, #tpu.memory_space<vmem_shared>> -> memref<16x768xf32, #tpu.memory_space<vmem_shared>>
      %dma_wait3A_2170 = arith.constant 0 : i32
      %dma_wait3A_2171 = arith.constant 0 : i32
      %dma_wait3A_2172 = tpu.memref_slice %arg10[%arg1, %run_scoped3A_1294, %dma_wait3A_2170, %dma_wait3A_2171] : memref<16x2x16x768xf32, #tpu.memory_space<vmem_shared>> -> memref<1x1x16x768xf32, #tpu.memory_space<vmem_shared>>
      %dma_wait3A_2173 = tpu.memref_squeeze %dma_wait3A_2172 : memref<1x1x16x768xf32, #tpu.memory_space<vmem_shared>> -> memref<16x768xf32, #tpu.memory_space<vmem_shared>>
      %dma_wait3A_2174 = arith.constant 0 : i32
      %dma_wait3A_2175 = arith.constant 0 : i32
      %dma_wait3A_2176 = tpu.memref_slice %arg7[%dma_wait3A_2174, %dma_wait3A_2175] : memref<64x768xf32, #tpu.memory_space<vmem>> -> memref<16x768xf32, #tpu.memory_space<vmem>>
      tpu.wait_dma2 semaphore(%run_scoped3A_2148 : memref<!tpu.dma_semaphore, #tpu.memory_space<semaphore_mem>>) src(%dma_wait3A_2176 : memref<16x768xf32, #tpu.memory_space<vmem>>) dst(%dma_wait3A_2173 : memref<16x768xf32, #tpu.memory_space<vmem_shared>>)
      tpu.yield
    }) : () -> ()
    %add3A_1295 = arith.constant 0 : i32
    %add3A_1296 = arith.addi %add3A_1265, %add3A_1295 : i32
    %add3A_1297 = arith.constant 0 : i32
    %add3A_1298 = arith.addi %add3A_1296, %add3A_1297 : i32
    %dma_start3A_1299 = arith.constant 0 : i32
    %dma_start3A_1300 = arith.constant 0 : i32
    %dma_start3A_1301 = tpu.memref_slice %arg5[%add3A_1298, %dma_start3A_1300] : memref<65536x768xf32, #tpu.memory_space<hbm>> -> memref<16x768xf32, #tpu.memory_space<hbm>>
    %dma_start3A_1302 = arith.constant 0 : i32
    %dma_start3A_1303 = arith.constant 0 : i32
    %dma_start3A_1304 = tpu.memref_slice %arg10[%arg1, %dma_start3A_1299, %dma_start3A_1302, %dma_start3A_1303] : memref<16x2x16x768xf32, #tpu.memory_space<vmem_shared>> -> memref<1x1x16x768xf32, #tpu.memory_space<vmem_shared>>
    %dma_start3A_1305 = tpu.memref_squeeze %dma_start3A_1304 : memref<1x1x16x768xf32, #tpu.memory_space<vmem_shared>> -> memref<16x768xf32, #tpu.memory_space<vmem_shared>>
    tpu.enqueue_dma source(%dma_start3A_1305 : memref<16x768xf32, #tpu.memory_space<vmem_shared>>) target(%dma_start3A_1301 : memref<16x768xf32, #tpu.memory_space<hbm>>) target_semaphore(%arg13 : memref<!tpu.dma_semaphore, #tpu.memory_space<semaphore_mem>>)
    %add3A_1306 = arith.constant 0 : i32
    %add3A_1307 = arith.addi %add3A_1265, %add3A_1306 : i32
    %add3A_1308 = arith.constant 16384 : i32
    %add3A_1309 = arith.addi %add3A_1307, %add3A_1308 : i32
    %dma_start3A_1310 = arith.constant 0 : i32
    %dma_start3A_1311 = arith.constant 0 : i32
    %dma_start3A_1312 = tpu.memref_slice %arg5[%add3A_1309, %dma_start3A_1311] : memref<65536x768xf32, #tpu.memory_space<hbm>> -> memref<16x768xf32, #tpu.memory_space<hbm>>
    %dma_start3A_1313 = arith.constant 0 : i32
    %dma_start3A_1314 = arith.constant 0 : i32
    %dma_start3A_1315 = tpu.memref_slice %arg10[%arg1, %dma_start3A_1310, %dma_start3A_1313, %dma_start3A_1314] : memref<16x2x16x768xf32, #tpu.memory_space<vmem_shared>> -> memref<1x1x16x768xf32, #tpu.memory_space<vmem_shared>>
    %dma_start3A_1316 = tpu.memref_squeeze %dma_start3A_1315 : memref<1x1x16x768xf32, #tpu.memory_space<vmem_shared>> -> memref<16x768xf32, #tpu.memory_space<vmem_shared>>
    tpu.enqueue_dma source(%dma_start3A_1316 : memref<16x768xf32, #tpu.memory_space<vmem_shared>>) target(%dma_start3A_1312 : memref<16x768xf32, #tpu.memory_space<hbm>>) target_semaphore(%arg13 : memref<!tpu.dma_semaphore, #tpu.memory_space<semaphore_mem>>)
    %add3A_1317 = arith.constant 0 : i32
    %add3A_1318 = arith.addi %add3A_1265, %add3A_1317 : i32
    %add3A_1319 = arith.constant 32768 : i32
    %add3A_1320 = arith.addi %add3A_1318, %add3A_1319 : i32
    %dma_start3A_1321 = arith.constant 0 : i32
    %dma_start3A_1322 = arith.constant 0 : i32
    %dma_start3A_1323 = tpu.memref_slice %arg5[%add3A_1320, %dma_start3A_1322] : memref<65536x768xf32, #tpu.memory_space<hbm>> -> memref<16x768xf32, #tpu.memory_space<hbm>>
    %dma_start3A_1324 = arith.constant 0 : i32
    %dma_start3A_1325 = arith.constant 0 : i32
    %dma_start3A_1326 = tpu.memref_slice %arg10[%arg1, %dma_start3A_1321, %dma_start3A_1324, %dma_start3A_1325] : memref<16x2x16x768xf32, #tpu.memory_space<vmem_shared>> -> memref<1x1x16x768xf32, #tpu.memory_space<vmem_shared>>
    %dma_start3A_1327 = tpu.memref_squeeze %dma_start3A_1326 : memref<1x1x16x768xf32, #tpu.memory_space<vmem_shared>> -> memref<16x768xf32, #tpu.memory_space<vmem_shared>>
    tpu.enqueue_dma source(%dma_start3A_1327 : memref<16x768xf32, #tpu.memory_space<vmem_shared>>) target(%dma_start3A_1323 : memref<16x768xf32, #tpu.memory_space<hbm>>) target_semaphore(%arg13 : memref<!tpu.dma_semaphore, #tpu.memory_space<semaphore_mem>>)
    %add3A_1328 = arith.constant 0 : i32
    %add3A_1329 = arith.addi %add3A_1265, %add3A_1328 : i32
    %add3A_1330 = arith.constant 49152 : i32
    %add3A_1331 = arith.addi %add3A_1329, %add3A_1330 : i32
    %dma_start3A_1332 = arith.constant 0 : i32
    %dma_start3A_1333 = arith.constant 0 : i32
    %dma_start3A_1334 = tpu.memref_slice %arg5[%add3A_1331, %dma_start3A_1333] : memref<65536x768xf32, #tpu.memory_space<hbm>> -> memref<16x768xf32, #tpu.memory_space<hbm>>
    %dma_start3A_1335 = arith.constant 0 : i32
    %dma_start3A_1336 = arith.constant 0 : i32
    %dma_start3A_1337 = tpu.memref_slice %arg10[%arg1, %dma_start3A_1332, %dma_start3A_1335, %dma_start3A_1336] : memref<16x2x16x768xf32, #tpu.memory_space<vmem_shared>> -> memref<1x1x16x768xf32, #tpu.memory_space<vmem_shared>>
    %dma_start3A_1338 = tpu.memref_squeeze %dma_start3A_1337 : memref<1x1x16x768xf32, #tpu.memory_space<vmem_shared>> -> memref<16x768xf32, #tpu.memory_space<vmem_shared>>
    tpu.enqueue_dma source(%dma_start3A_1338 : memref<16x768xf32, #tpu.memory_space<vmem_shared>>) target(%dma_start3A_1334 : memref<16x768xf32, #tpu.memory_space<hbm>>) target_semaphore(%arg13 : memref<!tpu.dma_semaphore, #tpu.memory_space<semaphore_mem>>)
    %dma_wait3A_1339 = arith.constant 1 : i32
    %dma_wait3A_1340 = arith.constant 0 : i32
    %dma_wait3A_1341 = tpu.memref_slice %arg5[%add3A_999, %dma_wait3A_1340] : memref<65536x768xf32, #tpu.memory_space<hbm>> -> memref<16x768xf32, #tpu.memory_space<hbm>>
    %dma_wait3A_1342 = arith.constant 0 : i32
    %dma_wait3A_1343 = arith.constant 0 : i32
    %dma_wait3A_1344 = tpu.memref_slice %arg10[%arg1, %dma_wait3A_1339, %dma_wait3A_1342, %dma_wait3A_1343] : memref<16x2x16x768xf32, #tpu.memory_space<vmem_shared>> -> memref<1x1x16x768xf32, #tpu.memory_space<vmem_shared>>
    %dma_wait3A_1345 = tpu.memref_squeeze %dma_wait3A_1344 : memref<1x1x16x768xf32, #tpu.memory_space<vmem_shared>> -> memref<16x768xf32, #tpu.memory_space<vmem_shared>>
    tpu.wait_dma2 semaphore(%arg14 : memref<!tpu.dma_semaphore, #tpu.memory_space<semaphore_mem>>) src(%dma_wait3A_1345 : memref<16x768xf32, #tpu.memory_space<vmem_shared>>) dst(%dma_wait3A_1341 : memref<16x768xf32, #tpu.memory_space<hbm>>)
    %dma_wait3A_1346 = arith.constant 1 : i32
    %dma_wait3A_1347 = arith.constant 0 : i32
    %dma_wait3A_1348 = tpu.memref_slice %arg5[%add3A_1010, %dma_wait3A_1347] : memref<65536x768xf32, #tpu.memory_space<hbm>> -> memref<16x768xf32, #tpu.memory_space<hbm>>
    %dma_wait3A_1349 = arith.constant 0 : i32
    %dma_wait3A_1350 = arith.constant 0 : i32
    %dma_wait3A_1351 = tpu.memref_slice %arg10[%arg1, %dma_wait3A_1346, %dma_wait3A_1349, %dma_wait3A_1350] : memref<16x2x16x768xf32, #tpu.memory_space<vmem_shared>> -> memref<1x1x16x768xf32, #tpu.memory_space<vmem_shared>>
    %dma_wait3A_1352 = tpu.memref_squeeze %dma_wait3A_1351 : memref<1x1x16x768xf32, #tpu.memory_space<vmem_shared>> -> memref<16x768xf32, #tpu.memory_space<vmem_shared>>
    tpu.wait_dma2 semaphore(%arg14 : memref<!tpu.dma_semaphore, #tpu.memory_space<semaphore_mem>>) src(%dma_wait3A_1352 : memref<16x768xf32, #tpu.memory_space<vmem_shared>>) dst(%dma_wait3A_1348 : memref<16x768xf32, #tpu.memory_space<hbm>>)
    %dma_wait3A_1353 = arith.constant 1 : i32
    %dma_wait3A_1354 = arith.constant 0 : i32
    %dma_wait3A_1355 = tpu.memref_slice %arg5[%add3A_1021, %dma_wait3A_1354] : memref<65536x768xf32, #tpu.memory_space<hbm>> -> memref<16x768xf32, #tpu.memory_space<hbm>>
    %dma_wait3A_1356 = arith.constant 0 : i32
    %dma_wait3A_1357 = arith.constant 0 : i32
    %dma_wait3A_1358 = tpu.memref_slice %arg10[%arg1, %dma_wait3A_1353, %dma_wait3A_1356, %dma_wait3A_1357] : memref<16x2x16x768xf32, #tpu.memory_space<vmem_shared>> -> memref<1x1x16x768xf32, #tpu.memory_space<vmem_shared>>
    %dma_wait3A_1359 = tpu.memref_squeeze %dma_wait3A_1358 : memref<1x1x16x768xf32, #tpu.memory_space<vmem_shared>> -> memref<16x768xf32, #tpu.memory_space<vmem_shared>>
    tpu.wait_dma2 semaphore(%arg14 : memref<!tpu.dma_semaphore, #tpu.memory_space<semaphore_mem>>) src(%dma_wait3A_1359 : memref<16x768xf32, #tpu.memory_space<vmem_shared>>) dst(%dma_wait3A_1355 : memref<16x768xf32, #tpu.memory_space<hbm>>)
    %dma_wait3A_1360 = arith.constant 1 : i32
    %dma_wait3A_1361 = arith.constant 0 : i32
    %dma_wait3A_1362 = tpu.memref_slice %arg5[%add3A_1032, %dma_wait3A_1361] : memref<65536x768xf32, #tpu.memory_space<hbm>> -> memref<16x768xf32, #tpu.memory_space<hbm>>
    %dma_wait3A_1363 = arith.constant 0 : i32
    %dma_wait3A_1364 = arith.constant 0 : i32
    %dma_wait3A_1365 = tpu.memref_slice %arg10[%arg1, %dma_wait3A_1360, %dma_wait3A_1363, %dma_wait3A_1364] : memref<16x2x16x768xf32, #tpu.memory_space<vmem_shared>> -> memref<1x1x16x768xf32, #tpu.memory_space<vmem_shared>>
    %dma_wait3A_1366 = tpu.memref_squeeze %dma_wait3A_1365 : memref<1x1x16x768xf32, #tpu.memory_space<vmem_shared>> -> memref<16x768xf32, #tpu.memory_space<vmem_shared>>
    tpu.wait_dma2 semaphore(%arg14 : memref<!tpu.dma_semaphore, #tpu.memory_space<semaphore_mem>>) src(%dma_wait3A_1366 : memref<16x768xf32, #tpu.memory_space<vmem_shared>>) dst(%dma_wait3A_1362 : memref<16x768xf32, #tpu.memory_space<hbm>>)
    %run_scoped3A_1367 = arith.constant 1 : i32
    "tpu.region"() ({
      %run_scoped3A_2148 = tpu.sem_alloc : memref<!tpu.dma_semaphore, #tpu.memory_space<semaphore_mem>>
      %dma_start3A_2149 = arith.constant 16 : i32
      %dma_start3A_2150 = arith.constant 0 : i32
      %dma_start3A_2151 = tpu.memref_slice %arg7[%dma_start3A_2149, %dma_start3A_2150] : memref<64x768xf32, #tpu.memory_space<vmem>> -> memref<16x768xf32, #tpu.memory_space<vmem>>
      %dma_start3A_2152 = arith.constant 0 : i32
      %dma_start3A_2153 = arith.constant 0 : i32
      %dma_start3A_2154 = tpu.memref_slice %arg10[%arg1, %run_scoped3A_1367, %dma_start3A_2152, %dma_start3A_2153] : memref<16x2x16x768xf32, #tpu.memory_space<vmem_shared>> -> memref<1x1x16x768xf32, #tpu.memory_space<vmem_shared>>
      %dma_start3A_2155 = tpu.memref_squeeze %dma_start3A_2154 : memref<1x1x16x768xf32, #tpu.memory_space<vmem_shared>> -> memref<16x768xf32, #tpu.memory_space<vmem_shared>>
      %dma_start3A_2156 = arith.constant 0 : i32
      %dma_start3A_2157 = arith.constant 0 : i32
      %dma_start3A_2158 = tpu.memref_slice %arg10[%arg1, %run_scoped3A_1367, %dma_start3A_2156, %dma_start3A_2157] : memref<16x2x16x768xf32, #tpu.memory_space<vmem_shared>> -> memref<1x1x16x768xf32, #tpu.memory_space<vmem_shared>>
      %dma_start3A_2159 = tpu.memref_squeeze %dma_start3A_2158 : memref<1x1x16x768xf32, #tpu.memory_space<vmem_shared>> -> memref<16x768xf32, #tpu.memory_space<vmem_shared>>
      %dma_start3A_2160 = arith.constant 16 : i32
      %dma_start3A_2161 = arith.constant 0 : i32
      %dma_start3A_2162 = tpu.memref_slice %arg7[%dma_start3A_2160, %dma_start3A_2161] : memref<64x768xf32, #tpu.memory_space<vmem>> -> memref<16x768xf32, #tpu.memory_space<vmem>>
      tpu.enqueue_dma source(%dma_start3A_2162 : memref<16x768xf32, #tpu.memory_space<vmem>>) target(%dma_start3A_2159 : memref<16x768xf32, #tpu.memory_space<vmem_shared>>) target_semaphore(%run_scoped3A_2148 : memref<!tpu.dma_semaphore, #tpu.memory_space<semaphore_mem>>)
      %dma_wait3A_2163 = arith.constant 16 : i32
      %dma_wait3A_2164 = arith.constant 0 : i32
      %dma_wait3A_2165 = tpu.memref_slice %arg7[%dma_wait3A_2163, %dma_wait3A_2164] : memref<64x768xf32, #tpu.memory_space<vmem>> -> memref<16x768xf32, #tpu.memory_space<vmem>>
      %dma_wait3A_2166 = arith.constant 0 : i32
      %dma_wait3A_2167 = arith.constant 0 : i32
      %dma_wait3A_2168 = tpu.memref_slice %arg10[%arg1, %run_scoped3A_1367, %dma_wait3A_2166, %dma_wait3A_2167] : memref<16x2x16x768xf32, #tpu.memory_space<vmem_shared>> -> memref<1x1x16x768xf32, #tpu.memory_space<vmem_shared>>
      %dma_wait3A_2169 = tpu.memref_squeeze %dma_wait3A_2168 : memref<1x1x16x768xf32, #tpu.memory_space<vmem_shared>> -> memref<16x768xf32, #tpu.memory_space<vmem_shared>>
      %dma_wait3A_2170 = arith.constant 0 : i32
      %dma_wait3A_2171 = arith.constant 0 : i32
      %dma_wait3A_2172 = tpu.memref_slice %arg10[%arg1, %run_scoped3A_1367, %dma_wait3A_2170, %dma_wait3A_2171] : memref<16x2x16x768xf32, #tpu.memory_space<vmem_shared>> -> memref<1x1x16x768xf32, #tpu.memory_space<vmem_shared>>
      %dma_wait3A_2173 = tpu.memref_squeeze %dma_wait3A_2172 : memref<1x1x16x768xf32, #tpu.memory_space<vmem_shared>> -> memref<16x768xf32, #tpu.memory_space<vmem_shared>>
      %dma_wait3A_2174 = arith.constant 16 : i32
      %dma_wait3A_2175 = arith.constant 0 : i32
      %dma_wait3A_2176 = tpu.memref_slice %arg7[%dma_wait3A_2174, %dma_wait3A_2175] : memref<64x768xf32, #tpu.memory_space<vmem>> -> memref<16x768xf32, #tpu.memory_space<vmem>>
      tpu.wait_dma2 semaphore(%run_scoped3A_2148 : memref<!tpu.dma_semaphore, #tpu.memory_space<semaphore_mem>>) src(%dma_wait3A_2176 : memref<16x768xf32, #tpu.memory_space<vmem>>) dst(%dma_wait3A_2173 : memref<16x768xf32, #tpu.memory_space<vmem_shared>>)
      tpu.yield
    }) : () -> ()
    %add3A_1368 = arith.constant 16 : i32
    %add3A_1369 = arith.addi %add3A_1265, %add3A_1368 : i32
    %add3A_1370 = arith.constant 0 : i32
    %add3A_1371 = arith.addi %add3A_1369, %add3A_1370 : i32
    %dma_start3A_1372 = arith.constant 1 : i32
    %dma_start3A_1373 = arith.constant 0 : i32
    %dma_start3A_1374 = tpu.memref_slice %arg5[%add3A_1371, %dma_start3A_1373] : memref<65536x768xf32, #tpu.memory_space<hbm>> -> memref<16x768xf32, #tpu.memory_space<hbm>>
    %dma_start3A_1375 = arith.constant 0 : i32
    %dma_start3A_1376 = arith.constant 0 : i32
    %dma_start3A_1377 = tpu.memref_slice %arg10[%arg1, %dma_start3A_1372, %dma_start3A_1375, %dma_start3A_1376] : memref<16x2x16x768xf32, #tpu.memory_space<vmem_shared>> -> memref<1x1x16x768xf32, #tpu.memory_space<vmem_shared>>
    %dma_start3A_1378 = tpu.memref_squeeze %dma_start3A_1377 : memref<1x1x16x768xf32, #tpu.memory_space<vmem_shared>> -> memref<16x768xf32, #tpu.memory_space<vmem_shared>>
    tpu.enqueue_dma source(%dma_start3A_1378 : memref<16x768xf32, #tpu.memory_space<vmem_shared>>) target(%dma_start3A_1374 : memref<16x768xf32, #tpu.memory_space<hbm>>) target_semaphore(%arg14 : memref<!tpu.dma_semaphore, #tpu.memory_space<semaphore_mem>>)
    %add3A_1379 = arith.constant 16 : i32
    %add3A_1380 = arith.addi %add3A_1265, %add3A_1379 : i32
    %add3A_1381 = arith.constant 16384 : i32
    %add3A_1382 = arith.addi %add3A_1380, %add3A_1381 : i32
    %dma_start3A_1383 = arith.constant 1 : i32
    %dma_start3A_1384 = arith.constant 0 : i32
    %dma_start3A_1385 = tpu.memref_slice %arg5[%add3A_1382, %dma_start3A_1384] : memref<65536x768xf32, #tpu.memory_space<hbm>> -> memref<16x768xf32, #tpu.memory_space<hbm>>
    %dma_start3A_1386 = arith.constant 0 : i32
    %dma_start3A_1387 = arith.constant 0 : i32
    %dma_start3A_1388 = tpu.memref_slice %arg10[%arg1, %dma_start3A_1383, %dma_start3A_1386, %dma_start3A_1387] : memref<16x2x16x768xf32, #tpu.memory_space<vmem_shared>> -> memref<1x1x16x768xf32, #tpu.memory_space<vmem_shared>>
    %dma_start3A_1389 = tpu.memref_squeeze %dma_start3A_1388 : memref<1x1x16x768xf32, #tpu.memory_space<vmem_shared>> -> memref<16x768xf32, #tpu.memory_space<vmem_shared>>
    tpu.enqueue_dma source(%dma_start3A_1389 : memref<16x768xf32, #tpu.memory_space<vmem_shared>>) target(%dma_start3A_1385 : memref<16x768xf32, #tpu.memory_space<hbm>>) target_semaphore(%arg14 : memref<!tpu.dma_semaphore, #tpu.memory_space<semaphore_mem>>)
    %add3A_1390 = arith.constant 16 : i32
    %add3A_1391 = arith.addi %add3A_1265, %add3A_1390 : i32
    %add3A_1392 = arith.constant 32768 : i32
    %add3A_1393 = arith.addi %add3A_1391, %add3A_1392 : i32
    %dma_start3A_1394 = arith.constant 1 : i32
    %dma_start3A_1395 = arith.constant 0 : i32
    %dma_start3A_1396 = tpu.memref_slice %arg5[%add3A_1393, %dma_start3A_1395] : memref<65536x768xf32, #tpu.memory_space<hbm>> -> memref<16x768xf32, #tpu.memory_space<hbm>>
    %dma_start3A_1397 = arith.constant 0 : i32
    %dma_start3A_1398 = arith.constant 0 : i32
    %dma_start3A_1399 = tpu.memref_slice %arg10[%arg1, %dma_start3A_1394, %dma_start3A_1397, %dma_start3A_1398] : memref<16x2x16x768xf32, #tpu.memory_space<vmem_shared>> -> memref<1x1x16x768xf32, #tpu.memory_space<vmem_shared>>
    %dma_start3A_1400 = tpu.memref_squeeze %dma_start3A_1399 : memref<1x1x16x768xf32, #tpu.memory_space<vmem_shared>> -> memref<16x768xf32, #tpu.memory_space<vmem_shared>>
    tpu.enqueue_dma source(%dma_start3A_1400 : memref<16x768xf32, #tpu.memory_space<vmem_shared>>) target(%dma_start3A_1396 : memref<16x768xf32, #tpu.memory_space<hbm>>) target_semaphore(%arg14 : memref<!tpu.dma_semaphore, #tpu.memory_space<semaphore_mem>>)
    %add3A_1401 = arith.constant 16 : i32
    %add3A_1402 = arith.addi %add3A_1265, %add3A_1401 : i32
    %add3A_1403 = arith.constant 49152 : i32
    %add3A_1404 = arith.addi %add3A_1402, %add3A_1403 : i32
    %dma_start3A_1405 = arith.constant 1 : i32
    %dma_start3A_1406 = arith.constant 0 : i32
    %dma_start3A_1407 = tpu.memref_slice %arg5[%add3A_1404, %dma_start3A_1406] : memref<65536x768xf32, #tpu.memory_space<hbm>> -> memref<16x768xf32, #tpu.memory_space<hbm>>
    %dma_start3A_1408 = arith.constant 0 : i32
    %dma_start3A_1409 = arith.constant 0 : i32
    %dma_start3A_1410 = tpu.memref_slice %arg10[%arg1, %dma_start3A_1405, %dma_start3A_1408, %dma_start3A_1409] : memref<16x2x16x768xf32, #tpu.memory_space<vmem_shared>> -> memref<1x1x16x768xf32, #tpu.memory_space<vmem_shared>>
    %dma_start3A_1411 = tpu.memref_squeeze %dma_start3A_1410 : memref<1x1x16x768xf32, #tpu.memory_space<vmem_shared>> -> memref<16x768xf32, #tpu.memory_space<vmem_shared>>
    tpu.enqueue_dma source(%dma_start3A_1411 : memref<16x768xf32, #tpu.memory_space<vmem_shared>>) target(%dma_start3A_1407 : memref<16x768xf32, #tpu.memory_space<hbm>>) target_semaphore(%arg14 : memref<!tpu.dma_semaphore, #tpu.memory_space<semaphore_mem>>)
    %dma_wait3A_1412 = arith.constant 0 : i32
    %dma_wait3A_1413 = arith.constant 0 : i32
    %dma_wait3A_1414 = tpu.memref_slice %arg5[%add3A_1298, %dma_wait3A_1413] : memref<65536x768xf32, #tpu.memory_space<hbm>> -> memref<16x768xf32, #tpu.memory_space<hbm>>
    %dma_wait3A_1415 = arith.constant 0 : i32
    %dma_wait3A_1416 = arith.constant 0 : i32
    %dma_wait3A_1417 = tpu.memref_slice %arg10[%arg1, %dma_wait3A_1412, %dma_wait3A_1415, %dma_wait3A_1416] : memref<16x2x16x768xf32, #tpu.memory_space<vmem_shared>> -> memref<1x1x16x768xf32, #tpu.memory_space<vmem_shared>>
    %dma_wait3A_1418 = tpu.memref_squeeze %dma_wait3A_1417 : memref<1x1x16x768xf32, #tpu.memory_space<vmem_shared>> -> memref<16x768xf32, #tpu.memory_space<vmem_shared>>
    tpu.wait_dma2 semaphore(%arg13 : memref<!tpu.dma_semaphore, #tpu.memory_space<semaphore_mem>>) src(%dma_wait3A_1418 : memref<16x768xf32, #tpu.memory_space<vmem_shared>>) dst(%dma_wait3A_1414 : memref<16x768xf32, #tpu.memory_space<hbm>>)
    %dma_wait3A_1419 = arith.constant 0 : i32
    %dma_wait3A_1420 = arith.constant 0 : i32
    %dma_wait3A_1421 = tpu.memref_slice %arg5[%add3A_1309, %dma_wait3A_1420] : memref<65536x768xf32, #tpu.memory_space<hbm>> -> memref<16x768xf32, #tpu.memory_space<hbm>>
    %dma_wait3A_1422 = arith.constant 0 : i32
    %dma_wait3A_1423 = arith.constant 0 : i32
    %dma_wait3A_1424 = tpu.memref_slice %arg10[%arg1, %dma_wait3A_1419, %dma_wait3A_1422, %dma_wait3A_1423] : memref<16x2x16x768xf32, #tpu.memory_space<vmem_shared>> -> memref<1x1x16x768xf32, #tpu.memory_space<vmem_shared>>
    %dma_wait3A_1425 = tpu.memref_squeeze %dma_wait3A_1424 : memref<1x1x16x768xf32, #tpu.memory_space<vmem_shared>> -> memref<16x768xf32, #tpu.memory_space<vmem_shared>>
    tpu.wait_dma2 semaphore(%arg13 : memref<!tpu.dma_semaphore, #tpu.memory_space<semaphore_mem>>) src(%dma_wait3A_1425 : memref<16x768xf32, #tpu.memory_space<vmem_shared>>) dst(%dma_wait3A_1421 : memref<16x768xf32, #tpu.memory_space<hbm>>)
    %dma_wait3A_1426 = arith.constant 0 : i32
    %dma_wait3A_1427 = arith.constant 0 : i32
    %dma_wait3A_1428 = tpu.memref_slice %arg5[%add3A_1320, %dma_wait3A_1427] : memref<65536x768xf32, #tpu.memory_space<hbm>> -> memref<16x768xf32, #tpu.memory_space<hbm>>
    %dma_wait3A_1429 = arith.constant 0 : i32
    %dma_wait3A_1430 = arith.constant 0 : i32
    %dma_wait3A_1431 = tpu.memref_slice %arg10[%arg1, %dma_wait3A_1426, %dma_wait3A_1429, %dma_wait3A_1430] : memref<16x2x16x768xf32, #tpu.memory_space<vmem_shared>> -> memref<1x1x16x768xf32, #tpu.memory_space<vmem_shared>>
    %dma_wait3A_1432 = tpu.memref_squeeze %dma_wait3A_1431 : memref<1x1x16x768xf32, #tpu.memory_space<vmem_shared>> -> memref<16x768xf32, #tpu.memory_space<vmem_shared>>
    tpu.wait_dma2 semaphore(%arg13 : memref<!tpu.dma_semaphore, #tpu.memory_space<semaphore_mem>>) src(%dma_wait3A_1432 : memref<16x768xf32, #tpu.memory_space<vmem_shared>>) dst(%dma_wait3A_1428 : memref<16x768xf32, #tpu.memory_space<hbm>>)
    %dma_wait3A_1433 = arith.constant 0 : i32
    %dma_wait3A_1434 = arith.constant 0 : i32
    %dma_wait3A_1435 = tpu.memref_slice %arg5[%add3A_1331, %dma_wait3A_1434] : memref<65536x768xf32, #tpu.memory_space<hbm>> -> memref<16x768xf32, #tpu.memory_space<hbm>>
    %dma_wait3A_1436 = arith.constant 0 : i32
    %dma_wait3A_1437 = arith.constant 0 : i32
    %dma_wait3A_1438 = tpu.memref_slice %arg10[%arg1, %dma_wait3A_1433, %dma_wait3A_1436, %dma_wait3A_1437] : memref<16x2x16x768xf32, #tpu.memory_space<vmem_shared>> -> memref<1x1x16x768xf32, #tpu.memory_space<vmem_shared>>
    %dma_wait3A_1439 = tpu.memref_squeeze %dma_wait3A_1438 : memref<1x1x16x768xf32, #tpu.memory_space<vmem_shared>> -> memref<16x768xf32, #tpu.memory_space<vmem_shared>>
    tpu.wait_dma2 semaphore(%arg13 : memref<!tpu.dma_semaphore, #tpu.memory_space<semaphore_mem>>) src(%dma_wait3A_1439 : memref<16x768xf32, #tpu.memory_space<vmem_shared>>) dst(%dma_wait3A_1435 : memref<16x768xf32, #tpu.memory_space<hbm>>)
    %run_scoped3A_1440 = arith.constant 0 : i32
    "tpu.region"() ({
      %run_scoped3A_2148 = tpu.sem_alloc : memref<!tpu.dma_semaphore, #tpu.memory_space<semaphore_mem>>
      %dma_start3A_2149 = arith.constant 32 : i32
      %dma_start3A_2150 = arith.constant 0 : i32
      %dma_start3A_2151 = tpu.memref_slice %arg7[%dma_start3A_2149, %dma_start3A_2150] : memref<64x768xf32, #tpu.memory_space<vmem>> -> memref<16x768xf32, #tpu.memory_space<vmem>>
      %dma_start3A_2152 = arith.constant 0 : i32
      %dma_start3A_2153 = arith.constant 0 : i32
      %dma_start3A_2154 = tpu.memref_slice %arg10[%arg1, %run_scoped3A_1440, %dma_start3A_2152, %dma_start3A_2153] : memref<16x2x16x768xf32, #tpu.memory_space<vmem_shared>> -> memref<1x1x16x768xf32, #tpu.memory_space<vmem_shared>>
      %dma_start3A_2155 = tpu.memref_squeeze %dma_start3A_2154 : memref<1x1x16x768xf32, #tpu.memory_space<vmem_shared>> -> memref<16x768xf32, #tpu.memory_space<vmem_shared>>
      %dma_start3A_2156 = arith.constant 0 : i32
      %dma_start3A_2157 = arith.constant 0 : i32
      %dma_start3A_2158 = tpu.memref_slice %arg10[%arg1, %run_scoped3A_1440, %dma_start3A_2156, %dma_start3A_2157] : memref<16x2x16x768xf32, #tpu.memory_space<vmem_shared>> -> memref<1x1x16x768xf32, #tpu.memory_space<vmem_shared>>
      %dma_start3A_2159 = tpu.memref_squeeze %dma_start3A_2158 : memref<1x1x16x768xf32, #tpu.memory_space<vmem_shared>> -> memref<16x768xf32, #tpu.memory_space<vmem_shared>>
      %dma_start3A_2160 = arith.constant 32 : i32
      %dma_start3A_2161 = arith.constant 0 : i32
      %dma_start3A_2162 = tpu.memref_slice %arg7[%dma_start3A_2160, %dma_start3A_2161] : memref<64x768xf32, #tpu.memory_space<vmem>> -> memref<16x768xf32, #tpu.memory_space<vmem>>
      tpu.enqueue_dma source(%dma_start3A_2162 : memref<16x768xf32, #tpu.memory_space<vmem>>) target(%dma_start3A_2159 : memref<16x768xf32, #tpu.memory_space<vmem_shared>>) target_semaphore(%run_scoped3A_2148 : memref<!tpu.dma_semaphore, #tpu.memory_space<semaphore_mem>>)
      %dma_wait3A_2163 = arith.constant 32 : i32
      %dma_wait3A_2164 = arith.constant 0 : i32
      %dma_wait3A_2165 = tpu.memref_slice %arg7[%dma_wait3A_2163, %dma_wait3A_2164] : memref<64x768xf32, #tpu.memory_space<vmem>> -> memref<16x768xf32, #tpu.memory_space<vmem>>
      %dma_wait3A_2166 = arith.constant 0 : i32
      %dma_wait3A_2167 = arith.constant 0 : i32
      %dma_wait3A_2168 = tpu.memref_slice %arg10[%arg1, %run_scoped3A_1440, %dma_wait3A_2166, %dma_wait3A_2167] : memref<16x2x16x768xf32, #tpu.memory_space<vmem_shared>> -> memref<1x1x16x768xf32, #tpu.memory_space<vmem_shared>>
      %dma_wait3A_2169 = tpu.memref_squeeze %dma_wait3A_2168 : memref<1x1x16x768xf32, #tpu.memory_space<vmem_shared>> -> memref<16x768xf32, #tpu.memory_space<vmem_shared>>
      %dma_wait3A_2170 = arith.constant 0 : i32
      %dma_wait3A_2171 = arith.constant 0 : i32
      %dma_wait3A_2172 = tpu.memref_slice %arg10[%arg1, %run_scoped3A_1440, %dma_wait3A_2170, %dma_wait3A_2171] : memref<16x2x16x768xf32, #tpu.memory_space<vmem_shared>> -> memref<1x1x16x768xf32, #tpu.memory_space<vmem_shared>>
      %dma_wait3A_2173 = tpu.memref_squeeze %dma_wait3A_2172 : memref<1x1x16x768xf32, #tpu.memory_space<vmem_shared>> -> memref<16x768xf32, #tpu.memory_space<vmem_shared>>
      %dma_wait3A_2174 = arith.constant 32 : i32
      %dma_wait3A_2175 = arith.constant 0 : i32
      %dma_wait3A_2176 = tpu.memref_slice %arg7[%dma_wait3A_2174, %dma_wait3A_2175] : memref<64x768xf32, #tpu.memory_space<vmem>> -> memref<16x768xf32, #tpu.memory_space<vmem>>
      tpu.wait_dma2 semaphore(%run_scoped3A_2148 : memref<!tpu.dma_semaphore, #tpu.memory_space<semaphore_mem>>) src(%dma_wait3A_2176 : memref<16x768xf32, #tpu.memory_space<vmem>>) dst(%dma_wait3A_2173 : memref<16x768xf32, #tpu.memory_space<vmem_shared>>)
      tpu.yield
    }) : () -> ()
    %add3A_1441 = arith.constant 32 : i32
    %add3A_1442 = arith.addi %add3A_1265, %add3A_1441 : i32
    %add3A_1443 = arith.constant 0 : i32
    %add3A_1444 = arith.addi %add3A_1442, %add3A_1443 : i32
    %dma_start3A_1445 = arith.constant 0 : i32
    %dma_start3A_1446 = arith.constant 0 : i32
    %dma_start3A_1447 = tpu.memref_slice %arg5[%add3A_1444, %dma_start3A_1446] : memref<65536x768xf32, #tpu.memory_space<hbm>> -> memref<16x768xf32, #tpu.memory_space<hbm>>
    %dma_start3A_1448 = arith.constant 0 : i32
    %dma_start3A_1449 = arith.constant 0 : i32
    %dma_start3A_1450 = tpu.memref_slice %arg10[%arg1, %dma_start3A_1445, %dma_start3A_1448, %dma_start3A_1449] : memref<16x2x16x768xf32, #tpu.memory_space<vmem_shared>> -> memref<1x1x16x768xf32, #tpu.memory_space<vmem_shared>>
    %dma_start3A_1451 = tpu.memref_squeeze %dma_start3A_1450 : memref<1x1x16x768xf32, #tpu.memory_space<vmem_shared>> -> memref<16x768xf32, #tpu.memory_space<vmem_shared>>
    tpu.enqueue_dma source(%dma_start3A_1451 : memref<16x768xf32, #tpu.memory_space<vmem_shared>>) target(%dma_start3A_1447 : memref<16x768xf32, #tpu.memory_space<hbm>>) target_semaphore(%arg13 : memref<!tpu.dma_semaphore, #tpu.memory_space<semaphore_mem>>)
    %add3A_1452 = arith.constant 32 : i32
    %add3A_1453 = arith.addi %add3A_1265, %add3A_1452 : i32
    %add3A_1454 = arith.constant 16384 : i32
    %add3A_1455 = arith.addi %add3A_1453, %add3A_1454 : i32
    %dma_start3A_1456 = arith.constant 0 : i32
    %dma_start3A_1457 = arith.constant 0 : i32
    %dma_start3A_1458 = tpu.memref_slice %arg5[%add3A_1455, %dma_start3A_1457] : memref<65536x768xf32, #tpu.memory_space<hbm>> -> memref<16x768xf32, #tpu.memory_space<hbm>>
    %dma_start3A_1459 = arith.constant 0 : i32
    %dma_start3A_1460 = arith.constant 0 : i32
    %dma_start3A_1461 = tpu.memref_slice %arg10[%arg1, %dma_start3A_1456, %dma_start3A_1459, %dma_start3A_1460] : memref<16x2x16x768xf32, #tpu.memory_space<vmem_shared>> -> memref<1x1x16x768xf32, #tpu.memory_space<vmem_shared>>
    %dma_start3A_1462 = tpu.memref_squeeze %dma_start3A_1461 : memref<1x1x16x768xf32, #tpu.memory_space<vmem_shared>> -> memref<16x768xf32, #tpu.memory_space<vmem_shared>>
    tpu.enqueue_dma source(%dma_start3A_1462 : memref<16x768xf32, #tpu.memory_space<vmem_shared>>) target(%dma_start3A_1458 : memref<16x768xf32, #tpu.memory_space<hbm>>) target_semaphore(%arg13 : memref<!tpu.dma_semaphore, #tpu.memory_space<semaphore_mem>>)
    %add3A_1463 = arith.constant 32 : i32
    %add3A_1464 = arith.addi %add3A_1265, %add3A_1463 : i32
    %add3A_1465 = arith.constant 32768 : i32
    %add3A_1466 = arith.addi %add3A_1464, %add3A_1465 : i32
    %dma_start3A_1467 = arith.constant 0 : i32
    %dma_start3A_1468 = arith.constant 0 : i32
    %dma_start3A_1469 = tpu.memref_slice %arg5[%add3A_1466, %dma_start3A_1468] : memref<65536x768xf32, #tpu.memory_space<hbm>> -> memref<16x768xf32, #tpu.memory_space<hbm>>
    %dma_start3A_1470 = arith.constant 0 : i32
    %dma_start3A_1471 = arith.constant 0 : i32
    %dma_start3A_1472 = tpu.memref_slice %arg10[%arg1, %dma_start3A_1467, %dma_start3A_1470, %dma_start3A_1471] : memref<16x2x16x768xf32, #tpu.memory_space<vmem_shared>> -> memref<1x1x16x768xf32, #tpu.memory_space<vmem_shared>>
    %dma_start3A_1473 = tpu.memref_squeeze %dma_start3A_1472 : memref<1x1x16x768xf32, #tpu.memory_space<vmem_shared>> -> memref<16x768xf32, #tpu.memory_space<vmem_shared>>
    tpu.enqueue_dma source(%dma_start3A_1473 : memref<16x768xf32, #tpu.memory_space<vmem_shared>>) target(%dma_start3A_1469 : memref<16x768xf32, #tpu.memory_space<hbm>>) target_semaphore(%arg13 : memref<!tpu.dma_semaphore, #tpu.memory_space<semaphore_mem>>)
    %add3A_1474 = arith.constant 32 : i32
    %add3A_1475 = arith.addi %add3A_1265, %add3A_1474 : i32
    %add3A_1476 = arith.constant 49152 : i32
    %add3A_1477 = arith.addi %add3A_1475, %add3A_1476 : i32
    %dma_start3A_1478 = arith.constant 0 : i32
    %dma_start3A_1479 = arith.constant 0 : i32
    %dma_start3A_1480 = tpu.memref_slice %arg5[%add3A_1477, %dma_start3A_1479] : memref<65536x768xf32, #tpu.memory_space<hbm>> -> memref<16x768xf32, #tpu.memory_space<hbm>>
    %dma_start3A_1481 = arith.constant 0 : i32
    %dma_start3A_1482 = arith.constant 0 : i32
    %dma_start3A_1483 = tpu.memref_slice %arg10[%arg1, %dma_start3A_1478, %dma_start3A_1481, %dma_start3A_1482] : memref<16x2x16x768xf32, #tpu.memory_space<vmem_shared>> -> memref<1x1x16x768xf32, #tpu.memory_space<vmem_shared>>
    %dma_start3A_1484 = tpu.memref_squeeze %dma_start3A_1483 : memref<1x1x16x768xf32, #tpu.memory_space<vmem_shared>> -> memref<16x768xf32, #tpu.memory_space<vmem_shared>>
    tpu.enqueue_dma source(%dma_start3A_1484 : memref<16x768xf32, #tpu.memory_space<vmem_shared>>) target(%dma_start3A_1480 : memref<16x768xf32, #tpu.memory_space<hbm>>) target_semaphore(%arg13 : memref<!tpu.dma_semaphore, #tpu.memory_space<semaphore_mem>>)
    %dma_wait3A_1485 = arith.constant 1 : i32
    %dma_wait3A_1486 = arith.constant 0 : i32
    %dma_wait3A_1487 = tpu.memref_slice %arg5[%add3A_1371, %dma_wait3A_1486] : memref<65536x768xf32, #tpu.memory_space<hbm>> -> memref<16x768xf32, #tpu.memory_space<hbm>>
    %dma_wait3A_1488 = arith.constant 0 : i32
    %dma_wait3A_1489 = arith.constant 0 : i32
    %dma_wait3A_1490 = tpu.memref_slice %arg10[%arg1, %dma_wait3A_1485, %dma_wait3A_1488, %dma_wait3A_1489] : memref<16x2x16x768xf32, #tpu.memory_space<vmem_shared>> -> memref<1x1x16x768xf32, #tpu.memory_space<vmem_shared>>
    %dma_wait3A_1491 = tpu.memref_squeeze %dma_wait3A_1490 : memref<1x1x16x768xf32, #tpu.memory_space<vmem_shared>> -> memref<16x768xf32, #tpu.memory_space<vmem_shared>>
    tpu.wait_dma2 semaphore(%arg14 : memref<!tpu.dma_semaphore, #tpu.memory_space<semaphore_mem>>) src(%dma_wait3A_1491 : memref<16x768xf32, #tpu.memory_space<vmem_shared>>) dst(%dma_wait3A_1487 : memref<16x768xf32, #tpu.memory_space<hbm>>)
    %dma_wait3A_1492 = arith.constant 1 : i32
    %dma_wait3A_1493 = arith.constant 0 : i32
    %dma_wait3A_1494 = tpu.memref_slice %arg5[%add3A_1382, %dma_wait3A_1493] : memref<65536x768xf32, #tpu.memory_space<hbm>> -> memref<16x768xf32, #tpu.memory_space<hbm>>
    %dma_wait3A_1495 = arith.constant 0 : i32
    %dma_wait3A_1496 = arith.constant 0 : i32
    %dma_wait3A_1497 = tpu.memref_slice %arg10[%arg1, %dma_wait3A_1492, %dma_wait3A_1495, %dma_wait3A_1496] : memref<16x2x16x768xf32, #tpu.memory_space<vmem_shared>> -> memref<1x1x16x768xf32, #tpu.memory_space<vmem_shared>>
    %dma_wait3A_1498 = tpu.memref_squeeze %dma_wait3A_1497 : memref<1x1x16x768xf32, #tpu.memory_space<vmem_shared>> -> memref<16x768xf32, #tpu.memory_space<vmem_shared>>
    tpu.wait_dma2 semaphore(%arg14 : memref<!tpu.dma_semaphore, #tpu.memory_space<semaphore_mem>>) src(%dma_wait3A_1498 : memref<16x768xf32, #tpu.memory_space<vmem_shared>>) dst(%dma_wait3A_1494 : memref<16x768xf32, #tpu.memory_space<hbm>>)
    %dma_wait3A_1499 = arith.constant 1 : i32
    %dma_wait3A_1500 = arith.constant 0 : i32
    %dma_wait3A_1501 = tpu.memref_slice %arg5[%add3A_1393, %dma_wait3A_1500] : memref<65536x768xf32, #tpu.memory_space<hbm>> -> memref<16x768xf32, #tpu.memory_space<hbm>>
    %dma_wait3A_1502 = arith.constant 0 : i32
    %dma_wait3A_1503 = arith.constant 0 : i32
    %dma_wait3A_1504 = tpu.memref_slice %arg10[%arg1, %dma_wait3A_1499, %dma_wait3A_1502, %dma_wait3A_1503] : memref<16x2x16x768xf32, #tpu.memory_space<vmem_shared>> -> memref<1x1x16x768xf32, #tpu.memory_space<vmem_shared>>
    %dma_wait3A_1505 = tpu.memref_squeeze %dma_wait3A_1504 : memref<1x1x16x768xf32, #tpu.memory_space<vmem_shared>> -> memref<16x768xf32, #tpu.memory_space<vmem_shared>>
    tpu.wait_dma2 semaphore(%arg14 : memref<!tpu.dma_semaphore, #tpu.memory_space<semaphore_mem>>) src(%dma_wait3A_1505 : memref<16x768xf32, #tpu.memory_space<vmem_shared>>) dst(%dma_wait3A_1501 : memref<16x768xf32, #tpu.memory_space<hbm>>)
    %dma_wait3A_1506 = arith.constant 1 : i32
    %dma_wait3A_1507 = arith.constant 0 : i32
    %dma_wait3A_1508 = tpu.memref_slice %arg5[%add3A_1404, %dma_wait3A_1507] : memref<65536x768xf32, #tpu.memory_space<hbm>> -> memref<16x768xf32, #tpu.memory_space<hbm>>
    %dma_wait3A_1509 = arith.constant 0 : i32
    %dma_wait3A_1510 = arith.constant 0 : i32
    %dma_wait3A_1511 = tpu.memref_slice %arg10[%arg1, %dma_wait3A_1506, %dma_wait3A_1509, %dma_wait3A_1510] : memref<16x2x16x768xf32, #tpu.memory_space<vmem_shared>> -> memref<1x1x16x768xf32, #tpu.memory_space<vmem_shared>>
    %dma_wait3A_1512 = tpu.memref_squeeze %dma_wait3A_1511 : memref<1x1x16x768xf32, #tpu.memory_space<vmem_shared>> -> memref<16x768xf32, #tpu.memory_space<vmem_shared>>
    tpu.wait_dma2 semaphore(%arg14 : memref<!tpu.dma_semaphore, #tpu.memory_space<semaphore_mem>>) src(%dma_wait3A_1512 : memref<16x768xf32, #tpu.memory_space<vmem_shared>>) dst(%dma_wait3A_1508 : memref<16x768xf32, #tpu.memory_space<hbm>>)
    %run_scoped3A_1513 = arith.constant 1 : i32
    "tpu.region"() ({
      %run_scoped3A_2148 = tpu.sem_alloc : memref<!tpu.dma_semaphore, #tpu.memory_space<semaphore_mem>>
      %dma_start3A_2149 = arith.constant 48 : i32
      %dma_start3A_2150 = arith.constant 0 : i32
      %dma_start3A_2151 = tpu.memref_slice %arg7[%dma_start3A_2149, %dma_start3A_2150] : memref<64x768xf32, #tpu.memory_space<vmem>> -> memref<16x768xf32, #tpu.memory_space<vmem>>
      %dma_start3A_2152 = arith.constant 0 : i32
      %dma_start3A_2153 = arith.constant 0 : i32
      %dma_start3A_2154 = tpu.memref_slice %arg10[%arg1, %run_scoped3A_1513, %dma_start3A_2152, %dma_start3A_2153] : memref<16x2x16x768xf32, #tpu.memory_space<vmem_shared>> -> memref<1x1x16x768xf32, #tpu.memory_space<vmem_shared>>
      %dma_start3A_2155 = tpu.memref_squeeze %dma_start3A_2154 : memref<1x1x16x768xf32, #tpu.memory_space<vmem_shared>> -> memref<16x768xf32, #tpu.memory_space<vmem_shared>>
      %dma_start3A_2156 = arith.constant 0 : i32
      %dma_start3A_2157 = arith.constant 0 : i32
      %dma_start3A_2158 = tpu.memref_slice %arg10[%arg1, %run_scoped3A_1513, %dma_start3A_2156, %dma_start3A_2157] : memref<16x2x16x768xf32, #tpu.memory_space<vmem_shared>> -> memref<1x1x16x768xf32, #tpu.memory_space<vmem_shared>>
      %dma_start3A_2159 = tpu.memref_squeeze %dma_start3A_2158 : memref<1x1x16x768xf32, #tpu.memory_space<vmem_shared>> -> memref<16x768xf32, #tpu.memory_space<vmem_shared>>
      %dma_start3A_2160 = arith.constant 48 : i32
      %dma_start3A_2161 = arith.constant 0 : i32
      %dma_start3A_2162 = tpu.memref_slice %arg7[%dma_start3A_2160, %dma_start3A_2161] : memref<64x768xf32, #tpu.memory_space<vmem>> -> memref<16x768xf32, #tpu.memory_space<vmem>>
      tpu.enqueue_dma source(%dma_start3A_2162 : memref<16x768xf32, #tpu.memory_space<vmem>>) target(%dma_start3A_2159 : memref<16x768xf32, #tpu.memory_space<vmem_shared>>) target_semaphore(%run_scoped3A_2148 : memref<!tpu.dma_semaphore, #tpu.memory_space<semaphore_mem>>)
      %dma_wait3A_2163 = arith.constant 48 : i32
      %dma_wait3A_2164 = arith.constant 0 : i32
      %dma_wait3A_2165 = tpu.memref_slice %arg7[%dma_wait3A_2163, %dma_wait3A_2164] : memref<64x768xf32, #tpu.memory_space<vmem>> -> memref<16x768xf32, #tpu.memory_space<vmem>>
      %dma_wait3A_2166 = arith.constant 0 : i32
      %dma_wait3A_2167 = arith.constant 0 : i32
      %dma_wait3A_2168 = tpu.memref_slice %arg10[%arg1, %run_scoped3A_1513, %dma_wait3A_2166, %dma_wait3A_2167] : memref<16x2x16x768xf32, #tpu.memory_space<vmem_shared>> -> memref<1x1x16x768xf32, #tpu.memory_space<vmem_shared>>
      %dma_wait3A_2169 = tpu.memref_squeeze %dma_wait3A_2168 : memref<1x1x16x768xf32, #tpu.memory_space<vmem_shared>> -> memref<16x768xf32, #tpu.memory_space<vmem_shared>>
      %dma_wait3A_2170 = arith.constant 0 : i32
      %dma_wait3A_2171 = arith.constant 0 : i32
      %dma_wait3A_2172 = tpu.memref_slice %arg10[%arg1, %run_scoped3A_1513, %dma_wait3A_2170, %dma_wait3A_2171] : memref<16x2x16x768xf32, #tpu.memory_space<vmem_shared>> -> memref<1x1x16x768xf32, #tpu.memory_space<vmem_shared>>
      %dma_wait3A_2173 = tpu.memref_squeeze %dma_wait3A_2172 : memref<1x1x16x768xf32, #tpu.memory_space<vmem_shared>> -> memref<16x768xf32, #tpu.memory_space<vmem_shared>>
      %dma_wait3A_2174 = arith.constant 48 : i32
      %dma_wait3A_2175 = arith.constant 0 : i32
      %dma_wait3A_2176 = tpu.memref_slice %arg7[%dma_wait3A_2174, %dma_wait3A_2175] : memref<64x768xf32, #tpu.memory_space<vmem>> -> memref<16x768xf32, #tpu.memory_space<vmem>>
      tpu.wait_dma2 semaphore(%run_scoped3A_2148 : memref<!tpu.dma_semaphore, #tpu.memory_space<semaphore_mem>>) src(%dma_wait3A_2176 : memref<16x768xf32, #tpu.memory_space<vmem>>) dst(%dma_wait3A_2173 : memref<16x768xf32, #tpu.memory_space<vmem_shared>>)
      tpu.yield
    }) : () -> ()
    %add3A_1514 = arith.constant 48 : i32
    %add3A_1515 = arith.addi %add3A_1265, %add3A_1514 : i32
    %add3A_1516 = arith.constant 0 : i32
    %add3A_1517 = arith.addi %add3A_1515, %add3A_1516 : i32
    %dma_start3A_1518 = arith.constant 1 : i32
    %dma_start3A_1519 = arith.constant 0 : i32
    %dma_start3A_1520 = tpu.memref_slice %arg5[%add3A_1517, %dma_start3A_1519] : memref<65536x768xf32, #tpu.memory_space<hbm>> -> memref<16x768xf32, #tpu.memory_space<hbm>>
    %dma_start3A_1521 = arith.constant 0 : i32
    %dma_start3A_1522 = arith.constant 0 : i32
    %dma_start3A_1523 = tpu.memref_slice %arg10[%arg1, %dma_start3A_1518, %dma_start3A_1521, %dma_start3A_1522] : memref<16x2x16x768xf32, #tpu.memory_space<vmem_shared>> -> memref<1x1x16x768xf32, #tpu.memory_space<vmem_shared>>
    %dma_start3A_1524 = tpu.memref_squeeze %dma_start3A_1523 : memref<1x1x16x768xf32, #tpu.memory_space<vmem_shared>> -> memref<16x768xf32, #tpu.memory_space<vmem_shared>>
    tpu.enqueue_dma source(%dma_start3A_1524 : memref<16x768xf32, #tpu.memory_space<vmem_shared>>) target(%dma_start3A_1520 : memref<16x768xf32, #tpu.memory_space<hbm>>) target_semaphore(%arg14 : memref<!tpu.dma_semaphore, #tpu.memory_space<semaphore_mem>>)
    %add3A_1525 = arith.constant 48 : i32
    %add3A_1526 = arith.addi %add3A_1265, %add3A_1525 : i32
    %add3A_1527 = arith.constant 16384 : i32
    %add3A_1528 = arith.addi %add3A_1526, %add3A_1527 : i32
    %dma_start3A_1529 = arith.constant 1 : i32
    %dma_start3A_1530 = arith.constant 0 : i32
    %dma_start3A_1531 = tpu.memref_slice %arg5[%add3A_1528, %dma_start3A_1530] : memref<65536x768xf32, #tpu.memory_space<hbm>> -> memref<16x768xf32, #tpu.memory_space<hbm>>
    %dma_start3A_1532 = arith.constant 0 : i32
    %dma_start3A_1533 = arith.constant 0 : i32
    %dma_start3A_1534 = tpu.memref_slice %arg10[%arg1, %dma_start3A_1529, %dma_start3A_1532, %dma_start3A_1533] : memref<16x2x16x768xf32, #tpu.memory_space<vmem_shared>> -> memref<1x1x16x768xf32, #tpu.memory_space<vmem_shared>>
    %dma_start3A_1535 = tpu.memref_squeeze %dma_start3A_1534 : memref<1x1x16x768xf32, #tpu.memory_space<vmem_shared>> -> memref<16x768xf32, #tpu.memory_space<vmem_shared>>
    tpu.enqueue_dma source(%dma_start3A_1535 : memref<16x768xf32, #tpu.memory_space<vmem_shared>>) target(%dma_start3A_1531 : memref<16x768xf32, #tpu.memory_space<hbm>>) target_semaphore(%arg14 : memref<!tpu.dma_semaphore, #tpu.memory_space<semaphore_mem>>)
    %add3A_1536 = arith.constant 48 : i32
    %add3A_1537 = arith.addi %add3A_1265, %add3A_1536 : i32
    %add3A_1538 = arith.constant 32768 : i32
    %add3A_1539 = arith.addi %add3A_1537, %add3A_1538 : i32
    %dma_start3A_1540 = arith.constant 1 : i32
    %dma_start3A_1541 = arith.constant 0 : i32
    %dma_start3A_1542 = tpu.memref_slice %arg5[%add3A_1539, %dma_start3A_1541] : memref<65536x768xf32, #tpu.memory_space<hbm>> -> memref<16x768xf32, #tpu.memory_space<hbm>>
    %dma_start3A_1543 = arith.constant 0 : i32
    %dma_start3A_1544 = arith.constant 0 : i32
    %dma_start3A_1545 = tpu.memref_slice %arg10[%arg1, %dma_start3A_1540, %dma_start3A_1543, %dma_start3A_1544] : memref<16x2x16x768xf32, #tpu.memory_space<vmem_shared>> -> memref<1x1x16x768xf32, #tpu.memory_space<vmem_shared>>
    %dma_start3A_1546 = tpu.memref_squeeze %dma_start3A_1545 : memref<1x1x16x768xf32, #tpu.memory_space<vmem_shared>> -> memref<16x768xf32, #tpu.memory_space<vmem_shared>>
    tpu.enqueue_dma source(%dma_start3A_1546 : memref<16x768xf32, #tpu.memory_space<vmem_shared>>) target(%dma_start3A_1542 : memref<16x768xf32, #tpu.memory_space<hbm>>) target_semaphore(%arg14 : memref<!tpu.dma_semaphore, #tpu.memory_space<semaphore_mem>>)
    %add3A_1547 = arith.constant 48 : i32
    %add3A_1548 = arith.addi %add3A_1265, %add3A_1547 : i32
    %add3A_1549 = arith.constant 49152 : i32
    %add3A_1550 = arith.addi %add3A_1548, %add3A_1549 : i32
    %dma_start3A_1551 = arith.constant 1 : i32
    %dma_start3A_1552 = arith.constant 0 : i32
    %dma_start3A_1553 = tpu.memref_slice %arg5[%add3A_1550, %dma_start3A_1552] : memref<65536x768xf32, #tpu.memory_space<hbm>> -> memref<16x768xf32, #tpu.memory_space<hbm>>
    %dma_start3A_1554 = arith.constant 0 : i32
    %dma_start3A_1555 = arith.constant 0 : i32
    %dma_start3A_1556 = tpu.memref_slice %arg10[%arg1, %dma_start3A_1551, %dma_start3A_1554, %dma_start3A_1555] : memref<16x2x16x768xf32, #tpu.memory_space<vmem_shared>> -> memref<1x1x16x768xf32, #tpu.memory_space<vmem_shared>>
    %dma_start3A_1557 = tpu.memref_squeeze %dma_start3A_1556 : memref<1x1x16x768xf32, #tpu.memory_space<vmem_shared>> -> memref<16x768xf32, #tpu.memory_space<vmem_shared>>
    tpu.enqueue_dma source(%dma_start3A_1557 : memref<16x768xf32, #tpu.memory_space<vmem_shared>>) target(%dma_start3A_1553 : memref<16x768xf32, #tpu.memory_space<hbm>>) target_semaphore(%arg14 : memref<!tpu.dma_semaphore, #tpu.memory_space<semaphore_mem>>)
    %dma_wait3A_1558 = arith.constant 0 : i32
    %dma_wait3A_1559 = tpu.memref_slice %arg5[%add3A_1150, %dma_wait3A_1558] : memref<65536x768xf32, #tpu.memory_space<hbm>> -> memref<64x768xf32, #tpu.memory_space<hbm>>
    %dma_wait3A_1560 = arith.constant 0 : i32
    %dma_wait3A_1561 = tpu.memref_slice %arg5[%add3A_1150, %dma_wait3A_1560] : memref<65536x768xf32, #tpu.memory_space<hbm>> -> memref<64x768xf32, #tpu.memory_space<hbm>>
    tpu.wait_dma2 semaphore(%arg11 : memref<!tpu.dma_semaphore, #tpu.memory_space<semaphore_mem>>) src(%arg6 : memref<64x768xf32, #tpu.memory_space<vmem>>) dst(%dma_wait3A_1561 : memref<64x768xf32, #tpu.memory_space<hbm>>)
    %dma_wait3A_1562 = arith.constant 0 : i32
    %dma_wait3A_1563 = tpu.memref_slice %arg5[%add3A_1156, %dma_wait3A_1562] : memref<65536x768xf32, #tpu.memory_space<hbm>> -> memref<64x768xf32, #tpu.memory_space<hbm>>
    %dma_wait3A_1564 = arith.constant 0 : i32
    %dma_wait3A_1565 = tpu.memref_slice %arg5[%add3A_1156, %dma_wait3A_1564] : memref<65536x768xf32, #tpu.memory_space<hbm>> -> memref<64x768xf32, #tpu.memory_space<hbm>>
    tpu.wait_dma2 semaphore(%arg11 : memref<!tpu.dma_semaphore, #tpu.memory_space<semaphore_mem>>) src(%arg6 : memref<64x768xf32, #tpu.memory_space<vmem>>) dst(%dma_wait3A_1565 : memref<64x768xf32, #tpu.memory_space<hbm>>)
    %dma_wait3A_1566 = arith.constant 0 : i32
    %dma_wait3A_1567 = tpu.memref_slice %arg5[%add3A_1162, %dma_wait3A_1566] : memref<65536x768xf32, #tpu.memory_space<hbm>> -> memref<64x768xf32, #tpu.memory_space<hbm>>
    %dma_wait3A_1568 = arith.constant 0 : i32
    %dma_wait3A_1569 = tpu.memref_slice %arg5[%add3A_1162, %dma_wait3A_1568] : memref<65536x768xf32, #tpu.memory_space<hbm>> -> memref<64x768xf32, #tpu.memory_space<hbm>>
    tpu.wait_dma2 semaphore(%arg11 : memref<!tpu.dma_semaphore, #tpu.memory_space<semaphore_mem>>) src(%arg6 : memref<64x768xf32, #tpu.memory_space<vmem>>) dst(%dma_wait3A_1569 : memref<64x768xf32, #tpu.memory_space<hbm>>)
    %dma_wait3A_1570 = arith.constant 0 : i32
    %dma_wait3A_1571 = tpu.memref_slice %arg5[%add3A_1168, %dma_wait3A_1570] : memref<65536x768xf32, #tpu.memory_space<hbm>> -> memref<64x768xf32, #tpu.memory_space<hbm>>
    %dma_wait3A_1572 = arith.constant 0 : i32
    %dma_wait3A_1573 = tpu.memref_slice %arg5[%add3A_1168, %dma_wait3A_1572] : memref<65536x768xf32, #tpu.memory_space<hbm>> -> memref<64x768xf32, #tpu.memory_space<hbm>>
    tpu.wait_dma2 semaphore(%arg11 : memref<!tpu.dma_semaphore, #tpu.memory_space<semaphore_mem>>) src(%arg6 : memref<64x768xf32, #tpu.memory_space<vmem>>) dst(%dma_wait3A_1573 : memref<64x768xf32, #tpu.memory_space<hbm>>)
    %get3A_1574 = arith.constant 6 : i32
    %get3A_1575 = arith.index_cast %get3A_1574 : i32 to index
    %get3A_1576 = arith.constant 0 : index
    %get3A_1577 = tpu.vector_load %arg9[%get3A_1575, %get3A_1576] {strides = array<i32>} : memref<8x256xf32, #tpu.memory_space<vmem>>, vector<1x16xf32>,
    %get3A_1578 = vector.shape_cast %get3A_1577 : vector<1x16xf32> to vector<16xf32>
    %get3A_1579 = arith.constant 6 : i32
    %get3A_1580 = arith.index_cast %get3A_1579 : i32 to index
    %get3A_1581 = arith.constant 16 : index
    %get3A_1582 = tpu.vector_load %arg9[%get3A_1580, %get3A_1581] {strides = array<i32>} : memref<8x256xf32, #tpu.memory_space<vmem>>, vector<1x16xf32>,
    %get3A_1583 = vector.shape_cast %get3A_1582 : vector<1x16xf32> to vector<16xf32>
    %get3A_1584 = arith.constant 6 : i32
    %get3A_1585 = arith.index_cast %get3A_1584 : i32 to index
    %get3A_1586 = arith.constant 32 : index
    %get3A_1587 = tpu.vector_load %arg9[%get3A_1585, %get3A_1586] {strides = array<i32>} : memref<8x256xf32, #tpu.memory_space<vmem>>, vector<1x16xf32>,
    %get3A_1588 = vector.shape_cast %get3A_1587 : vector<1x16xf32> to vector<16xf32>
    %get3A_1589 = arith.constant 6 : i32
    %get3A_1590 = arith.index_cast %get3A_1589 : i32 to index
    %get3A_1591 = arith.constant 48 : index
    %get3A_1592 = tpu.vector_load %arg9[%get3A_1590, %get3A_1591] {strides = array<i32>} : memref<8x256xf32, #tpu.memory_space<vmem>>, vector<1x16xf32>,
    %get3A_1593 = vector.shape_cast %get3A_1592 : vector<1x16xf32> to vector<16xf32>
    %get3A_1594 = arith.constant 6 : i32
    %get3A_1595 = arith.index_cast %get3A_1594 : i32 to index
    %get3A_1596 = arith.constant 64 : index
    %get3A_1597 = tpu.vector_load %arg9[%get3A_1595, %get3A_1596] {strides = array<i32>} : memref<8x256xf32, #tpu.memory_space<vmem>>, vector<1x16xf32>,
    %get3A_1598 = vector.shape_cast %get3A_1597 : vector<1x16xf32> to vector<16xf32>
    %get3A_1599 = arith.constant 6 : i32
    %get3A_1600 = arith.index_cast %get3A_1599 : i32 to index
    %get3A_1601 = arith.constant 80 : index
    %get3A_1602 = tpu.vector_load %arg9[%get3A_1600, %get3A_1601] {strides = array<i32>} : memref<8x256xf32, #tpu.memory_space<vmem>>, vector<1x16xf32>,
    %get3A_1603 = vector.shape_cast %get3A_1602 : vector<1x16xf32> to vector<16xf32>
    %get3A_1604 = arith.constant 6 : i32
    %get3A_1605 = arith.index_cast %get3A_1604 : i32 to index
    %get3A_1606 = arith.constant 96 : index
    %get3A_1607 = tpu.vector_load %arg9[%get3A_1605, %get3A_1606] {strides = array<i32>} : memref<8x256xf32, #tpu.memory_space<vmem>>, vector<1x16xf32>,
    %get3A_1608 = vector.shape_cast %get3A_1607 : vector<1x16xf32> to vector<16xf32>
    %get3A_1609 = arith.constant 6 : i32
    %get3A_1610 = arith.index_cast %get3A_1609 : i32 to index
    %get3A_1611 = arith.constant 112 : index
    %get3A_1612 = tpu.vector_load %arg9[%get3A_1610, %get3A_1611] {strides = array<i32>} : memref<8x256xf32, #tpu.memory_space<vmem>>, vector<1x16xf32>,
    %get3A_1613 = vector.shape_cast %get3A_1612 : vector<1x16xf32> to vector<16xf32>
    %get3A_1614 = arith.constant 6 : i32
    %get3A_1615 = arith.index_cast %get3A_1614 : i32 to index
    %get3A_1616 = arith.constant 128 : index
    %get3A_1617 = tpu.vector_load %arg9[%get3A_1615, %get3A_1616] {strides = array<i32>} : memref<8x256xf32, #tpu.memory_space<vmem>>, vector<1x16xf32>,
    %get3A_1618 = vector.shape_cast %get3A_1617 : vector<1x16xf32> to vector<16xf32>
    %get3A_1619 = arith.constant 6 : i32
    %get3A_1620 = arith.index_cast %get3A_1619 : i32 to index
    %get3A_1621 = arith.constant 144 : index
    %get3A_1622 = tpu.vector_load %arg9[%get3A_1620, %get3A_1621] {strides = array<i32>} : memref<8x256xf32, #tpu.memory_space<vmem>>, vector<1x16xf32>,
    %get3A_1623 = vector.shape_cast %get3A_1622 : vector<1x16xf32> to vector<16xf32>
    %get3A_1624 = arith.constant 6 : i32
    %get3A_1625 = arith.index_cast %get3A_1624 : i32 to index
    %get3A_1626 = arith.constant 160 : index
    %get3A_1627 = tpu.vector_load %arg9[%get3A_1625, %get3A_1626] {strides = array<i32>} : memref<8x256xf32, #tpu.memory_space<vmem>>, vector<1x16xf32>,
    %get3A_1628 = vector.shape_cast %get3A_1627 : vector<1x16xf32> to vector<16xf32>
    %get3A_1629 = arith.constant 6 : i32
    %get3A_1630 = arith.index_cast %get3A_1629 : i32 to index
    %get3A_1631 = arith.constant 176 : index
    %get3A_1632 = tpu.vector_load %arg9[%get3A_1630, %get3A_1631] {strides = array<i32>} : memref<8x256xf32, #tpu.memory_space<vmem>>, vector<1x16xf32>,
    %get3A_1633 = vector.shape_cast %get3A_1632 : vector<1x16xf32> to vector<16xf32>
    %get3A_1634 = arith.constant 6 : i32
    %get3A_1635 = arith.index_cast %get3A_1634 : i32 to index
    %get3A_1636 = arith.constant 192 : index
    %get3A_1637 = tpu.vector_load %arg9[%get3A_1635, %get3A_1636] {strides = array<i32>} : memref<8x256xf32, #tpu.memory_space<vmem>>, vector<1x16xf32>,
    %get3A_1638 = vector.shape_cast %get3A_1637 : vector<1x16xf32> to vector<16xf32>
    %get3A_1639 = arith.constant 6 : i32
    %get3A_1640 = arith.index_cast %get3A_1639 : i32 to index
    %get3A_1641 = arith.constant 208 : index
    %get3A_1642 = tpu.vector_load %arg9[%get3A_1640, %get3A_1641] {strides = array<i32>} : memref<8x256xf32, #tpu.memory_space<vmem>>, vector<1x16xf32>,
    %get3A_1643 = vector.shape_cast %get3A_1642 : vector<1x16xf32> to vector<16xf32>
    %get3A_1644 = arith.constant 6 : i32
    %get3A_1645 = arith.index_cast %get3A_1644 : i32 to index
    %get3A_1646 = arith.constant 224 : index
    %get3A_1647 = tpu.vector_load %arg9[%get3A_1645, %get3A_1646] {strides = array<i32>} : memref<8x256xf32, #tpu.memory_space<vmem>>, vector<1x16xf32>,
    %get3A_1648 = vector.shape_cast %get3A_1647 : vector<1x16xf32> to vector<16xf32>
    %get3A_1649 = arith.constant 6 : i32
    %get3A_1650 = arith.index_cast %get3A_1649 : i32 to index
    %get3A_1651 = arith.constant 240 : index
    %get3A_1652 = tpu.vector_load %arg9[%get3A_1650, %get3A_1651] {strides = array<i32>} : memref<8x256xf32, #tpu.memory_space<vmem>>, vector<1x16xf32>,
    %get3A_1653 = vector.shape_cast %get3A_1652 : vector<1x16xf32> to vector<16xf32>
    %scan3A_1654 = arith.constant 0 : i32
    %scan3A_1655 = arith.constant 0 : i32
    %scan3A_1656 = arith.constant 64 : i32
    %scan3A_1657 = arith.addi %scan3A_1655, %scan3A_1656 : i32
    %scan3A_1658 = arith.constant 1 : i32
    scf.for %scan3A_2148 = %scan3A_1655 to %scan3A_1657 step %scan3A_1658  : i32 {
      %swap3A = arith.index_cast %scan3A_2148 : i32 to index
      %swap3A_2149 = arith.constant 256 : index
      %swap3A_2150 = tpu.vector_load %arg6[%swap3A, %swap3A_2149] {strides = array<i32>} : memref<64x768xf32, #tpu.memory_space<vmem>>, vector<1x16xf32>,
      %swap3A_2151 = vector.shape_cast %swap3A_2150 : vector<1x16xf32> to vector<16xf32>
      %swap3A_2152 = vector.shape_cast %get3A_1578 : vector<16xf32> to vector<1x16xf32>
      tpu.vector_store %arg6[%swap3A, %swap3A_2149], %swap3A_2152 {strides = array<i32>} : memref<64x768xf32, #tpu.memory_space<vmem>>, vector<1x16xf32>,
      %swap3A_2153 = arith.index_cast %scan3A_2148 : i32 to index
      %swap3A_2154 = arith.constant 272 : index
      %swap3A_2155 = tpu.vector_load %arg6[%swap3A_2153, %swap3A_2154] {strides = array<i32>} : memref<64x768xf32, #tpu.memory_space<vmem>>, vector<1x16xf32>,
      %swap3A_2156 = vector.shape_cast %swap3A_2155 : vector<1x16xf32> to vector<16xf32>
      %swap3A_2157 = vector.shape_cast %get3A_1583 : vector<16xf32> to vector<1x16xf32>
      tpu.vector_store %arg6[%swap3A_2153, %swap3A_2154], %swap3A_2157 {strides = array<i32>} : memref<64x768xf32, #tpu.memory_space<vmem>>, vector<1x16xf32>,
      %swap3A_2158 = arith.index_cast %scan3A_2148 : i32 to index
      %swap3A_2159 = arith.constant 288 : index
      %swap3A_2160 = tpu.vector_load %arg6[%swap3A_2158, %swap3A_2159] {strides = array<i32>} : memref<64x768xf32, #tpu.memory_space<vmem>>, vector<1x16xf32>,
      %swap3A_2161 = vector.shape_cast %swap3A_2160 : vector<1x16xf32> to vector<16xf32>
      %swap3A_2162 = vector.shape_cast %get3A_1588 : vector<16xf32> to vector<1x16xf32>
      tpu.vector_store %arg6[%swap3A_2158, %swap3A_2159], %swap3A_2162 {strides = array<i32>} : memref<64x768xf32, #tpu.memory_space<vmem>>, vector<1x16xf32>,
      %swap3A_2163 = arith.index_cast %scan3A_2148 : i32 to index
      %swap3A_2164 = arith.constant 304 : index
      %swap3A_2165 = tpu.vector_load %arg6[%swap3A_2163, %swap3A_2164] {strides = array<i32>} : memref<64x768xf32, #tpu.memory_space<vmem>>, vector<1x16xf32>,
      %swap3A_2166 = vector.shape_cast %swap3A_2165 : vector<1x16xf32> to vector<16xf32>
      %swap3A_2167 = vector.shape_cast %get3A_1593 : vector<16xf32> to vector<1x16xf32>
      tpu.vector_store %arg6[%swap3A_2163, %swap3A_2164], %swap3A_2167 {strides = array<i32>} : memref<64x768xf32, #tpu.memory_space<vmem>>, vector<1x16xf32>,
      %swap3A_2168 = arith.index_cast %scan3A_2148 : i32 to index
      %swap3A_2169 = arith.constant 320 : index
      %swap3A_2170 = tpu.vector_load %arg6[%swap3A_2168, %swap3A_2169] {strides = array<i32>} : memref<64x768xf32, #tpu.memory_space<vmem>>, vector<1x16xf32>,
      %swap3A_2171 = vector.shape_cast %swap3A_2170 : vector<1x16xf32> to vector<16xf32>
      %swap3A_2172 = vector.shape_cast %get3A_1598 : vector<16xf32> to vector<1x16xf32>
      tpu.vector_store %arg6[%swap3A_2168, %swap3A_2169], %swap3A_2172 {strides = array<i32>} : memref<64x768xf32, #tpu.memory_space<vmem>>, vector<1x16xf32>,
      %swap3A_2173 = arith.index_cast %scan3A_2148 : i32 to index
      %swap3A_2174 = arith.constant 336 : index
      %swap3A_2175 = tpu.vector_load %arg6[%swap3A_2173, %swap3A_2174] {strides = array<i32>} : memref<64x768xf32, #tpu.memory_space<vmem>>, vector<1x16xf32>,
      %swap3A_2176 = vector.shape_cast %swap3A_2175 : vector<1x16xf32> to vector<16xf32>
      %swap3A_2177 = vector.shape_cast %get3A_1603 : vector<16xf32> to vector<1x16xf32>
      tpu.vector_store %arg6[%swap3A_2173, %swap3A_2174], %swap3A_2177 {strides = array<i32>} : memref<64x768xf32, #tpu.memory_space<vmem>>, vector<1x16xf32>,
      %swap3A_2178 = arith.index_cast %scan3A_2148 : i32 to index
      %swap3A_2179 = arith.constant 352 : index
      %swap3A_2180 = tpu.vector_load %arg6[%swap3A_2178, %swap3A_2179] {strides = array<i32>} : memref<64x768xf32, #tpu.memory_space<vmem>>, vector<1x16xf32>,
      %swap3A_2181 = vector.shape_cast %swap3A_2180 : vector<1x16xf32> to vector<16xf32>
      %swap3A_2182 = vector.shape_cast %get3A_1608 : vector<16xf32> to vector<1x16xf32>
      tpu.vector_store %arg6[%swap3A_2178, %swap3A_2179], %swap3A_2182 {strides = array<i32>} : memref<64x768xf32, #tpu.memory_space<vmem>>, vector<1x16xf32>,
      %swap3A_2183 = arith.index_cast %scan3A_2148 : i32 to index
      %swap3A_2184 = arith.constant 368 : index
      %swap3A_2185 = tpu.vector_load %arg6[%swap3A_2183, %swap3A_2184] {strides = array<i32>} : memref<64x768xf32, #tpu.memory_space<vmem>>, vector<1x16xf32>,
      %swap3A_2186 = vector.shape_cast %swap3A_2185 : vector<1x16xf32> to vector<16xf32>
      %swap3A_2187 = vector.shape_cast %get3A_1613 : vector<16xf32> to vector<1x16xf32>
      tpu.vector_store %arg6[%swap3A_2183, %swap3A_2184], %swap3A_2187 {strides = array<i32>} : memref<64x768xf32, #tpu.memory_space<vmem>>, vector<1x16xf32>,
      %swap3A_2188 = arith.index_cast %scan3A_2148 : i32 to index
      %swap3A_2189 = arith.constant 384 : index
      %swap3A_2190 = tpu.vector_load %arg6[%swap3A_2188, %swap3A_2189] {strides = array<i32>} : memref<64x768xf32, #tpu.memory_space<vmem>>, vector<1x16xf32>,
      %swap3A_2191 = vector.shape_cast %swap3A_2190 : vector<1x16xf32> to vector<16xf32>
      %swap3A_2192 = vector.shape_cast %get3A_1618 : vector<16xf32> to vector<1x16xf32>
      tpu.vector_store %arg6[%swap3A_2188, %swap3A_2189], %swap3A_2192 {strides = array<i32>} : memref<64x768xf32, #tpu.memory_space<vmem>>, vector<1x16xf32>,
      %swap3A_2193 = arith.index_cast %scan3A_2148 : i32 to index
      %swap3A_2194 = arith.constant 400 : index
      %swap3A_2195 = tpu.vector_load %arg6[%swap3A_2193, %swap3A_2194] {strides = array<i32>} : memref<64x768xf32, #tpu.memory_space<vmem>>, vector<1x16xf32>,
      %swap3A_2196 = vector.shape_cast %swap3A_2195 : vector<1x16xf32> to vector<16xf32>
      %swap3A_2197 = vector.shape_cast %get3A_1623 : vector<16xf32> to vector<1x16xf32>
      tpu.vector_store %arg6[%swap3A_2193, %swap3A_2194], %swap3A_2197 {strides = array<i32>} : memref<64x768xf32, #tpu.memory_space<vmem>>, vector<1x16xf32>,
      %swap3A_2198 = arith.index_cast %scan3A_2148 : i32 to index
      %swap3A_2199 = arith.constant 416 : index
      %swap3A_2200 = tpu.vector_load %arg6[%swap3A_2198, %swap3A_2199] {strides = array<i32>} : memref<64x768xf32, #tpu.memory_space<vmem>>, vector<1x16xf32>,
      %swap3A_2201 = vector.shape_cast %swap3A_2200 : vector<1x16xf32> to vector<16xf32>
      %swap3A_2202 = vector.shape_cast %get3A_1628 : vector<16xf32> to vector<1x16xf32>
      tpu.vector_store %arg6[%swap3A_2198, %swap3A_2199], %swap3A_2202 {strides = array<i32>} : memref<64x768xf32, #tpu.memory_space<vmem>>, vector<1x16xf32>,
      %swap3A_2203 = arith.index_cast %scan3A_2148 : i32 to index
      %swap3A_2204 = arith.constant 432 : index
      %swap3A_2205 = tpu.vector_load %arg6[%swap3A_2203, %swap3A_2204] {strides = array<i32>} : memref<64x768xf32, #tpu.memory_space<vmem>>, vector<1x16xf32>,
      %swap3A_2206 = vector.shape_cast %swap3A_2205 : vector<1x16xf32> to vector<16xf32>
      %swap3A_2207 = vector.shape_cast %get3A_1633 : vector<16xf32> to vector<1x16xf32>
      tpu.vector_store %arg6[%swap3A_2203, %swap3A_2204], %swap3A_2207 {strides = array<i32>} : memref<64x768xf32, #tpu.memory_space<vmem>>, vector<1x16xf32>,
      %swap3A_2208 = arith.index_cast %scan3A_2148 : i32 to index
      %swap3A_2209 = arith.constant 448 : index
      %swap3A_2210 = tpu.vector_load %arg6[%swap3A_2208, %swap3A_2209] {strides = array<i32>} : memref<64x768xf32, #tpu.memory_space<vmem>>, vector<1x16xf32>,
      %swap3A_2211 = vector.shape_cast %swap3A_2210 : vector<1x16xf32> to vector<16xf32>
      %swap3A_2212 = vector.shape_cast %get3A_1638 : vector<16xf32> to vector<1x16xf32>
      tpu.vector_store %arg6[%swap3A_2208, %swap3A_2209], %swap3A_2212 {strides = array<i32>} : memref<64x768xf32, #tpu.memory_space<vmem>>, vector<1x16xf32>,
      %swap3A_2213 = arith.index_cast %scan3A_2148 : i32 to index
      %swap3A_2214 = arith.constant 464 : index
      %swap3A_2215 = tpu.vector_load %arg6[%swap3A_2213, %swap3A_2214] {strides = array<i32>} : memref<64x768xf32, #tpu.memory_space<vmem>>, vector<1x16xf32>,
      %swap3A_2216 = vector.shape_cast %swap3A_2215 : vector<1x16xf32> to vector<16xf32>
      %swap3A_2217 = vector.shape_cast %get3A_1643 : vector<16xf32> to vector<1x16xf32>
      tpu.vector_store %arg6[%swap3A_2213, %swap3A_2214], %swap3A_2217 {strides = array<i32>} : memref<64x768xf32, #tpu.memory_space<vmem>>, vector<1x16xf32>,
      %swap3A_2218 = arith.index_cast %scan3A_2148 : i32 to index
      %swap3A_2219 = arith.constant 480 : index
      %swap3A_2220 = tpu.vector_load %arg6[%swap3A_2218, %swap3A_2219] {strides = array<i32>} : memref<64x768xf32, #tpu.memory_space<vmem>>, vector<1x16xf32>,
      %swap3A_2221 = vector.shape_cast %swap3A_2220 : vector<1x16xf32> to vector<16xf32>
      %swap3A_2222 = vector.shape_cast %get3A_1648 : vector<16xf32> to vector<1x16xf32>
      tpu.vector_store %arg6[%swap3A_2218, %swap3A_2219], %swap3A_2222 {strides = array<i32>} : memref<64x768xf32, #tpu.memory_space<vmem>>, vector<1x16xf32>,
      %swap3A_2223 = arith.index_cast %scan3A_2148 : i32 to index
      %swap3A_2224 = arith.constant 496 : index
      %swap3A_2225 = tpu.vector_load %arg6[%swap3A_2223, %swap3A_2224] {strides = array<i32>} : memref<64x768xf32, #tpu.memory_space<vmem>>, vector<1x16xf32>,
      %swap3A_2226 = vector.shape_cast %swap3A_2225 : vector<1x16xf32> to vector<16xf32>
      %swap3A_2227 = vector.shape_cast %get3A_1653 : vector<16xf32> to vector<1x16xf32>
      tpu.vector_store %arg6[%swap3A_2223, %swap3A_2224], %swap3A_2227 {strides = array<i32>} : memref<64x768xf32, #tpu.memory_space<vmem>>, vector<1x16xf32>,
    }
    %scan3A_1659 = arith.constant 64 : i32
    %mul3A_1660 = arith.constant 1024 : i32
    %mul3A_1661 = arith.muli %select_n3A, %mul3A_1660 : i32
    %add3A_1662 = arith.constant 6 : i32
    %add3A_1663 = arith.addi %rem3A_20, %add3A_1662 : i32
    %mul3A_1664 = arith.constant 64 : i32
    %mul3A_1665 = arith.muli %add3A_1663, %mul3A_1664 : i32
    %add3A_1666 = arith.addi %mul3A_1661, %mul3A_1665 : i32
    %add3A_1667 = arith.constant 0 : i32
    %add3A_1668 = arith.addi %add3A_1666, %add3A_1667 : i32
    %dma_start3A_1669 = arith.constant 0 : i32
    %dma_start3A_1670 = tpu.memref_slice %arg5[%add3A_1668, %dma_start3A_1669] : memref<65536x768xf32, #tpu.memory_space<hbm>> -> memref<64x768xf32, #tpu.memory_space<hbm>>
    %dma_start3A_1671 = arith.constant 0 : i32
    %dma_start3A_1672 = tpu.memref_slice %arg5[%add3A_1668, %dma_start3A_1671] : memref<65536x768xf32, #tpu.memory_space<hbm>> -> memref<64x768xf32, #tpu.memory_space<hbm>>
    tpu.enqueue_dma source(%arg6 : memref<64x768xf32, #tpu.memory_space<vmem>>) target(%dma_start3A_1672 : memref<64x768xf32, #tpu.memory_space<hbm>>) target_semaphore(%arg11 : memref<!tpu.dma_semaphore, #tpu.memory_space<semaphore_mem>>)
    %add3A_1673 = arith.constant 16384 : i32
    %add3A_1674 = arith.addi %add3A_1666, %add3A_1673 : i32
    %dma_start3A_1675 = arith.constant 0 : i32
    %dma_start3A_1676 = tpu.memref_slice %arg5[%add3A_1674, %dma_start3A_1675] : memref<65536x768xf32, #tpu.memory_space<hbm>> -> memref<64x768xf32, #tpu.memory_space<hbm>>
    %dma_start3A_1677 = arith.constant 0 : i32
    %dma_start3A_1678 = tpu.memref_slice %arg5[%add3A_1674, %dma_start3A_1677] : memref<65536x768xf32, #tpu.memory_space<hbm>> -> memref<64x768xf32, #tpu.memory_space<hbm>>
    tpu.enqueue_dma source(%arg6 : memref<64x768xf32, #tpu.memory_space<vmem>>) target(%dma_start3A_1678 : memref<64x768xf32, #tpu.memory_space<hbm>>) target_semaphore(%arg11 : memref<!tpu.dma_semaphore, #tpu.memory_space<semaphore_mem>>)
    %add3A_1679 = arith.constant 32768 : i32
    %add3A_1680 = arith.addi %add3A_1666, %add3A_1679 : i32
    %dma_start3A_1681 = arith.constant 0 : i32
    %dma_start3A_1682 = tpu.memref_slice %arg5[%add3A_1680, %dma_start3A_1681] : memref<65536x768xf32, #tpu.memory_space<hbm>> -> memref<64x768xf32, #tpu.memory_space<hbm>>
    %dma_start3A_1683 = arith.constant 0 : i32
    %dma_start3A_1684 = tpu.memref_slice %arg5[%add3A_1680, %dma_start3A_1683] : memref<65536x768xf32, #tpu.memory_space<hbm>> -> memref<64x768xf32, #tpu.memory_space<hbm>>
    tpu.enqueue_dma source(%arg6 : memref<64x768xf32, #tpu.memory_space<vmem>>) target(%dma_start3A_1684 : memref<64x768xf32, #tpu.memory_space<hbm>>) target_semaphore(%arg11 : memref<!tpu.dma_semaphore, #tpu.memory_space<semaphore_mem>>)
    %add3A_1685 = arith.constant 49152 : i32
    %add3A_1686 = arith.addi %add3A_1666, %add3A_1685 : i32
    %dma_start3A_1687 = arith.constant 0 : i32
    %dma_start3A_1688 = tpu.memref_slice %arg5[%add3A_1686, %dma_start3A_1687] : memref<65536x768xf32, #tpu.memory_space<hbm>> -> memref<64x768xf32, #tpu.memory_space<hbm>>
    %dma_start3A_1689 = arith.constant 0 : i32
    %dma_start3A_1690 = tpu.memref_slice %arg5[%add3A_1686, %dma_start3A_1689] : memref<65536x768xf32, #tpu.memory_space<hbm>> -> memref<64x768xf32, #tpu.memory_space<hbm>>
    tpu.enqueue_dma source(%arg6 : memref<64x768xf32, #tpu.memory_space<vmem>>) target(%dma_start3A_1690 : memref<64x768xf32, #tpu.memory_space<hbm>>) target_semaphore(%arg11 : memref<!tpu.dma_semaphore, #tpu.memory_space<semaphore_mem>>)
    %get3A_1691 = arith.constant 7 : i32
    %get3A_1692 = arith.index_cast %get3A_1691 : i32 to index
    %get3A_1693 = arith.constant 0 : index
    %get3A_1694 = tpu.vector_load %arg9[%get3A_1692, %get3A_1693] {strides = array<i32>} : memref<8x256xf32, #tpu.memory_space<vmem>>, vector<1x16xf32>,
    %get3A_1695 = vector.shape_cast %get3A_1694 : vector<1x16xf32> to vector<16xf32>
    %get3A_1696 = arith.constant 7 : i32
    %get3A_1697 = arith.index_cast %get3A_1696 : i32 to index
    %get3A_1698 = arith.constant 16 : index
    %get3A_1699 = tpu.vector_load %arg9[%get3A_1697, %get3A_1698] {strides = array<i32>} : memref<8x256xf32, #tpu.memory_space<vmem>>, vector<1x16xf32>,
    %get3A_1700 = vector.shape_cast %get3A_1699 : vector<1x16xf32> to vector<16xf32>
    %get3A_1701 = arith.constant 7 : i32
    %get3A_1702 = arith.index_cast %get3A_1701 : i32 to index
    %get3A_1703 = arith.constant 32 : index
    %get3A_1704 = tpu.vector_load %arg9[%get3A_1702, %get3A_1703] {strides = array<i32>} : memref<8x256xf32, #tpu.memory_space<vmem>>, vector<1x16xf32>,
    %get3A_1705 = vector.shape_cast %get3A_1704 : vector<1x16xf32> to vector<16xf32>
    %get3A_1706 = arith.constant 7 : i32
    %get3A_1707 = arith.index_cast %get3A_1706 : i32 to index
    %get3A_1708 = arith.constant 48 : index
    %get3A_1709 = tpu.vector_load %arg9[%get3A_1707, %get3A_1708] {strides = array<i32>} : memref<8x256xf32, #tpu.memory_space<vmem>>, vector<1x16xf32>,
    %get3A_1710 = vector.shape_cast %get3A_1709 : vector<1x16xf32> to vector<16xf32>
    %get3A_1711 = arith.constant 7 : i32
    %get3A_1712 = arith.index_cast %get3A_1711 : i32 to index
    %get3A_1713 = arith.constant 64 : index
    %get3A_1714 = tpu.vector_load %arg9[%get3A_1712, %get3A_1713] {strides = array<i32>} : memref<8x256xf32, #tpu.memory_space<vmem>>, vector<1x16xf32>,
    %get3A_1715 = vector.shape_cast %get3A_1714 : vector<1x16xf32> to vector<16xf32>
    %get3A_1716 = arith.constant 7 : i32
    %get3A_1717 = arith.index_cast %get3A_1716 : i32 to index
    %get3A_1718 = arith.constant 80 : index
    %get3A_1719 = tpu.vector_load %arg9[%get3A_1717, %get3A_1718] {strides = array<i32>} : memref<8x256xf32, #tpu.memory_space<vmem>>, vector<1x16xf32>,
    %get3A_1720 = vector.shape_cast %get3A_1719 : vector<1x16xf32> to vector<16xf32>
    %get3A_1721 = arith.constant 7 : i32
    %get3A_1722 = arith.index_cast %get3A_1721 : i32 to index
    %get3A_1723 = arith.constant 96 : index
    %get3A_1724 = tpu.vector_load %arg9[%get3A_1722, %get3A_1723] {strides = array<i32>} : memref<8x256xf32, #tpu.memory_space<vmem>>, vector<1x16xf32>,
    %get3A_1725 = vector.shape_cast %get3A_1724 : vector<1x16xf32> to vector<16xf32>
    %get3A_1726 = arith.constant 7 : i32
    %get3A_1727 = arith.index_cast %get3A_1726 : i32 to index
    %get3A_1728 = arith.constant 112 : index
    %get3A_1729 = tpu.vector_load %arg9[%get3A_1727, %get3A_1728] {strides = array<i32>} : memref<8x256xf32, #tpu.memory_space<vmem>>, vector<1x16xf32>,
    %get3A_1730 = vector.shape_cast %get3A_1729 : vector<1x16xf32> to vector<16xf32>
    %get3A_1731 = arith.constant 7 : i32
    %get3A_1732 = arith.index_cast %get3A_1731 : i32 to index
    %get3A_1733 = arith.constant 128 : index
    %get3A_1734 = tpu.vector_load %arg9[%get3A_1732, %get3A_1733] {strides = array<i32>} : memref<8x256xf32, #tpu.memory_space<vmem>>, vector<1x16xf32>,
    %get3A_1735 = vector.shape_cast %get3A_1734 : vector<1x16xf32> to vector<16xf32>
    %get3A_1736 = arith.constant 7 : i32
    %get3A_1737 = arith.index_cast %get3A_1736 : i32 to index
    %get3A_1738 = arith.constant 144 : index
    %get3A_1739 = tpu.vector_load %arg9[%get3A_1737, %get3A_1738] {strides = array<i32>} : memref<8x256xf32, #tpu.memory_space<vmem>>, vector<1x16xf32>,
    %get3A_1740 = vector.shape_cast %get3A_1739 : vector<1x16xf32> to vector<16xf32>
    %get3A_1741 = arith.constant 7 : i32
    %get3A_1742 = arith.index_cast %get3A_1741 : i32 to index
    %get3A_1743 = arith.constant 160 : index
    %get3A_1744 = tpu.vector_load %arg9[%get3A_1742, %get3A_1743] {strides = array<i32>} : memref<8x256xf32, #tpu.memory_space<vmem>>, vector<1x16xf32>,
    %get3A_1745 = vector.shape_cast %get3A_1744 : vector<1x16xf32> to vector<16xf32>
    %get3A_1746 = arith.constant 7 : i32
    %get3A_1747 = arith.index_cast %get3A_1746 : i32 to index
    %get3A_1748 = arith.constant 176 : index
    %get3A_1749 = tpu.vector_load %arg9[%get3A_1747, %get3A_1748] {strides = array<i32>} : memref<8x256xf32, #tpu.memory_space<vmem>>, vector<1x16xf32>,
    %get3A_1750 = vector.shape_cast %get3A_1749 : vector<1x16xf32> to vector<16xf32>
    %get3A_1751 = arith.constant 7 : i32
    %get3A_1752 = arith.index_cast %get3A_1751 : i32 to index
    %get3A_1753 = arith.constant 192 : index
    %get3A_1754 = tpu.vector_load %arg9[%get3A_1752, %get3A_1753] {strides = array<i32>} : memref<8x256xf32, #tpu.memory_space<vmem>>, vector<1x16xf32>,
    %get3A_1755 = vector.shape_cast %get3A_1754 : vector<1x16xf32> to vector<16xf32>
    %get3A_1756 = arith.constant 7 : i32
    %get3A_1757 = arith.index_cast %get3A_1756 : i32 to index
    %get3A_1758 = arith.constant 208 : index
    %get3A_1759 = tpu.vector_load %arg9[%get3A_1757, %get3A_1758] {strides = array<i32>} : memref<8x256xf32, #tpu.memory_space<vmem>>, vector<1x16xf32>,
    %get3A_1760 = vector.shape_cast %get3A_1759 : vector<1x16xf32> to vector<16xf32>
    %get3A_1761 = arith.constant 7 : i32
    %get3A_1762 = arith.index_cast %get3A_1761 : i32 to index
    %get3A_1763 = arith.constant 224 : index
    %get3A_1764 = tpu.vector_load %arg9[%get3A_1762, %get3A_1763] {strides = array<i32>} : memref<8x256xf32, #tpu.memory_space<vmem>>, vector<1x16xf32>,
    %get3A_1765 = vector.shape_cast %get3A_1764 : vector<1x16xf32> to vector<16xf32>
    %get3A_1766 = arith.constant 7 : i32
    %get3A_1767 = arith.index_cast %get3A_1766 : i32 to index
    %get3A_1768 = arith.constant 240 : index
    %get3A_1769 = tpu.vector_load %arg9[%get3A_1767, %get3A_1768] {strides = array<i32>} : memref<8x256xf32, #tpu.memory_space<vmem>>, vector<1x16xf32>,
    %get3A_1770 = vector.shape_cast %get3A_1769 : vector<1x16xf32> to vector<16xf32>
    %scan3A_1771 = arith.constant 0 : i32
    %scan3A_1772 = arith.constant 0 : i32
    %scan3A_1773 = arith.constant 64 : i32
    %scan3A_1774 = arith.addi %scan3A_1772, %scan3A_1773 : i32
    %scan3A_1775 = arith.constant 1 : i32
    scf.for %scan3A_2148 = %scan3A_1772 to %scan3A_1774 step %scan3A_1775  : i32 {
      %swap3A = arith.index_cast %scan3A_2148 : i32 to index
      %swap3A_2149 = arith.constant 256 : index
      %swap3A_2150 = tpu.vector_load %arg7[%swap3A, %swap3A_2149] {strides = array<i32>} : memref<64x768xf32, #tpu.memory_space<vmem>>, vector<1x16xf32>,
      %swap3A_2151 = vector.shape_cast %swap3A_2150 : vector<1x16xf32> to vector<16xf32>
      %swap3A_2152 = vector.shape_cast %get3A_1695 : vector<16xf32> to vector<1x16xf32>
      tpu.vector_store %arg7[%swap3A, %swap3A_2149], %swap3A_2152 {strides = array<i32>} : memref<64x768xf32, #tpu.memory_space<vmem>>, vector<1x16xf32>,
      %swap3A_2153 = arith.index_cast %scan3A_2148 : i32 to index
      %swap3A_2154 = arith.constant 272 : index
      %swap3A_2155 = tpu.vector_load %arg7[%swap3A_2153, %swap3A_2154] {strides = array<i32>} : memref<64x768xf32, #tpu.memory_space<vmem>>, vector<1x16xf32>,
      %swap3A_2156 = vector.shape_cast %swap3A_2155 : vector<1x16xf32> to vector<16xf32>
      %swap3A_2157 = vector.shape_cast %get3A_1700 : vector<16xf32> to vector<1x16xf32>
      tpu.vector_store %arg7[%swap3A_2153, %swap3A_2154], %swap3A_2157 {strides = array<i32>} : memref<64x768xf32, #tpu.memory_space<vmem>>, vector<1x16xf32>,
      %swap3A_2158 = arith.index_cast %scan3A_2148 : i32 to index
      %swap3A_2159 = arith.constant 288 : index
      %swap3A_2160 = tpu.vector_load %arg7[%swap3A_2158, %swap3A_2159] {strides = array<i32>} : memref<64x768xf32, #tpu.memory_space<vmem>>, vector<1x16xf32>,
      %swap3A_2161 = vector.shape_cast %swap3A_2160 : vector<1x16xf32> to vector<16xf32>
      %swap3A_2162 = vector.shape_cast %get3A_1705 : vector<16xf32> to vector<1x16xf32>
      tpu.vector_store %arg7[%swap3A_2158, %swap3A_2159], %swap3A_2162 {strides = array<i32>} : memref<64x768xf32, #tpu.memory_space<vmem>>, vector<1x16xf32>,
      %swap3A_2163 = arith.index_cast %scan3A_2148 : i32 to index
      %swap3A_2164 = arith.constant 304 : index
      %swap3A_2165 = tpu.vector_load %arg7[%swap3A_2163, %swap3A_2164] {strides = array<i32>} : memref<64x768xf32, #tpu.memory_space<vmem>>, vector<1x16xf32>,
      %swap3A_2166 = vector.shape_cast %swap3A_2165 : vector<1x16xf32> to vector<16xf32>
      %swap3A_2167 = vector.shape_cast %get3A_1710 : vector<16xf32> to vector<1x16xf32>
      tpu.vector_store %arg7[%swap3A_2163, %swap3A_2164], %swap3A_2167 {strides = array<i32>} : memref<64x768xf32, #tpu.memory_space<vmem>>, vector<1x16xf32>,
      %swap3A_2168 = arith.index_cast %scan3A_2148 : i32 to index
      %swap3A_2169 = arith.constant 320 : index
      %swap3A_2170 = tpu.vector_load %arg7[%swap3A_2168, %swap3A_2169] {strides = array<i32>} : memref<64x768xf32, #tpu.memory_space<vmem>>, vector<1x16xf32>,
      %swap3A_2171 = vector.shape_cast %swap3A_2170 : vector<1x16xf32> to vector<16xf32>
      %swap3A_2172 = vector.shape_cast %get3A_1715 : vector<16xf32> to vector<1x16xf32>
      tpu.vector_store %arg7[%swap3A_2168, %swap3A_2169], %swap3A_2172 {strides = array<i32>} : memref<64x768xf32, #tpu.memory_space<vmem>>, vector<1x16xf32>,
      %swap3A_2173 = arith.index_cast %scan3A_2148 : i32 to index
      %swap3A_2174 = arith.constant 336 : index
      %swap3A_2175 = tpu.vector_load %arg7[%swap3A_2173, %swap3A_2174] {strides = array<i32>} : memref<64x768xf32, #tpu.memory_space<vmem>>, vector<1x16xf32>,
      %swap3A_2176 = vector.shape_cast %swap3A_2175 : vector<1x16xf32> to vector<16xf32>
      %swap3A_2177 = vector.shape_cast %get3A_1720 : vector<16xf32> to vector<1x16xf32>
      tpu.vector_store %arg7[%swap3A_2173, %swap3A_2174], %swap3A_2177 {strides = array<i32>} : memref<64x768xf32, #tpu.memory_space<vmem>>, vector<1x16xf32>,
      %swap3A_2178 = arith.index_cast %scan3A_2148 : i32 to index
      %swap3A_2179 = arith.constant 352 : index
      %swap3A_2180 = tpu.vector_load %arg7[%swap3A_2178, %swap3A_2179] {strides = array<i32>} : memref<64x768xf32, #tpu.memory_space<vmem>>, vector<1x16xf32>,
      %swap3A_2181 = vector.shape_cast %swap3A_2180 : vector<1x16xf32> to vector<16xf32>
      %swap3A_2182 = vector.shape_cast %get3A_1725 : vector<16xf32> to vector<1x16xf32>
      tpu.vector_store %arg7[%swap3A_2178, %swap3A_2179], %swap3A_2182 {strides = array<i32>} : memref<64x768xf32, #tpu.memory_space<vmem>>, vector<1x16xf32>,
      %swap3A_2183 = arith.index_cast %scan3A_2148 : i32 to index
      %swap3A_2184 = arith.constant 368 : index
      %swap3A_2185 = tpu.vector_load %arg7[%swap3A_2183, %swap3A_2184] {strides = array<i32>} : memref<64x768xf32, #tpu.memory_space<vmem>>, vector<1x16xf32>,
      %swap3A_2186 = vector.shape_cast %swap3A_2185 : vector<1x16xf32> to vector<16xf32>
      %swap3A_2187 = vector.shape_cast %get3A_1730 : vector<16xf32> to vector<1x16xf32>
      tpu.vector_store %arg7[%swap3A_2183, %swap3A_2184], %swap3A_2187 {strides = array<i32>} : memref<64x768xf32, #tpu.memory_space<vmem>>, vector<1x16xf32>,
      %swap3A_2188 = arith.index_cast %scan3A_2148 : i32 to index
      %swap3A_2189 = arith.constant 384 : index
      %swap3A_2190 = tpu.vector_load %arg7[%swap3A_2188, %swap3A_2189] {strides = array<i32>} : memref<64x768xf32, #tpu.memory_space<vmem>>, vector<1x16xf32>,
      %swap3A_2191 = vector.shape_cast %swap3A_2190 : vector<1x16xf32> to vector<16xf32>
      %swap3A_2192 = vector.shape_cast %get3A_1735 : vector<16xf32> to vector<1x16xf32>
      tpu.vector_store %arg7[%swap3A_2188, %swap3A_2189], %swap3A_2192 {strides = array<i32>} : memref<64x768xf32, #tpu.memory_space<vmem>>, vector<1x16xf32>,
      %swap3A_2193 = arith.index_cast %scan3A_2148 : i32 to index
      %swap3A_2194 = arith.constant 400 : index
      %swap3A_2195 = tpu.vector_load %arg7[%swap3A_2193, %swap3A_2194] {strides = array<i32>} : memref<64x768xf32, #tpu.memory_space<vmem>>, vector<1x16xf32>,
      %swap3A_2196 = vector.shape_cast %swap3A_2195 : vector<1x16xf32> to vector<16xf32>
      %swap3A_2197 = vector.shape_cast %get3A_1740 : vector<16xf32> to vector<1x16xf32>
      tpu.vector_store %arg7[%swap3A_2193, %swap3A_2194], %swap3A_2197 {strides = array<i32>} : memref<64x768xf32, #tpu.memory_space<vmem>>, vector<1x16xf32>,
      %swap3A_2198 = arith.index_cast %scan3A_2148 : i32 to index
      %swap3A_2199 = arith.constant 416 : index
      %swap3A_2200 = tpu.vector_load %arg7[%swap3A_2198, %swap3A_2199] {strides = array<i32>} : memref<64x768xf32, #tpu.memory_space<vmem>>, vector<1x16xf32>,
      %swap3A_2201 = vector.shape_cast %swap3A_2200 : vector<1x16xf32> to vector<16xf32>
      %swap3A_2202 = vector.shape_cast %get3A_1745 : vector<16xf32> to vector<1x16xf32>
      tpu.vector_store %arg7[%swap3A_2198, %swap3A_2199], %swap3A_2202 {strides = array<i32>} : memref<64x768xf32, #tpu.memory_space<vmem>>, vector<1x16xf32>,
      %swap3A_2203 = arith.index_cast %scan3A_2148 : i32 to index
      %swap3A_2204 = arith.constant 432 : index
      %swap3A_2205 = tpu.vector_load %arg7[%swap3A_2203, %swap3A_2204] {strides = array<i32>} : memref<64x768xf32, #tpu.memory_space<vmem>>, vector<1x16xf32>,
      %swap3A_2206 = vector.shape_cast %swap3A_2205 : vector<1x16xf32> to vector<16xf32>
      %swap3A_2207 = vector.shape_cast %get3A_1750 : vector<16xf32> to vector<1x16xf32>
      tpu.vector_store %arg7[%swap3A_2203, %swap3A_2204], %swap3A_2207 {strides = array<i32>} : memref<64x768xf32, #tpu.memory_space<vmem>>, vector<1x16xf32>,
      %swap3A_2208 = arith.index_cast %scan3A_2148 : i32 to index
      %swap3A_2209 = arith.constant 448 : index
      %swap3A_2210 = tpu.vector_load %arg7[%swap3A_2208, %swap3A_2209] {strides = array<i32>} : memref<64x768xf32, #tpu.memory_space<vmem>>, vector<1x16xf32>,
      %swap3A_2211 = vector.shape_cast %swap3A_2210 : vector<1x16xf32> to vector<16xf32>
      %swap3A_2212 = vector.shape_cast %get3A_1755 : vector<16xf32> to vector<1x16xf32>
      tpu.vector_store %arg7[%swap3A_2208, %swap3A_2209], %swap3A_2212 {strides = array<i32>} : memref<64x768xf32, #tpu.memory_space<vmem>>, vector<1x16xf32>,
      %swap3A_2213 = arith.index_cast %scan3A_2148 : i32 to index
      %swap3A_2214 = arith.constant 464 : index
      %swap3A_2215 = tpu.vector_load %arg7[%swap3A_2213, %swap3A_2214] {strides = array<i32>} : memref<64x768xf32, #tpu.memory_space<vmem>>, vector<1x16xf32>,
      %swap3A_2216 = vector.shape_cast %swap3A_2215 : vector<1x16xf32> to vector<16xf32>
      %swap3A_2217 = vector.shape_cast %get3A_1760 : vector<16xf32> to vector<1x16xf32>
      tpu.vector_store %arg7[%swap3A_2213, %swap3A_2214], %swap3A_2217 {strides = array<i32>} : memref<64x768xf32, #tpu.memory_space<vmem>>, vector<1x16xf32>,
      %swap3A_2218 = arith.index_cast %scan3A_2148 : i32 to index
      %swap3A_2219 = arith.constant 480 : index
      %swap3A_2220 = tpu.vector_load %arg7[%swap3A_2218, %swap3A_2219] {strides = array<i32>} : memref<64x768xf32, #tpu.memory_space<vmem>>, vector<1x16xf32>,
      %swap3A_2221 = vector.shape_cast %swap3A_2220 : vector<1x16xf32> to vector<16xf32>
      %swap3A_2222 = vector.shape_cast %get3A_1765 : vector<16xf32> to vector<1x16xf32>
      tpu.vector_store %arg7[%swap3A_2218, %swap3A_2219], %swap3A_2222 {strides = array<i32>} : memref<64x768xf32, #tpu.memory_space<vmem>>, vector<1x16xf32>,
      %swap3A_2223 = arith.index_cast %scan3A_2148 : i32 to index
      %swap3A_2224 = arith.constant 496 : index
      %swap3A_2225 = tpu.vector_load %arg7[%swap3A_2223, %swap3A_2224] {strides = array<i32>} : memref<64x768xf32, #tpu.memory_space<vmem>>, vector<1x16xf32>,
      %swap3A_2226 = vector.shape_cast %swap3A_2225 : vector<1x16xf32> to vector<16xf32>
      %swap3A_2227 = vector.shape_cast %get3A_1770 : vector<16xf32> to vector<1x16xf32>
      tpu.vector_store %arg7[%swap3A_2223, %swap3A_2224], %swap3A_2227 {strides = array<i32>} : memref<64x768xf32, #tpu.memory_space<vmem>>, vector<1x16xf32>,
    }
    %scan3A_1776 = arith.constant 64 : i32
    %mul3A_1777 = arith.constant 1024 : i32
    %mul3A_1778 = arith.muli %select_n3A, %mul3A_1777 : i32
    %add3A_1779 = arith.constant 7 : i32
    %add3A_1780 = arith.addi %rem3A_20, %add3A_1779 : i32
    %mul3A_1781 = arith.constant 64 : i32
    %mul3A_1782 = arith.muli %add3A_1780, %mul3A_1781 : i32
    %add3A_1783 = arith.addi %mul3A_1778, %mul3A_1782 : i32
    %dma_wait3A_1784 = arith.constant 0 : i32
    %dma_wait3A_1785 = arith.constant 0 : i32
    %dma_wait3A_1786 = tpu.memref_slice %arg5[%add3A_1444, %dma_wait3A_1785] : memref<65536x768xf32, #tpu.memory_space<hbm>> -> memref<16x768xf32, #tpu.memory_space<hbm>>
    %dma_wait3A_1787 = arith.constant 0 : i32
    %dma_wait3A_1788 = arith.constant 0 : i32
    %dma_wait3A_1789 = tpu.memref_slice %arg10[%arg1, %dma_wait3A_1784, %dma_wait3A_1787, %dma_wait3A_1788] : memref<16x2x16x768xf32, #tpu.memory_space<vmem_shared>> -> memref<1x1x16x768xf32, #tpu.memory_space<vmem_shared>>
    %dma_wait3A_1790 = tpu.memref_squeeze %dma_wait3A_1789 : memref<1x1x16x768xf32, #tpu.memory_space<vmem_shared>> -> memref<16x768xf32, #tpu.memory_space<vmem_shared>>
    tpu.wait_dma2 semaphore(%arg13 : memref<!tpu.dma_semaphore, #tpu.memory_space<semaphore_mem>>) src(%dma_wait3A_1790 : memref<16x768xf32, #tpu.memory_space<vmem_shared>>) dst(%dma_wait3A_1786 : memref<16x768xf32, #tpu.memory_space<hbm>>)
    %dma_wait3A_1791 = arith.constant 0 : i32
    %dma_wait3A_1792 = arith.constant 0 : i32
    %dma_wait3A_1793 = tpu.memref_slice %arg5[%add3A_1455, %dma_wait3A_1792] : memref<65536x768xf32, #tpu.memory_space<hbm>> -> memref<16x768xf32, #tpu.memory_space<hbm>>
    %dma_wait3A_1794 = arith.constant 0 : i32
    %dma_wait3A_1795 = arith.constant 0 : i32
    %dma_wait3A_1796 = tpu.memref_slice %arg10[%arg1, %dma_wait3A_1791, %dma_wait3A_1794, %dma_wait3A_1795] : memref<16x2x16x768xf32, #tpu.memory_space<vmem_shared>> -> memref<1x1x16x768xf32, #tpu.memory_space<vmem_shared>>
    %dma_wait3A_1797 = tpu.memref_squeeze %dma_wait3A_1796 : memref<1x1x16x768xf32, #tpu.memory_space<vmem_shared>> -> memref<16x768xf32, #tpu.memory_space<vmem_shared>>
    tpu.wait_dma2 semaphore(%arg13 : memref<!tpu.dma_semaphore, #tpu.memory_space<semaphore_mem>>) src(%dma_wait3A_1797 : memref<16x768xf32, #tpu.memory_space<vmem_shared>>) dst(%dma_wait3A_1793 : memref<16x768xf32, #tpu.memory_space<hbm>>)
    %dma_wait3A_1798 = arith.constant 0 : i32
    %dma_wait3A_1799 = arith.constant 0 : i32
    %dma_wait3A_1800 = tpu.memref_slice %arg5[%add3A_1466, %dma_wait3A_1799] : memref<65536x768xf32, #tpu.memory_space<hbm>> -> memref<16x768xf32, #tpu.memory_space<hbm>>
    %dma_wait3A_1801 = arith.constant 0 : i32
    %dma_wait3A_1802 = arith.constant 0 : i32
    %dma_wait3A_1803 = tpu.memref_slice %arg10[%arg1, %dma_wait3A_1798, %dma_wait3A_1801, %dma_wait3A_1802] : memref<16x2x16x768xf32, #tpu.memory_space<vmem_shared>> -> memref<1x1x16x768xf32, #tpu.memory_space<vmem_shared>>
    %dma_wait3A_1804 = tpu.memref_squeeze %dma_wait3A_1803 : memref<1x1x16x768xf32, #tpu.memory_space<vmem_shared>> -> memref<16x768xf32, #tpu.memory_space<vmem_shared>>
    tpu.wait_dma2 semaphore(%arg13 : memref<!tpu.dma_semaphore, #tpu.memory_space<semaphore_mem>>) src(%dma_wait3A_1804 : memref<16x768xf32, #tpu.memory_space<vmem_shared>>) dst(%dma_wait3A_1800 : memref<16x768xf32, #tpu.memory_space<hbm>>)
    %dma_wait3A_1805 = arith.constant 0 : i32
    %dma_wait3A_1806 = arith.constant 0 : i32
    %dma_wait3A_1807 = tpu.memref_slice %arg5[%add3A_1477, %dma_wait3A_1806] : memref<65536x768xf32, #tpu.memory_space<hbm>> -> memref<16x768xf32, #tpu.memory_space<hbm>>
    %dma_wait3A_1808 = arith.constant 0 : i32
    %dma_wait3A_1809 = arith.constant 0 : i32
    %dma_wait3A_1810 = tpu.memref_slice %arg10[%arg1, %dma_wait3A_1805, %dma_wait3A_1808, %dma_wait3A_1809] : memref<16x2x16x768xf32, #tpu.memory_space<vmem_shared>> -> memref<1x1x16x768xf32, #tpu.memory_space<vmem_shared>>
    %dma_wait3A_1811 = tpu.memref_squeeze %dma_wait3A_1810 : memref<1x1x16x768xf32, #tpu.memory_space<vmem_shared>> -> memref<16x768xf32, #tpu.memory_space<vmem_shared>>
    tpu.wait_dma2 semaphore(%arg13 : memref<!tpu.dma_semaphore, #tpu.memory_space<semaphore_mem>>) src(%dma_wait3A_1811 : memref<16x768xf32, #tpu.memory_space<vmem_shared>>) dst(%dma_wait3A_1807 : memref<16x768xf32, #tpu.memory_space<hbm>>)
    %run_scoped3A_1812 = arith.constant 0 : i32
    "tpu.region"() ({
      %run_scoped3A_2148 = tpu.sem_alloc : memref<!tpu.dma_semaphore, #tpu.memory_space<semaphore_mem>>
      %dma_start3A_2149 = arith.constant 0 : i32
      %dma_start3A_2150 = arith.constant 0 : i32
      %dma_start3A_2151 = tpu.memref_slice %arg7[%dma_start3A_2149, %dma_start3A_2150] : memref<64x768xf32, #tpu.memory_space<vmem>> -> memref<16x768xf32, #tpu.memory_space<vmem>>
      %dma_start3A_2152 = arith.constant 0 : i32
      %dma_start3A_2153 = arith.constant 0 : i32
      %dma_start3A_2154 = tpu.memref_slice %arg10[%arg1, %run_scoped3A_1812, %dma_start3A_2152, %dma_start3A_2153] : memref<16x2x16x768xf32, #tpu.memory_space<vmem_shared>> -> memref<1x1x16x768xf32, #tpu.memory_space<vmem_shared>>
      %dma_start3A_2155 = tpu.memref_squeeze %dma_start3A_2154 : memref<1x1x16x768xf32, #tpu.memory_space<vmem_shared>> -> memref<16x768xf32, #tpu.memory_space<vmem_shared>>
      %dma_start3A_2156 = arith.constant 0 : i32
      %dma_start3A_2157 = arith.constant 0 : i32
      %dma_start3A_2158 = tpu.memref_slice %arg10[%arg1, %run_scoped3A_1812, %dma_start3A_2156, %dma_start3A_2157] : memref<16x2x16x768xf32, #tpu.memory_space<vmem_shared>> -> memref<1x1x16x768xf32, #tpu.memory_space<vmem_shared>>
      %dma_start3A_2159 = tpu.memref_squeeze %dma_start3A_2158 : memref<1x1x16x768xf32, #tpu.memory_space<vmem_shared>> -> memref<16x768xf32, #tpu.memory_space<vmem_shared>>
      %dma_start3A_2160 = arith.constant 0 : i32
      %dma_start3A_2161 = arith.constant 0 : i32
      %dma_start3A_2162 = tpu.memref_slice %arg7[%dma_start3A_2160, %dma_start3A_2161] : memref<64x768xf32, #tpu.memory_space<vmem>> -> memref<16x768xf32, #tpu.memory_space<vmem>>
      tpu.enqueue_dma source(%dma_start3A_2162 : memref<16x768xf32, #tpu.memory_space<vmem>>) target(%dma_start3A_2159 : memref<16x768xf32, #tpu.memory_space<vmem_shared>>) target_semaphore(%run_scoped3A_2148 : memref<!tpu.dma_semaphore, #tpu.memory_space<semaphore_mem>>)
      %dma_wait3A_2163 = arith.constant 0 : i32
      %dma_wait3A_2164 = arith.constant 0 : i32
      %dma_wait3A_2165 = tpu.memref_slice %arg7[%dma_wait3A_2163, %dma_wait3A_2164] : memref<64x768xf32, #tpu.memory_space<vmem>> -> memref<16x768xf32, #tpu.memory_space<vmem>>
      %dma_wait3A_2166 = arith.constant 0 : i32
      %dma_wait3A_2167 = arith.constant 0 : i32
      %dma_wait3A_2168 = tpu.memref_slice %arg10[%arg1, %run_scoped3A_1812, %dma_wait3A_2166, %dma_wait3A_2167] : memref<16x2x16x768xf32, #tpu.memory_space<vmem_shared>> -> memref<1x1x16x768xf32, #tpu.memory_space<vmem_shared>>
      %dma_wait3A_2169 = tpu.memref_squeeze %dma_wait3A_2168 : memref<1x1x16x768xf32, #tpu.memory_space<vmem_shared>> -> memref<16x768xf32, #tpu.memory_space<vmem_shared>>
      %dma_wait3A_2170 = arith.constant 0 : i32
      %dma_wait3A_2171 = arith.constant 0 : i32
      %dma_wait3A_2172 = tpu.memref_slice %arg10[%arg1, %run_scoped3A_1812, %dma_wait3A_2170, %dma_wait3A_2171] : memref<16x2x16x768xf32, #tpu.memory_space<vmem_shared>> -> memref<1x1x16x768xf32, #tpu.memory_space<vmem_shared>>
      %dma_wait3A_2173 = tpu.memref_squeeze %dma_wait3A_2172 : memref<1x1x16x768xf32, #tpu.memory_space<vmem_shared>> -> memref<16x768xf32, #tpu.memory_space<vmem_shared>>
      %dma_wait3A_2174 = arith.constant 0 : i32
      %dma_wait3A_2175 = arith.constant 0 : i32
      %dma_wait3A_2176 = tpu.memref_slice %arg7[%dma_wait3A_2174, %dma_wait3A_2175] : memref<64x768xf32, #tpu.memory_space<vmem>> -> memref<16x768xf32, #tpu.memory_space<vmem>>
      tpu.wait_dma2 semaphore(%run_scoped3A_2148 : memref<!tpu.dma_semaphore, #tpu.memory_space<semaphore_mem>>) src(%dma_wait3A_2176 : memref<16x768xf32, #tpu.memory_space<vmem>>) dst(%dma_wait3A_2173 : memref<16x768xf32, #tpu.memory_space<vmem_shared>>)
      tpu.yield
    }) : () -> ()
    %add3A_1813 = arith.constant 0 : i32
    %add3A_1814 = arith.addi %add3A_1783, %add3A_1813 : i32
    %add3A_1815 = arith.constant 0 : i32
    %add3A_1816 = arith.addi %add3A_1814, %add3A_1815 : i32
    %dma_start3A_1817 = arith.constant 0 : i32
    %dma_start3A_1818 = arith.constant 0 : i32
    %dma_start3A_1819 = tpu.memref_slice %arg5[%add3A_1816, %dma_start3A_1818] : memref<65536x768xf32, #tpu.memory_space<hbm>> -> memref<16x768xf32, #tpu.memory_space<hbm>>
    %dma_start3A_1820 = arith.constant 0 : i32
    %dma_start3A_1821 = arith.constant 0 : i32
    %dma_start3A_1822 = tpu.memref_slice %arg10[%arg1, %dma_start3A_1817, %dma_start3A_1820, %dma_start3A_1821] : memref<16x2x16x768xf32, #tpu.memory_space<vmem_shared>> -> memref<1x1x16x768xf32, #tpu.memory_space<vmem_shared>>
    %dma_start3A_1823 = tpu.memref_squeeze %dma_start3A_1822 : memref<1x1x16x768xf32, #tpu.memory_space<vmem_shared>> -> memref<16x768xf32, #tpu.memory_space<vmem_shared>>
    tpu.enqueue_dma source(%dma_start3A_1823 : memref<16x768xf32, #tpu.memory_space<vmem_shared>>) target(%dma_start3A_1819 : memref<16x768xf32, #tpu.memory_space<hbm>>) target_semaphore(%arg13 : memref<!tpu.dma_semaphore, #tpu.memory_space<semaphore_mem>>)
    %add3A_1824 = arith.constant 0 : i32
    %add3A_1825 = arith.addi %add3A_1783, %add3A_1824 : i32
    %add3A_1826 = arith.constant 16384 : i32
    %add3A_1827 = arith.addi %add3A_1825, %add3A_1826 : i32
    %dma_start3A_1828 = arith.constant 0 : i32
    %dma_start3A_1829 = arith.constant 0 : i32
    %dma_start3A_1830 = tpu.memref_slice %arg5[%add3A_1827, %dma_start3A_1829] : memref<65536x768xf32, #tpu.memory_space<hbm>> -> memref<16x768xf32, #tpu.memory_space<hbm>>
    %dma_start3A_1831 = arith.constant 0 : i32
    %dma_start3A_1832 = arith.constant 0 : i32
    %dma_start3A_1833 = tpu.memref_slice %arg10[%arg1, %dma_start3A_1828, %dma_start3A_1831, %dma_start3A_1832] : memref<16x2x16x768xf32, #tpu.memory_space<vmem_shared>> -> memref<1x1x16x768xf32, #tpu.memory_space<vmem_shared>>
    %dma_start3A_1834 = tpu.memref_squeeze %dma_start3A_1833 : memref<1x1x16x768xf32, #tpu.memory_space<vmem_shared>> -> memref<16x768xf32, #tpu.memory_space<vmem_shared>>
    tpu.enqueue_dma source(%dma_start3A_1834 : memref<16x768xf32, #tpu.memory_space<vmem_shared>>) target(%dma_start3A_1830 : memref<16x768xf32, #tpu.memory_space<hbm>>) target_semaphore(%arg13 : memref<!tpu.dma_semaphore, #tpu.memory_space<semaphore_mem>>)
    %add3A_1835 = arith.constant 0 : i32
    %add3A_1836 = arith.addi %add3A_1783, %add3A_1835 : i32
    %add3A_1837 = arith.constant 32768 : i32
    %add3A_1838 = arith.addi %add3A_1836, %add3A_1837 : i32
    %dma_start3A_1839 = arith.constant 0 : i32
    %dma_start3A_1840 = arith.constant 0 : i32
    %dma_start3A_1841 = tpu.memref_slice %arg5[%add3A_1838, %dma_start3A_1840] : memref<65536x768xf32, #tpu.memory_space<hbm>> -> memref<16x768xf32, #tpu.memory_space<hbm>>
    %dma_start3A_1842 = arith.constant 0 : i32
    %dma_start3A_1843 = arith.constant 0 : i32
    %dma_start3A_1844 = tpu.memref_slice %arg10[%arg1, %dma_start3A_1839, %dma_start3A_1842, %dma_start3A_1843] : memref<16x2x16x768xf32, #tpu.memory_space<vmem_shared>> -> memref<1x1x16x768xf32, #tpu.memory_space<vmem_shared>>
    %dma_start3A_1845 = tpu.memref_squeeze %dma_start3A_1844 : memref<1x1x16x768xf32, #tpu.memory_space<vmem_shared>> -> memref<16x768xf32, #tpu.memory_space<vmem_shared>>
    tpu.enqueue_dma source(%dma_start3A_1845 : memref<16x768xf32, #tpu.memory_space<vmem_shared>>) target(%dma_start3A_1841 : memref<16x768xf32, #tpu.memory_space<hbm>>) target_semaphore(%arg13 : memref<!tpu.dma_semaphore, #tpu.memory_space<semaphore_mem>>)
    %add3A_1846 = arith.constant 0 : i32
    %add3A_1847 = arith.addi %add3A_1783, %add3A_1846 : i32
    %add3A_1848 = arith.constant 49152 : i32
    %add3A_1849 = arith.addi %add3A_1847, %add3A_1848 : i32
    %dma_start3A_1850 = arith.constant 0 : i32
    %dma_start3A_1851 = arith.constant 0 : i32
    %dma_start3A_1852 = tpu.memref_slice %arg5[%add3A_1849, %dma_start3A_1851] : memref<65536x768xf32, #tpu.memory_space<hbm>> -> memref<16x768xf32, #tpu.memory_space<hbm>>
    %dma_start3A_1853 = arith.constant 0 : i32
    %dma_start3A_1854 = arith.constant 0 : i32
    %dma_start3A_1855 = tpu.memref_slice %arg10[%arg1, %dma_start3A_1850, %dma_start3A_1853, %dma_start3A_1854] : memref<16x2x16x768xf32, #tpu.memory_space<vmem_shared>> -> memref<1x1x16x768xf32, #tpu.memory_space<vmem_shared>>
    %dma_start3A_1856 = tpu.memref_squeeze %dma_start3A_1855 : memref<1x1x16x768xf32, #tpu.memory_space<vmem_shared>> -> memref<16x768xf32, #tpu.memory_space<vmem_shared>>
    tpu.enqueue_dma source(%dma_start3A_1856 : memref<16x768xf32, #tpu.memory_space<vmem_shared>>) target(%dma_start3A_1852 : memref<16x768xf32, #tpu.memory_space<hbm>>) target_semaphore(%arg13 : memref<!tpu.dma_semaphore, #tpu.memory_space<semaphore_mem>>)
    %dma_wait3A_1857 = arith.constant 1 : i32
    %dma_wait3A_1858 = arith.constant 0 : i32
    %dma_wait3A_1859 = tpu.memref_slice %arg5[%add3A_1517, %dma_wait3A_1858] : memref<65536x768xf32, #tpu.memory_space<hbm>> -> memref<16x768xf32, #tpu.memory_space<hbm>>
    %dma_wait3A_1860 = arith.constant 0 : i32
    %dma_wait3A_1861 = arith.constant 0 : i32
    %dma_wait3A_1862 = tpu.memref_slice %arg10[%arg1, %dma_wait3A_1857, %dma_wait3A_1860, %dma_wait3A_1861] : memref<16x2x16x768xf32, #tpu.memory_space<vmem_shared>> -> memref<1x1x16x768xf32, #tpu.memory_space<vmem_shared>>
    %dma_wait3A_1863 = tpu.memref_squeeze %dma_wait3A_1862 : memref<1x1x16x768xf32, #tpu.memory_space<vmem_shared>> -> memref<16x768xf32, #tpu.memory_space<vmem_shared>>
    tpu.wait_dma2 semaphore(%arg14 : memref<!tpu.dma_semaphore, #tpu.memory_space<semaphore_mem>>) src(%dma_wait3A_1863 : memref<16x768xf32, #tpu.memory_space<vmem_shared>>) dst(%dma_wait3A_1859 : memref<16x768xf32, #tpu.memory_space<hbm>>)
    %dma_wait3A_1864 = arith.constant 1 : i32
    %dma_wait3A_1865 = arith.constant 0 : i32
    %dma_wait3A_1866 = tpu.memref_slice %arg5[%add3A_1528, %dma_wait3A_1865] : memref<65536x768xf32, #tpu.memory_space<hbm>> -> memref<16x768xf32, #tpu.memory_space<hbm>>
    %dma_wait3A_1867 = arith.constant 0 : i32
    %dma_wait3A_1868 = arith.constant 0 : i32
    %dma_wait3A_1869 = tpu.memref_slice %arg10[%arg1, %dma_wait3A_1864, %dma_wait3A_1867, %dma_wait3A_1868] : memref<16x2x16x768xf32, #tpu.memory_space<vmem_shared>> -> memref<1x1x16x768xf32, #tpu.memory_space<vmem_shared>>
    %dma_wait3A_1870 = tpu.memref_squeeze %dma_wait3A_1869 : memref<1x1x16x768xf32, #tpu.memory_space<vmem_shared>> -> memref<16x768xf32, #tpu.memory_space<vmem_shared>>
    tpu.wait_dma2 semaphore(%arg14 : memref<!tpu.dma_semaphore, #tpu.memory_space<semaphore_mem>>) src(%dma_wait3A_1870 : memref<16x768xf32, #tpu.memory_space<vmem_shared>>) dst(%dma_wait3A_1866 : memref<16x768xf32, #tpu.memory_space<hbm>>)
    %dma_wait3A_1871 = arith.constant 1 : i32
    %dma_wait3A_1872 = arith.constant 0 : i32
    %dma_wait3A_1873 = tpu.memref_slice %arg5[%add3A_1539, %dma_wait3A_1872] : memref<65536x768xf32, #tpu.memory_space<hbm>> -> memref<16x768xf32, #tpu.memory_space<hbm>>
    %dma_wait3A_1874 = arith.constant 0 : i32
    %dma_wait3A_1875 = arith.constant 0 : i32
    %dma_wait3A_1876 = tpu.memref_slice %arg10[%arg1, %dma_wait3A_1871, %dma_wait3A_1874, %dma_wait3A_1875] : memref<16x2x16x768xf32, #tpu.memory_space<vmem_shared>> -> memref<1x1x16x768xf32, #tpu.memory_space<vmem_shared>>
    %dma_wait3A_1877 = tpu.memref_squeeze %dma_wait3A_1876 : memref<1x1x16x768xf32, #tpu.memory_space<vmem_shared>> -> memref<16x768xf32, #tpu.memory_space<vmem_shared>>
    tpu.wait_dma2 semaphore(%arg14 : memref<!tpu.dma_semaphore, #tpu.memory_space<semaphore_mem>>) src(%dma_wait3A_1877 : memref<16x768xf32, #tpu.memory_space<vmem_shared>>) dst(%dma_wait3A_1873 : memref<16x768xf32, #tpu.memory_space<hbm>>)
    %dma_wait3A_1878 = arith.constant 1 : i32
    %dma_wait3A_1879 = arith.constant 0 : i32
    %dma_wait3A_1880 = tpu.memref_slice %arg5[%add3A_1550, %dma_wait3A_1879] : memref<65536x768xf32, #tpu.memory_space<hbm>> -> memref<16x768xf32, #tpu.memory_space<hbm>>
    %dma_wait3A_1881 = arith.constant 0 : i32
    %dma_wait3A_1882 = arith.constant 0 : i32
    %dma_wait3A_1883 = tpu.memref_slice %arg10[%arg1, %dma_wait3A_1878, %dma_wait3A_1881, %dma_wait3A_1882] : memref<16x2x16x768xf32, #tpu.memory_space<vmem_shared>> -> memref<1x1x16x768xf32, #tpu.memory_space<vmem_shared>>
    %dma_wait3A_1884 = tpu.memref_squeeze %dma_wait3A_1883 : memref<1x1x16x768xf32, #tpu.memory_space<vmem_shared>> -> memref<16x768xf32, #tpu.memory_space<vmem_shared>>
    tpu.wait_dma2 semaphore(%arg14 : memref<!tpu.dma_semaphore, #tpu.memory_space<semaphore_mem>>) src(%dma_wait3A_1884 : memref<16x768xf32, #tpu.memory_space<vmem_shared>>) dst(%dma_wait3A_1880 : memref<16x768xf32, #tpu.memory_space<hbm>>)
    %run_scoped3A_1885 = arith.constant 1 : i32
    "tpu.region"() ({
      %run_scoped3A_2148 = tpu.sem_alloc : memref<!tpu.dma_semaphore, #tpu.memory_space<semaphore_mem>>
      %dma_start3A_2149 = arith.constant 16 : i32
      %dma_start3A_2150 = arith.constant 0 : i32
      %dma_start3A_2151 = tpu.memref_slice %arg7[%dma_start3A_2149, %dma_start3A_2150] : memref<64x768xf32, #tpu.memory_space<vmem>> -> memref<16x768xf32, #tpu.memory_space<vmem>>
      %dma_start3A_2152 = arith.constant 0 : i32
      %dma_start3A_2153 = arith.constant 0 : i32
      %dma_start3A_2154 = tpu.memref_slice %arg10[%arg1, %run_scoped3A_1885, %dma_start3A_2152, %dma_start3A_2153] : memref<16x2x16x768xf32, #tpu.memory_space<vmem_shared>> -> memref<1x1x16x768xf32, #tpu.memory_space<vmem_shared>>
      %dma_start3A_2155 = tpu.memref_squeeze %dma_start3A_2154 : memref<1x1x16x768xf32, #tpu.memory_space<vmem_shared>> -> memref<16x768xf32, #tpu.memory_space<vmem_shared>>
      %dma_start3A_2156 = arith.constant 0 : i32
      %dma_start3A_2157 = arith.constant 0 : i32
      %dma_start3A_2158 = tpu.memref_slice %arg10[%arg1, %run_scoped3A_1885, %dma_start3A_2156, %dma_start3A_2157] : memref<16x2x16x768xf32, #tpu.memory_space<vmem_shared>> -> memref<1x1x16x768xf32, #tpu.memory_space<vmem_shared>>
      %dma_start3A_2159 = tpu.memref_squeeze %dma_start3A_2158 : memref<1x1x16x768xf32, #tpu.memory_space<vmem_shared>> -> memref<16x768xf32, #tpu.memory_space<vmem_shared>>
      %dma_start3A_2160 = arith.constant 16 : i32
      %dma_start3A_2161 = arith.constant 0 : i32
      %dma_start3A_2162 = tpu.memref_slice %arg7[%dma_start3A_2160, %dma_start3A_2161] : memref<64x768xf32, #tpu.memory_space<vmem>> -> memref<16x768xf32, #tpu.memory_space<vmem>>
      tpu.enqueue_dma source(%dma_start3A_2162 : memref<16x768xf32, #tpu.memory_space<vmem>>) target(%dma_start3A_2159 : memref<16x768xf32, #tpu.memory_space<vmem_shared>>) target_semaphore(%run_scoped3A_2148 : memref<!tpu.dma_semaphore, #tpu.memory_space<semaphore_mem>>)
      %dma_wait3A_2163 = arith.constant 16 : i32
      %dma_wait3A_2164 = arith.constant 0 : i32
      %dma_wait3A_2165 = tpu.memref_slice %arg7[%dma_wait3A_2163, %dma_wait3A_2164] : memref<64x768xf32, #tpu.memory_space<vmem>> -> memref<16x768xf32, #tpu.memory_space<vmem>>
      %dma_wait3A_2166 = arith.constant 0 : i32
      %dma_wait3A_2167 = arith.constant 0 : i32
      %dma_wait3A_2168 = tpu.memref_slice %arg10[%arg1, %run_scoped3A_1885, %dma_wait3A_2166, %dma_wait3A_2167] : memref<16x2x16x768xf32, #tpu.memory_space<vmem_shared>> -> memref<1x1x16x768xf32, #tpu.memory_space<vmem_shared>>
      %dma_wait3A_2169 = tpu.memref_squeeze %dma_wait3A_2168 : memref<1x1x16x768xf32, #tpu.memory_space<vmem_shared>> -> memref<16x768xf32, #tpu.memory_space<vmem_shared>>
      %dma_wait3A_2170 = arith.constant 0 : i32
      %dma_wait3A_2171 = arith.constant 0 : i32
      %dma_wait3A_2172 = tpu.memref_slice %arg10[%arg1, %run_scoped3A_1885, %dma_wait3A_2170, %dma_wait3A_2171] : memref<16x2x16x768xf32, #tpu.memory_space<vmem_shared>> -> memref<1x1x16x768xf32, #tpu.memory_space<vmem_shared>>
      %dma_wait3A_2173 = tpu.memref_squeeze %dma_wait3A_2172 : memref<1x1x16x768xf32, #tpu.memory_space<vmem_shared>> -> memref<16x768xf32, #tpu.memory_space<vmem_shared>>
      %dma_wait3A_2174 = arith.constant 16 : i32
      %dma_wait3A_2175 = arith.constant 0 : i32
      %dma_wait3A_2176 = tpu.memref_slice %arg7[%dma_wait3A_2174, %dma_wait3A_2175] : memref<64x768xf32, #tpu.memory_space<vmem>> -> memref<16x768xf32, #tpu.memory_space<vmem>>
      tpu.wait_dma2 semaphore(%run_scoped3A_2148 : memref<!tpu.dma_semaphore, #tpu.memory_space<semaphore_mem>>) src(%dma_wait3A_2176 : memref<16x768xf32, #tpu.memory_space<vmem>>) dst(%dma_wait3A_2173 : memref<16x768xf32, #tpu.memory_space<vmem_shared>>)
      tpu.yield
    }) : () -> ()
    %add3A_1886 = arith.constant 16 : i32
    %add3A_1887 = arith.addi %add3A_1783, %add3A_1886 : i32
    %add3A_1888 = arith.constant 0 : i32
    %add3A_1889 = arith.addi %add3A_1887, %add3A_1888 : i32
    %dma_start3A_1890 = arith.constant 1 : i32
    %dma_start3A_1891 = arith.constant 0 : i32
    %dma_start3A_1892 = tpu.memref_slice %arg5[%add3A_1889, %dma_start3A_1891] : memref<65536x768xf32, #tpu.memory_space<hbm>> -> memref<16x768xf32, #tpu.memory_space<hbm>>
    %dma_start3A_1893 = arith.constant 0 : i32
    %dma_start3A_1894 = arith.constant 0 : i32
    %dma_start3A_1895 = tpu.memref_slice %arg10[%arg1, %dma_start3A_1890, %dma_start3A_1893, %dma_start3A_1894] : memref<16x2x16x768xf32, #tpu.memory_space<vmem_shared>> -> memref<1x1x16x768xf32, #tpu.memory_space<vmem_shared>>
    %dma_start3A_1896 = tpu.memref_squeeze %dma_start3A_1895 : memref<1x1x16x768xf32, #tpu.memory_space<vmem_shared>> -> memref<16x768xf32, #tpu.memory_space<vmem_shared>>
    tpu.enqueue_dma source(%dma_start3A_1896 : memref<16x768xf32, #tpu.memory_space<vmem_shared>>) target(%dma_start3A_1892 : memref<16x768xf32, #tpu.memory_space<hbm>>) target_semaphore(%arg14 : memref<!tpu.dma_semaphore, #tpu.memory_space<semaphore_mem>>)
    %add3A_1897 = arith.constant 16 : i32
    %add3A_1898 = arith.addi %add3A_1783, %add3A_1897 : i32
    %add3A_1899 = arith.constant 16384 : i32
    %add3A_1900 = arith.addi %add3A_1898, %add3A_1899 : i32
    %dma_start3A_1901 = arith.constant 1 : i32
    %dma_start3A_1902 = arith.constant 0 : i32
    %dma_start3A_1903 = tpu.memref_slice %arg5[%add3A_1900, %dma_start3A_1902] : memref<65536x768xf32, #tpu.memory_space<hbm>> -> memref<16x768xf32, #tpu.memory_space<hbm>>
    %dma_start3A_1904 = arith.constant 0 : i32
    %dma_start3A_1905 = arith.constant 0 : i32
    %dma_start3A_1906 = tpu.memref_slice %arg10[%arg1, %dma_start3A_1901, %dma_start3A_1904, %dma_start3A_1905] : memref<16x2x16x768xf32, #tpu.memory_space<vmem_shared>> -> memref<1x1x16x768xf32, #tpu.memory_space<vmem_shared>>
    %dma_start3A_1907 = tpu.memref_squeeze %dma_start3A_1906 : memref<1x1x16x768xf32, #tpu.memory_space<vmem_shared>> -> memref<16x768xf32, #tpu.memory_space<vmem_shared>>
    tpu.enqueue_dma source(%dma_start3A_1907 : memref<16x768xf32, #tpu.memory_space<vmem_shared>>) target(%dma_start3A_1903 : memref<16x768xf32, #tpu.memory_space<hbm>>) target_semaphore(%arg14 : memref<!tpu.dma_semaphore, #tpu.memory_space<semaphore_mem>>)
    %add3A_1908 = arith.constant 16 : i32
    %add3A_1909 = arith.addi %add3A_1783, %add3A_1908 : i32
    %add3A_1910 = arith.constant 32768 : i32
    %add3A_1911 = arith.addi %add3A_1909, %add3A_1910 : i32
    %dma_start3A_1912 = arith.constant 1 : i32
    %dma_start3A_1913 = arith.constant 0 : i32
    %dma_start3A_1914 = tpu.memref_slice %arg5[%add3A_1911, %dma_start3A_1913] : memref<65536x768xf32, #tpu.memory_space<hbm>> -> memref<16x768xf32, #tpu.memory_space<hbm>>
    %dma_start3A_1915 = arith.constant 0 : i32
    %dma_start3A_1916 = arith.constant 0 : i32
    %dma_start3A_1917 = tpu.memref_slice %arg10[%arg1, %dma_start3A_1912, %dma_start3A_1915, %dma_start3A_1916] : memref<16x2x16x768xf32, #tpu.memory_space<vmem_shared>> -> memref<1x1x16x768xf32, #tpu.memory_space<vmem_shared>>
    %dma_start3A_1918 = tpu.memref_squeeze %dma_start3A_1917 : memref<1x1x16x768xf32, #tpu.memory_space<vmem_shared>> -> memref<16x768xf32, #tpu.memory_space<vmem_shared>>
    tpu.enqueue_dma source(%dma_start3A_1918 : memref<16x768xf32, #tpu.memory_space<vmem_shared>>) target(%dma_start3A_1914 : memref<16x768xf32, #tpu.memory_space<hbm>>) target_semaphore(%arg14 : memref<!tpu.dma_semaphore, #tpu.memory_space<semaphore_mem>>)
    %add3A_1919 = arith.constant 16 : i32
    %add3A_1920 = arith.addi %add3A_1783, %add3A_1919 : i32
    %add3A_1921 = arith.constant 49152 : i32
    %add3A_1922 = arith.addi %add3A_1920, %add3A_1921 : i32
    %dma_start3A_1923 = arith.constant 1 : i32
    %dma_start3A_1924 = arith.constant 0 : i32
    %dma_start3A_1925 = tpu.memref_slice %arg5[%add3A_1922, %dma_start3A_1924] : memref<65536x768xf32, #tpu.memory_space<hbm>> -> memref<16x768xf32, #tpu.memory_space<hbm>>
    %dma_start3A_1926 = arith.constant 0 : i32
    %dma_start3A_1927 = arith.constant 0 : i32
    %dma_start3A_1928 = tpu.memref_slice %arg10[%arg1, %dma_start3A_1923, %dma_start3A_1926, %dma_start3A_1927] : memref<16x2x16x768xf32, #tpu.memory_space<vmem_shared>> -> memref<1x1x16x768xf32, #tpu.memory_space<vmem_shared>>
    %dma_start3A_1929 = tpu.memref_squeeze %dma_start3A_1928 : memref<1x1x16x768xf32, #tpu.memory_space<vmem_shared>> -> memref<16x768xf32, #tpu.memory_space<vmem_shared>>
    tpu.enqueue_dma source(%dma_start3A_1929 : memref<16x768xf32, #tpu.memory_space<vmem_shared>>) target(%dma_start3A_1925 : memref<16x768xf32, #tpu.memory_space<hbm>>) target_semaphore(%arg14 : memref<!tpu.dma_semaphore, #tpu.memory_space<semaphore_mem>>)
    %dma_wait3A_1930 = arith.constant 0 : i32
    %dma_wait3A_1931 = arith.constant 0 : i32
    %dma_wait3A_1932 = tpu.memref_slice %arg5[%add3A_1816, %dma_wait3A_1931] : memref<65536x768xf32, #tpu.memory_space<hbm>> -> memref<16x768xf32, #tpu.memory_space<hbm>>
    %dma_wait3A_1933 = arith.constant 0 : i32
    %dma_wait3A_1934 = arith.constant 0 : i32
    %dma_wait3A_1935 = tpu.memref_slice %arg10[%arg1, %dma_wait3A_1930, %dma_wait3A_1933, %dma_wait3A_1934] : memref<16x2x16x768xf32, #tpu.memory_space<vmem_shared>> -> memref<1x1x16x768xf32, #tpu.memory_space<vmem_shared>>
    %dma_wait3A_1936 = tpu.memref_squeeze %dma_wait3A_1935 : memref<1x1x16x768xf32, #tpu.memory_space<vmem_shared>> -> memref<16x768xf32, #tpu.memory_space<vmem_shared>>
    tpu.wait_dma2 semaphore(%arg13 : memref<!tpu.dma_semaphore, #tpu.memory_space<semaphore_mem>>) src(%dma_wait3A_1936 : memref<16x768xf32, #tpu.memory_space<vmem_shared>>) dst(%dma_wait3A_1932 : memref<16x768xf32, #tpu.memory_space<hbm>>)
    %dma_wait3A_1937 = arith.constant 0 : i32
    %dma_wait3A_1938 = arith.constant 0 : i32
    %dma_wait3A_1939 = tpu.memref_slice %arg5[%add3A_1827, %dma_wait3A_1938] : memref<65536x768xf32, #tpu.memory_space<hbm>> -> memref<16x768xf32, #tpu.memory_space<hbm>>
    %dma_wait3A_1940 = arith.constant 0 : i32
    %dma_wait3A_1941 = arith.constant 0 : i32
    %dma_wait3A_1942 = tpu.memref_slice %arg10[%arg1, %dma_wait3A_1937, %dma_wait3A_1940, %dma_wait3A_1941] : memref<16x2x16x768xf32, #tpu.memory_space<vmem_shared>> -> memref<1x1x16x768xf32, #tpu.memory_space<vmem_shared>>
    %dma_wait3A_1943 = tpu.memref_squeeze %dma_wait3A_1942 : memref<1x1x16x768xf32, #tpu.memory_space<vmem_shared>> -> memref<16x768xf32, #tpu.memory_space<vmem_shared>>
    tpu.wait_dma2 semaphore(%arg13 : memref<!tpu.dma_semaphore, #tpu.memory_space<semaphore_mem>>) src(%dma_wait3A_1943 : memref<16x768xf32, #tpu.memory_space<vmem_shared>>) dst(%dma_wait3A_1939 : memref<16x768xf32, #tpu.memory_space<hbm>>)
    %dma_wait3A_1944 = arith.constant 0 : i32
    %dma_wait3A_1945 = arith.constant 0 : i32
    %dma_wait3A_1946 = tpu.memref_slice %arg5[%add3A_1838, %dma_wait3A_1945] : memref<65536x768xf32, #tpu.memory_space<hbm>> -> memref<16x768xf32, #tpu.memory_space<hbm>>
    %dma_wait3A_1947 = arith.constant 0 : i32
    %dma_wait3A_1948 = arith.constant 0 : i32
    %dma_wait3A_1949 = tpu.memref_slice %arg10[%arg1, %dma_wait3A_1944, %dma_wait3A_1947, %dma_wait3A_1948] : memref<16x2x16x768xf32, #tpu.memory_space<vmem_shared>> -> memref<1x1x16x768xf32, #tpu.memory_space<vmem_shared>>
    %dma_wait3A_1950 = tpu.memref_squeeze %dma_wait3A_1949 : memref<1x1x16x768xf32, #tpu.memory_space<vmem_shared>> -> memref<16x768xf32, #tpu.memory_space<vmem_shared>>
    tpu.wait_dma2 semaphore(%arg13 : memref<!tpu.dma_semaphore, #tpu.memory_space<semaphore_mem>>) src(%dma_wait3A_1950 : memref<16x768xf32, #tpu.memory_space<vmem_shared>>) dst(%dma_wait3A_1946 : memref<16x768xf32, #tpu.memory_space<hbm>>)
    %dma_wait3A_1951 = arith.constant 0 : i32
    %dma_wait3A_1952 = arith.constant 0 : i32
    %dma_wait3A_1953 = tpu.memref_slice %arg5[%add3A_1849, %dma_wait3A_1952] : memref<65536x768xf32, #tpu.memory_space<hbm>> -> memref<16x768xf32, #tpu.memory_space<hbm>>
    %dma_wait3A_1954 = arith.constant 0 : i32
    %dma_wait3A_1955 = arith.constant 0 : i32
    %dma_wait3A_1956 = tpu.memref_slice %arg10[%arg1, %dma_wait3A_1951, %dma_wait3A_1954, %dma_wait3A_1955] : memref<16x2x16x768xf32, #tpu.memory_space<vmem_shared>> -> memref<1x1x16x768xf32, #tpu.memory_space<vmem_shared>>
    %dma_wait3A_1957 = tpu.memref_squeeze %dma_wait3A_1956 : memref<1x1x16x768xf32, #tpu.memory_space<vmem_shared>> -> memref<16x768xf32, #tpu.memory_space<vmem_shared>>
    tpu.wait_dma2 semaphore(%arg13 : memref<!tpu.dma_semaphore, #tpu.memory_space<semaphore_mem>>) src(%dma_wait3A_1957 : memref<16x768xf32, #tpu.memory_space<vmem_shared>>) dst(%dma_wait3A_1953 : memref<16x768xf32, #tpu.memory_space<hbm>>)
    %run_scoped3A_1958 = arith.constant 0 : i32
    "tpu.region"() ({
      %run_scoped3A_2148 = tpu.sem_alloc : memref<!tpu.dma_semaphore, #tpu.memory_space<semaphore_mem>>
      %dma_start3A_2149 = arith.constant 32 : i32
      %dma_start3A_2150 = arith.constant 0 : i32
      %dma_start3A_2151 = tpu.memref_slice %arg7[%dma_start3A_2149, %dma_start3A_2150] : memref<64x768xf32, #tpu.memory_space<vmem>> -> memref<16x768xf32, #tpu.memory_space<vmem>>
      %dma_start3A_2152 = arith.constant 0 : i32
      %dma_start3A_2153 = arith.constant 0 : i32
      %dma_start3A_2154 = tpu.memref_slice %arg10[%arg1, %run_scoped3A_1958, %dma_start3A_2152, %dma_start3A_2153] : memref<16x2x16x768xf32, #tpu.memory_space<vmem_shared>> -> memref<1x1x16x768xf32, #tpu.memory_space<vmem_shared>>
      %dma_start3A_2155 = tpu.memref_squeeze %dma_start3A_2154 : memref<1x1x16x768xf32, #tpu.memory_space<vmem_shared>> -> memref<16x768xf32, #tpu.memory_space<vmem_shared>>
      %dma_start3A_2156 = arith.constant 0 : i32
      %dma_start3A_2157 = arith.constant 0 : i32
      %dma_start3A_2158 = tpu.memref_slice %arg10[%arg1, %run_scoped3A_1958, %dma_start3A_2156, %dma_start3A_2157] : memref<16x2x16x768xf32, #tpu.memory_space<vmem_shared>> -> memref<1x1x16x768xf32, #tpu.memory_space<vmem_shared>>
      %dma_start3A_2159 = tpu.memref_squeeze %dma_start3A_2158 : memref<1x1x16x768xf32, #tpu.memory_space<vmem_shared>> -> memref<16x768xf32, #tpu.memory_space<vmem_shared>>
      %dma_start3A_2160 = arith.constant 32 : i32
      %dma_start3A_2161 = arith.constant 0 : i32
      %dma_start3A_2162 = tpu.memref_slice %arg7[%dma_start3A_2160, %dma_start3A_2161] : memref<64x768xf32, #tpu.memory_space<vmem>> -> memref<16x768xf32, #tpu.memory_space<vmem>>
      tpu.enqueue_dma source(%dma_start3A_2162 : memref<16x768xf32, #tpu.memory_space<vmem>>) target(%dma_start3A_2159 : memref<16x768xf32, #tpu.memory_space<vmem_shared>>) target_semaphore(%run_scoped3A_2148 : memref<!tpu.dma_semaphore, #tpu.memory_space<semaphore_mem>>)
      %dma_wait3A_2163 = arith.constant 32 : i32
      %dma_wait3A_2164 = arith.constant 0 : i32
      %dma_wait3A_2165 = tpu.memref_slice %arg7[%dma_wait3A_2163, %dma_wait3A_2164] : memref<64x768xf32, #tpu.memory_space<vmem>> -> memref<16x768xf32, #tpu.memory_space<vmem>>
      %dma_wait3A_2166 = arith.constant 0 : i32
      %dma_wait3A_2167 = arith.constant 0 : i32
      %dma_wait3A_2168 = tpu.memref_slice %arg10[%arg1, %run_scoped3A_1958, %dma_wait3A_2166, %dma_wait3A_2167] : memref<16x2x16x768xf32, #tpu.memory_space<vmem_shared>> -> memref<1x1x16x768xf32, #tpu.memory_space<vmem_shared>>
      %dma_wait3A_2169 = tpu.memref_squeeze %dma_wait3A_2168 : memref<1x1x16x768xf32, #tpu.memory_space<vmem_shared>> -> memref<16x768xf32, #tpu.memory_space<vmem_shared>>
      %dma_wait3A_2170 = arith.constant 0 : i32
      %dma_wait3A_2171 = arith.constant 0 : i32
      %dma_wait3A_2172 = tpu.memref_slice %arg10[%arg1, %run_scoped3A_1958, %dma_wait3A_2170, %dma_wait3A_2171] : memref<16x2x16x768xf32, #tpu.memory_space<vmem_shared>> -> memref<1x1x16x768xf32, #tpu.memory_space<vmem_shared>>
      %dma_wait3A_2173 = tpu.memref_squeeze %dma_wait3A_2172 : memref<1x1x16x768xf32, #tpu.memory_space<vmem_shared>> -> memref<16x768xf32, #tpu.memory_space<vmem_shared>>
      %dma_wait3A_2174 = arith.constant 32 : i32
      %dma_wait3A_2175 = arith.constant 0 : i32
      %dma_wait3A_2176 = tpu.memref_slice %arg7[%dma_wait3A_2174, %dma_wait3A_2175] : memref<64x768xf32, #tpu.memory_space<vmem>> -> memref<16x768xf32, #tpu.memory_space<vmem>>
      tpu.wait_dma2 semaphore(%run_scoped3A_2148 : memref<!tpu.dma_semaphore, #tpu.memory_space<semaphore_mem>>) src(%dma_wait3A_2176 : memref<16x768xf32, #tpu.memory_space<vmem>>) dst(%dma_wait3A_2173 : memref<16x768xf32, #tpu.memory_space<vmem_shared>>)
      tpu.yield
    }) : () -> ()
    %add3A_1959 = arith.constant 32 : i32
    %add3A_1960 = arith.addi %add3A_1783, %add3A_1959 : i32
    %add3A_1961 = arith.constant 0 : i32
    %add3A_1962 = arith.addi %add3A_1960, %add3A_1961 : i32
    %dma_start3A_1963 = arith.constant 0 : i32
    %dma_start3A_1964 = arith.constant 0 : i32
    %dma_start3A_1965 = tpu.memref_slice %arg5[%add3A_1962, %dma_start3A_1964] : memref<65536x768xf32, #tpu.memory_space<hbm>> -> memref<16x768xf32, #tpu.memory_space<hbm>>
    %dma_start3A_1966 = arith.constant 0 : i32
    %dma_start3A_1967 = arith.constant 0 : i32
    %dma_start3A_1968 = tpu.memref_slice %arg10[%arg1, %dma_start3A_1963, %dma_start3A_1966, %dma_start3A_1967] : memref<16x2x16x768xf32, #tpu.memory_space<vmem_shared>> -> memref<1x1x16x768xf32, #tpu.memory_space<vmem_shared>>
    %dma_start3A_1969 = tpu.memref_squeeze %dma_start3A_1968 : memref<1x1x16x768xf32, #tpu.memory_space<vmem_shared>> -> memref<16x768xf32, #tpu.memory_space<vmem_shared>>
    tpu.enqueue_dma source(%dma_start3A_1969 : memref<16x768xf32, #tpu.memory_space<vmem_shared>>) target(%dma_start3A_1965 : memref<16x768xf32, #tpu.memory_space<hbm>>) target_semaphore(%arg13 : memref<!tpu.dma_semaphore, #tpu.memory_space<semaphore_mem>>)
    %add3A_1970 = arith.constant 32 : i32
    %add3A_1971 = arith.addi %add3A_1783, %add3A_1970 : i32
    %add3A_1972 = arith.constant 16384 : i32
    %add3A_1973 = arith.addi %add3A_1971, %add3A_1972 : i32
    %dma_start3A_1974 = arith.constant 0 : i32
    %dma_start3A_1975 = arith.constant 0 : i32
    %dma_start3A_1976 = tpu.memref_slice %arg5[%add3A_1973, %dma_start3A_1975] : memref<65536x768xf32, #tpu.memory_space<hbm>> -> memref<16x768xf32, #tpu.memory_space<hbm>>
    %dma_start3A_1977 = arith.constant 0 : i32
    %dma_start3A_1978 = arith.constant 0 : i32
    %dma_start3A_1979 = tpu.memref_slice %arg10[%arg1, %dma_start3A_1974, %dma_start3A_1977, %dma_start3A_1978] : memref<16x2x16x768xf32, #tpu.memory_space<vmem_shared>> -> memref<1x1x16x768xf32, #tpu.memory_space<vmem_shared>>
    %dma_start3A_1980 = tpu.memref_squeeze %dma_start3A_1979 : memref<1x1x16x768xf32, #tpu.memory_space<vmem_shared>> -> memref<16x768xf32, #tpu.memory_space<vmem_shared>>
    tpu.enqueue_dma source(%dma_start3A_1980 : memref<16x768xf32, #tpu.memory_space<vmem_shared>>) target(%dma_start3A_1976 : memref<16x768xf32, #tpu.memory_space<hbm>>) target_semaphore(%arg13 : memref<!tpu.dma_semaphore, #tpu.memory_space<semaphore_mem>>)
    %add3A_1981 = arith.constant 32 : i32
    %add3A_1982 = arith.addi %add3A_1783, %add3A_1981 : i32
    %add3A_1983 = arith.constant 32768 : i32
    %add3A_1984 = arith.addi %add3A_1982, %add3A_1983 : i32
    %dma_start3A_1985 = arith.constant 0 : i32
    %dma_start3A_1986 = arith.constant 0 : i32
    %dma_start3A_1987 = tpu.memref_slice %arg5[%add3A_1984, %dma_start3A_1986] : memref<65536x768xf32, #tpu.memory_space<hbm>> -> memref<16x768xf32, #tpu.memory_space<hbm>>
    %dma_start3A_1988 = arith.constant 0 : i32
    %dma_start3A_1989 = arith.constant 0 : i32
    %dma_start3A_1990 = tpu.memref_slice %arg10[%arg1, %dma_start3A_1985, %dma_start3A_1988, %dma_start3A_1989] : memref<16x2x16x768xf32, #tpu.memory_space<vmem_shared>> -> memref<1x1x16x768xf32, #tpu.memory_space<vmem_shared>>
    %dma_start3A_1991 = tpu.memref_squeeze %dma_start3A_1990 : memref<1x1x16x768xf32, #tpu.memory_space<vmem_shared>> -> memref<16x768xf32, #tpu.memory_space<vmem_shared>>
    tpu.enqueue_dma source(%dma_start3A_1991 : memref<16x768xf32, #tpu.memory_space<vmem_shared>>) target(%dma_start3A_1987 : memref<16x768xf32, #tpu.memory_space<hbm>>) target_semaphore(%arg13 : memref<!tpu.dma_semaphore, #tpu.memory_space<semaphore_mem>>)
    %add3A_1992 = arith.constant 32 : i32
    %add3A_1993 = arith.addi %add3A_1783, %add3A_1992 : i32
    %add3A_1994 = arith.constant 49152 : i32
    %add3A_1995 = arith.addi %add3A_1993, %add3A_1994 : i32
    %dma_start3A_1996 = arith.constant 0 : i32
    %dma_start3A_1997 = arith.constant 0 : i32
    %dma_start3A_1998 = tpu.memref_slice %arg5[%add3A_1995, %dma_start3A_1997] : memref<65536x768xf32, #tpu.memory_space<hbm>> -> memref<16x768xf32, #tpu.memory_space<hbm>>
    %dma_start3A_1999 = arith.constant 0 : i32
    %dma_start3A_2000 = arith.constant 0 : i32
    %dma_start3A_2001 = tpu.memref_slice %arg10[%arg1, %dma_start3A_1996, %dma_start3A_1999, %dma_start3A_2000] : memref<16x2x16x768xf32, #tpu.memory_space<vmem_shared>> -> memref<1x1x16x768xf32, #tpu.memory_space<vmem_shared>>
    %dma_start3A_2002 = tpu.memref_squeeze %dma_start3A_2001 : memref<1x1x16x768xf32, #tpu.memory_space<vmem_shared>> -> memref<16x768xf32, #tpu.memory_space<vmem_shared>>
    tpu.enqueue_dma source(%dma_start3A_2002 : memref<16x768xf32, #tpu.memory_space<vmem_shared>>) target(%dma_start3A_1998 : memref<16x768xf32, #tpu.memory_space<hbm>>) target_semaphore(%arg13 : memref<!tpu.dma_semaphore, #tpu.memory_space<semaphore_mem>>)
    %dma_wait3A_2003 = arith.constant 1 : i32
    %dma_wait3A_2004 = arith.constant 0 : i32
    %dma_wait3A_2005 = tpu.memref_slice %arg5[%add3A_1889, %dma_wait3A_2004] : memref<65536x768xf32, #tpu.memory_space<hbm>> -> memref<16x768xf32, #tpu.memory_space<hbm>>
    %dma_wait3A_2006 = arith.constant 0 : i32
    %dma_wait3A_2007 = arith.constant 0 : i32
    %dma_wait3A_2008 = tpu.memref_slice %arg10[%arg1, %dma_wait3A_2003, %dma_wait3A_2006, %dma_wait3A_2007] : memref<16x2x16x768xf32, #tpu.memory_space<vmem_shared>> -> memref<1x1x16x768xf32, #tpu.memory_space<vmem_shared>>
    %dma_wait3A_2009 = tpu.memref_squeeze %dma_wait3A_2008 : memref<1x1x16x768xf32, #tpu.memory_space<vmem_shared>> -> memref<16x768xf32, #tpu.memory_space<vmem_shared>>
    tpu.wait_dma2 semaphore(%arg14 : memref<!tpu.dma_semaphore, #tpu.memory_space<semaphore_mem>>) src(%dma_wait3A_2009 : memref<16x768xf32, #tpu.memory_space<vmem_shared>>) dst(%dma_wait3A_2005 : memref<16x768xf32, #tpu.memory_space<hbm>>)
    %dma_wait3A_2010 = arith.constant 1 : i32
    %dma_wait3A_2011 = arith.constant 0 : i32
    %dma_wait3A_2012 = tpu.memref_slice %arg5[%add3A_1900, %dma_wait3A_2011] : memref<65536x768xf32, #tpu.memory_space<hbm>> -> memref<16x768xf32, #tpu.memory_space<hbm>>
    %dma_wait3A_2013 = arith.constant 0 : i32
    %dma_wait3A_2014 = arith.constant 0 : i32
    %dma_wait3A_2015 = tpu.memref_slice %arg10[%arg1, %dma_wait3A_2010, %dma_wait3A_2013, %dma_wait3A_2014] : memref<16x2x16x768xf32, #tpu.memory_space<vmem_shared>> -> memref<1x1x16x768xf32, #tpu.memory_space<vmem_shared>>
    %dma_wait3A_2016 = tpu.memref_squeeze %dma_wait3A_2015 : memref<1x1x16x768xf32, #tpu.memory_space<vmem_shared>> -> memref<16x768xf32, #tpu.memory_space<vmem_shared>>
    tpu.wait_dma2 semaphore(%arg14 : memref<!tpu.dma_semaphore, #tpu.memory_space<semaphore_mem>>) src(%dma_wait3A_2016 : memref<16x768xf32, #tpu.memory_space<vmem_shared>>) dst(%dma_wait3A_2012 : memref<16x768xf32, #tpu.memory_space<hbm>>)
    %dma_wait3A_2017 = arith.constant 1 : i32
    %dma_wait3A_2018 = arith.constant 0 : i32
    %dma_wait3A_2019 = tpu.memref_slice %arg5[%add3A_1911, %dma_wait3A_2018] : memref<65536x768xf32, #tpu.memory_space<hbm>> -> memref<16x768xf32, #tpu.memory_space<hbm>>
    %dma_wait3A_2020 = arith.constant 0 : i32
    %dma_wait3A_2021 = arith.constant 0 : i32
    %dma_wait3A_2022 = tpu.memref_slice %arg10[%arg1, %dma_wait3A_2017, %dma_wait3A_2020, %dma_wait3A_2021] : memref<16x2x16x768xf32, #tpu.memory_space<vmem_shared>> -> memref<1x1x16x768xf32, #tpu.memory_space<vmem_shared>>
    %dma_wait3A_2023 = tpu.memref_squeeze %dma_wait3A_2022 : memref<1x1x16x768xf32, #tpu.memory_space<vmem_shared>> -> memref<16x768xf32, #tpu.memory_space<vmem_shared>>
    tpu.wait_dma2 semaphore(%arg14 : memref<!tpu.dma_semaphore, #tpu.memory_space<semaphore_mem>>) src(%dma_wait3A_2023 : memref<16x768xf32, #tpu.memory_space<vmem_shared>>) dst(%dma_wait3A_2019 : memref<16x768xf32, #tpu.memory_space<hbm>>)
    %dma_wait3A_2024 = arith.constant 1 : i32
    %dma_wait3A_2025 = arith.constant 0 : i32
    %dma_wait3A_2026 = tpu.memref_slice %arg5[%add3A_1922, %dma_wait3A_2025] : memref<65536x768xf32, #tpu.memory_space<hbm>> -> memref<16x768xf32, #tpu.memory_space<hbm>>
    %dma_wait3A_2027 = arith.constant 0 : i32
    %dma_wait3A_2028 = arith.constant 0 : i32
    %dma_wait3A_2029 = tpu.memref_slice %arg10[%arg1, %dma_wait3A_2024, %dma_wait3A_2027, %dma_wait3A_2028] : memref<16x2x16x768xf32, #tpu.memory_space<vmem_shared>> -> memref<1x1x16x768xf32, #tpu.memory_space<vmem_shared>>
    %dma_wait3A_2030 = tpu.memref_squeeze %dma_wait3A_2029 : memref<1x1x16x768xf32, #tpu.memory_space<vmem_shared>> -> memref<16x768xf32, #tpu.memory_space<vmem_shared>>
    tpu.wait_dma2 semaphore(%arg14 : memref<!tpu.dma_semaphore, #tpu.memory_space<semaphore_mem>>) src(%dma_wait3A_2030 : memref<16x768xf32, #tpu.memory_space<vmem_shared>>) dst(%dma_wait3A_2026 : memref<16x768xf32, #tpu.memory_space<hbm>>)
    %run_scoped3A_2031 = arith.constant 1 : i32
    "tpu.region"() ({
      %run_scoped3A_2148 = tpu.sem_alloc : memref<!tpu.dma_semaphore, #tpu.memory_space<semaphore_mem>>
      %dma_start3A_2149 = arith.constant 48 : i32
      %dma_start3A_2150 = arith.constant 0 : i32
      %dma_start3A_2151 = tpu.memref_slice %arg7[%dma_start3A_2149, %dma_start3A_2150] : memref<64x768xf32, #tpu.memory_space<vmem>> -> memref<16x768xf32, #tpu.memory_space<vmem>>
      %dma_start3A_2152 = arith.constant 0 : i32
      %dma_start3A_2153 = arith.constant 0 : i32
      %dma_start3A_2154 = tpu.memref_slice %arg10[%arg1, %run_scoped3A_2031, %dma_start3A_2152, %dma_start3A_2153] : memref<16x2x16x768xf32, #tpu.memory_space<vmem_shared>> -> memref<1x1x16x768xf32, #tpu.memory_space<vmem_shared>>
      %dma_start3A_2155 = tpu.memref_squeeze %dma_start3A_2154 : memref<1x1x16x768xf32, #tpu.memory_space<vmem_shared>> -> memref<16x768xf32, #tpu.memory_space<vmem_shared>>
      %dma_start3A_2156 = arith.constant 0 : i32
      %dma_start3A_2157 = arith.constant 0 : i32
      %dma_start3A_2158 = tpu.memref_slice %arg10[%arg1, %run_scoped3A_2031, %dma_start3A_2156, %dma_start3A_2157] : memref<16x2x16x768xf32, #tpu.memory_space<vmem_shared>> -> memref<1x1x16x768xf32, #tpu.memory_space<vmem_shared>>
      %dma_start3A_2159 = tpu.memref_squeeze %dma_start3A_2158 : memref<1x1x16x768xf32, #tpu.memory_space<vmem_shared>> -> memref<16x768xf32, #tpu.memory_space<vmem_shared>>
      %dma_start3A_2160 = arith.constant 48 : i32
      %dma_start3A_2161 = arith.constant 0 : i32
      %dma_start3A_2162 = tpu.memref_slice %arg7[%dma_start3A_2160, %dma_start3A_2161] : memref<64x768xf32, #tpu.memory_space<vmem>> -> memref<16x768xf32, #tpu.memory_space<vmem>>
      tpu.enqueue_dma source(%dma_start3A_2162 : memref<16x768xf32, #tpu.memory_space<vmem>>) target(%dma_start3A_2159 : memref<16x768xf32, #tpu.memory_space<vmem_shared>>) target_semaphore(%run_scoped3A_2148 : memref<!tpu.dma_semaphore, #tpu.memory_space<semaphore_mem>>)
      %dma_wait3A_2163 = arith.constant 48 : i32
      %dma_wait3A_2164 = arith.constant 0 : i32
      %dma_wait3A_2165 = tpu.memref_slice %arg7[%dma_wait3A_2163, %dma_wait3A_2164] : memref<64x768xf32, #tpu.memory_space<vmem>> -> memref<16x768xf32, #tpu.memory_space<vmem>>
      %dma_wait3A_2166 = arith.constant 0 : i32
      %dma_wait3A_2167 = arith.constant 0 : i32
      %dma_wait3A_2168 = tpu.memref_slice %arg10[%arg1, %run_scoped3A_2031, %dma_wait3A_2166, %dma_wait3A_2167] : memref<16x2x16x768xf32, #tpu.memory_space<vmem_shared>> -> memref<1x1x16x768xf32, #tpu.memory_space<vmem_shared>>
      %dma_wait3A_2169 = tpu.memref_squeeze %dma_wait3A_2168 : memref<1x1x16x768xf32, #tpu.memory_space<vmem_shared>> -> memref<16x768xf32, #tpu.memory_space<vmem_shared>>
      %dma_wait3A_2170 = arith.constant 0 : i32
      %dma_wait3A_2171 = arith.constant 0 : i32
      %dma_wait3A_2172 = tpu.memref_slice %arg10[%arg1, %run_scoped3A_2031, %dma_wait3A_2170, %dma_wait3A_2171] : memref<16x2x16x768xf32, #tpu.memory_space<vmem_shared>> -> memref<1x1x16x768xf32, #tpu.memory_space<vmem_shared>>
      %dma_wait3A_2173 = tpu.memref_squeeze %dma_wait3A_2172 : memref<1x1x16x768xf32, #tpu.memory_space<vmem_shared>> -> memref<16x768xf32, #tpu.memory_space<vmem_shared>>
      %dma_wait3A_2174 = arith.constant 48 : i32
      %dma_wait3A_2175 = arith.constant 0 : i32
      %dma_wait3A_2176 = tpu.memref_slice %arg7[%dma_wait3A_2174, %dma_wait3A_2175] : memref<64x768xf32, #tpu.memory_space<vmem>> -> memref<16x768xf32, #tpu.memory_space<vmem>>
      tpu.wait_dma2 semaphore(%run_scoped3A_2148 : memref<!tpu.dma_semaphore, #tpu.memory_space<semaphore_mem>>) src(%dma_wait3A_2176 : memref<16x768xf32, #tpu.memory_space<vmem>>) dst(%dma_wait3A_2173 : memref<16x768xf32, #tpu.memory_space<vmem_shared>>)
      tpu.yield
    }) : () -> ()
    %add3A_2032 = arith.constant 48 : i32
    %add3A_2033 = arith.addi %add3A_1783, %add3A_2032 : i32
    %add3A_2034 = arith.constant 0 : i32
    %add3A_2035 = arith.addi %add3A_2033, %add3A_2034 : i32
    %dma_start3A_2036 = arith.constant 1 : i32
    %dma_start3A_2037 = arith.constant 0 : i32
    %dma_start3A_2038 = tpu.memref_slice %arg5[%add3A_2035, %dma_start3A_2037] : memref<65536x768xf32, #tpu.memory_space<hbm>> -> memref<16x768xf32, #tpu.memory_space<hbm>>
    %dma_start3A_2039 = arith.constant 0 : i32
    %dma_start3A_2040 = arith.constant 0 : i32
    %dma_start3A_2041 = tpu.memref_slice %arg10[%arg1, %dma_start3A_2036, %dma_start3A_2039, %dma_start3A_2040] : memref<16x2x16x768xf32, #tpu.memory_space<vmem_shared>> -> memref<1x1x16x768xf32, #tpu.memory_space<vmem_shared>>
    %dma_start3A_2042 = tpu.memref_squeeze %dma_start3A_2041 : memref<1x1x16x768xf32, #tpu.memory_space<vmem_shared>> -> memref<16x768xf32, #tpu.memory_space<vmem_shared>>
    tpu.enqueue_dma source(%dma_start3A_2042 : memref<16x768xf32, #tpu.memory_space<vmem_shared>>) target(%dma_start3A_2038 : memref<16x768xf32, #tpu.memory_space<hbm>>) target_semaphore(%arg14 : memref<!tpu.dma_semaphore, #tpu.memory_space<semaphore_mem>>)
    %add3A_2043 = arith.constant 48 : i32
    %add3A_2044 = arith.addi %add3A_1783, %add3A_2043 : i32
    %add3A_2045 = arith.constant 16384 : i32
    %add3A_2046 = arith.addi %add3A_2044, %add3A_2045 : i32
    %dma_start3A_2047 = arith.constant 1 : i32
    %dma_start3A_2048 = arith.constant 0 : i32
    %dma_start3A_2049 = tpu.memref_slice %arg5[%add3A_2046, %dma_start3A_2048] : memref<65536x768xf32, #tpu.memory_space<hbm>> -> memref<16x768xf32, #tpu.memory_space<hbm>>
    %dma_start3A_2050 = arith.constant 0 : i32
    %dma_start3A_2051 = arith.constant 0 : i32
    %dma_start3A_2052 = tpu.memref_slice %arg10[%arg1, %dma_start3A_2047, %dma_start3A_2050, %dma_start3A_2051] : memref<16x2x16x768xf32, #tpu.memory_space<vmem_shared>> -> memref<1x1x16x768xf32, #tpu.memory_space<vmem_shared>>
    %dma_start3A_2053 = tpu.memref_squeeze %dma_start3A_2052 : memref<1x1x16x768xf32, #tpu.memory_space<vmem_shared>> -> memref<16x768xf32, #tpu.memory_space<vmem_shared>>
    tpu.enqueue_dma source(%dma_start3A_2053 : memref<16x768xf32, #tpu.memory_space<vmem_shared>>) target(%dma_start3A_2049 : memref<16x768xf32, #tpu.memory_space<hbm>>) target_semaphore(%arg14 : memref<!tpu.dma_semaphore, #tpu.memory_space<semaphore_mem>>)
    %add3A_2054 = arith.constant 48 : i32
    %add3A_2055 = arith.addi %add3A_1783, %add3A_2054 : i32
    %add3A_2056 = arith.constant 32768 : i32
    %add3A_2057 = arith.addi %add3A_2055, %add3A_2056 : i32
    %dma_start3A_2058 = arith.constant 1 : i32
    %dma_start3A_2059 = arith.constant 0 : i32
    %dma_start3A_2060 = tpu.memref_slice %arg5[%add3A_2057, %dma_start3A_2059] : memref<65536x768xf32, #tpu.memory_space<hbm>> -> memref<16x768xf32, #tpu.memory_space<hbm>>
    %dma_start3A_2061 = arith.constant 0 : i32
    %dma_start3A_2062 = arith.constant 0 : i32
    %dma_start3A_2063 = tpu.memref_slice %arg10[%arg1, %dma_start3A_2058, %dma_start3A_2061, %dma_start3A_2062] : memref<16x2x16x768xf32, #tpu.memory_space<vmem_shared>> -> memref<1x1x16x768xf32, #tpu.memory_space<vmem_shared>>
    %dma_start3A_2064 = tpu.memref_squeeze %dma_start3A_2063 : memref<1x1x16x768xf32, #tpu.memory_space<vmem_shared>> -> memref<16x768xf32, #tpu.memory_space<vmem_shared>>
    tpu.enqueue_dma source(%dma_start3A_2064 : memref<16x768xf32, #tpu.memory_space<vmem_shared>>) target(%dma_start3A_2060 : memref<16x768xf32, #tpu.memory_space<hbm>>) target_semaphore(%arg14 : memref<!tpu.dma_semaphore, #tpu.memory_space<semaphore_mem>>)
    %add3A_2065 = arith.constant 48 : i32
    %add3A_2066 = arith.addi %add3A_1783, %add3A_2065 : i32
    %add3A_2067 = arith.constant 49152 : i32
    %add3A_2068 = arith.addi %add3A_2066, %add3A_2067 : i32
    %dma_start3A_2069 = arith.constant 1 : i32
    %dma_start3A_2070 = arith.constant 0 : i32
    %dma_start3A_2071 = tpu.memref_slice %arg5[%add3A_2068, %dma_start3A_2070] : memref<65536x768xf32, #tpu.memory_space<hbm>> -> memref<16x768xf32, #tpu.memory_space<hbm>>
    %dma_start3A_2072 = arith.constant 0 : i32
    %dma_start3A_2073 = arith.constant 0 : i32
    %dma_start3A_2074 = tpu.memref_slice %arg10[%arg1, %dma_start3A_2069, %dma_start3A_2072, %dma_start3A_2073] : memref<16x2x16x768xf32, #tpu.memory_space<vmem_shared>> -> memref<1x1x16x768xf32, #tpu.memory_space<vmem_shared>>
    %dma_start3A_2075 = tpu.memref_squeeze %dma_start3A_2074 : memref<1x1x16x768xf32, #tpu.memory_space<vmem_shared>> -> memref<16x768xf32, #tpu.memory_space<vmem_shared>>
    tpu.enqueue_dma source(%dma_start3A_2075 : memref<16x768xf32, #tpu.memory_space<vmem_shared>>) target(%dma_start3A_2071 : memref<16x768xf32, #tpu.memory_space<hbm>>) target_semaphore(%arg14 : memref<!tpu.dma_semaphore, #tpu.memory_space<semaphore_mem>>)
    %dma_wait3A_2076 = arith.constant 0 : i32
    %dma_wait3A_2077 = tpu.memref_slice %arg5[%add3A_1668, %dma_wait3A_2076] : memref<65536x768xf32, #tpu.memory_space<hbm>> -> memref<64x768xf32, #tpu.memory_space<hbm>>
    %dma_wait3A_2078 = arith.constant 0 : i32
    %dma_wait3A_2079 = tpu.memref_slice %arg5[%add3A_1668, %dma_wait3A_2078] : memref<65536x768xf32, #tpu.memory_space<hbm>> -> memref<64x768xf32, #tpu.memory_space<hbm>>
    tpu.wait_dma2 semaphore(%arg11 : memref<!tpu.dma_semaphore, #tpu.memory_space<semaphore_mem>>) src(%arg6 : memref<64x768xf32, #tpu.memory_space<vmem>>) dst(%dma_wait3A_2079 : memref<64x768xf32, #tpu.memory_space<hbm>>)
    %dma_wait3A_2080 = arith.constant 0 : i32
    %dma_wait3A_2081 = tpu.memref_slice %arg5[%add3A_1674, %dma_wait3A_2080] : memref<65536x768xf32, #tpu.memory_space<hbm>> -> memref<64x768xf32, #tpu.memory_space<hbm>>
    %dma_wait3A_2082 = arith.constant 0 : i32
    %dma_wait3A_2083 = tpu.memref_slice %arg5[%add3A_1674, %dma_wait3A_2082] : memref<65536x768xf32, #tpu.memory_space<hbm>> -> memref<64x768xf32, #tpu.memory_space<hbm>>
    tpu.wait_dma2 semaphore(%arg11 : memref<!tpu.dma_semaphore, #tpu.memory_space<semaphore_mem>>) src(%arg6 : memref<64x768xf32, #tpu.memory_space<vmem>>) dst(%dma_wait3A_2083 : memref<64x768xf32, #tpu.memory_space<hbm>>)
    %dma_wait3A_2084 = arith.constant 0 : i32
    %dma_wait3A_2085 = tpu.memref_slice %arg5[%add3A_1680, %dma_wait3A_2084] : memref<65536x768xf32, #tpu.memory_space<hbm>> -> memref<64x768xf32, #tpu.memory_space<hbm>>
    %dma_wait3A_2086 = arith.constant 0 : i32
    %dma_wait3A_2087 = tpu.memref_slice %arg5[%add3A_1680, %dma_wait3A_2086] : memref<65536x768xf32, #tpu.memory_space<hbm>> -> memref<64x768xf32, #tpu.memory_space<hbm>>
    tpu.wait_dma2 semaphore(%arg11 : memref<!tpu.dma_semaphore, #tpu.memory_space<semaphore_mem>>) src(%arg6 : memref<64x768xf32, #tpu.memory_space<vmem>>) dst(%dma_wait3A_2087 : memref<64x768xf32, #tpu.memory_space<hbm>>)
    %dma_wait3A_2088 = arith.constant 0 : i32
    %dma_wait3A_2089 = tpu.memref_slice %arg5[%add3A_1686, %dma_wait3A_2088] : memref<65536x768xf32, #tpu.memory_space<hbm>> -> memref<64x768xf32, #tpu.memory_space<hbm>>
    %dma_wait3A_2090 = arith.constant 0 : i32
    %dma_wait3A_2091 = tpu.memref_slice %arg5[%add3A_1686, %dma_wait3A_2090] : memref<65536x768xf32, #tpu.memory_space<hbm>> -> memref<64x768xf32, #tpu.memory_space<hbm>>
    tpu.wait_dma2 semaphore(%arg11 : memref<!tpu.dma_semaphore, #tpu.memory_space<semaphore_mem>>) src(%arg6 : memref<64x768xf32, #tpu.memory_space<vmem>>) dst(%dma_wait3A_2091 : memref<64x768xf32, #tpu.memory_space<hbm>>)
    %dma_wait3A_2092 = arith.constant 0 : i32
    %dma_wait3A_2093 = arith.constant 0 : i32
    %dma_wait3A_2094 = tpu.memref_slice %arg5[%add3A_1962, %dma_wait3A_2093] : memref<65536x768xf32, #tpu.memory_space<hbm>> -> memref<16x768xf32, #tpu.memory_space<hbm>>
    %dma_wait3A_2095 = arith.constant 0 : i32
    %dma_wait3A_2096 = arith.constant 0 : i32
    %dma_wait3A_2097 = tpu.memref_slice %arg10[%arg1, %dma_wait3A_2092, %dma_wait3A_2095, %dma_wait3A_2096] : memref<16x2x16x768xf32, #tpu.memory_space<vmem_shared>> -> memref<1x1x16x768xf32, #tpu.memory_space<vmem_shared>>
    %dma_wait3A_2098 = tpu.memref_squeeze %dma_wait3A_2097 : memref<1x1x16x768xf32, #tpu.memory_space<vmem_shared>> -> memref<16x768xf32, #tpu.memory_space<vmem_shared>>
    tpu.wait_dma2 semaphore(%arg13 : memref<!tpu.dma_semaphore, #tpu.memory_space<semaphore_mem>>) src(%dma_wait3A_2098 : memref<16x768xf32, #tpu.memory_space<vmem_shared>>) dst(%dma_wait3A_2094 : memref<16x768xf32, #tpu.memory_space<hbm>>)
    %dma_wait3A_2099 = arith.constant 0 : i32
    %dma_wait3A_2100 = arith.constant 0 : i32
    %dma_wait3A_2101 = tpu.memref_slice %arg5[%add3A_1973, %dma_wait3A_2100] : memref<65536x768xf32, #tpu.memory_space<hbm>> -> memref<16x768xf32, #tpu.memory_space<hbm>>
    %dma_wait3A_2102 = arith.constant 0 : i32
    %dma_wait3A_2103 = arith.constant 0 : i32
    %dma_wait3A_2104 = tpu.memref_slice %arg10[%arg1, %dma_wait3A_2099, %dma_wait3A_2102, %dma_wait3A_2103] : memref<16x2x16x768xf32, #tpu.memory_space<vmem_shared>> -> memref<1x1x16x768xf32, #tpu.memory_space<vmem_shared>>
    %dma_wait3A_2105 = tpu.memref_squeeze %dma_wait3A_2104 : memref<1x1x16x768xf32, #tpu.memory_space<vmem_shared>> -> memref<16x768xf32, #tpu.memory_space<vmem_shared>>
    tpu.wait_dma2 semaphore(%arg13 : memref<!tpu.dma_semaphore, #tpu.memory_space<semaphore_mem>>) src(%dma_wait3A_2105 : memref<16x768xf32, #tpu.memory_space<vmem_shared>>) dst(%dma_wait3A_2101 : memref<16x768xf32, #tpu.memory_space<hbm>>)
    %dma_wait3A_2106 = arith.constant 0 : i32
    %dma_wait3A_2107 = arith.constant 0 : i32
    %dma_wait3A_2108 = tpu.memref_slice %arg5[%add3A_1984, %dma_wait3A_2107] : memref<65536x768xf32, #tpu.memory_space<hbm>> -> memref<16x768xf32, #tpu.memory_space<hbm>>
    %dma_wait3A_2109 = arith.constant 0 : i32
    %dma_wait3A_2110 = arith.constant 0 : i32
    %dma_wait3A_2111 = tpu.memref_slice %arg10[%arg1, %dma_wait3A_2106, %dma_wait3A_2109, %dma_wait3A_2110] : memref<16x2x16x768xf32, #tpu.memory_space<vmem_shared>> -> memref<1x1x16x768xf32, #tpu.memory_space<vmem_shared>>
    %dma_wait3A_2112 = tpu.memref_squeeze %dma_wait3A_2111 : memref<1x1x16x768xf32, #tpu.memory_space<vmem_shared>> -> memref<16x768xf32, #tpu.memory_space<vmem_shared>>
    tpu.wait_dma2 semaphore(%arg13 : memref<!tpu.dma_semaphore, #tpu.memory_space<semaphore_mem>>) src(%dma_wait3A_2112 : memref<16x768xf32, #tpu.memory_space<vmem_shared>>) dst(%dma_wait3A_2108 : memref<16x768xf32, #tpu.memory_space<hbm>>)
    %dma_wait3A_2113 = arith.constant 0 : i32
    %dma_wait3A_2114 = arith.constant 0 : i32
    %dma_wait3A_2115 = tpu.memref_slice %arg5[%add3A_1995, %dma_wait3A_2114] : memref<65536x768xf32, #tpu.memory_space<hbm>> -> memref<16x768xf32, #tpu.memory_space<hbm>>
    %dma_wait3A_2116 = arith.constant 0 : i32
    %dma_wait3A_2117 = arith.constant 0 : i32
    %dma_wait3A_2118 = tpu.memref_slice %arg10[%arg1, %dma_wait3A_2113, %dma_wait3A_2116, %dma_wait3A_2117] : memref<16x2x16x768xf32, #tpu.memory_space<vmem_shared>> -> memref<1x1x16x768xf32, #tpu.memory_space<vmem_shared>>
    %dma_wait3A_2119 = tpu.memref_squeeze %dma_wait3A_2118 : memref<1x1x16x768xf32, #tpu.memory_space<vmem_shared>> -> memref<16x768xf32, #tpu.memory_space<vmem_shared>>
    tpu.wait_dma2 semaphore(%arg13 : memref<!tpu.dma_semaphore, #tpu.memory_space<semaphore_mem>>) src(%dma_wait3A_2119 : memref<16x768xf32, #tpu.memory_space<vmem_shared>>) dst(%dma_wait3A_2115 : memref<16x768xf32, #tpu.memory_space<hbm>>)
    %dma_wait3A_2120 = arith.constant 1 : i32
    %dma_wait3A_2121 = arith.constant 0 : i32
    %dma_wait3A_2122 = tpu.memref_slice %arg5[%add3A_2035, %dma_wait3A_2121] : memref<65536x768xf32, #tpu.memory_space<hbm>> -> memref<16x768xf32, #tpu.memory_space<hbm>>
    %dma_wait3A_2123 = arith.constant 0 : i32
    %dma_wait3A_2124 = arith.constant 0 : i32
    %dma_wait3A_2125 = tpu.memref_slice %arg10[%arg1, %dma_wait3A_2120, %dma_wait3A_2123, %dma_wait3A_2124] : memref<16x2x16x768xf32, #tpu.memory_space<vmem_shared>> -> memref<1x1x16x768xf32, #tpu.memory_space<vmem_shared>>
    %dma_wait3A_2126 = tpu.memref_squeeze %dma_wait3A_2125 : memref<1x1x16x768xf32, #tpu.memory_space<vmem_shared>> -> memref<16x768xf32, #tpu.memory_space<vmem_shared>>
    tpu.wait_dma2 semaphore(%arg14 : memref<!tpu.dma_semaphore, #tpu.memory_space<semaphore_mem>>) src(%dma_wait3A_2126 : memref<16x768xf32, #tpu.memory_space<vmem_shared>>) dst(%dma_wait3A_2122 : memref<16x768xf32, #tpu.memory_space<hbm>>)
    %dma_wait3A_2127 = arith.constant 1 : i32
    %dma_wait3A_2128 = arith.constant 0 : i32
    %dma_wait3A_2129 = tpu.memref_slice %arg5[%add3A_2046, %dma_wait3A_2128] : memref<65536x768xf32, #tpu.memory_space<hbm>> -> memref<16x768xf32, #tpu.memory_space<hbm>>
    %dma_wait3A_2130 = arith.constant 0 : i32
    %dma_wait3A_2131 = arith.constant 0 : i32
    %dma_wait3A_2132 = tpu.memref_slice %arg10[%arg1, %dma_wait3A_2127, %dma_wait3A_2130, %dma_wait3A_2131] : memref<16x2x16x768xf32, #tpu.memory_space<vmem_shared>> -> memref<1x1x16x768xf32, #tpu.memory_space<vmem_shared>>
    %dma_wait3A_2133 = tpu.memref_squeeze %dma_wait3A_2132 : memref<1x1x16x768xf32, #tpu.memory_space<vmem_shared>> -> memref<16x768xf32, #tpu.memory_space<vmem_shared>>
    tpu.wait_dma2 semaphore(%arg14 : memref<!tpu.dma_semaphore, #tpu.memory_space<semaphore_mem>>) src(%dma_wait3A_2133 : memref<16x768xf32, #tpu.memory_space<vmem_shared>>) dst(%dma_wait3A_2129 : memref<16x768xf32, #tpu.memory_space<hbm>>)
    %dma_wait3A_2134 = arith.constant 1 : i32
    %dma_wait3A_2135 = arith.constant 0 : i32
    %dma_wait3A_2136 = tpu.memref_slice %arg5[%add3A_2057, %dma_wait3A_2135] : memref<65536x768xf32, #tpu.memory_space<hbm>> -> memref<16x768xf32, #tpu.memory_space<hbm>>
    %dma_wait3A_2137 = arith.constant 0 : i32
    %dma_wait3A_2138 = arith.constant 0 : i32
    %dma_wait3A_2139 = tpu.memref_slice %arg10[%arg1, %dma_wait3A_2134, %dma_wait3A_2137, %dma_wait3A_2138] : memref<16x2x16x768xf32, #tpu.memory_space<vmem_shared>> -> memref<1x1x16x768xf32, #tpu.memory_space<vmem_shared>>
    %dma_wait3A_2140 = tpu.memref_squeeze %dma_wait3A_2139 : memref<1x1x16x768xf32, #tpu.memory_space<vmem_shared>> -> memref<16x768xf32, #tpu.memory_space<vmem_shared>>
    tpu.wait_dma2 semaphore(%arg14 : memref<!tpu.dma_semaphore, #tpu.memory_space<semaphore_mem>>) src(%dma_wait3A_2140 : memref<16x768xf32, #tpu.memory_space<vmem_shared>>) dst(%dma_wait3A_2136 : memref<16x768xf32, #tpu.memory_space<hbm>>)
    %dma_wait3A_2141 = arith.constant 1 : i32
    %dma_wait3A_2142 = arith.constant 0 : i32
    %dma_wait3A_2143 = tpu.memref_slice %arg5[%add3A_2068, %dma_wait3A_2142] : memref<65536x768xf32, #tpu.memory_space<hbm>> -> memref<16x768xf32, #tpu.memory_space<hbm>>
    %dma_wait3A_2144 = arith.constant 0 : i32
    %dma_wait3A_2145 = arith.constant 0 : i32
    %dma_wait3A_2146 = tpu.memref_slice %arg10[%arg1, %dma_wait3A_2141, %dma_wait3A_2144, %dma_wait3A_2145] : memref<16x2x16x768xf32, #tpu.memory_space<vmem_shared>> -> memref<1x1x16x768xf32, #tpu.memory_space<vmem_shared>>
    %dma_wait3A_2147 = tpu.memref_squeeze %dma_wait3A_2146 : memref<1x1x16x768xf32, #tpu.memory_space<vmem_shared>> -> memref<16x768xf32, #tpu.memory_space<vmem_shared>>
    tpu.wait_dma2 semaphore(%arg14 : memref<!tpu.dma_semaphore, #tpu.memory_space<semaphore_mem>>) src(%dma_wait3A_2147 : memref<16x768xf32, #tpu.memory_space<vmem_shared>>) dst(%dma_wait3A_2143 : memref<16x768xf32, #tpu.memory_space<hbm>>)
    return
  }
}

</mosaic_0001>

<sc_bundles>
// kernel: kernel.3.cloned.1.call-start
scs
__scs_entry_jumppad:
0x0: {  	(pc) =	sbr.rel $0x88, $3  }
0x1: {  	(tag) =	ssettag $0x0;
	lr =	simm.s32 $0x1  }
0x2: {  	[smem:$0x3F9E] =	sst lr;
	_ =	strace $0xD0000000  }
0x3: {  	_ = 	snop  }
0x4: {  	_ = 	snop  }
0x5: {  	_ = 	snop  }
0x6: {  	_ = 	snop  }
0x7: {  	_ = 	snop  }
__scs_overlays_trampoline_lowered:
0x8: {  	[smem:$0x3FAD] =	sst s0  }
0x9: {  	[smem:$0x3FAE] =	sst s1  }
0xa: {  	[smem:$0x3FAF] =	sst s2  }
0xb: {  	[smem:$0x3FB0] =	sst s3  }
0xc: {  	[smem:$0x3FB1] =	sst s4  }
0xd: {  	[smem:$0x3FB2] =	sst s5  }
0xe: {  	[smem:$0x3FB3] =	sst s6  }
0xf: {  	[smem:$0x3FB4] =	sst s7  }
0x10: {  	[smem:$0x3FB5] =	sst s8  }
0x11: {  	[smem:$0x3FB6] =	sst s9;
	s0 =	simm.s32 @!p0 $0x0  }
0x12: {  	s1 =	sld [smem:$0x3F9C];
	s0 =	simm.s32 @p0 $0x1  }
0x13: {  	[smem:$0x3FB7] =	sst s0;
	s0 =	simm.s32 @!p1 $0x0  }
0x14: {  	s2 =	sld [smem:$0x3F9B];
	s0 =	simm.s32 @p1 $0x1  }
0x15: {  	[smem:$0x3FB8] =	sst s0;
	s0 =	simm.s32 @!p2 $0x0  }
0x16: {  	s3 =	sld [smem:$0x3FDB];
	s0 =	simm.s32 @p2 $0x1  }
0x17: {  	s4 =	simm.s32 $0x1BF5;
	[smem:$0x3FBA] =	sst s0  }
0x18: {  	s0 =	sld [smem:$0x3F9D];
	_ =	swait.ge [sflag:s4], $0x0  }
0x19: {  	s7 =	sld [smem:$0x3F9E]  }
0x1a: {  	s8 =	sadd.s32 $0xFFFFE003, lr  }
0x1b: {  	s9 =	sadd.s32 $0xFFFFFEF7, lr;
	s5 =	simm.s32 $0xFFFFFFFF;
	p2 =	slt.u32 s8, $0xFFFFF086  }
0x1c: {  	p1 =	slt.u32 s9, $0xF7A;
	s5 =	simm.s32 @!p2 $0x0  }
0x1d: {  	s5 =	simm.s32 @p1 $0x1;
	p0 =	seq.s32 s7, s2  }
0x1e: {  	s7 =	smul.u32 @!p0 $0xF7A, s2;
	p2 =	seq.s32 @!p0 s5, $0x0  }
0x1f: {  	s9 =	smul.u32 $0xF7A, s1;
	s8 =	simm.s32 @!p0 $0x1BF5;
	p2 =	por !p2, p0  }
0x20: {  	[sflag:s8] =	ssyncset.s32 @!p0 $0xFFFFF086;
	s6 =	sadd.s32 @!p0 s3, s7;
	s7 =	simm.s32 @!p0 $0x108  }
0x21: {  	s3 =	sadd.s32 s3, s9;
	s6 =	sadd.s32 @!p0 $0x88, s6;
	s7 =	simm.s32 @p2 $0x1082  }
0x22: {  	[simem:s7], [sflag:s8] =	dma.local @!p0 [hbm:s6], $0xF7A  }
0x23: {  	s9 =	sor.u32 $0xD0000000, s2;
	s6 =	simm.s32 $0x108;
	_ =	swait.ge @!p0 [sflag:s8], $0x0  }
0x24: {  	s3 =	sadd.s32 $0x88, s3;
	s6 =	simm.s32 @!p1 $0x1082;
	[sflag:s4] =	ssyncset.s32 $0xFFFFF086  }
0x25: {  	[simem:s6], [sflag:s4] =	dma.local [hbm:s3], $0xF7A  }
0x26: {  	[smem:$0x3F9E] =	sst s1;
	(tag) =	ssettag s2;
	_ =	strace s9  }
0x27: {  	s1 =	sld [smem:$0x3FAE]  }
0x28: {  	s2 =	sld [smem:$0x3FAF]  }
0x29: {  	s4 =	sld [smem:$0x3FB1]  }
0x2a: {  	p0 =	seq.s32 s5, $0x0;
	s5 =	sld [smem:$0x3FB2]  }
0x2b: {  	s6 =	sld [smem:$0x3FB3]  }
0x2c: {  	s7 =	sld [smem:$0x3FB4]  }
0x2d: {  	s3 =	simm.s32 $0x108;
	s8 =	sld [smem:$0x3FB5]  }
0x2e: {  	s3 =	simm.s32 @!p0 $0x1082;
	s9 =	sld [smem:$0x3FB6]  }
0x2f: {  	lr =	sadd.s32 s0, s3;
	s0 =	sld [smem:$0x3FAD]  }
0x30: {  	s3 =	sld [smem:$0x3FB0]  }
0x31: {  	[smem:$0x3FB9] =	sst s10  }
0x32: {  	s10 =	sld [smem:$0x3FB7];
	_ =	sdelay $0x3  }
0x33: {  	p0 =	seq.s32 s10, $0x1;
	s10 =	sld [smem:$0x3FB9];
	_ =	sdelay $0x3  }
0x34: {  	[smem:$0x3FB9] =	sst s10  }
0x35: {  	s10 =	sld [smem:$0x3FB8];
	_ =	sdelay $0x3  }
0x36: {  	p1 =	seq.s32 s10, $0x1;
	s10 =	sld [smem:$0x3FB9];
	_ =	sdelay $0x3  }
0x37: {  	[smem:$0x3FB9] =	sst s10  }
0x38: {  	s10 =	sld [smem:$0x3FBA]  }
0x39: {  	_ = 	snop;
	(pc) =	sbr.ind lr, $3  }
0x3a: {  	_ = 	snop  }
0x3b: {  	_ = 	snop  }
0x3c: {  	p2 =	seq.s32 s10, $0x1;
	s10 =	sld [smem:$0x3FB9]  }
0x3d: {  	_ =	shalt  }
0x3e: {  	_ =	shalt  }
0x3f: {  	_ =	shalt  }
0x40: {  	_ =	shalt  }
0x41: {  	_ =	shalt  }
0x42: {  	_ =	shalt  }
0x43: {  	_ =	shalt  }
0x44: {  	_ =	shalt  }
0x45: {  	_ =	shalt  }
0x46: {  	_ =	shalt  }
0x47: {  	_ =	shalt  }
0x48: {  	_ =	shalt  }
0x49: {  	_ =	shalt  }
0x4a: {  	_ =	shalt  }
0x4b: {  	_ =	shalt  }
0x4c: {  	_ =	shalt  }
0x4d: {  	_ =	shalt  }
0x4e: {  	_ =	shalt  }
0x4f: {  	_ =	shalt  }
0x50: {  	_ =	shalt  }
0x51: {  	_ =	shalt  }
0x52: {  	_ =	shalt  }
0x53: {  	_ =	shalt  }
0x54: {  	_ =	shalt  }
0x55: {  	_ =	shalt  }
0x56: {  	_ =	shalt  }
0x57: {  	_ =	shalt  }
0x58: {  	_ =	shalt  }
0x59: {  	_ =	shalt  }
0x5a: {  	_ =	shalt  }
0x5b: {  	_ =	shalt  }
0x5c: {  	_ =	shalt  }
0x5d: {  	_ =	shalt  }
0x5e: {  	_ =	shalt  }
0x5f: {  	_ =	shalt  }
0x60: {  	_ =	shalt  }
0x61: {  	_ =	shalt  }
0x62: {  	_ =	shalt  }
0x63: {  	_ =	shalt  }
0x64: {  	_ =	shalt  }
0x65: {  	_ =	shalt  }
0x66: {  	_ =	shalt  }
0x67: {  	_ =	shalt  }
0x68: {  	_ =	shalt  }
0x69: {  	_ =	shalt  }
0x6a: {  	_ =	shalt  }
0x6b: {  	_ =	shalt  }
0x6c: {  	_ =	shalt  }
0x6d: {  	_ =	shalt  }
0x6e: {  	_ =	shalt  }
0x6f: {  	_ =	shalt  }
0x70: {  	_ =	shalt  }
0x71: {  	_ =	shalt  }
0x72: {  	_ =	shalt  }
0x73: {  	_ =	shalt  }
0x74: {  	_ =	shalt  }
0x75: {  	_ =	shalt  }
0x76: {  	_ =	shalt  }
0x77: {  	_ =	shalt  }
0x78: {  	_ =	shalt  }
0x79: {  	_ =	shalt  }
0x7a: {  	_ =	shalt  }
0x7b: {  	_ =	shalt  }
0x7c: {  	_ =	shalt  }
0x7d: {  	_ =	shalt  }
0x7e: {  	_ =	shalt  }
0x7f: {  	_ =	shalt  }
0x80: {  	_ =	shalt  }
0x81: {  	_ =	shalt  }
0x82: {  	_ =	shalt  }
0x83: {  	_ =	shalt  }
0x84: {  	_ =	shalt  }
0x85: {  	_ =	shalt  }
0x86: {  	_ =	shalt  }
0x87: {  	_ =	shalt  }
.Lfunc_end0:
.L_simem_size_0:
called_computation_lowered:
.L_overlay_start_0:
0x88: {  	s2 =	sld [smem:$0x3FD9]  }
0x89: {  	s3 =	sld [smem:$0x3FFE];
	_ =	sdelay $0x1  }
0x8a: {  	s1 =	srdreg.scid  }
0x8b: {  	s0 =	sand.u32 $0x1, s1  }
0x8c: {  	s18 =	sshll.u32 s0, $0xA;
	s2 =	sadd.s32 s3, s2  }
0x8d: {  	s2 =	sadd.s32 s2, s18  }
0x8e: {  	[smem:$0x3FC5] =	sst s2  }
0x8f: {  	_ = 	snop  }
0x90: {  	s2 =	sld [smem:$0x3FC9]  }
0x91: {  	s19 =	sld [smem:$0x3FC8]  }
0x92: {  	s4 =	sld [smem:$0x3FC7]  }
0x93: {  	s5 =	sld [smem:$0x3FD0];
	(tm) =	ssettm $0x1  }
0x94: {  	s6 =	sld [smem:$0x3FFB];
	_ =	sdelay $0x3  }
0x95: {  	_ =	strace s6  }
0x96: {  	s6 =	sld [smem:$0x3FFC];
	_ =	sdelay $0x3  }
0x97: {  	_ =	strace s6  }
0x98: {  	s6 =	sld [smem:$0x3FFD];
	_ =	sdelay $0x3  }
0x99: {  	_ =	strace s6  }
0x9a: {  	_ =	strace $0x8FFFFFFF  }
0x9b: {  	s20 =	sld [smem:$0x3FDB];
	_ =	sdelay $0x1  }
0x9c: {  	s7 =	simm.s32 $_scs_section_size  }
0x9d: {  	s8 =	simm.s32 $_size__tile_overlayer_lowered;
	s9 =	simm.s32 $_tile_overlayer_lowered  }
0x9e: {  	s23 =	simm.s32 $0x1BFF;
	s22 =	sshll.u32 s9, $0x1;
	s6 =	sadd.s32 s7, s20  }
0x9f: {  	s10 =	simm.s32 $0x0;
	s21 =	sshll.u32 s8, $0x1;
	s8 =	sadd.s32 s22, s6  }
0xa0: {  	[timem:s10], [sflag:s23] =	dma.local [hbm:s8], s21  }
0xa1: {  	_ =	swait.ge [sflag:s23], s21  }
0xa2: {  	s7 =	ssub.s32 $0x0, s21;
	[sflag:s23] =	ssyncset.done $0x0  }
0xa3: {  	[sflag:s23] =	ssyncadd.s32 s7;
	_ =	sdelay $0x1  }
0xa4: {  	s24 =	simm.s32 $0x1B8B  }
0xa5: {  	_ =	swait.ge [sflag:s24], $0x1  }
0xa6: {  	[sflag:s24] =	ssyncset.done $0x0  }
0xa7: {  	s25 =	simm.s32 $0x1B8E;
	[sflag:s24] =	ssyncadd.s32 $0xFFFFFFFF  }
0xa8: {  	s26 =	simm.s32 $execute0_lowered;
	[smem:$0x3FD2] =	sst s25  }
0xa9: {  	s7 =	sshll.u32 s26, $0x1;
	_ =	strace $0x80000046;
	[dreg:$0x1] =	wrdreg $0xFFFFFFFF  }
0xaa: {  	s28 =	simm.s32 $_size_execute0_lowered;
	s6 =	sadd.s32 s6, s7;
	[dreg:$0x0] =	wrdreg $0x0  }
0xab: {  	s7 =	sshll.u32 s28, $0x1;
	[dreg:$0x2] =	wrdreg s6  }
0xac: {  	[dreg:$0x3] =	wrdreg s7  }
0xad: {  	[dreg:$0x4] =	wrdreg $0xC0  }
0xae: {  	_ =	task [dreg:s10], $0x5FFFF  }
0xaf: {  	[dreg:$0x1] =	wrdreg $0xFFFFFFFF  }
0xb0: {  	[dreg:$0x0] =	wrdreg $0x60  }
0xb1: {  	[dreg:$0x2] =	wrdreg s2  }
0xb2: {  	[dreg:$0x3] =	wrdreg s19  }
0xb3: {  	[dreg:$0x4] =	wrdreg s4  }
0xb4: {  	[dreg:$0x5] =	wrdreg s5  }
0xb5: {  	[dreg:$0x6] =	wrdreg $0x189000  }
0xb6: {  	[dreg:$0x7] =	wrdreg $0x9  }
0xb7: {  	_ =	task.clear_ibuf [dreg:s10], $0x8FFFF;
	_ =	strace $0x90000046  }
0xb8: {  	s29 =	simm.s32 $0x9;
	_ =	strace $0x80000048  }
0xb9: {  	_ =	swait.ge [sflag:s29], $0x1  }
0xba: {  	[sflag:s29] =	ssyncadd.s32 $0xFFFFFFFF  }
0xbb: {  	_ =	strace $0x90000048  }
0xbc: {  	_ =	sfence  }
0xbd: {  	s30 =	sld [smem:$0x0];
	_ =	sdelay $0x2  }
0xbe: {  	s31 =	sshll.u32 s1, $0xD;
	s1 =	sshrl.u32 s1, $0x2  }
0xbf: {  	s3 =	sand.u32 $0x4000, s31;
	s1 =	sadd.s32 s1, s30  }
0xc0: {  	s0 =	sor.u32 s3, s0;
	s1 =	sshll.u32 s1, $0x11  }
0xc1: {  	s0 =	sor.u32 s1, s0  }
0xc2: {  	s0 =	sadd.s32 $0x8F2B, s0  }
0xc3: {  	[sflag:s0] =	ssyncadd.remote.s32 $0x1  }
0xc4: {  	_ =	sfence.sel $0xFFFF  }
0xc5: {  	[dreg:$0x0] =	wrdreg $0xFFFFFFFF;
	(pc) =	sbr.abs _section_cstart, $3  }
0xc6: {  	[dreg:$0x1] =	wrdreg $0xFFFFFFFF  }
0xc7: {  	_ =	task.clear_ibuf [dreg:s10], $0x2FFFF;
	_ =	strace $0x9FFFFFFF  }
0xc8: {  	(tm) =	ssettm $0x7FFFFFFF  }
0xc9: {  	_ =	shalt  }
tec
execute0_lowered:
.L_overlay_start_1:
0x0: {  	(tag) =	ssettag $0x1  }
0x1: {  	s0 =	srdreg.scid;
	s6 =	rddreg [dreg:$0x0]  }
0x2: {  	s14 =	stileid.u32;
	s7 =	rddreg [dreg:$0x1]  }
0x3: {  	s2 =	simm.s32 $0x1;
	s8 =	rddreg [dreg:$0x4];
	s1 =	simm.s32 $0x0  }
0x4: {  	s28 =	simm.s32 $0x1;
	s5 =	sand.u32 $0x1, s0;
	[smem:$0x7FF] =	sst s1  }
0x5: {  	s16 =	smul.u32 $0x18000, s14;
	s0 =	sor.u32 s5, s14;
	p1 =	seq.s32 s5, $0x1  }
0x6: {  	s3 =	ssub.s32 $0x2, s5;
	s10 =	sshll.u32 s5, $0x9;
	p0 =	seq.s32 s0, $0x0  }
0x7: {  	s5 =	sshll.u32 s5, $0x8;
	s0 =	rddreg [dreg:$0x3];
	p0 =	por !p0, !p1  }
0x8: {  	s4 =	sshrl.u32 s3, $0x1;
	s5 =	sadd.s32 s7, s5;
	p0 =	por !p0, !p0  }
0x9: {  	[dreg:$0x7] =	wrdreg s5;
	s5 =	sshrl.u32 s16, $0x2;
	s2 =	simm.s32 @!p0 $0x0  }
0xa: {  	s8 =	sadd.s32 s5, s8;
	s9 =	ssub.s32 s14, s2;
	s2 =	ssub.s32 s3, s4  }
0xb: {  	s24 =	sshll.u32 s9, $0x8;
	s25 =	sshll.u32 s9, $0x7;
	s9 =	sshll.u32 s9, $0xA  }
0xc: {  	s11 =	sand.u32 $0xFFFFF800, s24;
	s4 =	sand.u32 $0x380, s25;
	s3 =	sor.u32 s10, s9  }
0xd: {  	s29 =	sadd.s32 $0x3000, s8;
	s26 =	sor.u32 s4, s11;
	s4 =	sshrl.u32 s3, $0x3  }
0xe: {  	s10 =	sadd.s32 $0x4000, s3;
	s12 =	sadd.s32 $0x8000, s3;
	s13 =	sadd.s32 $0xC000, s3  }
0xf: {  	s21 =	sadd.s32 $0x4040, s3;
	s23 =	sadd.s32 $0x8040, s3;
	s24 =	sadd.s32 $0xC040, s3  }
0x10: {  	s11 =	sadd.s32 $0x4050, s3;
	s30 =	smul.u32 $0x300, s4;
	s10 =	sshrl.u32 s10, $0x3  }
0x11: {  	s12 =	sshrl.u32 s12, $0x3;
	s9 =	sshrl.u32 s26, $0x3;
	s10 =	smul.u32 $0x300, s10  }
0x12: {  	s13 =	sshrl.u32 s13, $0x3;
	s20 =	sor.u32 $0x8, s4;
	s12 =	smul.u32 $0x300, s12  }
0x13: {  	s7 =	sshrl.u32 s21, $0x3;
	s26 =	sshrl.u32 s24, $0x3;
	s15 =	smul.u32 $0x300, s13  }
0x14: {  	s21 =	sadd.s32 $0x4060, s3;
	s6 =	sadd.s32 s6, s9;
	s22 =	smul.u32 $0x300, s20  }
0x15: {  	s7 =	smul.u32 $0x300, s7;
	[dreg:$0x6] =	wrdreg s6;
	s17 =	sadd.s32 s0, s30  }
0x16: {  	s30 =	smul.u32 $0x300, s26;
	s18 =	sadd.s32 s0, s10;
	s19 =	sadd.s32 s0, s12  }
0x17: {  	s6 =	sadd.s32 s0, s15;
	s10 =	sshrl.u32 s23, $0x3;
	s9 =	sadd.s32 s0, s22  }
0x18: {  	s12 =	sadd.s32 $0x8050, s3;
	s7 =	sadd.s32 s0, s7;
	[dreg:$0x8] =	wrdreg s18  }
0x19: {  	s22 =	sadd.s32 $0x8060, s3;
	s23 =	sadd.s32 $0xC060, s3;
	[dreg:$0x9] =	wrdreg s19  }
0x1a: {  	s31 =	smov.u32 s17;
	[dreg:$0xa] =	wrdreg s6;
	s25 =	smul.u32 $0x300, s10  }
0x1b: {  	[dreg:$0xb] =	wrdreg s9;
	s6 =	smul.u32 $0x1800, s20;
	s10 =	sshrl.u32 s11, $0x3  }
0x1c: {  	[dreg:$0xc] =	wrdreg s7;
	s14 =	sshrl.u32 s12, $0x3;
	s15 =	sadd.s32 s0, s30  }
0x1d: {  	s19 =	sadd.s32 $0xC050, s3;
	s7 =	sshrl.u32 s22, $0x3;
	s13 =	smul.u32 $0x300, s10  }
0x1e: {  	s30 =	sadd.s32 $0x4070, s3;
	s22 =	sadd.s32 $0x8080, s3;
	s16 =	smul.u32 $0x300, s14  }
0x1f: {  	[dreg:$0xe] =	wrdreg s15;
	s20 =	sshrl.u32 s19, $0x3;
	s24 =	smul.u32 $0x300, s7  }
0x20: {  	s7 =	sshrl.u32 s30, $0x3;
	s10 =	sadd.s32 $0x8070, s3;
	s14 =	sadd.s32 $0xC070, s3  }
0x21: {  	s30 =	sor.u32 $0x18, s4;
	s5 =	sadd.s32 s0, s25;
	s9 =	sshrl.u32 s6, $0x3  }
0x22: {  	s6 =	sshrl.u32 s21, $0x3;
	s25 =	sshrl.u32 s23, $0x3;
	s11 =	smul.u32 $0x300, s7  }
0x23: {  	s12 =	sshrl.u32 s10, $0x3;
	s7 =	sadd.s32 $0x600, s0;
	s15 =	sshrl.u32 s14, $0x3  }
0x24: {  	s23 =	sadd.s32 $0xC080, s3;
	s14 =	sadd.s32 $0x80C0, s3;
	s6 =	smul.u32 $0x300, s6  }
0x25: {  	[dreg:$0xd] =	wrdreg s5;
	s18 =	sadd.s32 s0, s13;
	s26 =	smul.u32 $0x300, s25  }
0x26: {  	s5 =	sadd.s32 s0, s16;
	s13 =	smul.u32 $0x300, s12;
	[dreg:$0xf] =	wrdreg s18  }
0x27: {  	s16 =	sadd.s32 s9, s7;
	[dreg:$0x10] =	wrdreg s5;
	s5 =	smul.u32 $0x300, s20  }
0x28: {  	[dreg:$0x15] =	wrdreg s16;
	s18 =	smul.u32 $0x300, s15;
	s10 =	sadd.s32 s0, s11  }
0x29: {  	s20 =	sadd.s32 $0x4080, s3;
	s11 =	sshrl.u32 s23, $0x3;
	s15 =	sshrl.u32 s14, $0x3  }
0x2a: {  	s16 =	smul.u32 $0x300, s30;
	s23 =	sadd.s32 $0x80D0, s3;
	s6 =	sadd.s32 s0, s6  }
0x2b: {  	[dreg:$0x17] =	wrdreg s10;
	s19 =	sadd.s32 s0, s13;
	s25 =	smul.u32 $0x300, s11  }
0x2c: {  	s21 =	sshrl.u32 s20, $0x3;
	s10 =	sshrl.u32 s22, $0x3;
	s22 =	smul.u32 $0x1800, s30  }
0x2d: {  	s12 =	sshrl.u32 s23, $0x3;
	s23 =	sadd.s32 $0x8100, s3;
	[dreg:$0x12] =	wrdreg s6  }
0x2e: {  	s5 =	sadd.s32 s0, s5;
	s6 =	sadd.s32 s0, s26;
	[dreg:$0x18] =	wrdreg s19  }
0x2f: {  	s10 =	smul.u32 $0x300, s10;
	s19 =	sadd.s32 $0xC0C0, s3;
	[dreg:$0x11] =	wrdreg s5  }
0x30: {  	s13 =	sadd.s32 s0, s16;
	s12 =	smul.u32 $0x300, s12;
	[dreg:$0x14] =	wrdreg s6  }
0x31: {  	s16 =	sadd.s32 $0xC0E0, s3;
	s5 =	sadd.s32 s0, s24;
	[dreg:$0x1d] =	wrdreg s13  }
0x32: {  	s6 =	sadd.s32 $0x1200, s0;
	s24 =	sadd.s32 $0x40C0, s3;
	[dreg:$0x13] =	wrdreg s5  }
0x33: {  	s5 =	sadd.s32 s0, s9;
	s9 =	sadd.s32 s9, s6;
	s26 =	sshrl.u32 s24, $0x3  }
0x34: {  	s10 =	sadd.s32 s0, s10;
	s24 =	sadd.s32 $0xC0D0, s3;
	s12 =	sadd.s32 s0, s12  }
0x35: {  	[dreg:$0x16] =	wrdreg s9;
	s9 =	sadd.s32 s0, s18;
	s11 =	smul.u32 $0x300, s26  }
0x36: {  	[dreg:$0x1b] =	wrdreg s10;
	s18 =	smul.u32 $0x300, s15;
	s10 =	sshrl.u32 s19, $0x3  }
0x37: {  	s13 =	sshrl.u32 s24, $0x3;
	[smem:$0x7C9] =	sst s12;
	s15 =	sadd.s32 $0x80E0, s3  }
0x38: {  	s19 =	sadd.s32 $0x80F0, s3;
	[dreg:$0x19] =	wrdreg s9;
	s9 =	smul.u32 $0x300, s21  }
0x39: {  	s24 =	sshrl.u32 s23, $0x3;
	s20 =	smul.u32 $0x300, s10;
	s21 =	sadd.s32 $0x40D0, s3  }
0x3a: {  	s26 =	smul.u32 $0x300, s13;
	s13 =	sshrl.u32 s19, $0x3;
	s19 =	sor.u32 $0x28, s4  }
0x3b: {  	s4 =	sor.u32 $0x38, s4;
	s11 =	sadd.s32 s0, s11;
	s10 =	sshrl.u32 s21, $0x3  }
0x3c: {  	s13 =	smul.u32 $0x300, s13;
	s9 =	sadd.s32 s0, s9;
	[dreg:$0x1e] =	wrdreg s11  }
0x3d: {  	s10 =	smul.u32 $0x300, s10;
	s11 =	sshrl.u32 s22, $0x3;
	[dreg:$0x1a] =	wrdreg s9  }
0x3e: {  	s9 =	sadd.s32 s0, s25;
	s25 =	sadd.s32 $0x40E0, s3;
	s13 =	sadd.s32 s0, s13  }
0x3f: {  	[dreg:$0x1c] =	wrdreg s9;
	s9 =	sadd.s32 s0, s18;
	s30 =	sshrl.u32 s25, $0x3  }
0x40: {  	s10 =	sadd.s32 s0, s10;
	s18 =	sadd.s32 $0x40F0, s3;
	[smem:$0x7D1] =	sst s13  }
0x41: {  	s25 =	sadd.s32 s11, s7;
	[dreg:$0x1f] =	wrdreg s9;
	s9 =	sadd.s32 s0, s20  }
0x42: {  	[smem:$0x7C8] =	sst s10;
	s14 =	smul.u32 $0x300, s30;
	s12 =	sshrl.u32 s18, $0x3  }
0x43: {  	s20 =	sadd.s32 $0xC0F0, s3;
	[smem:$0x7CE] =	sst s25;
	s30 =	smul.u32 $0x300, s24  }
0x44: {  	s25 =	sadd.s32 $0xC140, s3;
	[smem:$0x7C7] =	sst s9;
	s9 =	sadd.s32 s0, s26  }
0x45: {  	s12 =	smul.u32 $0x300, s12;
	[smem:$0x7CA] =	sst s9;
	s10 =	sadd.s32 s0, s14  }
0x46: {  	s9 =	sshrl.u32 s15, $0x3;
	s14 =	sshrl.u32 s20, $0x3;
	s15 =	sadd.s32 $0x4100, s3  }
0x47: {  	s20 =	sadd.s32 $0x4140, s3;
	[smem:$0x7CB] =	sst s10;
	s9 =	smul.u32 $0x300, s9  }
0x48: {  	s10 =	sshrl.u32 s16, $0x3;
	s14 =	smul.u32 $0x300, s14;
	s21 =	sshrl.u32 s15, $0x3  }
0x49: {  	s26 =	sadd.s32 s0, s12;
	s15 =	sadd.s32 $0xC100, s3;
	s10 =	smul.u32 $0x300, s10  }
0x4a: {  	s16 =	sadd.s32 s0, s30;
	s12 =	sshrl.u32 s20, $0x3;
	s22 =	smul.u32 $0x300, s21  }
0x4b: {  	s20 =	sadd.s32 $0xC150, s3;
	[smem:$0x7D0] =	sst s26;
	s21 =	smul.u32 $0x300, s19  }
0x4c: {  	[smem:$0x7D4] =	sst s16;
	s18 =	sshrl.u32 s15, $0x3;
	s23 =	smul.u32 $0x300, s12  }
0x4d: {  	s26 =	sadd.s32 $0x4150, s3;
	s9 =	sadd.s32 s0, s9;
	s14 =	sadd.s32 s0, s14  }
0x4e: {  	[smem:$0x7CC] =	sst s9;
	s10 =	sadd.s32 s0, s10;
	s9 =	sadd.s32 s0, s11  }
0x4f: {  	s11 =	sadd.s32 s11, s6;
	[smem:$0x7D2] =	sst s14;
	s13 =	sadd.s32 s0, s21  }
0x50: {  	s14 =	sshrl.u32 s26, $0x3;
	s21 =	sadd.s32 $0x4160, s3;
	[smem:$0x7CD] =	sst s10  }
0x51: {  	[smem:$0x7CF] =	sst s11;
	s10 =	sadd.s32 s0, s22;
	s11 =	smul.u32 $0x1800, s19  }
0x52: {  	s22 =	sadd.s32 $0x8140, s3;
	[smem:$0x7D6] =	sst s13;
	s15 =	smul.u32 $0x300, s14  }
0x53: {  	s13 =	sshrl.u32 s25, $0x3;
	[smem:$0x7D3] =	sst s10;
	s10 =	smul.u32 $0x300, s18  }
0x54: {  	s19 =	sadd.s32 $0x8150, s3;
	s24 =	sshrl.u32 s22, $0x3;
	s30 =	smul.u32 $0x300, s13  }
0x55: {  	s13 =	sshrl.u32 s21, $0x3;
	s22 =	sadd.s32 $0x8160, s3;
	s12 =	smul.u32 $0x300, s24  }
0x56: {  	s21 =	sadd.s32 $0xC180, s3;
	s16 =	sshrl.u32 s11, $0x3;
	s13 =	smul.u32 $0x300, s13  }
0x57: {  	s14 =	sshrl.u32 s22, $0x3;
	s10 =	sadd.s32 s0, s10;
	s18 =	sadd.s32 s16, s7  }
0x58: {  	s14 =	smul.u32 $0x300, s14;
	s16 =	sadd.s32 $0x6000, s11;
	s11 =	sadd.s32 $0x9000, s11  }
0x59: {  	[smem:$0x7D5] =	sst s10;
	s10 =	sadd.s32 s0, s23;
	s12 =	sadd.s32 s0, s12  }
0x5a: {  	[smem:$0x7DA] =	sst s18;
	s23 =	sadd.s32 $0xC160, s3;
	s24 =	sshrl.u32 s16, $0x3  }
0x5b: {  	s25 =	sadd.s32 s0, s13;
	s13 =	sadd.s32 $0x8170, s3;
	[smem:$0x7D7] =	sst s10  }
0x5c: {  	s16 =	sadd.s32 $0x8180, s3;
	s11 =	sshrl.u32 s11, $0x3;
	[smem:$0x7D8] =	sst s12  }
0x5d: {  	s10 =	sadd.s32 s0, s30;
	s12 =	sadd.s32 s0, s15;
	s15 =	sshrl.u32 s23, $0x3  }
0x5e: {  	[smem:$0x7DF] =	sst s25;
	s26 =	sadd.s32 s0, s14;
	s14 =	sadd.s32 $0xC170, s3  }
0x5f: {  	s11 =	sadd.s32 s0, s11;
	s23 =	sshrl.u32 s21, $0x3;
	s25 =	smul.u32 $0x300, s4  }
0x60: {  	s4 =	smul.u32 $0x1800, s4;
	s21 =	sadd.s32 $0x81D0, s3;
	[smem:$0x7D9] =	sst s10  }
0x61: {  	[smem:$0x7DB] =	sst s12;
	s10 =	sshrl.u32 s19, $0x3;
	s15 =	smul.u32 $0x300, s15  }
0x62: {  	s12 =	sshrl.u32 s20, $0x3;
	[smem:$0x7E0] =	sst s26;
	s10 =	smul.u32 $0x300, s10  }
0x63: {  	[smem:$0x7E2] =	sst s11;
	s26 =	sadd.s32 $0x81C0, s3;
	s12 =	smul.u32 $0x300, s12  }
0x64: {  	s4 =	sshrl.u32 s4, $0x3;
	s30 =	sadd.s32 s0, s15;
	s15 =	sadd.s32 $0x4180, s3  }
0x65: {  	s7 =	sadd.s32 s4, s7;
	s6 =	sadd.s32 s4, s6;
	[smem:$0x7E1] =	sst s30  }
0x66: {  	s4 =	sadd.s32 s0, s4;
	s10 =	sadd.s32 s0, s10;
	[smem:$0x7ED] =	sst s7  }
0x67: {  	s12 =	sadd.s32 s0, s12;
	s7 =	sshrl.u32 s21, $0x3;
	[smem:$0x7DC] =	sst s10  }
0x68: {  	[smem:$0x7DD] =	sst s12;
	s10 =	sadd.s32 s0, s24;
	s12 =	sadd.s32 $0x4170, s3  }
0x69: {  	s7 =	smul.u32 $0x300, s7;
	[smem:$0x7DE] =	sst s10;
	s10 =	sshrl.u32 s12, $0x3  }
0x6a: {  	[smem:$0x7F1] =	sst s6;
	s12 =	sshrl.u32 s13, $0x3;
	s10 =	smul.u32 $0x300, s10  }
0x6b: {  	s24 =	sadd.s32 $0x41C0, s3;
	s13 =	sshrl.u32 s14, $0x3;
	s12 =	smul.u32 $0x300, s12  }
0x6c: {  	s14 =	sshrl.u32 s15, $0x3;
	s15 =	sshrl.u32 s16, $0x3;
	s13 =	smul.u32 $0x300, s13  }
0x6d: {  	s11 =	sshrl.u32 s24, $0x3;
	s16 =	sadd.s32 $0x41D0, s3;
	s14 =	smul.u32 $0x300, s14  }
0x6e: {  	s24 =	sadd.s32 $0x41E0, s3;
	s18 =	smul.u32 $0x300, s15;
	s7 =	sadd.s32 s0, s7  }
0x6f: {  	s30 =	smul.u32 $0x300, s11;
	[smem:$0x7EF] =	sst s7;
	s10 =	sadd.s32 s0, s10  }
0x70: {  	s15 =	sadd.s32 $0xC1C0, s3;
	s19 =	sadd.s32 s0, s12;
	[smem:$0x7E3] =	sst s10  }
0x71: {  	s20 =	sadd.s32 s0, s13;
	s22 =	sadd.s32 s0, s14;
	[smem:$0x7E4] =	sst s19  }
0x72: {  	s14 =	sshrl.u32 s26, $0x3;
	s12 =	sadd.s32 s0, s25;
	[smem:$0x7E5] =	sst s20  }
0x73: {  	s25 =	sadd.s32 $0x81E0, s3;
	s26 =	sadd.s32 $0xC1E0, s3;
	[smem:$0x7E6] =	sst s22  }
0x74: {  	s13 =	simm.s32 $0xF000;
	s10 =	sadd.s32 s0, s18;
	[smem:$0x7E9] =	sst s12  }
0x75: {  	s11 =	smul.u32 $0x300, s14;
	s12 =	sshrl.u32 s15, $0x3;
	s19 =	sshrl.u32 s16, $0x3  }
0x76: {  	s14 =	sshrl.u32 s26, $0x3;
	[smem:$0x7E7] =	sst s10;
	s10 =	smul.u32 $0x300, s23  }
0x77: {  	s16 =	sadd.s32 $0x41F0, s3;
	s26 =	sadd.s32 $0x3000, s17;
	s18 =	smul.u32 $0x300, s12  }
0x78: {  	s20 =	smul.u32 $0x300, s19;
	s23 =	sadd.s32 $0xC1D0, s3;
	s12 =	sshrl.u32 s25, $0x3  }
0x79: {  	s15 =	smul.u32 $0x300, s14;
	s19 =	sadd.s32 $0x81F0, s3;
	s3 =	sadd.s32 $0xC1F0, s3  }
0x7a: {  	s25 =	smax.u32 s2, $0x1;
	s14 =	simm.s32 $0x2;
	s11 =	sadd.s32 s0, s11  }
0x7b: {  	s3 =	sshrl.u32 s3, $0x3;
	s10 =	sadd.s32 s0, s10;
	[smem:$0x7EB] =	sst s11  }
0x7c: {  	s22 =	sadd.s32 s0, s20;
	s11 =	sshrl.u32 s24, $0x3;
	[smem:$0x7E8] =	sst s10  }
0x7d: {  	s3 =	smul.u32 $0x300, s3;
	s20 =	sadd.s32 s0, s15;
	[smem:$0x7EE] =	sst s22  }
0x7e: {  	s24 =	sadd.s32 $0xC00, s4;
	s15 =	simm.s32 $0x12000;
	[smem:$0x7F4] =	sst s20  }
0x7f: {  	s10 =	sadd.s32 s0, s30;
	s11 =	smul.u32 $0x300, s11;
	s20 =	rddreg [dreg:$0x2]  }
0x80: {  	s30 =	smul.u32 $0x300, s12;
	s12 =	sshrl.u32 s19, $0x3;
	[smem:$0x7EA] =	sst s10  }
0x81: {  	s10 =	sadd.s32 s0, s18;
	s18 =	sshrl.u32 s16, $0x3;
	s12 =	smul.u32 $0x300, s12  }
0x82: {  	[smem:$0x7EC] =	sst s10;
	s10 =	sshrl.u32 s23, $0x3;
	s11 =	sadd.s32 s0, s11  }
0x83: {  	s6 =	smul.u32 $0x300, s18;
	s7 =	sadd.s32 s0, s30;
	[smem:$0x7F2] =	sst s11  }
0x84: {  	s10 =	smul.u32 $0x300, s10;
	[smem:$0x7F3] =	sst s7;
	s21 =	sadd.s32 s0, s12  }
0x85: {  	s4 =	simm.s32 $0x15000;
	s6 =	sadd.s32 s0, s6;
	[smem:$0x7F6] =	sst s21  }
0x86: {  	s22 =	sadd.s32 $0xC00, s5;
	s10 =	sadd.s32 s0, s10;
	[smem:$0x7F5] =	sst s6  }
0x87: {  	s2 =	sadd.s32 $0x100, s20;
	s0 =	sadd.s32 s0, s3;
	[smem:$0x7F0] =	sst s10  }
0x88: {  	s5 =	sadd.s32 $0x300, s20;
	s16 =	simm.s32 $0x3;
	[smem:$0x7F7] =	sst s0  }
0x89: {  	s23 =	sadd.s32 $0xC00, s9;
	_ =	strace $0x80000047;
	[smem:$0x7F8] =	sst s22  }
0x8a: {  	s30 =	sadd.s32 $0x6000, s17;
	s9 =	sadd.s32 $0x600, s20;
	[smem:$0x7F9] =	sst s23  }
0x8b: {  	s7 =	sadd.s32 $0x500, s20;
	s11 =	simm.s32 $0x4;
	[smem:$0x7FA] =	sst s24  }
0x8c: {  	s12 =	simm.s32 $0xC000;
	s3 =	sadd.s32 $0x200, s20;
	[smem:$0x7FB] =	sst s25  }
0x8d: {  	s6 =	sadd.s32 $0x400, s20;
	s0 =	sadd.s32 $0x9000, s17;
	[smem:$0x7FC] =	sst s26  }
0x8e: {  	s10 =	sadd.s32 $0x700, s20;
	s17 =	simm.s32 $0x0;
	[smem:$0x7FD] =	sst s30  }
.LBB2_1:
0x8f: {  	s18 =	rddreg [dreg:$0x6]  }
0x90: {  	s19 =	simm.s32 $0x80;
	s21 =	simm.s32 $0x400;
	s22 =	simm.s32 $0x18000  }
0x91: {  	[tilespmem:s22], [sflag:$0x4] =	stream.strided.gather [hbm4b:s18+s19], $0x100, s21, s19, $0x38;
	[tilespmem:$0x1E900] =	vst v63  }
0x92: {  	_ =	swait.ge [sflag:s11], $0x100  }
0x93: {  	[sflag:s11] =	ssyncset.done $0x0  }
0x94: {  	s25 =	simm.s32 $0x18100;
	s24 =	rddreg [dreg:$0x7];
	[sflag:s11] =	ssyncadd.s32 $0xFFFFFF00  }
0x95: {  	[tilespmem:s25], [sflag:$0x4] =	stream.linear.gather [hbm4b:s24+s1], $0x800, $0x38;
	[tilespmem:$0x1E900] =	vst v63  }
0x96: {  	_ =	swait.ge [sflag:s11], $0x800  }
0x97: {  	[sflag:s11] =	ssyncset.done $0x0  }
0x98: {  	[sflag:s11] =	ssyncadd.s32 $0xFFFFF800  }
0x99: {  	v0 =	vld [tilespmem:$0x18000]  }
0x9a: {  	v1 =	vld [tilespmem:$0x18010]  }
0x9b: {  	v2 =	vld [tilespmem:$0x18020]  }
0x9c: {  	v3 =	vld [tilespmem:$0x18030]  }
0x9d: {  	v4 =	vld [tilespmem:$0x18040]  }
0x9e: {  	v5 =	vld [tilespmem:$0x18050]  }
0x9f: {  	v6 =	vld [tilespmem:$0x18060]  }
0xa0: {  	v7 =	vld [tilespmem:$0x18070]  }
0xa1: {  	v8 =	vld [tilespmem:$0x18080]  }
0xa2: {  	v9 =	vld [tilespmem:$0x18090]  }
0xa3: {  	v10 =	vld [tilespmem:$0x180A0]  }
0xa4: {  	v11 =	vld [tilespmem:$0x180B0]  }
0xa5: {  	v12 =	vld [tilespmem:$0x180C0]  }
0xa6: {  	v13 =	vld [tilespmem:$0x180D0]  }
0xa7: {  	s26 =	simm.s32 $0x1000;
	v14 =	vld [tilespmem:$0x180E0]  }
0xa8: {  	v15 =	vld [tilespmem:$0x180F0];
	[tilespmem:s26], [sflag:$0x4] =	stream.linear.gather [hbm4b:s20+s1], $0x800, $0x38  }
0xa9: {  	s30 =	simm.s32 $0x2800  }
0xaa: {  	[tilespmem:s30], [sflag:$0x4] =	stream.linear.gather [hbm4b:s2+s1], $0x800, $0x38;
	[tilespmem:$0x1E900] =	vst v63  }
0xab: {  	s19 =	simm.s32 $0x4000  }
0xac: {  	[tilespmem:s19], [sflag:$0x4] =	stream.linear.gather [hbm4b:s3+s1], $0x800, $0x38;
	[tilespmem:$0x1E900] =	vst v63  }
0xad: {  	s21 =	simm.s32 $0x5800  }
0xae: {  	[tilespmem:s21], [sflag:$0x4] =	stream.linear.gather [hbm4b:s5+s1], $0x800, $0x38;
	[tilespmem:$0x1E900] =	vst v63  }
0xaf: {  	s22 =	simm.s32 $0x7000  }
0xb0: {  	[tilespmem:s22], [sflag:$0x4] =	stream.linear.gather [hbm4b:s6+s1], $0x800, $0x38;
	[tilespmem:$0x1E900] =	vst v63  }
0xb1: {  	s23 =	simm.s32 $0x8800  }
0xb2: {  	[tilespmem:s23], [sflag:$0x4] =	stream.linear.gather [hbm4b:s7+s1], $0x800, $0x38;
	[tilespmem:$0x1E900] =	vst v63  }
0xb3: {  	s24 =	simm.s32 $0xA000;
	s26 =	simm.s32 $0x0  }
0xb4: {  	[tilespmem:s24], [sflag:$0x4] =	stream.linear.gather [hbm4b:s9+s1], $0x800, $0x38;
	[tilespmem:$0x1E900] =	vst v63  }
0xb5: {  	s25 =	simm.s32 $0xB800;
	s18 =	smul.u32 $0x6000, s26  }
0xb6: {  	[tilespmem:s25], [sflag:$0x4] =	stream.linear.gather [hbm4b:s10+s1], $0x800, $0x38;
	[tilespmem:$0x1E900] =	vst v63  }
0xb7: {  	_ =	swait.ge [sflag:s11], $0x4000  }
0xb8: {  	s30 =	sand.u32 $0x380, s1;
	s18 =	sshra.s32 s18, $0x2;
	[sflag:s11] =	ssyncset.done $0x0  }
0xb9: {  	s18 =	sor.u32 s30, s18;
	[sflag:s11] =	ssyncadd.s32 $0xFFFFC000  }
0xba: {  	[tilespmem:s18+$0x470] =	vst v15  }
0xbb: {  	[tilespmem:s18+$0x0] =	vst v0  }
0xbc: {  	[tilespmem:s18+$0x10] =	vst v1  }
0xbd: {  	[tilespmem:s18+$0x20] =	vst v2  }
0xbe: {  	[tilespmem:s18+$0x30] =	vst v3  }
0xbf: {  	[tilespmem:s18+$0x40] =	vst v4  }
0xc0: {  	[tilespmem:s18+$0x50] =	vst v5  }
0xc1: {  	[tilespmem:s18+$0x60] =	vst v6  }
0xc2: {  	[tilespmem:s18+$0x70] =	vst v7  }
0xc3: {  	[tilespmem:s18+$0x400] =	vst v8  }
0xc4: {  	[tilespmem:s18+$0x410] =	vst v9  }
0xc5: {  	s19 =	simm.s32 $0x0;
	s21 =	simm.s32 $0x2;
	s22 =	simm.s32 $0x0;
	[tilespmem:s18+$0x420] =	vst v10  }
.LBB2_2:
0xc6: {  	p0 =	sne.s32 s21, $0x3F;
	s22 =	smul.u32 $0x6000, s22;
	[tilespmem:s18+$0x430] =	vst v11  }
0xc7: {  	s19 =	sadd.s32 $0x80, s19;
	[tilespmem:s18+$0x440] =	vst v12  }
0xc8: {  	s23 =	sand.u32 $0x380, s19;
	s22 =	sshra.s32 s22, $0x2;
	[tilespmem:s18+$0x450] =	vst v13  }
0xc9: {  	[tilespmem:s18+$0x460] =	vst v14;
	s18 =	sor.u32 s23, s22  }
0xca: {  	[tilespmem:s18+$0x470] =	vst v15  }
0xcb: {  	[tilespmem:s18+$0x0] =	vst v0  }
0xcc: {  	[tilespmem:s18+$0x10] =	vst v1  }
0xcd: {  	[tilespmem:s18+$0x20] =	vst v2  }
0xce: {  	[tilespmem:s18+$0x30] =	vst v3  }
0xcf: {  	[tilespmem:s18+$0x40] =	vst v4  }
0xd0: {  	[tilespmem:s18+$0x50] =	vst v5  }
.Ltmp0:
0xd1: {  	[tilespmem:s18+$0x60] =	vst v6;
	(pc) =	sbr.rel @p0 .LBB2_2-.Ltmp0, $4  }
0xd2: {  	[tilespmem:s18+$0x70] =	vst v7  }
0xd3: {  	[tilespmem:s18+$0x400] =	vst v8  }
0xd4: {  	[tilespmem:s18+$0x410] =	vst v9  }
0xd5: {  	s22 =	sshrl.u32 s21, $0x3;
	s21 =	sadd.s32 $0x1, s21;
	[tilespmem:s18+$0x420] =	vst v10  }
0xd6: {  	s21 =	smul.u32 $0x6000, s22;
	[tilespmem:s18+$0x430] =	vst v11  }
0xd7: {  	[tilespmem:s18+$0x440] =	vst v12;
	s19 =	sadd.s32 $0x80, s19  }
0xd8: {  	[tilespmem:s18+$0x450] =	vst v13;
	s19 =	sand.u32 $0x380, s19;
	s21 =	sshra.s32 s21, $0x2  }
0xd9: {  	[tilespmem:s18+$0x460] =	vst v14;
	s19 =	sor.u32 s19, s21  }
0xda: {  	[tilespmem:s19+$0x470] =	vst v15  }
0xdb: {  	[tilespmem:s19+$0x0] =	vst v0  }
0xdc: {  	[tilespmem:s19+$0x10] =	vst v1  }
0xdd: {  	[tilespmem:s19+$0x20] =	vst v2  }
0xde: {  	[tilespmem:s19+$0x30] =	vst v3  }
0xdf: {  	[tilespmem:s19+$0x40] =	vst v4  }
0xe0: {  	[tilespmem:s19+$0x50] =	vst v5  }
0xe1: {  	[tilespmem:s19+$0x60] =	vst v6  }
0xe2: {  	[tilespmem:s19+$0x70] =	vst v7  }
0xe3: {  	[tilespmem:s19+$0x400] =	vst v8  }
0xe4: {  	[tilespmem:s19+$0x410] =	vst v9  }
0xe5: {  	[tilespmem:s19+$0x420] =	vst v10  }
0xe6: {  	[tilespmem:s19+$0x430] =	vst v11  }
0xe7: {  	[tilespmem:s19+$0x440] =	vst v12  }
0xe8: {  	[tilespmem:s19+$0x450] =	vst v13  }
0xe9: {  	s18 =	simm.s32 $0x0;
	s25 =	simm.s32 $0xD000;
	[tilespmem:s19+$0x460] =	vst v14  }
0xea: {  	[tilespmem:s25], [sflag:$0x4] =	stream.linear.gather [hbm4b:s20+s18], $0x800, $0x38;
	[tilespmem:$0x1E900] =	vst v63  }
0xeb: {  	s26 =	simm.s32 $0xE800  }
0xec: {  	[tilespmem:s26], [sflag:$0x4] =	stream.linear.gather [hbm4b:s2+s18], $0x800, $0x38;
	[tilespmem:$0x1E900] =	vst v63  }
0xed: {  	s30 =	simm.s32 $0x10000  }
0xee: {  	[tilespmem:s30], [sflag:$0x4] =	stream.linear.gather [hbm4b:s3+s18], $0x800, $0x38;
	[tilespmem:$0x1E900] =	vst v63  }
0xef: {  	s21 =	simm.s32 $0x11800  }
0xf0: {  	[tilespmem:s21], [sflag:$0x4] =	stream.linear.gather [hbm4b:s5+s18], $0x800, $0x38;
	[tilespmem:$0x1E900] =	vst v63  }
0xf1: {  	s22 =	simm.s32 $0x13000  }
0xf2: {  	[tilespmem:s22], [sflag:$0x4] =	stream.linear.gather [hbm4b:s6+s18], $0x800, $0x38;
	[tilespmem:$0x1E900] =	vst v63  }
0xf3: {  	s23 =	simm.s32 $0x14800  }
0xf4: {  	[tilespmem:s23], [sflag:$0x4] =	stream.linear.gather [hbm4b:s7+s18], $0x800, $0x38;
	[tilespmem:$0x1E900] =	vst v63  }
0xf5: {  	s24 =	simm.s32 $0x16000;
	s26 =	simm.s32 $0x0  }
0xf6: {  	[tilespmem:s24], [sflag:$0x4] =	stream.linear.gather [hbm4b:s9+s18], $0x800, $0x38;
	[tilespmem:$0x1E900] =	vst v63  }
0xf7: {  	s25 =	simm.s32 $0x17800;
	s19 =	smul.u32 $0x6000, s26  }
0xf8: {  	[tilespmem:s25], [sflag:$0x4] =	stream.linear.gather [hbm4b:s10+s18], $0x800, $0x38;
	[tilespmem:$0x1E900] =	vst v63  }
0xf9: {  	_ =	swait.ge [sflag:s11], $0x4000  }
0xfa: {  	s30 =	sand.u32 $0x380, s18;
	s19 =	sshra.s32 s19, $0x2;
	[sflag:s11] =	ssyncset.done $0x0  }
0xfb: {  	s19 =	sor.u32 s30, s19;
	[sflag:s11] =	ssyncadd.s32 $0xFFFFC000  }
0xfc: {  	[tilespmem:s19+$0xC470] =	vst v15  }
0xfd: {  	[tilespmem:s19+$0xC000] =	vst v0  }
0xfe: {  	[tilespmem:s19+$0xC010] =	vst v1  }
0xff: {  	[tilespmem:s19+$0xC020] =	vst v2  }
0x100: {  	[tilespmem:s19+$0xC030] =	vst v3  }
0x101: {  	[tilespmem:s19+$0xC040] =	vst v4  }
0x102: {  	[tilespmem:s19+$0xC050] =	vst v5  }
0x103: {  	[tilespmem:s19+$0xC060] =	vst v6  }
0x104: {  	[tilespmem:s19+$0xC070] =	vst v7  }
0x105: {  	[tilespmem:s19+$0xC400] =	vst v8  }
0x106: {  	[tilespmem:s19+$0xC410] =	vst v9  }
0x107: {  	s21 =	simm.s32 $0x2;
	s22 =	simm.s32 $0x0;
	[tilespmem:s19+$0xC420] =	vst v10  }
.LBB2_4:
0x108: {  	p0 =	sne.s32 s21, $0x3F;
	s22 =	smul.u32 $0x6000, s22;
	[tilespmem:s19+$0xC430] =	vst v11  }
0x109: {  	s18 =	sadd.s32 $0x80, s18;
	[tilespmem:s19+$0xC440] =	vst v12  }
0x10a: {  	s23 =	sand.u32 $0x380, s18;
	s22 =	sshra.s32 s22, $0x2;
	[tilespmem:s19+$0xC450] =	vst v13  }
0x10b: {  	[tilespmem:s19+$0xC460] =	vst v14;
	s19 =	sor.u32 s23, s22  }
0x10c: {  	[tilespmem:s19+$0xC470] =	vst v15  }
0x10d: {  	[tilespmem:s19+$0xC000] =	vst v0  }
0x10e: {  	[tilespmem:s19+$0xC010] =	vst v1  }
0x10f: {  	[tilespmem:s19+$0xC020] =	vst v2  }
0x110: {  	[tilespmem:s19+$0xC030] =	vst v3  }
0x111: {  	[tilespmem:s19+$0xC040] =	vst v4  }
0x112: {  	[tilespmem:s19+$0xC050] =	vst v5  }
.Ltmp1:
0x113: {  	[tilespmem:s19+$0xC060] =	vst v6;
	(pc) =	sbr.rel @p0 .LBB2_4-.Ltmp1, $4  }
0x114: {  	[tilespmem:s19+$0xC070] =	vst v7  }
0x115: {  	[tilespmem:s19+$0xC400] =	vst v8  }
0x116: {  	[tilespmem:s19+$0xC410] =	vst v9  }
0x117: {  	s22 =	sshrl.u32 s21, $0x3;
	s21 =	sadd.s32 $0x1, s21;
	[tilespmem:s19+$0xC420] =	vst v10  }
0x118: {  	s21 =	smul.u32 $0x6000, s22;
	[tilespmem:s19+$0xC430] =	vst v11  }
0x119: {  	[tilespmem:s19+$0xC440] =	vst v12;
	s18 =	sadd.s32 $0x80, s18  }
0x11a: {  	[tilespmem:s19+$0xC450] =	vst v13;
	s18 =	sand.u32 $0x380, s18;
	s21 =	sshra.s32 s21, $0x2  }
0x11b: {  	[tilespmem:s19+$0xC460] =	vst v14;
	s18 =	sor.u32 s18, s21  }
0x11c: {  	[tilespmem:s18+$0xC470] =	vst v15  }
0x11d: {  	[tilespmem:s18+$0xC000] =	vst v0  }
0x11e: {  	[tilespmem:s18+$0xC010] =	vst v1  }
0x11f: {  	[tilespmem:s18+$0xC020] =	vst v2  }
0x120: {  	[tilespmem:s18+$0xC030] =	vst v3  }
0x121: {  	[tilespmem:s18+$0xC040] =	vst v4  }
0x122: {  	[tilespmem:s18+$0xC050] =	vst v5  }
0x123: {  	[tilespmem:s18+$0xC060] =	vst v6  }
0x124: {  	[tilespmem:s18+$0xC070] =	vst v7  }
0x125: {  	[tilespmem:s18+$0xC400] =	vst v8  }
0x126: {  	[tilespmem:s18+$0xC410] =	vst v9  }
0x127: {  	[tilespmem:s18+$0xC420] =	vst v10  }
0x128: {  	[tilespmem:s18+$0xC430] =	vst v11  }
0x129: {  	[tilespmem:s18+$0xC440] =	vst v12  }
0x12a: {  	[tilespmem:s18+$0xC450] =	vst v13  }
0x12b: {  	[tilespmem:s18+$0xC460] =	vst v14  }
0x12c: {  	v0 =	vld [tilespmem:$0x18100]  }
0x12d: {  	v1 =	vld [tilespmem:$0x18110]  }
0x12e: {  	v2 =	vld [tilespmem:$0x18120]  }
0x12f: {  	v3 =	vld [tilespmem:$0x18130]  }
0x130: {  	v4 =	vld [tilespmem:$0x18140]  }
0x131: {  	v5 =	vld [tilespmem:$0x18150]  }
0x132: {  	v6 =	vld [tilespmem:$0x18160]  }
0x133: {  	v7 =	vld [tilespmem:$0x18170]  }
0x134: {  	v8 =	vld [tilespmem:$0x18500]  }
0x135: {  	v9 =	vld [tilespmem:$0x18510]  }
0x136: {  	s25 =	simm.s32 $0x0;
	v15 =	vld [tilespmem:$0x18570]  }
0x137: {  	s26 =	smul.u32 $0x6000, s25;
	v10 =	vld [tilespmem:$0x18520]  }
0x138: {  	s18 =	simm.s32 $0x0;
	v11 =	vld [tilespmem:$0x18530]  }
0x139: {  	s19 =	sshra.s32 s26, $0x2;
	v12 =	vld [tilespmem:$0x18540];
	s30 =	sand.u32 $0x380, s18  }
0x13a: {  	v13 =	vld [tilespmem:$0x18550];
	s19 =	sor.u32 s30, s19  }
0x13b: {  	v14 =	vld [tilespmem:$0x18560];
	[tilespmem:s19+$0xC70] =	vst v15  }
0x13c: {  	[tilespmem:s19+$0x800] =	vst v0  }
0x13d: {  	[tilespmem:s19+$0x810] =	vst v1  }
0x13e: {  	[tilespmem:s19+$0x820] =	vst v2  }
0x13f: {  	[tilespmem:s19+$0x830] =	vst v3  }
0x140: {  	[tilespmem:s19+$0x840] =	vst v4  }
0x141: {  	[tilespmem:s19+$0x850] =	vst v5  }
0x142: {  	[tilespmem:s19+$0x860] =	vst v6  }
0x143: {  	[tilespmem:s19+$0x870] =	vst v7  }
0x144: {  	[tilespmem:s19+$0xC00] =	vst v8  }
0x145: {  	[tilespmem:s19+$0xC10] =	vst v9  }
0x146: {  	s22 =	simm.s32 $0x0;
	s21 =	simm.s32 $0x2;
	[tilespmem:s19+$0xC20] =	vst v10  }
.LBB2_6:
0x147: {  	p0 =	sne.s32 s21, $0x3F;
	s22 =	smul.u32 $0x6000, s22;
	[tilespmem:s19+$0xC30] =	vst v11  }
0x148: {  	s18 =	sadd.s32 $0x80, s18;
	[tilespmem:s19+$0xC40] =	vst v12  }
0x149: {  	s23 =	sand.u32 $0x380, s18;
	s22 =	sshra.s32 s22, $0x2;
	[tilespmem:s19+$0xC50] =	vst v13  }
0x14a: {  	[tilespmem:s19+$0xC60] =	vst v14;
	s19 =	sor.u32 s23, s22  }
0x14b: {  	[tilespmem:s19+$0xC70] =	vst v15  }
0x14c: {  	[tilespmem:s19+$0x800] =	vst v0  }
0x14d: {  	[tilespmem:s19+$0x810] =	vst v1  }
0x14e: {  	[tilespmem:s19+$0x820] =	vst v2  }
0x14f: {  	[tilespmem:s19+$0x830] =	vst v3  }
0x150: {  	[tilespmem:s19+$0x840] =	vst v4  }
0x151: {  	[tilespmem:s19+$0x850] =	vst v5  }
.Ltmp2:
0x152: {  	[tilespmem:s19+$0x860] =	vst v6;
	(pc) =	sbr.rel @p0 .LBB2_6-.Ltmp2, $4  }
0x153: {  	[tilespmem:s19+$0x870] =	vst v7  }
0x154: {  	[tilespmem:s19+$0xC00] =	vst v8  }
0x155: {  	[tilespmem:s19+$0xC10] =	vst v9  }
0x156: {  	s22 =	sshrl.u32 s21, $0x3;
	s21 =	sadd.s32 $0x1, s21;
	[tilespmem:s19+$0xC20] =	vst v10  }
0x157: {  	s21 =	smul.u32 $0x6000, s22;
	[tilespmem:s19+$0xC30] =	vst v11  }
0x158: {  	[tilespmem:s19+$0xC40] =	vst v12;
	s18 =	sadd.s32 $0x80, s18  }
0x159: {  	[tilespmem:s19+$0xC50] =	vst v13;
	s18 =	sand.u32 $0x380, s18;
	s21 =	sshra.s32 s21, $0x2  }
0x15a: {  	[tilespmem:s19+$0xC60] =	vst v14;
	s18 =	sor.u32 s18, s21  }
0x15b: {  	[tilespmem:s18+$0xC70] =	vst v15  }
0x15c: {  	[tilespmem:s18+$0x800] =	vst v0  }
0x15d: {  	[tilespmem:s18+$0x810] =	vst v1  }
0x15e: {  	[tilespmem:s18+$0x820] =	vst v2  }
0x15f: {  	[tilespmem:s18+$0x830] =	vst v3  }
0x160: {  	[tilespmem:s18+$0x840] =	vst v4  }
0x161: {  	[tilespmem:s18+$0x850] =	vst v5  }
0x162: {  	[tilespmem:s18+$0x860] =	vst v6  }
0x163: {  	[tilespmem:s18+$0x870] =	vst v7  }
0x164: {  	[tilespmem:s18+$0xC00] =	vst v8  }
0x165: {  	[tilespmem:s18+$0xC10] =	vst v9  }
0x166: {  	[tilespmem:s18+$0xC20] =	vst v10  }
0x167: {  	[tilespmem:s18+$0xC30] =	vst v11  }
0x168: {  	[tilespmem:s18+$0xC40] =	vst v12  }
0x169: {  	[tilespmem:s18+$0xC50] =	vst v13  }
0x16a: {  	[tilespmem:s18+$0xC60] =	vst v14;
	s18 =	simm.s32 $0x0  }
0x16b: {  	[hbm4b:s31+s18] =	stream.linear.scatter [tilespmem:s18], [sflag:$0x1], $0xC000, $0x38;
	[tilespmem:$0x1E900] =	vst v63  }
0x16c: {  	s23 =	rddreg [dreg:$0x8]  }
0x16d: {  	[hbm4b:s23+s18] =	stream.linear.scatter [tilespmem:s18], [sflag:$0x1], $0xC000, $0x38;
	[tilespmem:$0x1E900] =	vst v63  }
0x16e: {  	s24 =	rddreg [dreg:$0x9]  }
0x16f: {  	[hbm4b:s24+s18] =	stream.linear.scatter [tilespmem:s18], [sflag:$0x1], $0xC000, $0x38;
	[tilespmem:$0x1E900] =	vst v63  }
0x170: {  	s25 =	rddreg [dreg:$0xa]  }
0x171: {  	[hbm4b:s25+s18] =	stream.linear.scatter [tilespmem:s18], [sflag:$0x1], $0xC000, $0x38;
	[tilespmem:$0x1E900] =	vst v63  }
0x172: {  	v0 =	vld [tilespmem:$0x18180]  }
0x173: {  	v1 =	vld [tilespmem:$0x18190]  }
0x174: {  	v2 =	vld [tilespmem:$0x181A0]  }
0x175: {  	v3 =	vld [tilespmem:$0x181B0]  }
0x176: {  	v4 =	vld [tilespmem:$0x181C0]  }
0x177: {  	v5 =	vld [tilespmem:$0x181D0]  }
0x178: {  	v6 =	vld [tilespmem:$0x181E0]  }
0x179: {  	v7 =	vld [tilespmem:$0x181F0]  }
0x17a: {  	v8 =	vld [tilespmem:$0x18580]  }
0x17b: {  	v9 =	vld [tilespmem:$0x18590]  }
0x17c: {  	s26 =	simm.s32 $0x0;
	v15 =	vld [tilespmem:$0x185F0]  }
0x17d: {  	s19 =	smul.u32 $0x6000, s26;
	v10 =	vld [tilespmem:$0x185A0]  }
0x17e: {  	v11 =	vld [tilespmem:$0x185B0]  }
0x17f: {  	s19 =	sshra.s32 s19, $0x2;
	s30 =	sand.u32 $0x380, s18;
	v12 =	vld [tilespmem:$0x185C0]  }
0x180: {  	s19 =	sor.u32 s30, s19;
	v13 =	vld [tilespmem:$0x185D0]  }
0x181: {  	v14 =	vld [tilespmem:$0x185E0];
	[tilespmem:s19+$0xCC70] =	vst v15  }
0x182: {  	[tilespmem:s19+$0xC800] =	vst v0  }
0x183: {  	[tilespmem:s19+$0xC810] =	vst v1  }
0x184: {  	[tilespmem:s19+$0xC820] =	vst v2  }
0x185: {  	[tilespmem:s19+$0xC830] =	vst v3  }
0x186: {  	[tilespmem:s19+$0xC840] =	vst v4  }
0x187: {  	[tilespmem:s19+$0xC850] =	vst v5  }
0x188: {  	[tilespmem:s19+$0xC860] =	vst v6  }
0x189: {  	[tilespmem:s19+$0xC870] =	vst v7  }
0x18a: {  	[tilespmem:s19+$0xCC00] =	vst v8  }
0x18b: {  	[tilespmem:s19+$0xCC10] =	vst v9  }
0x18c: {  	s22 =	simm.s32 $0x0;
	s21 =	simm.s32 $0x2;
	[tilespmem:s19+$0xCC20] =	vst v10  }
.LBB2_8:
0x18d: {  	p0 =	sne.s32 s21, $0x3F;
	s22 =	smul.u32 $0x6000, s22;
	[tilespmem:s19+$0xCC30] =	vst v11  }
0x18e: {  	s18 =	sadd.s32 $0x80, s18;
	[tilespmem:s19+$0xCC40] =	vst v12  }
0x18f: {  	s23 =	sand.u32 $0x380, s18;
	s22 =	sshra.s32 s22, $0x2;
	[tilespmem:s19+$0xCC50] =	vst v13  }
0x190: {  	[tilespmem:s19+$0xCC60] =	vst v14;
	s19 =	sor.u32 s23, s22  }
0x191: {  	[tilespmem:s19+$0xCC70] =	vst v15  }
0x192: {  	[tilespmem:s19+$0xC800] =	vst v0  }
0x193: {  	[tilespmem:s19+$0xC810] =	vst v1  }
0x194: {  	[tilespmem:s19+$0xC820] =	vst v2  }
0x195: {  	[tilespmem:s19+$0xC830] =	vst v3  }
0x196: {  	[tilespmem:s19+$0xC840] =	vst v4  }
0x197: {  	[tilespmem:s19+$0xC850] =	vst v5  }
.Ltmp3:
0x198: {  	[tilespmem:s19+$0xC860] =	vst v6;
	(pc) =	sbr.rel @p0 .LBB2_8-.Ltmp3, $4  }
0x199: {  	[tilespmem:s19+$0xC870] =	vst v7  }
0x19a: {  	[tilespmem:s19+$0xCC00] =	vst v8  }
0x19b: {  	[tilespmem:s19+$0xCC10] =	vst v9  }
0x19c: {  	s22 =	sshrl.u32 s21, $0x3;
	s21 =	sadd.s32 $0x1, s21;
	[tilespmem:s19+$0xCC20] =	vst v10  }
0x19d: {  	s21 =	smul.u32 $0x6000, s22;
	[tilespmem:s19+$0xCC30] =	vst v11  }
0x19e: {  	[tilespmem:s19+$0xCC40] =	vst v12;
	s18 =	sadd.s32 $0x80, s18  }
0x19f: {  	[tilespmem:s19+$0xCC50] =	vst v13;
	s18 =	sand.u32 $0x380, s18;
	s21 =	sshra.s32 s21, $0x2  }
0x1a0: {  	[tilespmem:s19+$0xCC60] =	vst v14;
	s18 =	sor.u32 s18, s21  }
0x1a1: {  	[tilespmem:s18+$0xCC70] =	vst v15  }
0x1a2: {  	[tilespmem:s18+$0xC800] =	vst v0  }
0x1a3: {  	[tilespmem:s18+$0xC810] =	vst v1  }
0x1a4: {  	[tilespmem:s18+$0xC820] =	vst v2  }
0x1a5: {  	[tilespmem:s18+$0xC830] =	vst v3  }
0x1a6: {  	[tilespmem:s18+$0xC840] =	vst v4  }
0x1a7: {  	[tilespmem:s18+$0xC850] =	vst v5  }
0x1a8: {  	[tilespmem:s18+$0xC860] =	vst v6  }
0x1a9: {  	[tilespmem:s18+$0xC870] =	vst v7  }
0x1aa: {  	[tilespmem:s18+$0xCC00] =	vst v8  }
0x1ab: {  	[tilespmem:s18+$0xCC10] =	vst v9  }
0x1ac: {  	[tilespmem:s18+$0xCC20] =	vst v10  }
0x1ad: {  	[tilespmem:s18+$0xCC30] =	vst v11  }
0x1ae: {  	[tilespmem:s18+$0xCC40] =	vst v12  }
0x1af: {  	[tilespmem:s18+$0xCC50] =	vst v13  }
0x1b0: {  	[tilespmem:s18+$0xCC60] =	vst v14  }
0x1b1: {  	[spmem:s8] =	stream.linear.scatter [tilespmem:s12], [sflag:$0x4], $0x3000, $0x38;
	[tilespmem:$0x1E900] =	vst v63  }
0x1b2: {  	s23 =	stileid.u32;
	_ =	swait.ge [sflag:s11], $0x3000  }
0x1b3: {  	s22 =	sshrl.u32 s8, $0x3;
	s18 =	sshll.u32 s23, $0x6;
	[sflag:s11] =	ssyncset.done $0x0  }
0x1b4: {  	s21 =	sor.u32 $0x1C02, s18;
	s24 =	rddreg [dreg:$0xb];
	[sflag:s11] =	ssyncadd.s32 $0xFFFFD000  }
0x1b5: {  	[hbm:s24], [sflag:s21] =	dma.local [spmem:s22], $0x600  }
0x1b6: {  	s19 =	rddreg [dreg:$0xc]  }
0x1b7: {  	[hbm:s19], [sflag:s21] =	dma.local [spmem:s22], $0x600  }
0x1b8: {  	s19 =	rddreg [dreg:$0xd]  }
0x1b9: {  	[hbm:s19], [sflag:s21] =	dma.local [spmem:s22], $0x600  }
0x1ba: {  	s19 =	rddreg [dreg:$0xe]  }
0x1bb: {  	[hbm:s19], [sflag:s21] =	dma.local [spmem:s22], $0x600  }
0x1bc: {  	[spmem:s29] =	stream.linear.scatter [tilespmem:s13], [sflag:$0x4], $0x3000, $0x38;
	[tilespmem:$0x1E900] =	vst v63  }
0x1bd: {  	_ =	swait.ge [sflag:s11], $0x3000  }
0x1be: {  	s18 =	sor.u32 $0x1C03, s18;
	[sflag:s11] =	ssyncset.done $0x0  }
0x1bf: {  	s19 =	sshrl.u32 s29, $0x3;
	s23 =	rddreg [dreg:$0x15];
	[sflag:s11] =	ssyncadd.s32 $0xFFFFD000  }
0x1c0: {  	[hbm:s23], [sflag:s18] =	dma.local [spmem:s19], $0x600  }
0x1c1: {  	s23 =	rddreg [dreg:$0xf]  }
0x1c2: {  	[hbm:s23], [sflag:s18] =	dma.local [spmem:s19], $0x600  }
0x1c3: {  	s23 =	rddreg [dreg:$0x10]  }
0x1c4: {  	[hbm:s23], [sflag:s18] =	dma.local [spmem:s19], $0x600  }
0x1c5: {  	s23 =	rddreg [dreg:$0x11]  }
0x1c6: {  	[hbm:s23], [sflag:s18] =	dma.local [spmem:s19], $0x600  }
0x1c7: {  	_ =	swait.ge [sflag:s14], $0x600  }
0x1c8: {  	[sflag:s14] =	ssyncset.done $0x0  }
0x1c9: {  	[sflag:s14] =	ssyncadd.s32 $0xFFFFFA00  }
0x1ca: {  	_ =	swait.ge [sflag:s14], $0x600  }
0x1cb: {  	[sflag:s14] =	ssyncset.done $0x0  }
0x1cc: {  	[sflag:s14] =	ssyncadd.s32 $0xFFFFFA00  }
0x1cd: {  	_ =	swait.ge [sflag:s14], $0x600  }
0x1ce: {  	[sflag:s14] =	ssyncset.done $0x0  }
0x1cf: {  	[sflag:s14] =	ssyncadd.s32 $0xFFFFFA00  }
0x1d0: {  	_ =	swait.ge [sflag:s14], $0x600  }
0x1d1: {  	[sflag:s14] =	ssyncset.done $0x0  }
0x1d2: {  	[sflag:s14] =	ssyncadd.s32 $0xFFFFFA00  }
0x1d3: {  	[spmem:s8] =	stream.linear.scatter [tilespmem:s15], [sflag:$0x4], $0x3000, $0x38;
	[tilespmem:$0x1E900] =	vst v63  }
0x1d4: {  	_ =	swait.ge [sflag:s11], $0x3000  }
0x1d5: {  	s25 =	sld [smem:$0x7F8]  }
0x1d6: {  	[sflag:s11] =	ssyncset.done $0x0  }
0x1d7: {  	[sflag:s11] =	ssyncadd.s32 $0xFFFFD000  }
0x1d8: {  	[hbm:s25], [sflag:s21] =	dma.local [spmem:s22], $0x600  }
0x1d9: {  	s23 =	rddreg [dreg:$0x12]  }
0x1da: {  	[hbm:s23], [sflag:s21] =	dma.local [spmem:s22], $0x600  }
0x1db: {  	s23 =	rddreg [dreg:$0x13]  }
0x1dc: {  	[hbm:s23], [sflag:s21] =	dma.local [spmem:s22], $0x600  }
0x1dd: {  	s23 =	rddreg [dreg:$0x14]  }
0x1de: {  	[hbm:s23], [sflag:s21] =	dma.local [spmem:s22], $0x600  }
0x1df: {  	_ =	swait.ge [sflag:s16], $0x600  }
0x1e0: {  	[sflag:s16] =	ssyncset.done $0x0  }
0x1e1: {  	[sflag:s16] =	ssyncadd.s32 $0xFFFFFA00  }
0x1e2: {  	_ =	swait.ge [sflag:s16], $0x600  }
0x1e3: {  	[sflag:s16] =	ssyncset.done $0x0  }
0x1e4: {  	[sflag:s16] =	ssyncadd.s32 $0xFFFFFA00  }
0x1e5: {  	_ =	swait.ge [sflag:s16], $0x600  }
0x1e6: {  	[sflag:s16] =	ssyncset.done $0x0  }
0x1e7: {  	[sflag:s16] =	ssyncadd.s32 $0xFFFFFA00  }
0x1e8: {  	_ =	swait.ge [sflag:s16], $0x600  }
0x1e9: {  	[sflag:s16] =	ssyncset.done $0x0  }
0x1ea: {  	[sflag:s16] =	ssyncadd.s32 $0xFFFFFA00  }
0x1eb: {  	[spmem:s29] =	stream.linear.scatter [tilespmem:s4], [sflag:$0x4], $0x3000, $0x38;
	[tilespmem:$0x1E900] =	vst v63  }
0x1ec: {  	_ =	swait.ge [sflag:s11], $0x3000  }
0x1ed: {  	[sflag:s11] =	ssyncset.done $0x0  }
0x1ee: {  	s26 =	rddreg [dreg:$0x16];
	[sflag:s11] =	ssyncadd.s32 $0xFFFFD000  }
0x1ef: {  	[hbm:s26], [sflag:s18] =	dma.local [spmem:s19], $0x600  }
0x1f0: {  	s23 =	rddreg [dreg:$0x17]  }
0x1f1: {  	[hbm:s23], [sflag:s18] =	dma.local [spmem:s19], $0x600  }
0x1f2: {  	s23 =	rddreg [dreg:$0x18]  }
0x1f3: {  	[hbm:s23], [sflag:s18] =	dma.local [spmem:s19], $0x600  }
0x1f4: {  	s23 =	rddreg [dreg:$0x19]  }
0x1f5: {  	[hbm:s23], [sflag:s18] =	dma.local [spmem:s19], $0x600  }
0x1f6: {  	_ =	swait.ge [sflag:s28], $0xC000  }
0x1f7: {  	[sflag:s28] =	ssyncset.done $0x0  }
0x1f8: {  	[sflag:s28] =	ssyncadd.s32 $0xFFFF4000  }
0x1f9: {  	_ =	swait.ge [sflag:s28], $0xC000  }
0x1fa: {  	[sflag:s28] =	ssyncset.done $0x0  }
0x1fb: {  	[sflag:s28] =	ssyncadd.s32 $0xFFFF4000  }
0x1fc: {  	_ =	swait.ge [sflag:s28], $0xC000  }
0x1fd: {  	[sflag:s28] =	ssyncset.done $0x0  }
0x1fe: {  	[sflag:s28] =	ssyncadd.s32 $0xFFFF4000  }
0x1ff: {  	_ =	swait.ge [sflag:s28], $0xC000  }
0x200: {  	[sflag:s28] =	ssyncset.done $0x0  }
0x201: {  	[sflag:s28] =	ssyncadd.s32 $0xFFFF4000  }
0x202: {  	v0 =	vld [tilespmem:$0x18200]  }
0x203: {  	v1 =	vld [tilespmem:$0x18210]  }
0x204: {  	v2 =	vld [tilespmem:$0x18220]  }
0x205: {  	v3 =	vld [tilespmem:$0x18230]  }
0x206: {  	v4 =	vld [tilespmem:$0x18240]  }
0x207: {  	v5 =	vld [tilespmem:$0x18250]  }
0x208: {  	v6 =	vld [tilespmem:$0x18260]  }
0x209: {  	v7 =	vld [tilespmem:$0x18270]  }
0x20a: {  	v8 =	vld [tilespmem:$0x18600]  }
0x20b: {  	v9 =	vld [tilespmem:$0x18610]  }
0x20c: {  	s30 =	simm.s32 $0x0;
	v15 =	vld [tilespmem:$0x18670]  }
0x20d: {  	s24 =	smul.u32 $0x6000, s30;
	v10 =	vld [tilespmem:$0x18620]  }
0x20e: {  	s23 =	simm.s32 $0x0;
	v11 =	vld [tilespmem:$0x18630]  }
0x20f: {  	s24 =	sshra.s32 s24, $0x2;
	s25 =	sand.u32 $0x380, s23;
	v12 =	vld [tilespmem:$0x18640]  }
0x210: {  	s24 =	sor.u32 s25, s24;
	v13 =	vld [tilespmem:$0x18650]  }
0x211: {  	v14 =	vld [tilespmem:$0x18660];
	[tilespmem:s24+$0xC70] =	vst v15  }
0x212: {  	[tilespmem:s24+$0x800] =	vst v0  }
0x213: {  	[tilespmem:s24+$0x810] =	vst v1  }
0x214: {  	[tilespmem:s24+$0x820] =	vst v2  }
0x215: {  	[tilespmem:s24+$0x830] =	vst v3  }
0x216: {  	[tilespmem:s24+$0x840] =	vst v4  }
0x217: {  	[tilespmem:s24+$0x850] =	vst v5  }
0x218: {  	[tilespmem:s24+$0x860] =	vst v6  }
0x219: {  	[tilespmem:s24+$0x870] =	vst v7  }
0x21a: {  	[tilespmem:s24+$0xC00] =	vst v8  }
0x21b: {  	[tilespmem:s24+$0xC10] =	vst v9  }
0x21c: {  	s26 =	simm.s32 $0x0;
	s25 =	simm.s32 $0x2;
	[tilespmem:s24+$0xC20] =	vst v10  }
.LBB2_10:
0x21d: {  	p0 =	sne.s32 s25, $0x3F;
	s26 =	smul.u32 $0x6000, s26;
	[tilespmem:s24+$0xC30] =	vst v11  }
0x21e: {  	s23 =	sadd.s32 $0x80, s23;
	[tilespmem:s24+$0xC40] =	vst v12  }
0x21f: {  	s30 =	sand.u32 $0x380, s23;
	s26 =	sshra.s32 s26, $0x2;
	[tilespmem:s24+$0xC50] =	vst v13  }
0x220: {  	[tilespmem:s24+$0xC60] =	vst v14;
	s24 =	sor.u32 s30, s26  }
0x221: {  	[tilespmem:s24+$0xC70] =	vst v15  }
0x222: {  	[tilespmem:s24+$0x800] =	vst v0  }
0x223: {  	[tilespmem:s24+$0x810] =	vst v1  }
0x224: {  	[tilespmem:s24+$0x820] =	vst v2  }
0x225: {  	[tilespmem:s24+$0x830] =	vst v3  }
0x226: {  	[tilespmem:s24+$0x840] =	vst v4  }
0x227: {  	[tilespmem:s24+$0x850] =	vst v5  }
.Ltmp4:
0x228: {  	[tilespmem:s24+$0x860] =	vst v6;
	(pc) =	sbr.rel @p0 .LBB2_10-.Ltmp4, $4  }
0x229: {  	[tilespmem:s24+$0x870] =	vst v7  }
0x22a: {  	[tilespmem:s24+$0xC00] =	vst v8  }
0x22b: {  	[tilespmem:s24+$0xC10] =	vst v9  }
0x22c: {  	s26 =	sshrl.u32 s25, $0x3;
	s25 =	sadd.s32 $0x1, s25;
	[tilespmem:s24+$0xC20] =	vst v10  }
0x22d: {  	s25 =	smul.u32 $0x6000, s26;
	[tilespmem:s24+$0xC30] =	vst v11  }
0x22e: {  	[tilespmem:s24+$0xC40] =	vst v12;
	s23 =	sadd.s32 $0x80, s23  }
0x22f: {  	[tilespmem:s24+$0xC50] =	vst v13;
	s23 =	sand.u32 $0x380, s23;
	s25 =	sshra.s32 s25, $0x2  }
0x230: {  	[tilespmem:s24+$0xC60] =	vst v14;
	s23 =	sor.u32 s23, s25  }
0x231: {  	[tilespmem:s23+$0xC70] =	vst v15  }
0x232: {  	[tilespmem:s23+$0x800] =	vst v0  }
0x233: {  	[tilespmem:s23+$0x810] =	vst v1  }
0x234: {  	[tilespmem:s23+$0x820] =	vst v2  }
0x235: {  	[tilespmem:s23+$0x830] =	vst v3  }
0x236: {  	[tilespmem:s23+$0x840] =	vst v4  }
0x237: {  	[tilespmem:s23+$0x850] =	vst v5  }
0x238: {  	[tilespmem:s23+$0x860] =	vst v6  }
0x239: {  	[tilespmem:s23+$0x870] =	vst v7  }
0x23a: {  	[tilespmem:s23+$0xC00] =	vst v8  }
0x23b: {  	[tilespmem:s23+$0xC10] =	vst v9  }
0x23c: {  	[tilespmem:s23+$0xC20] =	vst v10  }
0x23d: {  	[tilespmem:s23+$0xC30] =	vst v11  }
0x23e: {  	s25 =	sld [smem:$0x7FC];
	[tilespmem:s23+$0xC40] =	vst v12  }
0x23f: {  	[tilespmem:s23+$0xC50] =	vst v13  }
0x240: {  	[tilespmem:s23+$0xC60] =	vst v14;
	s23 =	simm.s32 $0x0  }
0x241: {  	[hbm4b:s25+s23] =	stream.linear.scatter [tilespmem:s23], [sflag:$0x1], $0xC000, $0x38;
	[tilespmem:$0x1E900] =	vst v63  }
0x242: {  	s26 =	rddreg [dreg:$0x1a]  }
0x243: {  	[hbm4b:s26+s23] =	stream.linear.scatter [tilespmem:s23], [sflag:$0x1], $0xC000, $0x38;
	[tilespmem:$0x1E900] =	vst v63  }
0x244: {  	s30 =	rddreg [dreg:$0x1b]  }
0x245: {  	[hbm4b:s30+s23] =	stream.linear.scatter [tilespmem:s23], [sflag:$0x1], $0xC000, $0x38;
	[tilespmem:$0x1E900] =	vst v63  }
0x246: {  	s25 =	rddreg [dreg:$0x1c]  }
0x247: {  	[hbm4b:s25+s23] =	stream.linear.scatter [tilespmem:s23], [sflag:$0x1], $0xC000, $0x38;
	[tilespmem:$0x1E900] =	vst v63  }
0x248: {  	v0 =	vld [tilespmem:$0x18280]  }
0x249: {  	v1 =	vld [tilespmem:$0x18290]  }
0x24a: {  	v2 =	vld [tilespmem:$0x182A0]  }
0x24b: {  	v3 =	vld [tilespmem:$0x182B0]  }
0x24c: {  	v4 =	vld [tilespmem:$0x182C0]  }
0x24d: {  	v5 =	vld [tilespmem:$0x182D0]  }
0x24e: {  	v6 =	vld [tilespmem:$0x182E0]  }
0x24f: {  	v7 =	vld [tilespmem:$0x182F0]  }
0x250: {  	v8 =	vld [tilespmem:$0x18680]  }
0x251: {  	v9 =	vld [tilespmem:$0x18690]  }
0x252: {  	s26 =	simm.s32 $0x0;
	v15 =	vld [tilespmem:$0x186F0]  }
0x253: {  	s24 =	smul.u32 $0x6000, s26;
	v10 =	vld [tilespmem:$0x186A0]  }
0x254: {  	v11 =	vld [tilespmem:$0x186B0]  }
0x255: {  	s30 =	sand.u32 $0x380, s23;
	s24 =	sshra.s32 s24, $0x2;
	v12 =	vld [tilespmem:$0x186C0]  }
0x256: {  	s24 =	sor.u32 s30, s24;
	v13 =	vld [tilespmem:$0x186D0]  }
0x257: {  	v14 =	vld [tilespmem:$0x186E0];
	[tilespmem:s24+$0xCC70] =	vst v15  }
0x258: {  	[tilespmem:s24+$0xC800] =	vst v0  }
0x259: {  	[tilespmem:s24+$0xC810] =	vst v1  }
0x25a: {  	[tilespmem:s24+$0xC820] =	vst v2  }
0x25b: {  	[tilespmem:s24+$0xC830] =	vst v3  }
0x25c: {  	[tilespmem:s24+$0xC840] =	vst v4  }
0x25d: {  	[tilespmem:s24+$0xC850] =	vst v5  }
0x25e: {  	[tilespmem:s24+$0xC860] =	vst v6  }
0x25f: {  	[tilespmem:s24+$0xC870] =	vst v7  }
0x260: {  	[tilespmem:s24+$0xCC00] =	vst v8  }
0x261: {  	[tilespmem:s24+$0xCC10] =	vst v9  }
0x262: {  	s26 =	simm.s32 $0x0;
	s25 =	simm.s32 $0x2;
	[tilespmem:s24+$0xCC20] =	vst v10  }
.LBB2_12:
0x263: {  	p0 =	sne.s32 s25, $0x3F;
	s26 =	smul.u32 $0x6000, s26;
	[tilespmem:s24+$0xCC30] =	vst v11  }
0x264: {  	s23 =	sadd.s32 $0x80, s23;
	[tilespmem:s24+$0xCC40] =	vst v12  }
0x265: {  	s30 =	sand.u32 $0x380, s23;
	s26 =	sshra.s32 s26, $0x2;
	[tilespmem:s24+$0xCC50] =	vst v13  }
0x266: {  	[tilespmem:s24+$0xCC60] =	vst v14;
	s24 =	sor.u32 s30, s26  }
0x267: {  	[tilespmem:s24+$0xCC70] =	vst v15  }
0x268: {  	[tilespmem:s24+$0xC800] =	vst v0  }
0x269: {  	[tilespmem:s24+$0xC810] =	vst v1  }
0x26a: {  	[tilespmem:s24+$0xC820] =	vst v2  }
0x26b: {  	[tilespmem:s24+$0xC830] =	vst v3  }
0x26c: {  	[tilespmem:s24+$0xC840] =	vst v4  }
0x26d: {  	[tilespmem:s24+$0xC850] =	vst v5  }
.Ltmp5:
0x26e: {  	[tilespmem:s24+$0xC860] =	vst v6;
	(pc) =	sbr.rel @p0 .LBB2_12-.Ltmp5, $4  }
0x26f: {  	[tilespmem:s24+$0xC870] =	vst v7  }
0x270: {  	[tilespmem:s24+$0xCC00] =	vst v8  }
0x271: {  	[tilespmem:s24+$0xCC10] =	vst v9  }
0x272: {  	s26 =	sshrl.u32 s25, $0x3;
	s25 =	sadd.s32 $0x1, s25;
	[tilespmem:s24+$0xCC20] =	vst v10  }
0x273: {  	s25 =	smul.u32 $0x6000, s26;
	[tilespmem:s24+$0xCC30] =	vst v11  }
0x274: {  	[tilespmem:s24+$0xCC40] =	vst v12;
	s23 =	sadd.s32 $0x80, s23  }
0x275: {  	[tilespmem:s24+$0xCC50] =	vst v13;
	s23 =	sand.u32 $0x380, s23;
	s25 =	sshra.s32 s25, $0x2  }
0x276: {  	[tilespmem:s24+$0xCC60] =	vst v14;
	s23 =	sor.u32 s23, s25  }
0x277: {  	[tilespmem:s23+$0xCC70] =	vst v15  }
0x278: {  	[tilespmem:s23+$0xC800] =	vst v0  }
0x279: {  	[tilespmem:s23+$0xC810] =	vst v1  }
0x27a: {  	[tilespmem:s23+$0xC820] =	vst v2  }
0x27b: {  	[tilespmem:s23+$0xC830] =	vst v3  }
0x27c: {  	[tilespmem:s23+$0xC840] =	vst v4  }
0x27d: {  	[tilespmem:s23+$0xC850] =	vst v5  }
0x27e: {  	[tilespmem:s23+$0xC860] =	vst v6  }
0x27f: {  	[tilespmem:s23+$0xC870] =	vst v7  }
0x280: {  	[tilespmem:s23+$0xCC00] =	vst v8  }
0x281: {  	[tilespmem:s23+$0xCC10] =	vst v9  }
0x282: {  	[tilespmem:s23+$0xCC20] =	vst v10  }
0x283: {  	[tilespmem:s23+$0xCC30] =	vst v11  }
0x284: {  	[tilespmem:s23+$0xCC40] =	vst v12  }
0x285: {  	[tilespmem:s23+$0xCC50] =	vst v13  }
0x286: {  	[tilespmem:s23+$0xCC60] =	vst v14  }
0x287: {  	_ =	swait.ge [sflag:s14], $0x600  }
0x288: {  	[sflag:s14] =	ssyncset.done $0x0  }
0x289: {  	[sflag:s14] =	ssyncadd.s32 $0xFFFFFA00  }
0x28a: {  	_ =	swait.ge [sflag:s14], $0x600  }
0x28b: {  	[sflag:s14] =	ssyncset.done $0x0  }
0x28c: {  	[sflag:s14] =	ssyncadd.s32 $0xFFFFFA00  }
0x28d: {  	_ =	swait.ge [sflag:s14], $0x600  }
0x28e: {  	[sflag:s14] =	ssyncset.done $0x0  }
0x28f: {  	[sflag:s14] =	ssyncadd.s32 $0xFFFFFA00  }
0x290: {  	_ =	swait.ge [sflag:s14], $0x600  }
0x291: {  	[sflag:s14] =	ssyncset.done $0x0  }
0x292: {  	[sflag:s14] =	ssyncadd.s32 $0xFFFFFA00  }
0x293: {  	[spmem:s8] =	stream.linear.scatter [tilespmem:s12], [sflag:$0x4], $0x3000, $0x38;
	[tilespmem:$0x1E900] =	vst v63  }
0x294: {  	_ =	swait.ge [sflag:s11], $0x3000  }
0x295: {  	[sflag:s11] =	ssyncset.done $0x0  }
0x296: {  	s25 =	rddreg [dreg:$0x1d];
	[sflag:s11] =	ssyncadd.s32 $0xFFFFD000  }
0x297: {  	[hbm:s25], [sflag:s21] =	dma.local [spmem:s22], $0x600  }
0x298: {  	s23 =	rddreg [dreg:$0x1e]  }
0x299: {  	[hbm:s23], [sflag:s21] =	dma.local [spmem:s22], $0x600  }
0x29a: {  	s23 =	rddreg [dreg:$0x1f]  }
0x29b: {  	[hbm:s23], [sflag:s21] =	dma.local [spmem:s22], $0x600  }
0x29c: {  	s23 =	sld [smem:$0x7C7];
	_ =	sdelay $0x2  }
0x29d: {  	[hbm:s23], [sflag:s21] =	dma.local [spmem:s22], $0x600  }
0x29e: {  	_ =	swait.ge [sflag:s16], $0x600  }
0x29f: {  	[sflag:s16] =	ssyncset.done $0x0  }
0x2a0: {  	[sflag:s16] =	ssyncadd.s32 $0xFFFFFA00  }
0x2a1: {  	_ =	swait.ge [sflag:s16], $0x600  }
0x2a2: {  	[sflag:s16] =	ssyncset.done $0x0  }
0x2a3: {  	[sflag:s16] =	ssyncadd.s32 $0xFFFFFA00  }
0x2a4: {  	_ =	swait.ge [sflag:s16], $0x600  }
0x2a5: {  	[sflag:s16] =	ssyncset.done $0x0  }
0x2a6: {  	[sflag:s16] =	ssyncadd.s32 $0xFFFFFA00  }
0x2a7: {  	_ =	swait.ge [sflag:s16], $0x600  }
0x2a8: {  	[sflag:s16] =	ssyncset.done $0x0  }
0x2a9: {  	[sflag:s16] =	ssyncadd.s32 $0xFFFFFA00  }
0x2aa: {  	[spmem:s29] =	stream.linear.scatter [tilespmem:s13], [sflag:$0x4], $0x3000, $0x38;
	[tilespmem:$0x1E900] =	vst v63  }
0x2ab: {  	_ =	swait.ge [sflag:s11], $0x3000  }
0x2ac: {  	s26 =	sld [smem:$0x7CE]  }
0x2ad: {  	[sflag:s11] =	ssyncset.done $0x0  }
0x2ae: {  	[sflag:s11] =	ssyncadd.s32 $0xFFFFD000  }
0x2af: {  	[hbm:s26], [sflag:s18] =	dma.local [spmem:s19], $0x600  }
0x2b0: {  	s23 =	sld [smem:$0x7C8];
	_ =	sdelay $0x2  }
0x2b1: {  	[hbm:s23], [sflag:s18] =	dma.local [spmem:s19], $0x600  }
0x2b2: {  	s23 =	sld [smem:$0x7C9];
	_ =	sdelay $0x2  }
0x2b3: {  	[hbm:s23], [sflag:s18] =	dma.local [spmem:s19], $0x600  }
0x2b4: {  	s23 =	sld [smem:$0x7CA];
	_ =	sdelay $0x2  }
0x2b5: {  	[hbm:s23], [sflag:s18] =	dma.local [spmem:s19], $0x600  }
0x2b6: {  	_ =	swait.ge [sflag:s14], $0x600  }
0x2b7: {  	[sflag:s14] =	ssyncset.done $0x0  }
0x2b8: {  	[sflag:s14] =	ssyncadd.s32 $0xFFFFFA00  }
0x2b9: {  	_ =	swait.ge [sflag:s14], $0x600  }
0x2ba: {  	[sflag:s14] =	ssyncset.done $0x0  }
0x2bb: {  	[sflag:s14] =	ssyncadd.s32 $0xFFFFFA00  }
0x2bc: {  	_ =	swait.ge [sflag:s14], $0x600  }
0x2bd: {  	[sflag:s14] =	ssyncset.done $0x0  }
0x2be: {  	[sflag:s14] =	ssyncadd.s32 $0xFFFFFA00  }
0x2bf: {  	_ =	swait.ge [sflag:s14], $0x600  }
0x2c0: {  	[sflag:s14] =	ssyncset.done $0x0  }
0x2c1: {  	[sflag:s14] =	ssyncadd.s32 $0xFFFFFA00  }
0x2c2: {  	[spmem:s8] =	stream.linear.scatter [tilespmem:s15], [sflag:$0x4], $0x3000, $0x38;
	[tilespmem:$0x1E900] =	vst v63  }
0x2c3: {  	_ =	swait.ge [sflag:s11], $0x3000  }
0x2c4: {  	s30 =	sld [smem:$0x7F9]  }
0x2c5: {  	[sflag:s11] =	ssyncset.done $0x0  }
0x2c6: {  	[sflag:s11] =	ssyncadd.s32 $0xFFFFD000  }
0x2c7: {  	[hbm:s30], [sflag:s21] =	dma.local [spmem:s22], $0x600  }
0x2c8: {  	s23 =	sld [smem:$0x7CB];
	_ =	sdelay $0x2  }
0x2c9: {  	[hbm:s23], [sflag:s21] =	dma.local [spmem:s22], $0x600  }
0x2ca: {  	s23 =	sld [smem:$0x7CC];
	_ =	sdelay $0x2  }
0x2cb: {  	[hbm:s23], [sflag:s21] =	dma.local [spmem:s22], $0x600  }
0x2cc: {  	s23 =	sld [smem:$0x7CD];
	_ =	sdelay $0x2  }
0x2cd: {  	[hbm:s23], [sflag:s21] =	dma.local [spmem:s22], $0x600  }
0x2ce: {  	_ =	swait.ge [sflag:s16], $0x600  }
0x2cf: {  	[sflag:s16] =	ssyncset.done $0x0  }
0x2d0: {  	[sflag:s16] =	ssyncadd.s32 $0xFFFFFA00  }
0x2d1: {  	_ =	swait.ge [sflag:s16], $0x600  }
0x2d2: {  	[sflag:s16] =	ssyncset.done $0x0  }
0x2d3: {  	[sflag:s16] =	ssyncadd.s32 $0xFFFFFA00  }
0x2d4: {  	_ =	swait.ge [sflag:s16], $0x600  }
0x2d5: {  	[sflag:s16] =	ssyncset.done $0x0  }
0x2d6: {  	[sflag:s16] =	ssyncadd.s32 $0xFFFFFA00  }
0x2d7: {  	_ =	swait.ge [sflag:s16], $0x600  }
0x2d8: {  	[sflag:s16] =	ssyncset.done $0x0  }
0x2d9: {  	[sflag:s16] =	ssyncadd.s32 $0xFFFFFA00  }
0x2da: {  	[spmem:s29] =	stream.linear.scatter [tilespmem:s4], [sflag:$0x4], $0x3000, $0x38;
	[tilespmem:$0x1E900] =	vst v63  }
0x2db: {  	_ =	swait.ge [sflag:s11], $0x3000  }
0x2dc: {  	s24 =	sld [smem:$0x7CF]  }
0x2dd: {  	[sflag:s11] =	ssyncset.done $0x0  }
0x2de: {  	[sflag:s11] =	ssyncadd.s32 $0xFFFFD000  }
0x2df: {  	[hbm:s24], [sflag:s18] =	dma.local [spmem:s19], $0x600  }
0x2e0: {  	s23 =	sld [smem:$0x7D0];
	_ =	sdelay $0x2  }
0x2e1: {  	[hbm:s23], [sflag:s18] =	dma.local [spmem:s19], $0x600  }
0x2e2: {  	s23 =	sld [smem:$0x7D1];
	_ =	sdelay $0x2  }
0x2e3: {  	[hbm:s23], [sflag:s18] =	dma.local [spmem:s19], $0x600  }
0x2e4: {  	s23 =	sld [smem:$0x7D2];
	_ =	sdelay $0x2  }
0x2e5: {  	[hbm:s23], [sflag:s18] =	dma.local [spmem:s19], $0x600  }
0x2e6: {  	_ =	swait.ge [sflag:s28], $0xC000  }
0x2e7: {  	[sflag:s28] =	ssyncset.done $0x0  }
0x2e8: {  	[sflag:s28] =	ssyncadd.s32 $0xFFFF4000  }
0x2e9: {  	_ =	swait.ge [sflag:s28], $0xC000  }
0x2ea: {  	[sflag:s28] =	ssyncset.done $0x0  }
0x2eb: {  	[sflag:s28] =	ssyncadd.s32 $0xFFFF4000  }
0x2ec: {  	_ =	swait.ge [sflag:s28], $0xC000  }
0x2ed: {  	[sflag:s28] =	ssyncset.done $0x0  }
0x2ee: {  	[sflag:s28] =	ssyncadd.s32 $0xFFFF4000  }
0x2ef: {  	_ =	swait.ge [sflag:s28], $0xC000  }
0x2f0: {  	[sflag:s28] =	ssyncset.done $0x0  }
0x2f1: {  	[sflag:s28] =	ssyncadd.s32 $0xFFFF4000  }
0x2f2: {  	v0 =	vld [tilespmem:$0x18300]  }
0x2f3: {  	v1 =	vld [tilespmem:$0x18310]  }
0x2f4: {  	v2 =	vld [tilespmem:$0x18320]  }
0x2f5: {  	v3 =	vld [tilespmem:$0x18330]  }
0x2f6: {  	v4 =	vld [tilespmem:$0x18340]  }
0x2f7: {  	v5 =	vld [tilespmem:$0x18350]  }
0x2f8: {  	v6 =	vld [tilespmem:$0x18360]  }
0x2f9: {  	v7 =	vld [tilespmem:$0x18370]  }
0x2fa: {  	v8 =	vld [tilespmem:$0x18700]  }
0x2fb: {  	v9 =	vld [tilespmem:$0x18710]  }
0x2fc: {  	s25 =	simm.s32 $0x0;
	v15 =	vld [tilespmem:$0x18770]  }
0x2fd: {  	s26 =	smul.u32 $0x6000, s25;
	v10 =	vld [tilespmem:$0x18720]  }
0x2fe: {  	s23 =	simm.s32 $0x0;
	v11 =	vld [tilespmem:$0x18730]  }
0x2ff: {  	s24 =	sshra.s32 s26, $0x2;
	s30 =	sand.u32 $0x380, s23;
	v12 =	vld [tilespmem:$0x18740]  }
0x300: {  	s24 =	sor.u32 s30, s24;
	v13 =	vld [tilespmem:$0x18750]  }
0x301: {  	v14 =	vld [tilespmem:$0x18760];
	[tilespmem:s24+$0xC70] =	vst v15  }
0x302: {  	[tilespmem:s24+$0x800] =	vst v0  }
0x303: {  	[tilespmem:s24+$0x810] =	vst v1  }
0x304: {  	[tilespmem:s24+$0x820] =	vst v2  }
0x305: {  	[tilespmem:s24+$0x830] =	vst v3  }
0x306: {  	[tilespmem:s24+$0x840] =	vst v4  }
0x307: {  	[tilespmem:s24+$0x850] =	vst v5  }
0x308: {  	[tilespmem:s24+$0x860] =	vst v6  }
0x309: {  	[tilespmem:s24+$0x870] =	vst v7  }
0x30a: {  	[tilespmem:s24+$0xC00] =	vst v8  }
0x30b: {  	[tilespmem:s24+$0xC10] =	vst v9  }
0x30c: {  	s25 =	simm.s32 $0x2;
	s26 =	simm.s32 $0x0;
	[tilespmem:s24+$0xC20] =	vst v10  }
.LBB2_14:
0x30d: {  	p0 =	sne.s32 s25, $0x3F;
	s26 =	smul.u32 $0x6000, s26;
	[tilespmem:s24+$0xC30] =	vst v11  }
0x30e: {  	s23 =	sadd.s32 $0x80, s23;
	[tilespmem:s24+$0xC40] =	vst v12  }
0x30f: {  	s30 =	sand.u32 $0x380, s23;
	s26 =	sshra.s32 s26, $0x2;
	[tilespmem:s24+$0xC50] =	vst v13  }
0x310: {  	[tilespmem:s24+$0xC60] =	vst v14;
	s24 =	sor.u32 s30, s26  }
0x311: {  	[tilespmem:s24+$0xC70] =	vst v15  }
0x312: {  	[tilespmem:s24+$0x800] =	vst v0  }
0x313: {  	[tilespmem:s24+$0x810] =	vst v1  }
0x314: {  	[tilespmem:s24+$0x820] =	vst v2  }
0x315: {  	[tilespmem:s24+$0x830] =	vst v3  }
0x316: {  	[tilespmem:s24+$0x840] =	vst v4  }
0x317: {  	[tilespmem:s24+$0x850] =	vst v5  }
.Ltmp6:
0x318: {  	[tilespmem:s24+$0x860] =	vst v6;
	(pc) =	sbr.rel @p0 .LBB2_14-.Ltmp6, $4  }
0x319: {  	[tilespmem:s24+$0x870] =	vst v7  }
0x31a: {  	[tilespmem:s24+$0xC00] =	vst v8  }
0x31b: {  	[tilespmem:s24+$0xC10] =	vst v9  }
0x31c: {  	s26 =	sshrl.u32 s25, $0x3;
	s25 =	sadd.s32 $0x1, s25;
	[tilespmem:s24+$0xC20] =	vst v10  }
0x31d: {  	s25 =	smul.u32 $0x6000, s26;
	[tilespmem:s24+$0xC30] =	vst v11  }
0x31e: {  	[tilespmem:s24+$0xC40] =	vst v12;
	s23 =	sadd.s32 $0x80, s23  }
0x31f: {  	[tilespmem:s24+$0xC50] =	vst v13;
	s23 =	sand.u32 $0x380, s23;
	s25 =	sshra.s32 s25, $0x2  }
0x320: {  	[tilespmem:s24+$0xC60] =	vst v14;
	s23 =	sor.u32 s23, s25  }
0x321: {  	[tilespmem:s23+$0xC70] =	vst v15  }
0x322: {  	[tilespmem:s23+$0x800] =	vst v0  }
0x323: {  	[tilespmem:s23+$0x810] =	vst v1  }
0x324: {  	[tilespmem:s23+$0x820] =	vst v2  }
0x325: {  	[tilespmem:s23+$0x830] =	vst v3  }
0x326: {  	[tilespmem:s23+$0x840] =	vst v4  }
0x327: {  	[tilespmem:s23+$0x850] =	vst v5  }
0x328: {  	[tilespmem:s23+$0x860] =	vst v6  }
0x329: {  	[tilespmem:s23+$0x870] =	vst v7  }
0x32a: {  	[tilespmem:s23+$0xC00] =	vst v8  }
0x32b: {  	[tilespmem:s23+$0xC10] =	vst v9  }
0x32c: {  	[tilespmem:s23+$0xC20] =	vst v10  }
0x32d: {  	[tilespmem:s23+$0xC30] =	vst v11  }
0x32e: {  	s25 =	sld [smem:$0x7FD];
	[tilespmem:s23+$0xC40] =	vst v12  }
0x32f: {  	[tilespmem:s23+$0xC50] =	vst v13  }
0x330: {  	s26 =	sld [smem:$0x7D3];
	[tilespmem:s23+$0xC60] =	vst v14;
	s23 =	simm.s32 $0x0  }
0x331: {  	[hbm4b:s25+s23] =	stream.linear.scatter [tilespmem:s23], [sflag:$0x1], $0xC000, $0x38;
	[tilespmem:$0x1E900] =	vst v63  }
0x332: {  	s30 =	sld [smem:$0x7D4]  }
0x333: {  	[hbm4b:s26+s23] =	stream.linear.scatter [tilespmem:s23], [sflag:$0x1], $0xC000, $0x38;
	[tilespmem:$0x1E900] =	vst v63  }
0x334: {  	s25 =	sld [smem:$0x7D5]  }
0x335: {  	[hbm4b:s30+s23] =	stream.linear.scatter [tilespmem:s23], [sflag:$0x1], $0xC000, $0x38;
	[tilespmem:$0x1E900] =	vst v63  }
0x336: {  	_ = 	snop  }
0x337: {  	[hbm4b:s25+s23] =	stream.linear.scatter [tilespmem:s23], [sflag:$0x1], $0xC000, $0x38;
	[tilespmem:$0x1E900] =	vst v63  }
0x338: {  	v0 =	vld [tilespmem:$0x18380]  }
0x339: {  	v1 =	vld [tilespmem:$0x18390]  }
0x33a: {  	v2 =	vld [tilespmem:$0x183A0]  }
0x33b: {  	v3 =	vld [tilespmem:$0x183B0]  }
0x33c: {  	v4 =	vld [tilespmem:$0x183C0]  }
0x33d: {  	v5 =	vld [tilespmem:$0x183D0]  }
0x33e: {  	v6 =	vld [tilespmem:$0x183E0]  }
0x33f: {  	v7 =	vld [tilespmem:$0x183F0]  }
0x340: {  	v8 =	vld [tilespmem:$0x18780]  }
0x341: {  	v9 =	vld [tilespmem:$0x18790]  }
0x342: {  	s26 =	simm.s32 $0x0;
	v15 =	vld [tilespmem:$0x187F0]  }
0x343: {  	s24 =	smul.u32 $0x6000, s26;
	v10 =	vld [tilespmem:$0x187A0]  }
0x344: {  	v11 =	vld [tilespmem:$0x187B0]  }
0x345: {  	s30 =	sand.u32 $0x380, s23;
	s24 =	sshra.s32 s24, $0x2;
	v12 =	vld [tilespmem:$0x187C0]  }
0x346: {  	s24 =	sor.u32 s30, s24;
	v13 =	vld [tilespmem:$0x187D0]  }
0x347: {  	v14 =	vld [tilespmem:$0x187E0];
	[tilespmem:s24+$0xCC70] =	vst v15  }
0x348: {  	[tilespmem:s24+$0xC800] =	vst v0  }
0x349: {  	[tilespmem:s24+$0xC810] =	vst v1  }
0x34a: {  	[tilespmem:s24+$0xC820] =	vst v2  }
0x34b: {  	[tilespmem:s24+$0xC830] =	vst v3  }
0x34c: {  	[tilespmem:s24+$0xC840] =	vst v4  }
0x34d: {  	[tilespmem:s24+$0xC850] =	vst v5  }
0x34e: {  	[tilespmem:s24+$0xC860] =	vst v6  }
0x34f: {  	[tilespmem:s24+$0xC870] =	vst v7  }
0x350: {  	[tilespmem:s24+$0xCC00] =	vst v8  }
0x351: {  	[tilespmem:s24+$0xCC10] =	vst v9  }
0x352: {  	s26 =	simm.s32 $0x0;
	s25 =	simm.s32 $0x2;
	[tilespmem:s24+$0xCC20] =	vst v10  }
.LBB2_16:
0x353: {  	p0 =	sne.s32 s25, $0x3F;
	s26 =	smul.u32 $0x6000, s26;
	[tilespmem:s24+$0xCC30] =	vst v11  }
0x354: {  	s23 =	sadd.s32 $0x80, s23;
	[tilespmem:s24+$0xCC40] =	vst v12  }
0x355: {  	s30 =	sand.u32 $0x380, s23;
	s26 =	sshra.s32 s26, $0x2;
	[tilespmem:s24+$0xCC50] =	vst v13  }
0x356: {  	[tilespmem:s24+$0xCC60] =	vst v14;
	s24 =	sor.u32 s30, s26  }
0x357: {  	[tilespmem:s24+$0xCC70] =	vst v15  }
0x358: {  	[tilespmem:s24+$0xC800] =	vst v0  }
0x359: {  	[tilespmem:s24+$0xC810] =	vst v1  }
0x35a: {  	[tilespmem:s24+$0xC820] =	vst v2  }
0x35b: {  	[tilespmem:s24+$0xC830] =	vst v3  }
0x35c: {  	[tilespmem:s24+$0xC840] =	vst v4  }
0x35d: {  	[tilespmem:s24+$0xC850] =	vst v5  }
.Ltmp7:
0x35e: {  	[tilespmem:s24+$0xC860] =	vst v6;
	(pc) =	sbr.rel @p0 .LBB2_16-.Ltmp7, $4  }
0x35f: {  	[tilespmem:s24+$0xC870] =	vst v7  }
0x360: {  	[tilespmem:s24+$0xCC00] =	vst v8  }
0x361: {  	[tilespmem:s24+$0xCC10] =	vst v9  }
0x362: {  	s26 =	sshrl.u32 s25, $0x3;
	s25 =	sadd.s32 $0x1, s25;
	[tilespmem:s24+$0xCC20] =	vst v10  }
0x363: {  	s25 =	smul.u32 $0x6000, s26;
	[tilespmem:s24+$0xCC30] =	vst v11  }
0x364: {  	[tilespmem:s24+$0xCC40] =	vst v12;
	s23 =	sadd.s32 $0x80, s23  }
0x365: {  	[tilespmem:s24+$0xCC50] =	vst v13;
	s23 =	sand.u32 $0x380, s23;
	s25 =	sshra.s32 s25, $0x2  }
0x366: {  	[tilespmem:s24+$0xCC60] =	vst v14;
	s23 =	sor.u32 s23, s25  }
0x367: {  	[tilespmem:s23+$0xCC70] =	vst v15  }
0x368: {  	[tilespmem:s23+$0xC800] =	vst v0  }
0x369: {  	[tilespmem:s23+$0xC810] =	vst v1  }
0x36a: {  	[tilespmem:s23+$0xC820] =	vst v2  }
0x36b: {  	[tilespmem:s23+$0xC830] =	vst v3  }
0x36c: {  	[tilespmem:s23+$0xC840] =	vst v4  }
0x36d: {  	[tilespmem:s23+$0xC850] =	vst v5  }
0x36e: {  	[tilespmem:s23+$0xC860] =	vst v6  }
0x36f: {  	[tilespmem:s23+$0xC870] =	vst v7  }
0x370: {  	[tilespmem:s23+$0xCC00] =	vst v8  }
0x371: {  	[tilespmem:s23+$0xCC10] =	vst v9  }
0x372: {  	[tilespmem:s23+$0xCC20] =	vst v10  }
0x373: {  	[tilespmem:s23+$0xCC30] =	vst v11  }
0x374: {  	[tilespmem:s23+$0xCC40] =	vst v12  }
0x375: {  	[tilespmem:s23+$0xCC50] =	vst v13  }
0x376: {  	[tilespmem:s23+$0xCC60] =	vst v14  }
0x377: {  	_ =	swait.ge [sflag:s14], $0x600  }
0x378: {  	[sflag:s14] =	ssyncset.done $0x0  }
0x379: {  	[sflag:s14] =	ssyncadd.s32 $0xFFFFFA00  }
0x37a: {  	_ =	swait.ge [sflag:s14], $0x600  }
0x37b: {  	[sflag:s14] =	ssyncset.done $0x0  }
0x37c: {  	[sflag:s14] =	ssyncadd.s32 $0xFFFFFA00  }
0x37d: {  	_ =	swait.ge [sflag:s14], $0x600  }
0x37e: {  	[sflag:s14] =	ssyncset.done $0x0  }
0x37f: {  	[sflag:s14] =	ssyncadd.s32 $0xFFFFFA00  }
0x380: {  	_ =	swait.ge [sflag:s14], $0x600  }
0x381: {  	[sflag:s14] =	ssyncset.done $0x0  }
0x382: {  	[sflag:s14] =	ssyncadd.s32 $0xFFFFFA00  }
0x383: {  	[spmem:s8] =	stream.linear.scatter [tilespmem:s12], [sflag:$0x4], $0x3000, $0x38;
	[tilespmem:$0x1E900] =	vst v63  }
0x384: {  	_ =	swait.ge [sflag:s11], $0x3000  }
0x385: {  	s25 =	sld [smem:$0x7D6]  }
0x386: {  	[sflag:s11] =	ssyncset.done $0x0  }
0x387: {  	[sflag:s11] =	ssyncadd.s32 $0xFFFFD000  }
0x388: {  	[hbm:s25], [sflag:s21] =	dma.local [spmem:s22], $0x600  }
0x389: {  	s23 =	sld [smem:$0x7D7];
	_ =	sdelay $0x2  }
0x38a: {  	[hbm:s23], [sflag:s21] =	dma.local [spmem:s22], $0x600  }
0x38b: {  	s23 =	sld [smem:$0x7D8];
	_ =	sdelay $0x2  }
0x38c: {  	[hbm:s23], [sflag:s21] =	dma.local [spmem:s22], $0x600  }
0x38d: {  	s23 =	sld [smem:$0x7D9];
	_ =	sdelay $0x2  }
0x38e: {  	[hbm:s23], [sflag:s21] =	dma.local [spmem:s22], $0x600  }
0x38f: {  	_ =	swait.ge [sflag:s16], $0x600  }
0x390: {  	[sflag:s16] =	ssyncset.done $0x0  }
0x391: {  	[sflag:s16] =	ssyncadd.s32 $0xFFFFFA00  }
0x392: {  	_ =	swait.ge [sflag:s16], $0x600  }
0x393: {  	[sflag:s16] =	ssyncset.done $0x0  }
0x394: {  	[sflag:s16] =	ssyncadd.s32 $0xFFFFFA00  }
0x395: {  	_ =	swait.ge [sflag:s16], $0x600  }
0x396: {  	[sflag:s16] =	ssyncset.done $0x0  }
0x397: {  	[sflag:s16] =	ssyncadd.s32 $0xFFFFFA00  }
0x398: {  	_ =	swait.ge [sflag:s16], $0x600  }
0x399: {  	[sflag:s16] =	ssyncset.done $0x0  }
0x39a: {  	[sflag:s16] =	ssyncadd.s32 $0xFFFFFA00  }
0x39b: {  	[spmem:s29] =	stream.linear.scatter [tilespmem:s13], [sflag:$0x4], $0x3000, $0x38;
	[tilespmem:$0x1E900] =	vst v63  }
0x39c: {  	_ =	swait.ge [sflag:s11], $0x3000  }
0x39d: {  	s26 =	sld [smem:$0x7DA]  }
0x39e: {  	[sflag:s11] =	ssyncset.done $0x0  }
0x39f: {  	[sflag:s11] =	ssyncadd.s32 $0xFFFFD000  }
0x3a0: {  	[hbm:s26], [sflag:s18] =	dma.local [spmem:s19], $0x600  }
0x3a1: {  	s23 =	sld [smem:$0x7DB];
	_ =	sdelay $0x2  }
0x3a2: {  	[hbm:s23], [sflag:s18] =	dma.local [spmem:s19], $0x600  }
0x3a3: {  	s23 =	sld [smem:$0x7DC];
	_ =	sdelay $0x2  }
0x3a4: {  	[hbm:s23], [sflag:s18] =	dma.local [spmem:s19], $0x600  }
0x3a5: {  	s23 =	sld [smem:$0x7DD];
	_ =	sdelay $0x2  }
0x3a6: {  	[hbm:s23], [sflag:s18] =	dma.local [spmem:s19], $0x600  }
0x3a7: {  	_ =	swait.ge [sflag:s14], $0x600  }
0x3a8: {  	[sflag:s14] =	ssyncset.done $0x0  }
0x3a9: {  	[sflag:s14] =	ssyncadd.s32 $0xFFFFFA00  }
0x3aa: {  	_ =	swait.ge [sflag:s14], $0x600  }
0x3ab: {  	[sflag:s14] =	ssyncset.done $0x0  }
0x3ac: {  	[sflag:s14] =	ssyncadd.s32 $0xFFFFFA00  }
0x3ad: {  	_ =	swait.ge [sflag:s14], $0x600  }
0x3ae: {  	[sflag:s14] =	ssyncset.done $0x0  }
0x3af: {  	[sflag:s14] =	ssyncadd.s32 $0xFFFFFA00  }
0x3b0: {  	_ =	swait.ge [sflag:s14], $0x600  }
0x3b1: {  	[sflag:s14] =	ssyncset.done $0x0  }
0x3b2: {  	[sflag:s14] =	ssyncadd.s32 $0xFFFFFA00  }
0x3b3: {  	[spmem:s8] =	stream.linear.scatter [tilespmem:s15], [sflag:$0x4], $0x3000, $0x38;
	[tilespmem:$0x1E900] =	vst v63  }
0x3b4: {  	_ =	swait.ge [sflag:s11], $0x3000  }
0x3b5: {  	s30 =	sld [smem:$0x7DE]  }
0x3b6: {  	[sflag:s11] =	ssyncset.done $0x0  }
0x3b7: {  	[sflag:s11] =	ssyncadd.s32 $0xFFFFD000  }
0x3b8: {  	[hbm:s30], [sflag:s21] =	dma.local [spmem:s22], $0x600  }
0x3b9: {  	s23 =	sld [smem:$0x7DF];
	_ =	sdelay $0x2  }
0x3ba: {  	[hbm:s23], [sflag:s21] =	dma.local [spmem:s22], $0x600  }
0x3bb: {  	s23 =	sld [smem:$0x7E0];
	_ =	sdelay $0x2  }
0x3bc: {  	[hbm:s23], [sflag:s21] =	dma.local [spmem:s22], $0x600  }
0x3bd: {  	s23 =	sld [smem:$0x7E1];
	_ =	sdelay $0x2  }
0x3be: {  	[hbm:s23], [sflag:s21] =	dma.local [spmem:s22], $0x600  }
0x3bf: {  	_ =	swait.ge [sflag:s16], $0x600  }
0x3c0: {  	[sflag:s16] =	ssyncset.done $0x0  }
0x3c1: {  	[sflag:s16] =	ssyncadd.s32 $0xFFFFFA00  }
0x3c2: {  	_ =	swait.ge [sflag:s16], $0x600  }
0x3c3: {  	[sflag:s16] =	ssyncset.done $0x0  }
0x3c4: {  	[sflag:s16] =	ssyncadd.s32 $0xFFFFFA00  }
0x3c5: {  	_ =	swait.ge [sflag:s16], $0x600  }
0x3c6: {  	[sflag:s16] =	ssyncset.done $0x0  }
0x3c7: {  	[sflag:s16] =	ssyncadd.s32 $0xFFFFFA00  }
0x3c8: {  	_ =	swait.ge [sflag:s16], $0x600  }
0x3c9: {  	[sflag:s16] =	ssyncset.done $0x0  }
0x3ca: {  	[sflag:s16] =	ssyncadd.s32 $0xFFFFFA00  }
0x3cb: {  	[spmem:s29] =	stream.linear.scatter [tilespmem:s4], [sflag:$0x4], $0x3000, $0x38;
	[tilespmem:$0x1E900] =	vst v63  }
0x3cc: {  	_ =	swait.ge [sflag:s11], $0x3000  }
0x3cd: {  	s24 =	sld [smem:$0x7E2]  }
0x3ce: {  	[sflag:s11] =	ssyncset.done $0x0  }
0x3cf: {  	[sflag:s11] =	ssyncadd.s32 $0xFFFFD000  }
0x3d0: {  	[hbm:s24], [sflag:s18] =	dma.local [spmem:s19], $0x600  }
0x3d1: {  	s23 =	sld [smem:$0x7E3];
	_ =	sdelay $0x2  }
0x3d2: {  	[hbm:s23], [sflag:s18] =	dma.local [spmem:s19], $0x600  }
0x3d3: {  	s23 =	sld [smem:$0x7E4];
	_ =	sdelay $0x2  }
0x3d4: {  	[hbm:s23], [sflag:s18] =	dma.local [spmem:s19], $0x600  }
0x3d5: {  	s23 =	sld [smem:$0x7E5];
	_ =	sdelay $0x2  }
0x3d6: {  	[hbm:s23], [sflag:s18] =	dma.local [spmem:s19], $0x600  }
0x3d7: {  	_ =	swait.ge [sflag:s28], $0xC000  }
0x3d8: {  	[sflag:s28] =	ssyncset.done $0x0  }
0x3d9: {  	[sflag:s28] =	ssyncadd.s32 $0xFFFF4000  }
0x3da: {  	_ =	swait.ge [sflag:s28], $0xC000  }
0x3db: {  	[sflag:s28] =	ssyncset.done $0x0  }
0x3dc: {  	[sflag:s28] =	ssyncadd.s32 $0xFFFF4000  }
0x3dd: {  	_ =	swait.ge [sflag:s28], $0xC000  }
0x3de: {  	[sflag:s28] =	ssyncset.done $0x0  }
0x3df: {  	[sflag:s28] =	ssyncadd.s32 $0xFFFF4000  }
0x3e0: {  	_ =	swait.ge [sflag:s28], $0xC000  }
0x3e1: {  	[sflag:s28] =	ssyncset.done $0x0  }
0x3e2: {  	[sflag:s28] =	ssyncadd.s32 $0xFFFF4000  }
0x3e3: {  	v0 =	vld [tilespmem:$0x18400]  }
0x3e4: {  	v1 =	vld [tilespmem:$0x18410]  }
0x3e5: {  	v2 =	vld [tilespmem:$0x18420]  }
0x3e6: {  	v3 =	vld [tilespmem:$0x18430]  }
0x3e7: {  	v4 =	vld [tilespmem:$0x18440]  }
0x3e8: {  	v5 =	vld [tilespmem:$0x18450]  }
0x3e9: {  	v6 =	vld [tilespmem:$0x18460]  }
0x3ea: {  	v7 =	vld [tilespmem:$0x18470]  }
0x3eb: {  	v8 =	vld [tilespmem:$0x18800]  }
0x3ec: {  	v9 =	vld [tilespmem:$0x18810]  }
0x3ed: {  	s25 =	simm.s32 $0x0;
	v15 =	vld [tilespmem:$0x18870]  }
0x3ee: {  	s26 =	smul.u32 $0x6000, s25;
	v10 =	vld [tilespmem:$0x18820]  }
0x3ef: {  	s23 =	simm.s32 $0x0;
	v11 =	vld [tilespmem:$0x18830]  }
0x3f0: {  	s24 =	sshra.s32 s26, $0x2;
	s30 =	sand.u32 $0x380, s23;
	v12 =	vld [tilespmem:$0x18840]  }
0x3f1: {  	s24 =	sor.u32 s30, s24;
	v13 =	vld [tilespmem:$0x18850]  }
0x3f2: {  	v14 =	vld [tilespmem:$0x18860];
	[tilespmem:s24+$0xC70] =	vst v15  }
0x3f3: {  	[tilespmem:s24+$0x800] =	vst v0  }
0x3f4: {  	[tilespmem:s24+$0x810] =	vst v1  }
0x3f5: {  	[tilespmem:s24+$0x820] =	vst v2  }
0x3f6: {  	[tilespmem:s24+$0x830] =	vst v3  }
0x3f7: {  	[tilespmem:s24+$0x840] =	vst v4  }
0x3f8: {  	[tilespmem:s24+$0x850] =	vst v5  }
0x3f9: {  	[tilespmem:s24+$0x860] =	vst v6  }
0x3fa: {  	[tilespmem:s24+$0x870] =	vst v7  }
0x3fb: {  	[tilespmem:s24+$0xC00] =	vst v8  }
0x3fc: {  	[tilespmem:s24+$0xC10] =	vst v9  }
0x3fd: {  	s25 =	simm.s32 $0x2;
	s26 =	simm.s32 $0x0;
	[tilespmem:s24+$0xC20] =	vst v10  }
.LBB2_18:
0x3fe: {  	p0 =	sne.s32 s25, $0x3F;
	s26 =	smul.u32 $0x6000, s26;
	[tilespmem:s24+$0xC30] =	vst v11  }
0x3ff: {  	s23 =	sadd.s32 $0x80, s23;
	[tilespmem:s24+$0xC40] =	vst v12  }
0x400: {  	s30 =	sand.u32 $0x380, s23;
	s26 =	sshra.s32 s26, $0x2;
	[tilespmem:s24+$0xC50] =	vst v13  }
0x401: {  	[tilespmem:s24+$0xC60] =	vst v14;
	s24 =	sor.u32 s30, s26  }
0x402: {  	[tilespmem:s24+$0xC70] =	vst v15  }
0x403: {  	[tilespmem:s24+$0x800] =	vst v0  }
0x404: {  	[tilespmem:s24+$0x810] =	vst v1  }
0x405: {  	[tilespmem:s24+$0x820] =	vst v2  }
0x406: {  	[tilespmem:s24+$0x830] =	vst v3  }
0x407: {  	[tilespmem:s24+$0x840] =	vst v4  }
0x408: {  	[tilespmem:s24+$0x850] =	vst v5  }
.Ltmp8:
0x409: {  	[tilespmem:s24+$0x860] =	vst v6;
	(pc) =	sbr.rel @p0 .LBB2_18-.Ltmp8, $4  }
0x40a: {  	[tilespmem:s24+$0x870] =	vst v7  }
0x40b: {  	[tilespmem:s24+$0xC00] =	vst v8  }
0x40c: {  	[tilespmem:s24+$0xC10] =	vst v9  }
0x40d: {  	s26 =	sshrl.u32 s25, $0x3;
	s25 =	sadd.s32 $0x1, s25;
	[tilespmem:s24+$0xC20] =	vst v10  }
0x40e: {  	s25 =	smul.u32 $0x6000, s26;
	[tilespmem:s24+$0xC30] =	vst v11  }
0x40f: {  	[tilespmem:s24+$0xC40] =	vst v12;
	s23 =	sadd.s32 $0x80, s23  }
0x410: {  	[tilespmem:s24+$0xC50] =	vst v13;
	s23 =	sand.u32 $0x380, s23;
	s25 =	sshra.s32 s25, $0x2  }
0x411: {  	[tilespmem:s24+$0xC60] =	vst v14;
	s23 =	sor.u32 s23, s25  }
0x412: {  	[tilespmem:s23+$0xC70] =	vst v15  }
0x413: {  	[tilespmem:s23+$0x800] =	vst v0  }
0x414: {  	[tilespmem:s23+$0x810] =	vst v1  }
0x415: {  	[tilespmem:s23+$0x820] =	vst v2  }
0x416: {  	[tilespmem:s23+$0x830] =	vst v3  }
0x417: {  	[tilespmem:s23+$0x840] =	vst v4  }
0x418: {  	[tilespmem:s23+$0x850] =	vst v5  }
0x419: {  	[tilespmem:s23+$0x860] =	vst v6  }
0x41a: {  	[tilespmem:s23+$0x870] =	vst v7  }
0x41b: {  	[tilespmem:s23+$0xC00] =	vst v8  }
0x41c: {  	[tilespmem:s23+$0xC10] =	vst v9  }
0x41d: {  	[tilespmem:s23+$0xC20] =	vst v10  }
0x41e: {  	[tilespmem:s23+$0xC30] =	vst v11  }
0x41f: {  	[tilespmem:s23+$0xC40] =	vst v12  }
0x420: {  	[tilespmem:s23+$0xC50] =	vst v13  }
0x421: {  	s26 =	sld [smem:$0x7E6];
	[tilespmem:s23+$0xC60] =	vst v14;
	s23 =	simm.s32 $0x0  }
0x422: {  	[hbm4b:s0+s23] =	stream.linear.scatter [tilespmem:s23], [sflag:$0x1], $0xC000, $0x38;
	[tilespmem:$0x1E900] =	vst v63  }
0x423: {  	s30 =	sld [smem:$0x7E7]  }
0x424: {  	[hbm4b:s26+s23] =	stream.linear.scatter [tilespmem:s23], [sflag:$0x1], $0xC000, $0x38;
	[tilespmem:$0x1E900] =	vst v63  }
0x425: {  	s25 =	sld [smem:$0x7E8]  }
0x426: {  	[hbm4b:s30+s23] =	stream.linear.scatter [tilespmem:s23], [sflag:$0x1], $0xC000, $0x38;
	[tilespmem:$0x1E900] =	vst v63  }
0x427: {  	_ = 	snop  }
0x428: {  	[hbm4b:s25+s23] =	stream.linear.scatter [tilespmem:s23], [sflag:$0x1], $0xC000, $0x38;
	[tilespmem:$0x1E900] =	vst v63  }
0x429: {  	v0 =	vld [tilespmem:$0x18480]  }
0x42a: {  	v1 =	vld [tilespmem:$0x18490]  }
0x42b: {  	v2 =	vld [tilespmem:$0x184A0]  }
0x42c: {  	v3 =	vld [tilespmem:$0x184B0]  }
0x42d: {  	v4 =	vld [tilespmem:$0x184C0]  }
0x42e: {  	v5 =	vld [tilespmem:$0x184D0]  }
0x42f: {  	v6 =	vld [tilespmem:$0x184E0]  }
0x430: {  	v7 =	vld [tilespmem:$0x184F0]  }
0x431: {  	v8 =	vld [tilespmem:$0x18880]  }
0x432: {  	v9 =	vld [tilespmem:$0x18890]  }
0x433: {  	s26 =	simm.s32 $0x0;
	v15 =	vld [tilespmem:$0x188F0]  }
0x434: {  	s24 =	smul.u32 $0x6000, s26;
	v10 =	vld [tilespmem:$0x188A0]  }
0x435: {  	v11 =	vld [tilespmem:$0x188B0]  }
0x436: {  	s30 =	sand.u32 $0x380, s23;
	s24 =	sshra.s32 s24, $0x2;
	v12 =	vld [tilespmem:$0x188C0]  }
0x437: {  	s24 =	sor.u32 s30, s24;
	v13 =	vld [tilespmem:$0x188D0]  }
0x438: {  	v14 =	vld [tilespmem:$0x188E0];
	[tilespmem:s24+$0xCC70] =	vst v15  }
0x439: {  	[tilespmem:s24+$0xC800] =	vst v0  }
0x43a: {  	[tilespmem:s24+$0xC810] =	vst v1  }
0x43b: {  	[tilespmem:s24+$0xC820] =	vst v2  }
0x43c: {  	[tilespmem:s24+$0xC830] =	vst v3  }
0x43d: {  	[tilespmem:s24+$0xC840] =	vst v4  }
0x43e: {  	[tilespmem:s24+$0xC850] =	vst v5  }
0x43f: {  	[tilespmem:s24+$0xC860] =	vst v6  }
0x440: {  	[tilespmem:s24+$0xC870] =	vst v7  }
0x441: {  	[tilespmem:s24+$0xCC00] =	vst v8  }
0x442: {  	[tilespmem:s24+$0xCC10] =	vst v9  }
0x443: {  	s26 =	simm.s32 $0x0;
	s25 =	simm.s32 $0x2;
	[tilespmem:s24+$0xCC20] =	vst v10  }
.LBB2_20:
0x444: {  	p0 =	sne.s32 s25, $0x3F;
	s26 =	smul.u32 $0x6000, s26;
	[tilespmem:s24+$0xCC30] =	vst v11  }
0x445: {  	s23 =	sadd.s32 $0x80, s23;
	[tilespmem:s24+$0xCC40] =	vst v12  }
0x446: {  	s30 =	sand.u32 $0x380, s23;
	s26 =	sshra.s32 s26, $0x2;
	[tilespmem:s24+$0xCC50] =	vst v13  }
0x447: {  	[tilespmem:s24+$0xCC60] =	vst v14;
	s24 =	sor.u32 s30, s26  }
0x448: {  	[tilespmem:s24+$0xCC70] =	vst v15  }
0x449: {  	[tilespmem:s24+$0xC800] =	vst v0  }
0x44a: {  	[tilespmem:s24+$0xC810] =	vst v1  }
0x44b: {  	[tilespmem:s24+$0xC820] =	vst v2  }
0x44c: {  	[tilespmem:s24+$0xC830] =	vst v3  }
0x44d: {  	[tilespmem:s24+$0xC840] =	vst v4  }
0x44e: {  	[tilespmem:s24+$0xC850] =	vst v5  }
.Ltmp9:
0x44f: {  	[tilespmem:s24+$0xC860] =	vst v6;
	(pc) =	sbr.rel @p0 .LBB2_20-.Ltmp9, $4  }
0x450: {  	[tilespmem:s24+$0xC870] =	vst v7  }
0x451: {  	[tilespmem:s24+$0xCC00] =	vst v8  }
0x452: {  	[tilespmem:s24+$0xCC10] =	vst v9  }
0x453: {  	s26 =	sshrl.u32 s25, $0x3;
	s25 =	sadd.s32 $0x1, s25;
	[tilespmem:s24+$0xCC20] =	vst v10  }
0x454: {  	s25 =	smul.u32 $0x6000, s26;
	[tilespmem:s24+$0xCC30] =	vst v11  }
0x455: {  	[tilespmem:s24+$0xCC40] =	vst v12;
	s23 =	sadd.s32 $0x80, s23  }
0x456: {  	[tilespmem:s24+$0xCC50] =	vst v13;
	s23 =	sand.u32 $0x380, s23;
	s25 =	sshra.s32 s25, $0x2  }
0x457: {  	[tilespmem:s24+$0xCC60] =	vst v14;
	s23 =	sor.u32 s23, s25  }
0x458: {  	[tilespmem:s23+$0xCC70] =	vst v15  }
0x459: {  	[tilespmem:s23+$0xC800] =	vst v0  }
0x45a: {  	[tilespmem:s23+$0xC810] =	vst v1  }
0x45b: {  	[tilespmem:s23+$0xC820] =	vst v2  }
0x45c: {  	[tilespmem:s23+$0xC830] =	vst v3  }
0x45d: {  	[tilespmem:s23+$0xC840] =	vst v4  }
0x45e: {  	[tilespmem:s23+$0xC850] =	vst v5  }
0x45f: {  	[tilespmem:s23+$0xC860] =	vst v6  }
0x460: {  	[tilespmem:s23+$0xC870] =	vst v7  }
0x461: {  	[tilespmem:s23+$0xCC00] =	vst v8  }
0x462: {  	[tilespmem:s23+$0xCC10] =	vst v9  }
0x463: {  	[tilespmem:s23+$0xCC20] =	vst v10  }
0x464: {  	[tilespmem:s23+$0xCC30] =	vst v11  }
0x465: {  	[tilespmem:s23+$0xCC40] =	vst v12  }
0x466: {  	[tilespmem:s23+$0xCC50] =	vst v13  }
0x467: {  	[tilespmem:s23+$0xCC60] =	vst v14  }
0x468: {  	_ =	swait.ge [sflag:s14], $0x600  }
0x469: {  	[sflag:s14] =	ssyncset.done $0x0  }
0x46a: {  	[sflag:s14] =	ssyncadd.s32 $0xFFFFFA00  }
0x46b: {  	_ =	swait.ge [sflag:s14], $0x600  }
0x46c: {  	[sflag:s14] =	ssyncset.done $0x0  }
0x46d: {  	[sflag:s14] =	ssyncadd.s32 $0xFFFFFA00  }
0x46e: {  	_ =	swait.ge [sflag:s14], $0x600  }
0x46f: {  	[sflag:s14] =	ssyncset.done $0x0  }
0x470: {  	[sflag:s14] =	ssyncadd.s32 $0xFFFFFA00  }
0x471: {  	_ =	swait.ge [sflag:s14], $0x600  }
0x472: {  	[sflag:s14] =	ssyncset.done $0x0  }
0x473: {  	[sflag:s14] =	ssyncadd.s32 $0xFFFFFA00  }
0x474: {  	[spmem:s8] =	stream.linear.scatter [tilespmem:s12], [sflag:$0x4], $0x3000, $0x38;
	[tilespmem:$0x1E900] =	vst v63  }
0x475: {  	_ =	swait.ge [sflag:s11], $0x3000  }
0x476: {  	s30 =	sld [smem:$0x7E9]  }
0x477: {  	[sflag:s11] =	ssyncset.done $0x0  }
0x478: {  	[sflag:s11] =	ssyncadd.s32 $0xFFFFD000  }
0x479: {  	[hbm:s30], [sflag:s21] =	dma.local [spmem:s22], $0x600  }
0x47a: {  	s23 =	sld [smem:$0x7EA];
	_ =	sdelay $0x2  }
0x47b: {  	[hbm:s23], [sflag:s21] =	dma.local [spmem:s22], $0x600  }
0x47c: {  	s23 =	sld [smem:$0x7EB];
	_ =	sdelay $0x2  }
0x47d: {  	[hbm:s23], [sflag:s21] =	dma.local [spmem:s22], $0x600  }
0x47e: {  	s23 =	sld [smem:$0x7EC];
	_ =	sdelay $0x2  }
0x47f: {  	[hbm:s23], [sflag:s21] =	dma.local [spmem:s22], $0x600  }
0x480: {  	_ =	swait.ge [sflag:s16], $0x600  }
0x481: {  	[sflag:s16] =	ssyncset.done $0x0  }
0x482: {  	[sflag:s16] =	ssyncadd.s32 $0xFFFFFA00  }
0x483: {  	_ =	swait.ge [sflag:s16], $0x600  }
0x484: {  	[sflag:s16] =	ssyncset.done $0x0  }
0x485: {  	[sflag:s16] =	ssyncadd.s32 $0xFFFFFA00  }
0x486: {  	_ =	swait.ge [sflag:s16], $0x600  }
0x487: {  	[sflag:s16] =	ssyncset.done $0x0  }
0x488: {  	[sflag:s16] =	ssyncadd.s32 $0xFFFFFA00  }
0x489: {  	_ =	swait.ge [sflag:s16], $0x600  }
0x48a: {  	[sflag:s16] =	ssyncset.done $0x0  }
0x48b: {  	[sflag:s16] =	ssyncadd.s32 $0xFFFFFA00  }
0x48c: {  	[spmem:s29] =	stream.linear.scatter [tilespmem:s13], [sflag:$0x4], $0x3000, $0x38;
	[tilespmem:$0x1E900] =	vst v63  }
0x48d: {  	_ =	swait.ge [sflag:s11], $0x3000  }
0x48e: {  	s24 =	sld [smem:$0x7ED]  }
0x48f: {  	[sflag:s11] =	ssyncset.done $0x0  }
0x490: {  	[sflag:s11] =	ssyncadd.s32 $0xFFFFD000  }
0x491: {  	[hbm:s24], [sflag:s18] =	dma.local [spmem:s19], $0x600  }
0x492: {  	s23 =	sld [smem:$0x7EE];
	_ =	sdelay $0x2  }
0x493: {  	[hbm:s23], [sflag:s18] =	dma.local [spmem:s19], $0x600  }
0x494: {  	s23 =	sld [smem:$0x7EF];
	_ =	sdelay $0x2  }
0x495: {  	[hbm:s23], [sflag:s18] =	dma.local [spmem:s19], $0x600  }
0x496: {  	s23 =	sld [smem:$0x7F0];
	_ =	sdelay $0x2  }
0x497: {  	[hbm:s23], [sflag:s18] =	dma.local [spmem:s19], $0x600  }
0x498: {  	_ =	swait.ge [sflag:s14], $0x600  }
0x499: {  	[sflag:s14] =	ssyncset.done $0x0  }
0x49a: {  	[sflag:s14] =	ssyncadd.s32 $0xFFFFFA00  }
0x49b: {  	_ =	swait.ge [sflag:s14], $0x600  }
0x49c: {  	[sflag:s14] =	ssyncset.done $0x0  }
0x49d: {  	[sflag:s14] =	ssyncadd.s32 $0xFFFFFA00  }
0x49e: {  	_ =	swait.ge [sflag:s14], $0x600  }
0x49f: {  	[sflag:s14] =	ssyncset.done $0x0  }
0x4a0: {  	[sflag:s14] =	ssyncadd.s32 $0xFFFFFA00  }
0x4a1: {  	_ =	swait.ge [sflag:s14], $0x600  }
0x4a2: {  	[sflag:s14] =	ssyncset.done $0x0  }
0x4a3: {  	[sflag:s14] =	ssyncadd.s32 $0xFFFFFA00  }
0x4a4: {  	[spmem:s8] =	stream.linear.scatter [tilespmem:s15], [sflag:$0x4], $0x3000, $0x38;
	[tilespmem:$0x1E900] =	vst v63  }
0x4a5: {  	_ =	swait.ge [sflag:s11], $0x3000  }
0x4a6: {  	s25 =	sld [smem:$0x7FA]  }
0x4a7: {  	[sflag:s11] =	ssyncset.done $0x0  }
0x4a8: {  	[sflag:s11] =	ssyncadd.s32 $0xFFFFD000  }
0x4a9: {  	[hbm:s25], [sflag:s21] =	dma.local [spmem:s22], $0x600  }
0x4aa: {  	s23 =	sld [smem:$0x7F2];
	_ =	sdelay $0x2  }
0x4ab: {  	[hbm:s23], [sflag:s21] =	dma.local [spmem:s22], $0x600  }
0x4ac: {  	s23 =	sld [smem:$0x7F3];
	_ =	sdelay $0x2  }
0x4ad: {  	[hbm:s23], [sflag:s21] =	dma.local [spmem:s22], $0x600  }
0x4ae: {  	s23 =	sld [smem:$0x7F4];
	_ =	sdelay $0x2  }
0x4af: {  	[hbm:s23], [sflag:s21] =	dma.local [spmem:s22], $0x600  }
0x4b0: {  	_ =	swait.ge [sflag:s16], $0x600  }
0x4b1: {  	[sflag:s16] =	ssyncset.done $0x0  }
0x4b2: {  	[sflag:s16] =	ssyncadd.s32 $0xFFFFFA00  }
0x4b3: {  	_ =	swait.ge [sflag:s16], $0x600  }
0x4b4: {  	[sflag:s16] =	ssyncset.done $0x0  }
0x4b5: {  	[sflag:s16] =	ssyncadd.s32 $0xFFFFFA00  }
0x4b6: {  	_ =	swait.ge [sflag:s16], $0x600  }
0x4b7: {  	[sflag:s16] =	ssyncset.done $0x0  }
0x4b8: {  	[sflag:s16] =	ssyncadd.s32 $0xFFFFFA00  }
0x4b9: {  	_ =	swait.ge [sflag:s16], $0x600  }
0x4ba: {  	[sflag:s16] =	ssyncset.done $0x0  }
0x4bb: {  	[sflag:s16] =	ssyncadd.s32 $0xFFFFFA00  }
0x4bc: {  	[spmem:s29] =	stream.linear.scatter [tilespmem:s4], [sflag:$0x4], $0x3000, $0x38;
	[tilespmem:$0x1E900] =	vst v63  }
0x4bd: {  	_ =	swait.ge [sflag:s11], $0x3000  }
0x4be: {  	s26 =	sld [smem:$0x7F1]  }
0x4bf: {  	[sflag:s11] =	ssyncset.done $0x0  }
0x4c0: {  	[sflag:s11] =	ssyncadd.s32 $0xFFFFD000  }
0x4c1: {  	[hbm:s26], [sflag:s18] =	dma.local [spmem:s19], $0x600  }
0x4c2: {  	s21 =	sld [smem:$0x7F5];
	_ =	sdelay $0x2  }
0x4c3: {  	[hbm:s21], [sflag:s18] =	dma.local [spmem:s19], $0x600  }
0x4c4: {  	s21 =	sld [smem:$0x7F6];
	_ =	sdelay $0x2  }
0x4c5: {  	[hbm:s21], [sflag:s18] =	dma.local [spmem:s19], $0x600  }
0x4c6: {  	s21 =	sld [smem:$0x7F7];
	_ =	sdelay $0x2  }
0x4c7: {  	[hbm:s21], [sflag:s18] =	dma.local [spmem:s19], $0x600  }
0x4c8: {  	_ =	swait.ge [sflag:s28], $0xC000  }
0x4c9: {  	[sflag:s28] =	ssyncset.done $0x0  }
0x4ca: {  	[sflag:s28] =	ssyncadd.s32 $0xFFFF4000  }
0x4cb: {  	_ =	swait.ge [sflag:s28], $0xC000  }
0x4cc: {  	[sflag:s28] =	ssyncset.done $0x0  }
0x4cd: {  	[sflag:s28] =	ssyncadd.s32 $0xFFFF4000  }
0x4ce: {  	_ =	swait.ge [sflag:s28], $0xC000  }
0x4cf: {  	[sflag:s28] =	ssyncset.done $0x0  }
0x4d0: {  	[sflag:s28] =	ssyncadd.s32 $0xFFFF4000  }
0x4d1: {  	_ =	swait.ge [sflag:s28], $0xC000  }
0x4d2: {  	[sflag:s28] =	ssyncset.done $0x0  }
0x4d3: {  	[sflag:s28] =	ssyncadd.s32 $0xFFFF4000  }
0x4d4: {  	_ =	swait.ge [sflag:s14], $0x600  }
0x4d5: {  	[sflag:s14] =	ssyncset.done $0x0  }
0x4d6: {  	[sflag:s14] =	ssyncadd.s32 $0xFFFFFA00  }
0x4d7: {  	_ =	swait.ge [sflag:s14], $0x600  }
0x4d8: {  	[sflag:s14] =	ssyncset.done $0x0  }
0x4d9: {  	[sflag:s14] =	ssyncadd.s32 $0xFFFFFA00  }
0x4da: {  	_ =	swait.ge [sflag:s14], $0x600  }
0x4db: {  	[sflag:s14] =	ssyncset.done $0x0  }
0x4dc: {  	[sflag:s14] =	ssyncadd.s32 $0xFFFFFA00  }
0x4dd: {  	_ =	swait.ge [sflag:s14], $0x600  }
0x4de: {  	[sflag:s14] =	ssyncset.done $0x0  }
0x4df: {  	[sflag:s14] =	ssyncadd.s32 $0xFFFFFA00  }
0x4e0: {  	_ =	swait.ge [sflag:s16], $0x600  }
0x4e1: {  	[sflag:s16] =	ssyncset.done $0x0  }
0x4e2: {  	[sflag:s16] =	ssyncadd.s32 $0xFFFFFA00  }
0x4e3: {  	_ =	swait.ge [sflag:s16], $0x600  }
0x4e4: {  	[sflag:s16] =	ssyncset.done $0x0  }
0x4e5: {  	[sflag:s16] =	ssyncadd.s32 $0xFFFFFA00  }
0x4e6: {  	_ =	swait.ge [sflag:s16], $0x600  }
0x4e7: {  	[sflag:s16] =	ssyncset.done $0x0  }
0x4e8: {  	[sflag:s16] =	ssyncadd.s32 $0xFFFFFA00  }
0x4e9: {  	_ =	swait.ge [sflag:s16], $0x600  }
0x4ea: {  	s30 =	sld [smem:$0x7FB];
	_ =	sdelay $0x1  }
0x4eb: {  	s17 =	sadd.s32 $0x1, s17  }
0x4ec: {  	p0 =	sne.s32 s17, s30  }
.Ltmp10:
0x4ed: {  	_ = 	snop;
	(pc) =	sbr.rel @p0 .LBB2_1-.Ltmp10, $3  }
0x4ee: {  	_ =	sdelay $0x1  }
0x4ef: {  	[sflag:s16] =	ssyncset.done $0x0  }
0x4f0: {  	[sflag:s16] =	ssyncadd.s32 $0xFFFFFA00  }
0x4f1: {  	_ =	sfence.sel $0x180000  }
0x4f2: {  	[bflag:$0x0] =	sbarrier.arrive $0xFFFF  }
0x4f3: {  	_ =	strace $0x90000047  }
0x4f4: {  	s0 =	stileid.u32;
	[bflag:$0x2] =	sbarrier.arrive $0xFFFF  }
0x4f5: {  	p0 =	sne.s32 s0, $0x0;
	s0 =	rddreg [dreg:$0x5]  }
0x4f6: {  	s0 =	sadd.s32 @!p0 $0x100000, s0  }
0x4f7: {  	[sflag:s0] =	ssyncadd.tile.s32 @!p0 $0x1;
	_ =	shalt  }
.Lfunc_end2:
_tile_overlayer_lowered:
.L_overlay_start_2:
0x4f8: {  	(tag) =	ssettag $0x2  }
0x4f9: {  	s0 =	rddreg [dreg:$0x0];
	s2 =	stileid.u32  }
0x4fa: {  	s1 =	rddreg [dreg:$0x1];
	p0 =	sne.s32 s2, $0x0  }
0x4fb: {  	s3 =	rddreg [dreg:$0x2];
	[bflag:$0x3] =	sbarrier.arrive $0xFFFF;
	s2 =	simm.s32 @!p0 $0x1C04  }
0x4fc: {  	[timem:s3], [sflag:s2] =	dma.local @!p0 [hbm:s0], s1  }
0x4fd: {  	s0 =	simm.s32 @!p0 $0x4  }
0x4fe: {  	_ =	swait.ge @!p0 [sflag:s0], s1  }
0x4ff: {  	s1 =	ssub.s32 @!p0 $0x0, s1;
	[sflag:s0] =	ssyncset.done @!p0 $0x0  }
0x500: {  	[sflag:s0] =	ssyncadd.s32 @!p0 s1  }
0x501: {  	[bflag:$0x3] =	sbarrier.arrive $0xFFFF  }
0x502: {  	_ =	shalt  }

</sc_bundles>
